<compile_context>
chip_gen: v7x
topology: tpu7x:2x2x1
jax: 0.10.2.dev20260603
libtpu: 0.0.44.dev20260713+nightly
codegen_flags: <defaults>
</compile_context>

<pallas_src>
import jax
import jax.numpy as jnp
from jax import lax
from jax.experimental import pallas as pl
from jax.experimental.pallas import tpu as pltpu
from jax.experimental.pallas import tpu_sc as plsc

B = 4
N = 20000
M = 20
NPAD = 20480
NCHUNK = 8
CH = NPAD // NCHUNK
L = 16
NVEC = CH // L
GTG = 4
NSTREAM = 1
BIG_IDX = 1 << 30


def _sc_kernel_body(comp_hbm, tgt_hbm, out_hbm,
                    px, py, pw, ph, cf, px2, py2, pA,
                    tg, loc_f, loc_i, mrg_f, mrg_i, outrow,
                    shf, shi):
    c = lax.axis_index("c")
    s = lax.axis_index("s")
    b = c * 2 + s // NCHUNK
    chunk = s % NCHUNK
    base = chunk * CH

    for k, ref in ((0, px), (1, py), (2, pw), (3, ph), (4, cf)):
        off = (k * B + b) * NPAD + base
        pltpu.sync_copy(comp_hbm.at[pl.ds(off, CH)], ref)
    pltpu.sync_copy(tgt_hbm.at[pl.ds(b * 128, 128)], tg)

    def _pre(v, _):
        sl = pl.ds(v * L, L)
        px2[sl] = px[sl] + pw[sl]
        py2[sl] = py[sl] + ph[sl]
        pA[sl] = pw[sl] * ph[sl]
        return 0
    lax.fori_loop(0, NVEC, _pre, 0, unroll=4)

    lane = lax.broadcasted_iota(jnp.int32, (L,), 0)

    tgv = {}
    for ci in range(4):
        tgv[ci] = (tg[pl.ds(ci * 32, L)], tg[pl.ds(ci * 32 + L, L)])

    def _gt_scalar(ci, m):
        return tgv[ci][m // L][m % L]

    locm = [jnp.full((L,), -1.0, jnp.float32) for _ in range(2)]
    loci = [jnp.full((L,), base, jnp.int32) for _ in range(2)]

    for g in range(M // GTG):
        gts = []
        for mi in range(GTG):
            m = g * GTG + mi
            gx = _gt_scalar(0, m)
            gy = _gt_scalar(1, m)
            gw = _gt_scalar(2, m)
            gh = _gt_scalar(3, m)
            gts.append((gx, gy, gx + gw, gy + gh, gw * gh))

        half_v = NVEC // NSTREAM

        def _scan(v, carry):
            out = []
            for st in range(NSTREAM):
                vv = v + st * half_v
                idxv = base + vv * L + lane
                sl = pl.ds(vv * L, L)
                vx, vy, vx2, vy2, vA = px[sl], py[sl], px2[sl], py2[sl], pA[sl]
                for mi in range(GTG):
                    gx, gy, gx2, gy2, gA = gts[mi]
                    mcur, icur = carry[st * GTG + mi]
                    xa = jnp.maximum(vx, gx)
                    ya = jnp.maximum(vy, gy)
                    xb = jnp.minimum(vx2, gx2)
                    yb = jnp.minimum(vy2, gy2)
                    inter = jnp.maximum(xb - xa, 0.0) * \
                        jnp.maximum(yb - ya, 0.0)
                    iou = inter / ((vA + gA) - inter)
                    upd = iou > mcur
                    out.append((jnp.where(upd, iou, mcur),
                                jnp.where(upd, idxv, icur)))
            return tuple(out)

        init = tuple((jnp.full((L,), -1.0, jnp.float32),
                      jnp.full((L,), base, jnp.int32))
                     for _ in range(NSTREAM * GTG))
        res = lax.fori_loop(0, half_v, _scan, init, unroll=2)

        for mi in range(GTG):
            m = g * GTG + mi
            mvec, ivec = res[mi]
            for st in range(1, NSTREAM):
                m2, i2 = res[st * GTG + mi]
                tk0 = mvec >= m2
                mvec = jnp.where(tk0, mvec, m2)
                ivec = jnp.where(tk0, ivec, i2)
            mval = jnp.max(mvec)
            best = jnp.min(jnp.where(mvec == mval, ivec, BIG_IDX))
            locm[m // L] = jnp.where(lane == m % L, mval, locm[m // L])
            loci[m // L] = jnp.where(lane == m % L, best, loci[m // L])

    loc_f[pl.ds(0, L)] = locm[0]
    loc_f[pl.ds(L, L)] = locm[1]
    loc_i[pl.ds(0, L)] = loci[0]
    loc_i[pl.ds(L, L)] = loci[1]

    for half in range(2):
        rel = loci[half] - base
        for fi, ref in ((1, px), (2, py), (3, pw), (4, ph), (5, cf)):
            loc_f[pl.ds((fi * 2 + half) * L, L)] = plsc.load_gather(ref, [rel])

    pltpu.sync_copy(loc_f, shf.at[pl.ds(s * 384, 384)])
    pltpu.sync_copy(loc_i, shi.at[pl.ds(s * 32, 32)])
    plsc.subcore_barrier()

    @pl.when(s % NCHUNK == 0)
    def _merge():
        pltpu.sync_copy(shf.at[pl.ds(s * 384, NCHUNK * 384)], mrg_f)
        pltpu.sync_copy(shi.at[pl.ds(s * 32, NCHUNK * 32)], mrg_i)

        gmax = [jnp.full((L,), -1.0, jnp.float32) for _ in range(2)]
        gidx = [jnp.zeros((L,), jnp.int32) for _ in range(2)]
        gbox = [[jnp.zeros((L,), jnp.float32) for _ in range(2)]
                for _ in range(5)]
        for ci in range(NCHUNK):
            for half in range(2):
                cmax = mrg_f[pl.ds(ci * 384 + half * L, L)]
                cidx = mrg_i[pl.ds(ci * 32 + half * L, L)]
                upd = cmax > gmax[half]
                gmax[half] = jnp.where(upd, cmax, gmax[half])
                gidx[half] = jnp.where(upd, cidx, gidx[half])
                for fi in range(5):
                    cbox = mrg_f[pl.ds(ci * 384 + ((fi + 1) * 2 + half) * L, L)]
                    gbox[fi][half] = jnp.where(upd, cbox, gbox[fi][half])

        hit = [gmax[h] > 0.5 for h in range(2)]
        hiti = [hit[h].astype(jnp.int32) for h in range(2)]

        mpos = [lane, lane + L]
        dup = [jnp.zeros((L,), jnp.bool_) for _ in range(2)]
        for mp in range(M):
            jm = gidx[mp // L][mp % L]
            hm = hiti[mp // L][mp % L] > 0
            for h in range(2):
                clash = hm & (gidx[h] == jm) & (mpos[h] > mp)
                dup[h] = dup[h] | clash
        valid = [hit[h] & (~dup[h]) for h in range(2)]
        key = [jnp.where(valid[h], gidx[h], BIG_IDX) for h in range(2)]

        rank = [jnp.zeros((L,), jnp.int32) for _ in range(2)]
        for mp in range(M):
            km = key[mp // L][mp % L]
            for h in range(2):
                rank[h] = rank[h] + (key[h] > km).astype(jnp.int32)

        nval = jnp.sum(valid[0].astype(jnp.int32)) + \
            jnp.sum(valid[1].astype(jnp.int32))
        sx = jnp.sum(jnp.where(valid[0], gbox[4][0], 0.0)) + \
            jnp.sum(jnp.where(valid[1], gbox[4][1], 0.0))

        bbox = jnp.zeros((L,), jnp.float32)
        for h in range(2):
            acc = jnp.zeros((L,), jnp.float32)
            for fi in range(4):
                tcomp = plsc.load_gather(tg, [fi * 32 + rank[h]])
                d = gbox[fi][h] - tcomp
                acc = acc + d * d
            bbox = bbox + jnp.where(valid[h], acc, 0.0)
        bb = jnp.sum(bbox)

        out_v = jnp.where(lane == 0, nval.astype(jnp.float32),
                          jnp.where(lane == 1, sx,
                                    jnp.where(lane == 2, bb, 0.0)))
        outrow[pl.ds(0, L)] = out_v
        pltpu.sync_copy(outrow, out_hbm.at[pl.ds(b * L, L)])


def _tc_softplus_body(x_ref, o_ref):
    x = x_ref[0]
    g = jnp.maximum(x, 0.0) + jnp.log1p(jnp.exp(-jnp.abs(x)))
    o_ref[0] = jnp.full((8, 128), jnp.sum(g), jnp.float32)


@jax.jit
def kernel(preds, targets):
    f32 = jnp.float32
    comp = jnp.transpose(preds, (2, 0, 1))
    padc = jnp.concatenate([
        jnp.full((2, B, NPAD - N), 2.0, f32),
        jnp.zeros((2, B, NPAD - N), f32),
        jnp.full((1, B, NPAD - N), -1e30, f32),
    ], axis=0)
    comp = jnp.concatenate([comp, padc], axis=2)
    comp_flat = comp.reshape(5 * B * NPAD)
    tgt = jnp.transpose(targets, (0, 2, 1))
    tgt_flat = jnp.pad(tgt, ((0, 0), (0, 0), (0, 32 - M))).reshape(B * 4 * 32)

    mesh = plsc.VectorSubcoreMesh(core_axis_name="c", subcore_axis_name="s")
    sc_call = pl.kernel(
        _sc_kernel_body,
        out_type=jax.ShapeDtypeStruct((B * L,), f32),
        mesh=mesh,
        compiler_params=pltpu.CompilerParams(needs_layout_passes=False),
        scratch_types=[
            pltpu.VMEM((CH,), f32),
            pltpu.VMEM((CH,), f32),
            pltpu.VMEM((CH,), f32),
            pltpu.VMEM((CH,), f32),
            pltpu.VMEM((CH,), f32),
            pltpu.VMEM((CH,), f32),
            pltpu.VMEM((CH,), f32),
            pltpu.VMEM((CH,), f32),
            pltpu.VMEM((128,), f32),
            pltpu.VMEM((384,), f32),
            pltpu.VMEM((32,), jnp.int32),
            pltpu.VMEM((NCHUNK * 384,), f32),
            pltpu.VMEM((NCHUNK * 32,), jnp.int32),
            pltpu.VMEM((L,), f32),
            pltpu.VMEM_SHARED((16 * 384,), f32),
            pltpu.VMEM_SHARED((16 * 32,), jnp.int32),
        ],
    )
    sc_out = sc_call(comp_flat, tgt_flat).reshape(B, L)

    cf3 = comp[4].reshape(B, NPAD // 128, 128)
    s0_call = pl.pallas_call(
        _tc_softplus_body,
        out_shape=jax.ShapeDtypeStruct((B, 8, 128), f32),
        grid=(B,),
        in_specs=[pl.BlockSpec((1, NPAD // 128, 128), lambda i: (i, 0, 0))],
        out_specs=pl.BlockSpec((1, 8, 128), lambda i: (i, 0, 0)),
    )
    s0 = s0_call(cf3)[:, 0, 0]

    n = sc_out[:, 0]
    sx = sc_out[:, 1]
    bb = sc_out[:, 2]
    conf_loss = (s0 - sx) / N
    bbox_loss = bb / (jnp.maximum(n, 1.0) * 4.0)
    per_batch = jnp.where(n > 0, bbox_loss + conf_loss, 0.0)
    return jnp.asarray(jnp.mean(per_batch), f32)

# --- scband reference (transcript-rebuilt; emitter-appended) ---
"""Pipeline reference for scband-detection-loss-31490700215086 (READ-ONLY COPY).

The authoritative reference and input builder live on the scoring server;
editing this copy changes nothing except your own understanding.
"""

import jax, jax.numpy as jnp
import numpy as np


def _iou_all(pred_boxes, gts):
    # pred_boxes [N,4] (x,y,w,h), gts [M,4] (x,y,w,h) -> iou [M,N]
    px, py, pw, ph = pred_boxes[:, 0], pred_boxes[:, 1], pred_boxes[:, 2], pred_boxes[:, 3]
    gx, gy, gw, gh = gts[:, 0], gts[:, 1], gts[:, 2], gts[:, 3]
    p_x2 = px + pw
    p_y2 = py + ph
    g_x2 = gx + gw
    g_y2 = gy + gh
    xa = jnp.maximum(px[None, :], gx[:, None])
    ya = jnp.maximum(py[None, :], gy[:, None])
    xb = jnp.minimum(p_x2[None, :], g_x2[:, None])
    yb = jnp.minimum(p_y2[None, :], g_y2[:, None])
    inter = jnp.maximum(0.0, xb - xa) * jnp.maximum(0.0, yb - ya)
    union = (pw * ph)[None, :] + (gw * gh)[:, None] - inter
    return jnp.where(union > 0, inter / jnp.where(union > 0, union, 1.0), 0.0)


def _bce_with_logits(x, z):
    # mean reduction, identical math to torch BCEWithLogitsLoss
    return jnp.mean(jnp.maximum(x, 0.0) - x * z + jnp.log1p(jnp.exp(-jnp.abs(x))))


def setup_inputs(seed: int = 0) -> dict:
    key = jax.random.key(seed)
    k1, k2 = jax.random.split(key)
    preds = jax.random.uniform(k1, (4, 20000, 5), dtype=jnp.float32)
    targets = jax.random.uniform(k2, (4, 20, 4), dtype=jnp.float32)
    return {"preds": preds, "targets": targets}


def reference(preds, targets):
    B = preds.shape[0]
    N = preds.shape[1]
    M = targets.shape[1]
    total_loss = 0.0
    for b in range(B):
        pred = preds[b]
        target = targets[b]
        pred_boxes = pred[:, :4]
        pred_conf = pred[:, 4]
        ious = _iou_all(pred_boxes, target)  # [M, N]
        best = jnp.argmax(ious, axis=1)      # [M]
        best_val = jnp.max(ious, axis=1)     # [M]
        hit = best_val > 0.5
        conf_target = jnp.zeros_like(pred_conf).at[best].max(
            jnp.where(hit, 1.0, 0.0).astype(pred_conf.dtype)
        )
        conf_loss = _bce_with_logits(pred_conf, conf_target)
        n = jnp.sum(conf_target).astype(jnp.int32)
        idx = jnp.where(conf_target == 1, jnp.arange(N), N)
        sel_idx = jnp.sort(idx)[:M]
        selected_preds = pred_boxes[jnp.clip(sel_idx, 0, N - 1)]
        valid = (jnp.arange(M) < n)[:, None]
        diff2 = jnp.where(valid, (selected_preds - target) ** 2, 0.0)
        bbox_loss = jnp.sum(diff2) / (jnp.maximum(n, 1) * 4)
        total_loss = total_loss + jnp.where(n > 0, bbox_loss + conf_loss, 0.0)
    return jnp.asarray(total_loss / B, dtype=jnp.float32)

if __name__ == "__main__":
    import jax
    _d = setup_inputs()
    print(jax.jit(kernel)(*tuple(_d.values())))

</pallas_src>

<mosaic_0001>
#map = affine_map<(d0, d1) -> (0)>
module attributes {stable_mosaic.version = 14 : i64} {
  func.func @_sc_kernel_body(%arg0: i32, %arg1: i32, %arg2: memref<409600xf32, #tpu.memory_space<hbm>>, %arg3: memref<512xf32, #tpu.memory_space<hbm>>, %arg4: memref<64xf32, #tpu.memory_space<hbm>>, %arg5: memref<2560xf32, #tpu.memory_space<vmem>>, %arg6: memref<2560xf32, #tpu.memory_space<vmem>>, %arg7: memref<2560xf32, #tpu.memory_space<vmem>>, %arg8: memref<2560xf32, #tpu.memory_space<vmem>>, %arg9: memref<2560xf32, #tpu.memory_space<vmem>>, %arg10: memref<2560xf32, #tpu.memory_space<vmem>>, %arg11: memref<2560xf32, #tpu.memory_space<vmem>>, %arg12: memref<2560xf32, #tpu.memory_space<vmem>>, %arg13: memref<128xf32, #tpu.memory_space<vmem>>, %arg14: memref<384xf32, #tpu.memory_space<vmem>>, %arg15: memref<32xi32, #tpu.memory_space<vmem>>, %arg16: memref<3072xf32, #tpu.memory_space<vmem>>, %arg17: memref<256xi32, #tpu.memory_space<vmem>>, %arg18: memref<16xf32, #tpu.memory_space<vmem>>, %arg19: memref<6144xf32, #tpu.memory_space<vmem_shared>>, %arg20: memref<512xi32, #tpu.memory_space<vmem_shared>>) attributes {dimension_semantics = [#tpu.dimension_semantics<core_parallel>, #tpu.dimension_semantics<subcore_parallel>], iteration_bounds = array<i64: 2, 16>, scalar_prefetch = 0 : i64, scratch_operands = 16 : i64, tpu.core_type = #tpu.core_type<sc_vector_subcore>, window_params = [{transform_indices = #map}, {transform_indices = #map}, {transform_indices = #map}]} {
    %mul3A = arith.constant 2 : i32
    %mul3A_0 = arith.muli %arg0, %mul3A : i32
    %jit3A = arith.constant 8 : i32
    %div3A = arith.divsi %arg1, %jit3A : i32
    %sign3A = arith.constant 0 : i32
    %sign3A_1 = arith.cmpi sgt, %arg1, %sign3A : i32
    %sign3A_2 = arith.extui %sign3A_1 : i1 to i32
    %sign3A_3 = arith.constant 0 : i32
    %sign3A_4 = arith.cmpi slt, %arg1, %sign3A_3 : i32
    %sign3A_5 = arith.extui %sign3A_4 : i1 to i32
    %sign3A_6 = arith.subi %sign3A_2, %sign3A_5 : i32
    %sign3A_7 = arith.constant 0 : i32
    %sign3A_8 = arith.cmpi sgt, %jit3A, %sign3A_7 : i32
    %sign3A_9 = arith.extui %sign3A_8 : i1 to i32
    %sign3A_10 = arith.constant 0 : i32
    %sign3A_11 = arith.cmpi slt, %jit3A, %sign3A_10 : i32
    %sign3A_12 = arith.extui %sign3A_11 : i1 to i32
    %sign3A_13 = arith.subi %sign3A_9, %sign3A_12 : i32
    %ne3A = arith.cmpi ne, %sign3A_6, %sign3A_13 : i32
    %rem3A = arith.remsi %arg1, %jit3A : i32
    %ne3A_14 = arith.constant 0 : i32
    %ne3A_15 = arith.cmpi ne, %rem3A, %ne3A_14 : i32
    %and3A = arith.andi %ne3A, %ne3A_15 : i1
    %sub3A = arith.constant 1 : i32
    %sub3A_16 = arith.subi %div3A, %sub3A : i32
    %select_n3A = arith.select %and3A, %sub3A_16, %div3A : i32
    %add3A = arith.addi %mul3A_0, %select_n3A : i32
    %jit3A_17 = arith.constant 8 : i32
    %eq3A = arith.constant 0 : i32
    %eq3A_18 = arith.cmpi eq, %jit3A_17, %eq3A : i32
    %jit3A_19 = arith.constant 1 : i32
    %select_n3A_20 = arith.select %eq3A_18, %jit3A_19, %jit3A_17 : i32
    %rem3A_21 = arith.remsi %arg1, %select_n3A_20 : i32
    %ne3A_22 = arith.constant 0 : i32
    %ne3A_23 = arith.cmpi ne, %rem3A_21, %ne3A_22 : i32
    %lt3A = arith.constant 0 : i32
    %lt3A_24 = arith.cmpi slt, %rem3A_21, %lt3A : i32
    %lt3A_25 = arith.constant 0 : i32
    %lt3A_26 = arith.cmpi slt, %select_n3A_20, %lt3A_25 : i32
    %ne3A_27 = arith.xori %lt3A_24, %lt3A_26 : i1
    %and3A_28 = arith.andi %ne3A_27, %ne3A_23 : i1
    %add3A_29 = arith.addi %rem3A_21, %select_n3A_20 : i32
    %select_n3A_30 = arith.select %and3A_28, %add3A_29, %rem3A_21 : i32
    %mul3A_31 = arith.constant 2560 : i32
    %mul3A_32 = arith.muli %select_n3A_30, %mul3A_31 : i32
    %add3A_33 = arith.constant 0 : i32
    %add3A_34 = arith.addi %add3A_33, %add3A : i32
    %mul3A_35 = arith.constant 20480 : i32
    %mul3A_36 = arith.muli %add3A_34, %mul3A_35 : i32
    %add3A_37 = arith.addi %mul3A_36, %mul3A_32 : i32
    "tpu.region"() ({
      %run_scoped3A = tpu.sem_alloc : memref<!tpu.dma_semaphore, #tpu.memory_space<semaphore_mem>>
      %dma_start3A = tpu.memref_slice %arg2[%add3A_37] : memref<409600xf32, #tpu.memory_space<hbm>> -> memref<2560xf32, #tpu.memory_space<hbm>>
      %dma_start3A_995 = tpu.memref_slice %arg2[%add3A_37] : memref<409600xf32, #tpu.memory_space<hbm>> -> memref<2560xf32, #tpu.memory_space<hbm>>
      tpu.enqueue_dma source(%dma_start3A_995 : memref<2560xf32, #tpu.memory_space<hbm>>) target(%arg5 : memref<2560xf32, #tpu.memory_space<vmem>>) target_semaphore(%run_scoped3A : memref<!tpu.dma_semaphore, #tpu.memory_space<semaphore_mem>>)
      %dma_wait3A = tpu.memref_slice %arg2[%add3A_37] : memref<409600xf32, #tpu.memory_space<hbm>> -> memref<2560xf32, #tpu.memory_space<hbm>>
      %dma_wait3A_996 = tpu.memref_slice %arg2[%add3A_37] : memref<409600xf32, #tpu.memory_space<hbm>> -> memref<2560xf32, #tpu.memory_space<hbm>>
      tpu.wait_dma2 semaphore(%run_scoped3A : memref<!tpu.dma_semaphore, #tpu.memory_space<semaphore_mem>>) src(%dma_wait3A_996 : memref<2560xf32, #tpu.memory_space<hbm>>) dst(%arg5 : memref<2560xf32, #tpu.memory_space<vmem>>)
      tpu.yield
    }) : () -> ()
    %add3A_38 = arith.constant 4 : i32
    %add3A_39 = arith.addi %add3A_38, %add3A : i32
    %mul3A_40 = arith.constant 20480 : i32
    %mul3A_41 = arith.muli %add3A_39, %mul3A_40 : i32
    %add3A_42 = arith.addi %mul3A_41, %mul3A_32 : i32
    "tpu.region"() ({
      %run_scoped3A = tpu.sem_alloc : memref<!tpu.dma_semaphore, #tpu.memory_space<semaphore_mem>>
      %dma_start3A = tpu.memref_slice %arg2[%add3A_42] : memref<409600xf32, #tpu.memory_space<hbm>> -> memref<2560xf32, #tpu.memory_space<hbm>>
      %dma_start3A_995 = tpu.memref_slice %arg2[%add3A_42] : memref<409600xf32, #tpu.memory_space<hbm>> -> memref<2560xf32, #tpu.memory_space<hbm>>
      tpu.enqueue_dma source(%dma_start3A_995 : memref<2560xf32, #tpu.memory_space<hbm>>) target(%arg6 : memref<2560xf32, #tpu.memory_space<vmem>>) target_semaphore(%run_scoped3A : memref<!tpu.dma_semaphore, #tpu.memory_space<semaphore_mem>>)
      %dma_wait3A = tpu.memref_slice %arg2[%add3A_42] : memref<409600xf32, #tpu.memory_space<hbm>> -> memref<2560xf32, #tpu.memory_space<hbm>>
      %dma_wait3A_996 = tpu.memref_slice %arg2[%add3A_42] : memref<409600xf32, #tpu.memory_space<hbm>> -> memref<2560xf32, #tpu.memory_space<hbm>>
      tpu.wait_dma2 semaphore(%run_scoped3A : memref<!tpu.dma_semaphore, #tpu.memory_space<semaphore_mem>>) src(%dma_wait3A_996 : memref<2560xf32, #tpu.memory_space<hbm>>) dst(%arg6 : memref<2560xf32, #tpu.memory_space<vmem>>)
      tpu.yield
    }) : () -> ()
    %add3A_43 = arith.constant 8 : i32
    %add3A_44 = arith.addi %add3A_43, %add3A : i32
    %mul3A_45 = arith.constant 20480 : i32
    %mul3A_46 = arith.muli %add3A_44, %mul3A_45 : i32
    %add3A_47 = arith.addi %mul3A_46, %mul3A_32 : i32
    "tpu.region"() ({
      %run_scoped3A = tpu.sem_alloc : memref<!tpu.dma_semaphore, #tpu.memory_space<semaphore_mem>>
      %dma_start3A = tpu.memref_slice %arg2[%add3A_47] : memref<409600xf32, #tpu.memory_space<hbm>> -> memref<2560xf32, #tpu.memory_space<hbm>>
      %dma_start3A_995 = tpu.memref_slice %arg2[%add3A_47] : memref<409600xf32, #tpu.memory_space<hbm>> -> memref<2560xf32, #tpu.memory_space<hbm>>
      tpu.enqueue_dma source(%dma_start3A_995 : memref<2560xf32, #tpu.memory_space<hbm>>) target(%arg7 : memref<2560xf32, #tpu.memory_space<vmem>>) target_semaphore(%run_scoped3A : memref<!tpu.dma_semaphore, #tpu.memory_space<semaphore_mem>>)
      %dma_wait3A = tpu.memref_slice %arg2[%add3A_47] : memref<409600xf32, #tpu.memory_space<hbm>> -> memref<2560xf32, #tpu.memory_space<hbm>>
      %dma_wait3A_996 = tpu.memref_slice %arg2[%add3A_47] : memref<409600xf32, #tpu.memory_space<hbm>> -> memref<2560xf32, #tpu.memory_space<hbm>>
      tpu.wait_dma2 semaphore(%run_scoped3A : memref<!tpu.dma_semaphore, #tpu.memory_space<semaphore_mem>>) src(%dma_wait3A_996 : memref<2560xf32, #tpu.memory_space<hbm>>) dst(%arg7 : memref<2560xf32, #tpu.memory_space<vmem>>)
      tpu.yield
    }) : () -> ()
    %add3A_48 = arith.constant 12 : i32
    %add3A_49 = arith.addi %add3A_48, %add3A : i32
    %mul3A_50 = arith.constant 20480 : i32
    %mul3A_51 = arith.muli %add3A_49, %mul3A_50 : i32
    %add3A_52 = arith.addi %mul3A_51, %mul3A_32 : i32
    "tpu.region"() ({
      %run_scoped3A = tpu.sem_alloc : memref<!tpu.dma_semaphore, #tpu.memory_space<semaphore_mem>>
      %dma_start3A = tpu.memref_slice %arg2[%add3A_52] : memref<409600xf32, #tpu.memory_space<hbm>> -> memref<2560xf32, #tpu.memory_space<hbm>>
      %dma_start3A_995 = tpu.memref_slice %arg2[%add3A_52] : memref<409600xf32, #tpu.memory_space<hbm>> -> memref<2560xf32, #tpu.memory_space<hbm>>
      tpu.enqueue_dma source(%dma_start3A_995 : memref<2560xf32, #tpu.memory_space<hbm>>) target(%arg8 : memref<2560xf32, #tpu.memory_space<vmem>>) target_semaphore(%run_scoped3A : memref<!tpu.dma_semaphore, #tpu.memory_space<semaphore_mem>>)
      %dma_wait3A = tpu.memref_slice %arg2[%add3A_52] : memref<409600xf32, #tpu.memory_space<hbm>> -> memref<2560xf32, #tpu.memory_space<hbm>>
      %dma_wait3A_996 = tpu.memref_slice %arg2[%add3A_52] : memref<409600xf32, #tpu.memory_space<hbm>> -> memref<2560xf32, #tpu.memory_space<hbm>>
      tpu.wait_dma2 semaphore(%run_scoped3A : memref<!tpu.dma_semaphore, #tpu.memory_space<semaphore_mem>>) src(%dma_wait3A_996 : memref<2560xf32, #tpu.memory_space<hbm>>) dst(%arg8 : memref<2560xf32, #tpu.memory_space<vmem>>)
      tpu.yield
    }) : () -> ()
    %add3A_53 = arith.constant 16 : i32
    %add3A_54 = arith.addi %add3A_53, %add3A : i32
    %mul3A_55 = arith.constant 20480 : i32
    %mul3A_56 = arith.muli %add3A_54, %mul3A_55 : i32
    %add3A_57 = arith.addi %mul3A_56, %mul3A_32 : i32
    "tpu.region"() ({
      %run_scoped3A = tpu.sem_alloc : memref<!tpu.dma_semaphore, #tpu.memory_space<semaphore_mem>>
      %dma_start3A = tpu.memref_slice %arg2[%add3A_57] : memref<409600xf32, #tpu.memory_space<hbm>> -> memref<2560xf32, #tpu.memory_space<hbm>>
      %dma_start3A_995 = tpu.memref_slice %arg2[%add3A_57] : memref<409600xf32, #tpu.memory_space<hbm>> -> memref<2560xf32, #tpu.memory_space<hbm>>
      tpu.enqueue_dma source(%dma_start3A_995 : memref<2560xf32, #tpu.memory_space<hbm>>) target(%arg9 : memref<2560xf32, #tpu.memory_space<vmem>>) target_semaphore(%run_scoped3A : memref<!tpu.dma_semaphore, #tpu.memory_space<semaphore_mem>>)
      %dma_wait3A = tpu.memref_slice %arg2[%add3A_57] : memref<409600xf32, #tpu.memory_space<hbm>> -> memref<2560xf32, #tpu.memory_space<hbm>>
      %dma_wait3A_996 = tpu.memref_slice %arg2[%add3A_57] : memref<409600xf32, #tpu.memory_space<hbm>> -> memref<2560xf32, #tpu.memory_space<hbm>>
      tpu.wait_dma2 semaphore(%run_scoped3A : memref<!tpu.dma_semaphore, #tpu.memory_space<semaphore_mem>>) src(%dma_wait3A_996 : memref<2560xf32, #tpu.memory_space<hbm>>) dst(%arg9 : memref<2560xf32, #tpu.memory_space<vmem>>)
      tpu.yield
    }) : () -> ()
    %mul3A_58 = arith.constant 128 : i32
    %mul3A_59 = arith.muli %add3A, %mul3A_58 : i32
    "tpu.region"() ({
      %run_scoped3A = tpu.sem_alloc : memref<!tpu.dma_semaphore, #tpu.memory_space<semaphore_mem>>
      %dma_start3A = tpu.memref_slice %arg3[%mul3A_59] : memref<512xf32, #tpu.memory_space<hbm>> -> memref<128xf32, #tpu.memory_space<hbm>>
      %dma_start3A_995 = tpu.memref_slice %arg3[%mul3A_59] : memref<512xf32, #tpu.memory_space<hbm>> -> memref<128xf32, #tpu.memory_space<hbm>>
      tpu.enqueue_dma source(%dma_start3A_995 : memref<128xf32, #tpu.memory_space<hbm>>) target(%arg13 : memref<128xf32, #tpu.memory_space<vmem>>) target_semaphore(%run_scoped3A : memref<!tpu.dma_semaphore, #tpu.memory_space<semaphore_mem>>)
      %dma_wait3A = tpu.memref_slice %arg3[%mul3A_59] : memref<512xf32, #tpu.memory_space<hbm>> -> memref<128xf32, #tpu.memory_space<hbm>>
      %dma_wait3A_996 = tpu.memref_slice %arg3[%mul3A_59] : memref<512xf32, #tpu.memory_space<hbm>> -> memref<128xf32, #tpu.memory_space<hbm>>
      tpu.wait_dma2 semaphore(%run_scoped3A : memref<!tpu.dma_semaphore, #tpu.memory_space<semaphore_mem>>) src(%dma_wait3A_996 : memref<128xf32, #tpu.memory_space<hbm>>) dst(%arg13 : memref<128xf32, #tpu.memory_space<vmem>>)
      tpu.yield
    }) : () -> ()
    %scan3A = arith.constant 0 : i32
    %scan3A_60 = arith.constant 0 : i32
    %scan3A_61 = arith.constant 160 : i32
    %scan3A_62 = arith.addi %scan3A_60, %scan3A_61 : i32
    %scan3A_63 = arith.constant 4 : i32
    %scan3A_64 = scf.for %scan3A_995 = %scan3A_60 to %scan3A_62 step %scan3A_63 iter_args(%scan3A_996 = %scan3A) -> (i32)  : i32 {
      %mul3A_997 = arith.constant 16 : i32
      %mul3A_998 = arith.muli %scan3A_995, %mul3A_997 : i32
      %get3A_999 = arith.index_cast %mul3A_998 : i32 to index
      %get3A_1000 = tpu.vector_load %arg5[%get3A_999] {strides = array<i32>} : memref<2560xf32, #tpu.memory_space<vmem>>, vector<16xf32>,
      %get3A_1001 = arith.index_cast %mul3A_998 : i32 to index
      %get3A_1002 = tpu.vector_load %arg7[%get3A_1001] {strides = array<i32>} : memref<2560xf32, #tpu.memory_space<vmem>>, vector<16xf32>,
      %add3A_1003 = arith.addf %get3A_1000, %get3A_1002 : vector<16xf32>
      %swap3A_1004 = arith.index_cast %mul3A_998 : i32 to index
      %swap3A_1005 = tpu.vector_load %arg10[%swap3A_1004] {strides = array<i32>} : memref<2560xf32, #tpu.memory_space<vmem>>, vector<16xf32>,
      tpu.vector_store %arg10[%swap3A_1004], %add3A_1003 {strides = array<i32>} : memref<2560xf32, #tpu.memory_space<vmem>>, vector<16xf32>,
      %get3A_1006 = arith.index_cast %mul3A_998 : i32 to index
      %get3A_1007 = tpu.vector_load %arg6[%get3A_1006] {strides = array<i32>} : memref<2560xf32, #tpu.memory_space<vmem>>, vector<16xf32>,
      %get3A_1008 = arith.index_cast %mul3A_998 : i32 to index
      %get3A_1009 = tpu.vector_load %arg8[%get3A_1008] {strides = array<i32>} : memref<2560xf32, #tpu.memory_space<vmem>>, vector<16xf32>,
      %add3A_1010 = arith.addf %get3A_1007, %get3A_1009 : vector<16xf32>
      %swap3A_1011 = arith.index_cast %mul3A_998 : i32 to index
      %swap3A_1012 = tpu.vector_load %arg11[%swap3A_1011] {strides = array<i32>} : memref<2560xf32, #tpu.memory_space<vmem>>, vector<16xf32>,
      tpu.vector_store %arg11[%swap3A_1011], %add3A_1010 {strides = array<i32>} : memref<2560xf32, #tpu.memory_space<vmem>>, vector<16xf32>,
      %get3A_1013 = arith.index_cast %mul3A_998 : i32 to index
      %get3A_1014 = tpu.vector_load %arg7[%get3A_1013] {strides = array<i32>} : memref<2560xf32, #tpu.memory_space<vmem>>, vector<16xf32>,
      %get3A_1015 = arith.index_cast %mul3A_998 : i32 to index
      %get3A_1016 = tpu.vector_load %arg8[%get3A_1015] {strides = array<i32>} : memref<2560xf32, #tpu.memory_space<vmem>>, vector<16xf32>,
      %mul3A_1017 = arith.mulf %get3A_1014, %get3A_1016 : vector<16xf32>
      %swap3A_1018 = arith.index_cast %mul3A_998 : i32 to index
      %swap3A_1019 = tpu.vector_load %arg12[%swap3A_1018] {strides = array<i32>} : memref<2560xf32, #tpu.memory_space<vmem>>, vector<16xf32>,
      tpu.vector_store %arg12[%swap3A_1018], %mul3A_1017 {strides = array<i32>} : memref<2560xf32, #tpu.memory_space<vmem>>, vector<16xf32>,
      %scan3A_1020 = arith.constant 0 : i32
      %scan3A_1021 = arith.constant 1 : i32
      %scan3A_1022 = arith.addi %scan3A_995, %scan3A_1021 : i32
      %mul3A_1023 = arith.constant 16 : i32
      %mul3A_1024 = arith.muli %scan3A_1022, %mul3A_1023 : i32
      %get3A_1025 = arith.index_cast %mul3A_1024 : i32 to index
      %get3A_1026 = tpu.vector_load %arg5[%get3A_1025] {strides = array<i32>} : memref<2560xf32, #tpu.memory_space<vmem>>, vector<16xf32>,
      %get3A_1027 = arith.index_cast %mul3A_1024 : i32 to index
      %get3A_1028 = tpu.vector_load %arg7[%get3A_1027] {strides = array<i32>} : memref<2560xf32, #tpu.memory_space<vmem>>, vector<16xf32>,
      %add3A_1029 = arith.addf %get3A_1026, %get3A_1028 : vector<16xf32>
      %swap3A_1030 = arith.index_cast %mul3A_1024 : i32 to index
      %swap3A_1031 = tpu.vector_load %arg10[%swap3A_1030] {strides = array<i32>} : memref<2560xf32, #tpu.memory_space<vmem>>, vector<16xf32>,
      tpu.vector_store %arg10[%swap3A_1030], %add3A_1029 {strides = array<i32>} : memref<2560xf32, #tpu.memory_space<vmem>>, vector<16xf32>,
      %get3A_1032 = arith.index_cast %mul3A_1024 : i32 to index
      %get3A_1033 = tpu.vector_load %arg6[%get3A_1032] {strides = array<i32>} : memref<2560xf32, #tpu.memory_space<vmem>>, vector<16xf32>,
      %get3A_1034 = arith.index_cast %mul3A_1024 : i32 to index
      %get3A_1035 = tpu.vector_load %arg8[%get3A_1034] {strides = array<i32>} : memref<2560xf32, #tpu.memory_space<vmem>>, vector<16xf32>,
      %add3A_1036 = arith.addf %get3A_1033, %get3A_1035 : vector<16xf32>
      %swap3A_1037 = arith.index_cast %mul3A_1024 : i32 to index
      %swap3A_1038 = tpu.vector_load %arg11[%swap3A_1037] {strides = array<i32>} : memref<2560xf32, #tpu.memory_space<vmem>>, vector<16xf32>,
      tpu.vector_store %arg11[%swap3A_1037], %add3A_1036 {strides = array<i32>} : memref<2560xf32, #tpu.memory_space<vmem>>, vector<16xf32>,
      %get3A_1039 = arith.index_cast %mul3A_1024 : i32 to index
      %get3A_1040 = tpu.vector_load %arg7[%get3A_1039] {strides = array<i32>} : memref<2560xf32, #tpu.memory_space<vmem>>, vector<16xf32>,
      %get3A_1041 = arith.index_cast %mul3A_1024 : i32 to index
      %get3A_1042 = tpu.vector_load %arg8[%get3A_1041] {strides = array<i32>} : memref<2560xf32, #tpu.memory_space<vmem>>, vector<16xf32>,
      %mul3A_1043 = arith.mulf %get3A_1040, %get3A_1042 : vector<16xf32>
      %swap3A_1044 = arith.index_cast %mul3A_1024 : i32 to index
      %swap3A_1045 = tpu.vector_load %arg12[%swap3A_1044] {strides = array<i32>} : memref<2560xf32, #tpu.memory_space<vmem>>, vector<16xf32>,
      tpu.vector_store %arg12[%swap3A_1044], %mul3A_1043 {strides = array<i32>} : memref<2560xf32, #tpu.memory_space<vmem>>, vector<16xf32>,
      %scan3A_1046 = arith.constant 0 : i32
      %scan3A_1047 = arith.constant 2 : i32
      %scan3A_1048 = arith.addi %scan3A_995, %scan3A_1047 : i32
      %mul3A_1049 = arith.constant 16 : i32
      %mul3A_1050 = arith.muli %scan3A_1048, %mul3A_1049 : i32
      %get3A_1051 = arith.index_cast %mul3A_1050 : i32 to index
      %get3A_1052 = tpu.vector_load %arg5[%get3A_1051] {strides = array<i32>} : memref<2560xf32, #tpu.memory_space<vmem>>, vector<16xf32>,
      %get3A_1053 = arith.index_cast %mul3A_1050 : i32 to index
      %get3A_1054 = tpu.vector_load %arg7[%get3A_1053] {strides = array<i32>} : memref<2560xf32, #tpu.memory_space<vmem>>, vector<16xf32>,
      %add3A_1055 = arith.addf %get3A_1052, %get3A_1054 : vector<16xf32>
      %swap3A_1056 = arith.index_cast %mul3A_1050 : i32 to index
      %swap3A_1057 = tpu.vector_load %arg10[%swap3A_1056] {strides = array<i32>} : memref<2560xf32, #tpu.memory_space<vmem>>, vector<16xf32>,
      tpu.vector_store %arg10[%swap3A_1056], %add3A_1055 {strides = array<i32>} : memref<2560xf32, #tpu.memory_space<vmem>>, vector<16xf32>,
      %get3A_1058 = arith.index_cast %mul3A_1050 : i32 to index
      %get3A_1059 = tpu.vector_load %arg6[%get3A_1058] {strides = array<i32>} : memref<2560xf32, #tpu.memory_space<vmem>>, vector<16xf32>,
      %get3A_1060 = arith.index_cast %mul3A_1050 : i32 to index
      %get3A_1061 = tpu.vector_load %arg8[%get3A_1060] {strides = array<i32>} : memref<2560xf32, #tpu.memory_space<vmem>>, vector<16xf32>,
      %add3A_1062 = arith.addf %get3A_1059, %get3A_1061 : vector<16xf32>
      %swap3A_1063 = arith.index_cast %mul3A_1050 : i32 to index
      %swap3A_1064 = tpu.vector_load %arg11[%swap3A_1063] {strides = array<i32>} : memref<2560xf32, #tpu.memory_space<vmem>>, vector<16xf32>,
      tpu.vector_store %arg11[%swap3A_1063], %add3A_1062 {strides = array<i32>} : memref<2560xf32, #tpu.memory_space<vmem>>, vector<16xf32>,
      %get3A_1065 = arith.index_cast %mul3A_1050 : i32 to index
      %get3A_1066 = tpu.vector_load %arg7[%get3A_1065] {strides = array<i32>} : memref<2560xf32, #tpu.memory_space<vmem>>, vector<16xf32>,
      %get3A_1067 = arith.index_cast %mul3A_1050 : i32 to index
      %get3A_1068 = tpu.vector_load %arg8[%get3A_1067] {strides = array<i32>} : memref<2560xf32, #tpu.memory_space<vmem>>, vector<16xf32>,
      %mul3A_1069 = arith.mulf %get3A_1066, %get3A_1068 : vector<16xf32>
      %swap3A_1070 = arith.index_cast %mul3A_1050 : i32 to index
      %swap3A_1071 = tpu.vector_load %arg12[%swap3A_1070] {strides = array<i32>} : memref<2560xf32, #tpu.memory_space<vmem>>, vector<16xf32>,
      tpu.vector_store %arg12[%swap3A_1070], %mul3A_1069 {strides = array<i32>} : memref<2560xf32, #tpu.memory_space<vmem>>, vector<16xf32>,
      %scan3A_1072 = arith.constant 0 : i32
      %scan3A_1073 = arith.constant 3 : i32
      %scan3A_1074 = arith.addi %scan3A_995, %scan3A_1073 : i32
      %mul3A_1075 = arith.constant 16 : i32
      %mul3A_1076 = arith.muli %scan3A_1074, %mul3A_1075 : i32
      %get3A_1077 = arith.index_cast %mul3A_1076 : i32 to index
      %get3A_1078 = tpu.vector_load %arg5[%get3A_1077] {strides = array<i32>} : memref<2560xf32, #tpu.memory_space<vmem>>, vector<16xf32>,
      %get3A_1079 = arith.index_cast %mul3A_1076 : i32 to index
      %get3A_1080 = tpu.vector_load %arg7[%get3A_1079] {strides = array<i32>} : memref<2560xf32, #tpu.memory_space<vmem>>, vector<16xf32>,
      %add3A_1081 = arith.addf %get3A_1078, %get3A_1080 : vector<16xf32>
      %swap3A_1082 = arith.index_cast %mul3A_1076 : i32 to index
      %swap3A_1083 = tpu.vector_load %arg10[%swap3A_1082] {strides = array<i32>} : memref<2560xf32, #tpu.memory_space<vmem>>, vector<16xf32>,
      tpu.vector_store %arg10[%swap3A_1082], %add3A_1081 {strides = array<i32>} : memref<2560xf32, #tpu.memory_space<vmem>>, vector<16xf32>,
      %get3A_1084 = arith.index_cast %mul3A_1076 : i32 to index
      %get3A_1085 = tpu.vector_load %arg6[%get3A_1084] {strides = array<i32>} : memref<2560xf32, #tpu.memory_space<vmem>>, vector<16xf32>,
      %get3A_1086 = arith.index_cast %mul3A_1076 : i32 to index
      %get3A_1087 = tpu.vector_load %arg8[%get3A_1086] {strides = array<i32>} : memref<2560xf32, #tpu.memory_space<vmem>>, vector<16xf32>,
      %add3A_1088 = arith.addf %get3A_1085, %get3A_1087 : vector<16xf32>
      %swap3A_1089 = arith.index_cast %mul3A_1076 : i32 to index
      %swap3A_1090 = tpu.vector_load %arg11[%swap3A_1089] {strides = array<i32>} : memref<2560xf32, #tpu.memory_space<vmem>>, vector<16xf32>,
      tpu.vector_store %arg11[%swap3A_1089], %add3A_1088 {strides = array<i32>} : memref<2560xf32, #tpu.memory_space<vmem>>, vector<16xf32>,
      %get3A_1091 = arith.index_cast %mul3A_1076 : i32 to index
      %get3A_1092 = tpu.vector_load %arg7[%get3A_1091] {strides = array<i32>} : memref<2560xf32, #tpu.memory_space<vmem>>, vector<16xf32>,
      %get3A_1093 = arith.index_cast %mul3A_1076 : i32 to index
      %get3A_1094 = tpu.vector_load %arg8[%get3A_1093] {strides = array<i32>} : memref<2560xf32, #tpu.memory_space<vmem>>, vector<16xf32>,
      %mul3A_1095 = arith.mulf %get3A_1092, %get3A_1094 : vector<16xf32>
      %swap3A_1096 = arith.index_cast %mul3A_1076 : i32 to index
      %swap3A_1097 = tpu.vector_load %arg12[%swap3A_1096] {strides = array<i32>} : memref<2560xf32, #tpu.memory_space<vmem>>, vector<16xf32>,
      tpu.vector_store %arg12[%swap3A_1096], %mul3A_1095 {strides = array<i32>} : memref<2560xf32, #tpu.memory_space<vmem>>, vector<16xf32>,
      %scan3A_1098 = arith.constant 0 : i32
      scf.yield %scan3A_1098 : i32
    }
    %scan3A_65 = arith.constant 160 : i32
    %iota3A = tpu.iota {dimensions = array<i32: 0>} : vector<16xi32>
    %get3A = arith.constant 0 : index
    %get3A_66 = tpu.vector_load %arg13[%get3A] {strides = array<i32>} : memref<128xf32, #tpu.memory_space<vmem>>, vector<16xf32>,
    %get3A_67 = arith.constant 16 : index
    %get3A_68 = tpu.vector_load %arg13[%get3A_67] {strides = array<i32>} : memref<128xf32, #tpu.memory_space<vmem>>, vector<16xf32>,
    %get3A_69 = arith.constant 32 : index
    %get3A_70 = tpu.vector_load %arg13[%get3A_69] {strides = array<i32>} : memref<128xf32, #tpu.memory_space<vmem>>, vector<16xf32>,
    %get3A_71 = arith.constant 48 : index
    %get3A_72 = tpu.vector_load %arg13[%get3A_71] {strides = array<i32>} : memref<128xf32, #tpu.memory_space<vmem>>, vector<16xf32>,
    %get3A_73 = arith.constant 64 : index
    %get3A_74 = tpu.vector_load %arg13[%get3A_73] {strides = array<i32>} : memref<128xf32, #tpu.memory_space<vmem>>, vector<16xf32>,
    %get3A_75 = arith.constant 80 : index
    %get3A_76 = tpu.vector_load %arg13[%get3A_75] {strides = array<i32>} : memref<128xf32, #tpu.memory_space<vmem>>, vector<16xf32>,
    %get3A_77 = arith.constant 96 : index
    %get3A_78 = tpu.vector_load %arg13[%get3A_77] {strides = array<i32>} : memref<128xf32, #tpu.memory_space<vmem>>, vector<16xf32>,
    %get3A_79 = arith.constant 112 : index
    %get3A_80 = tpu.vector_load %arg13[%get3A_79] {strides = array<i32>} : memref<128xf32, #tpu.memory_space<vmem>>, vector<16xf32>,
    %broadcast_in_dim3A = arith.constant -1.000000e+00 : f32
    %broadcast_in_dim3A_81 = vector.broadcast %broadcast_in_dim3A : f32 to vector<16xf32>
    %broadcast_in_dim3A_82 = arith.constant -1.000000e+00 : f32
    %broadcast_in_dim3A_83 = vector.broadcast %broadcast_in_dim3A_82 : f32 to vector<16xf32>
    %broadcast_in_dim3A_84 = vector.broadcast %mul3A_32 : i32 to vector<16xi32>
    %broadcast_in_dim3A_85 = vector.broadcast %mul3A_32 : i32 to vector<16xi32>
    %slice3A = vector.extract_strided_slice %get3A_66 {offsets = [0], sizes = [1], strides = [1]} : vector<16xf32> to vector<1xf32>
    %squeeze3A = vector.extract %slice3A[0] : f32 from vector<1xf32>
    %slice3A_86 = vector.extract_strided_slice %get3A_70 {offsets = [0], sizes = [1], strides = [1]} : vector<16xf32> to vector<1xf32>
    %squeeze3A_87 = vector.extract %slice3A_86[0] : f32 from vector<1xf32>
    %slice3A_88 = vector.extract_strided_slice %get3A_74 {offsets = [0], sizes = [1], strides = [1]} : vector<16xf32> to vector<1xf32>
    %squeeze3A_89 = vector.extract %slice3A_88[0] : f32 from vector<1xf32>
    %slice3A_90 = vector.extract_strided_slice %get3A_78 {offsets = [0], sizes = [1], strides = [1]} : vector<16xf32> to vector<1xf32>
    %squeeze3A_91 = vector.extract %slice3A_90[0] : f32 from vector<1xf32>
    %add3A_92 = arith.addf %squeeze3A, %squeeze3A_89 : f32
    %add3A_93 = arith.addf %squeeze3A_87, %squeeze3A_91 : f32
    %mul3A_94 = arith.mulf %squeeze3A_89, %squeeze3A_91 : f32
    %slice3A_95 = vector.extract_strided_slice %get3A_66 {offsets = [1], sizes = [1], strides = [1]} : vector<16xf32> to vector<1xf32>
    %squeeze3A_96 = vector.extract %slice3A_95[0] : f32 from vector<1xf32>
    %slice3A_97 = vector.extract_strided_slice %get3A_70 {offsets = [1], sizes = [1], strides = [1]} : vector<16xf32> to vector<1xf32>
    %squeeze3A_98 = vector.extract %slice3A_97[0] : f32 from vector<1xf32>
    %slice3A_99 = vector.extract_strided_slice %get3A_74 {offsets = [1], sizes = [1], strides = [1]} : vector<16xf32> to vector<1xf32>
    %squeeze3A_100 = vector.extract %slice3A_99[0] : f32 from vector<1xf32>
    %slice3A_101 = vector.extract_strided_slice %get3A_78 {offsets = [1], sizes = [1], strides = [1]} : vector<16xf32> to vector<1xf32>
    %squeeze3A_102 = vector.extract %slice3A_101[0] : f32 from vector<1xf32>
    %add3A_103 = arith.addf %squeeze3A_96, %squeeze3A_100 : f32
    %add3A_104 = arith.addf %squeeze3A_98, %squeeze3A_102 : f32
    %mul3A_105 = arith.mulf %squeeze3A_100, %squeeze3A_102 : f32
    %slice3A_106 = vector.extract_strided_slice %get3A_66 {offsets = [2], sizes = [1], strides = [1]} : vector<16xf32> to vector<1xf32>
    %squeeze3A_107 = vector.extract %slice3A_106[0] : f32 from vector<1xf32>
    %slice3A_108 = vector.extract_strided_slice %get3A_70 {offsets = [2], sizes = [1], strides = [1]} : vector<16xf32> to vector<1xf32>
    %squeeze3A_109 = vector.extract %slice3A_108[0] : f32 from vector<1xf32>
    %slice3A_110 = vector.extract_strided_slice %get3A_74 {offsets = [2], sizes = [1], strides = [1]} : vector<16xf32> to vector<1xf32>
    %squeeze3A_111 = vector.extract %slice3A_110[0] : f32 from vector<1xf32>
    %slice3A_112 = vector.extract_strided_slice %get3A_78 {offsets = [2], sizes = [1], strides = [1]} : vector<16xf32> to vector<1xf32>
    %squeeze3A_113 = vector.extract %slice3A_112[0] : f32 from vector<1xf32>
    %add3A_114 = arith.addf %squeeze3A_107, %squeeze3A_111 : f32
    %add3A_115 = arith.addf %squeeze3A_109, %squeeze3A_113 : f32
    %mul3A_116 = arith.mulf %squeeze3A_111, %squeeze3A_113 : f32
    %slice3A_117 = vector.extract_strided_slice %get3A_66 {offsets = [3], sizes = [1], strides = [1]} : vector<16xf32> to vector<1xf32>
    %squeeze3A_118 = vector.extract %slice3A_117[0] : f32 from vector<1xf32>
    %slice3A_119 = vector.extract_strided_slice %get3A_70 {offsets = [3], sizes = [1], strides = [1]} : vector<16xf32> to vector<1xf32>
    %squeeze3A_120 = vector.extract %slice3A_119[0] : f32 from vector<1xf32>
    %slice3A_121 = vector.extract_strided_slice %get3A_74 {offsets = [3], sizes = [1], strides = [1]} : vector<16xf32> to vector<1xf32>
    %squeeze3A_122 = vector.extract %slice3A_121[0] : f32 from vector<1xf32>
    %slice3A_123 = vector.extract_strided_slice %get3A_78 {offsets = [3], sizes = [1], strides = [1]} : vector<16xf32> to vector<1xf32>
    %squeeze3A_124 = vector.extract %slice3A_123[0] : f32 from vector<1xf32>
    %add3A_125 = arith.addf %squeeze3A_118, %squeeze3A_122 : f32
    %add3A_126 = arith.addf %squeeze3A_120, %squeeze3A_124 : f32
    %mul3A_127 = arith.mulf %squeeze3A_122, %squeeze3A_124 : f32
    %broadcast_in_dim3A_128 = arith.constant -1.000000e+00 : f32
    %broadcast_in_dim3A_129 = vector.broadcast %broadcast_in_dim3A_128 : f32 to vector<16xf32>
    %broadcast_in_dim3A_130 = vector.broadcast %mul3A_32 : i32 to vector<16xi32>
    %broadcast_in_dim3A_131 = arith.constant -1.000000e+00 : f32
    %broadcast_in_dim3A_132 = vector.broadcast %broadcast_in_dim3A_131 : f32 to vector<16xf32>
    %broadcast_in_dim3A_133 = vector.broadcast %mul3A_32 : i32 to vector<16xi32>
    %broadcast_in_dim3A_134 = arith.constant -1.000000e+00 : f32
    %broadcast_in_dim3A_135 = vector.broadcast %broadcast_in_dim3A_134 : f32 to vector<16xf32>
    %broadcast_in_dim3A_136 = vector.broadcast %mul3A_32 : i32 to vector<16xi32>
    %broadcast_in_dim3A_137 = arith.constant -1.000000e+00 : f32
    %broadcast_in_dim3A_138 = vector.broadcast %broadcast_in_dim3A_137 : f32 to vector<16xf32>
    %broadcast_in_dim3A_139 = vector.broadcast %mul3A_32 : i32 to vector<16xi32>
    %scan3A_140 = arith.constant 0 : i32
    %scan3A_141 = arith.constant 160 : i32
    %scan3A_142 = arith.addi %scan3A_140, %scan3A_141 : i32
    %scan3A_143 = arith.constant 2 : i32
    %scan3A_144:8 = scf.for %scan3A_995 = %scan3A_140 to %scan3A_142 step %scan3A_143 iter_args(%scan3A_996 = %broadcast_in_dim3A_129, %scan3A_997 = %broadcast_in_dim3A_130, %scan3A_998 = %broadcast_in_dim3A_132, %scan3A_999 = %broadcast_in_dim3A_133, %scan3A_1000 = %broadcast_in_dim3A_135, %scan3A_1001 = %broadcast_in_dim3A_136, %scan3A_1002 = %broadcast_in_dim3A_138, %scan3A_1003 = %broadcast_in_dim3A_139) -> (vector<16xf32>, vector<16xi32>, vector<16xf32>, vector<16xi32>, vector<16xf32>, vector<16xi32>, vector<16xf32>, vector<16xi32>)  : i32 {
      %add3A_1004 = arith.constant 0 : i32
      %add3A_1005 = arith.addi %scan3A_995, %add3A_1004 : i32
      %mul3A_1006 = arith.constant 16 : i32
      %mul3A_1007 = arith.muli %add3A_1005, %mul3A_1006 : i32
      %add3A_1008 = arith.addi %mul3A_32, %mul3A_1007 : i32
      %add3A_1009 = vector.broadcast %add3A_1008 : i32 to vector<16xi32>
      %add3A_1010 = arith.addi %add3A_1009, %iota3A : vector<16xi32>
      %mul3A_1011 = arith.constant 16 : i32
      %mul3A_1012 = arith.muli %add3A_1005, %mul3A_1011 : i32
      %get3A_1013 = arith.index_cast %mul3A_1012 : i32 to index
      %get3A_1014 = tpu.vector_load %arg5[%get3A_1013] {strides = array<i32>} : memref<2560xf32, #tpu.memory_space<vmem>>, vector<16xf32>,
      %get3A_1015 = arith.index_cast %mul3A_1012 : i32 to index
      %get3A_1016 = tpu.vector_load %arg6[%get3A_1015] {strides = array<i32>} : memref<2560xf32, #tpu.memory_space<vmem>>, vector<16xf32>,
      %get3A_1017 = arith.index_cast %mul3A_1012 : i32 to index
      %get3A_1018 = tpu.vector_load %arg10[%get3A_1017] {strides = array<i32>} : memref<2560xf32, #tpu.memory_space<vmem>>, vector<16xf32>,
      %get3A_1019 = arith.index_cast %mul3A_1012 : i32 to index
      %get3A_1020 = tpu.vector_load %arg11[%get3A_1019] {strides = array<i32>} : memref<2560xf32, #tpu.memory_space<vmem>>, vector<16xf32>,
      %get3A_1021 = arith.index_cast %mul3A_1012 : i32 to index
      %get3A_1022 = tpu.vector_load %arg12[%get3A_1021] {strides = array<i32>} : memref<2560xf32, #tpu.memory_space<vmem>>, vector<16xf32>,
      %max3A = vector.broadcast %squeeze3A : f32 to vector<16xf32>
      %max3A_1023 = arith.maximumf %get3A_1014, %max3A : vector<16xf32>
      %max3A_1024 = vector.broadcast %squeeze3A_87 : f32 to vector<16xf32>
      %max3A_1025 = arith.maximumf %get3A_1016, %max3A_1024 : vector<16xf32>
      %min3A = vector.broadcast %add3A_92 : f32 to vector<16xf32>
      %min3A_1026 = arith.minimumf %get3A_1018, %min3A : vector<16xf32>
      %min3A_1027 = vector.broadcast %add3A_93 : f32 to vector<16xf32>
      %min3A_1028 = arith.minimumf %get3A_1020, %min3A_1027 : vector<16xf32>
      %sub3A_1029 = arith.subf %min3A_1026, %max3A_1023 : vector<16xf32>
      %max3A_1030 = arith.constant 0.000000e+00 : f32
      %max3A_1031 = vector.broadcast %max3A_1030 : f32 to vector<16xf32>
      %max3A_1032 = arith.maximumf %sub3A_1029, %max3A_1031 : vector<16xf32>
      %sub3A_1033 = arith.subf %min3A_1028, %max3A_1025 : vector<16xf32>
      %max3A_1034 = arith.constant 0.000000e+00 : f32
      %max3A_1035 = vector.broadcast %max3A_1034 : f32 to vector<16xf32>
      %max3A_1036 = arith.maximumf %sub3A_1033, %max3A_1035 : vector<16xf32>
      %mul3A_1037 = arith.mulf %max3A_1032, %max3A_1036 : vector<16xf32>
      %add3A_1038 = vector.broadcast %mul3A_94 : f32 to vector<16xf32>
      %add3A_1039 = arith.addf %get3A_1022, %add3A_1038 : vector<16xf32>
      %sub3A_1040 = arith.subf %add3A_1039, %mul3A_1037 : vector<16xf32>
      %div3A_1041 = arith.divf %mul3A_1037, %sub3A_1040 : vector<16xf32>
      %gt3A = arith.cmpf ogt, %div3A_1041, %scan3A_996 : vector<16xf32>
      %select_n3A_1042 = arith.select %gt3A, %div3A_1041, %scan3A_996 : vector<16xi1>, vector<16xf32>
      %select_n3A_1043 = arith.select %gt3A, %add3A_1010, %scan3A_997 : vector<16xi1>, vector<16xi32>
      %max3A_1044 = vector.broadcast %squeeze3A_96 : f32 to vector<16xf32>
      %max3A_1045 = arith.maximumf %get3A_1014, %max3A_1044 : vector<16xf32>
      %max3A_1046 = vector.broadcast %squeeze3A_98 : f32 to vector<16xf32>
      %max3A_1047 = arith.maximumf %get3A_1016, %max3A_1046 : vector<16xf32>
      %min3A_1048 = vector.broadcast %add3A_103 : f32 to vector<16xf32>
      %min3A_1049 = arith.minimumf %get3A_1018, %min3A_1048 : vector<16xf32>
      %min3A_1050 = vector.broadcast %add3A_104 : f32 to vector<16xf32>
      %min3A_1051 = arith.minimumf %get3A_1020, %min3A_1050 : vector<16xf32>
      %sub3A_1052 = arith.subf %min3A_1049, %max3A_1045 : vector<16xf32>
      %max3A_1053 = arith.constant 0.000000e+00 : f32
      %max3A_1054 = vector.broadcast %max3A_1053 : f32 to vector<16xf32>
      %max3A_1055 = arith.maximumf %sub3A_1052, %max3A_1054 : vector<16xf32>
      %sub3A_1056 = arith.subf %min3A_1051, %max3A_1047 : vector<16xf32>
      %max3A_1057 = arith.constant 0.000000e+00 : f32
      %max3A_1058 = vector.broadcast %max3A_1057 : f32 to vector<16xf32>
      %max3A_1059 = arith.maximumf %sub3A_1056, %max3A_1058 : vector<16xf32>
      %mul3A_1060 = arith.mulf %max3A_1055, %max3A_1059 : vector<16xf32>
      %add3A_1061 = vector.broadcast %mul3A_105 : f32 to vector<16xf32>
      %add3A_1062 = arith.addf %get3A_1022, %add3A_1061 : vector<16xf32>
      %sub3A_1063 = arith.subf %add3A_1062, %mul3A_1060 : vector<16xf32>
      %div3A_1064 = arith.divf %mul3A_1060, %sub3A_1063 : vector<16xf32>
      %gt3A_1065 = arith.cmpf ogt, %div3A_1064, %scan3A_998 : vector<16xf32>
      %select_n3A_1066 = arith.select %gt3A_1065, %div3A_1064, %scan3A_998 : vector<16xi1>, vector<16xf32>
      %select_n3A_1067 = arith.select %gt3A_1065, %add3A_1010, %scan3A_999 : vector<16xi1>, vector<16xi32>
      %max3A_1068 = vector.broadcast %squeeze3A_107 : f32 to vector<16xf32>
      %max3A_1069 = arith.maximumf %get3A_1014, %max3A_1068 : vector<16xf32>
      %max3A_1070 = vector.broadcast %squeeze3A_109 : f32 to vector<16xf32>
      %max3A_1071 = arith.maximumf %get3A_1016, %max3A_1070 : vector<16xf32>
      %min3A_1072 = vector.broadcast %add3A_114 : f32 to vector<16xf32>
      %min3A_1073 = arith.minimumf %get3A_1018, %min3A_1072 : vector<16xf32>
      %min3A_1074 = vector.broadcast %add3A_115 : f32 to vector<16xf32>
      %min3A_1075 = arith.minimumf %get3A_1020, %min3A_1074 : vector<16xf32>
      %sub3A_1076 = arith.subf %min3A_1073, %max3A_1069 : vector<16xf32>
      %max3A_1077 = arith.constant 0.000000e+00 : f32
      %max3A_1078 = vector.broadcast %max3A_1077 : f32 to vector<16xf32>
      %max3A_1079 = arith.maximumf %sub3A_1076, %max3A_1078 : vector<16xf32>
      %sub3A_1080 = arith.subf %min3A_1075, %max3A_1071 : vector<16xf32>
      %max3A_1081 = arith.constant 0.000000e+00 : f32
      %max3A_1082 = vector.broadcast %max3A_1081 : f32 to vector<16xf32>
      %max3A_1083 = arith.maximumf %sub3A_1080, %max3A_1082 : vector<16xf32>
      %mul3A_1084 = arith.mulf %max3A_1079, %max3A_1083 : vector<16xf32>
      %add3A_1085 = vector.broadcast %mul3A_116 : f32 to vector<16xf32>
      %add3A_1086 = arith.addf %get3A_1022, %add3A_1085 : vector<16xf32>
      %sub3A_1087 = arith.subf %add3A_1086, %mul3A_1084 : vector<16xf32>
      %div3A_1088 = arith.divf %mul3A_1084, %sub3A_1087 : vector<16xf32>
      %gt3A_1089 = arith.cmpf ogt, %div3A_1088, %scan3A_1000 : vector<16xf32>
      %select_n3A_1090 = arith.select %gt3A_1089, %div3A_1088, %scan3A_1000 : vector<16xi1>, vector<16xf32>
      %select_n3A_1091 = arith.select %gt3A_1089, %add3A_1010, %scan3A_1001 : vector<16xi1>, vector<16xi32>
      %max3A_1092 = vector.broadcast %squeeze3A_118 : f32 to vector<16xf32>
      %max3A_1093 = arith.maximumf %get3A_1014, %max3A_1092 : vector<16xf32>
      %max3A_1094 = vector.broadcast %squeeze3A_120 : f32 to vector<16xf32>
      %max3A_1095 = arith.maximumf %get3A_1016, %max3A_1094 : vector<16xf32>
      %min3A_1096 = vector.broadcast %add3A_125 : f32 to vector<16xf32>
      %min3A_1097 = arith.minimumf %get3A_1018, %min3A_1096 : vector<16xf32>
      %min3A_1098 = vector.broadcast %add3A_126 : f32 to vector<16xf32>
      %min3A_1099 = arith.minimumf %get3A_1020, %min3A_1098 : vector<16xf32>
      %sub3A_1100 = arith.subf %min3A_1097, %max3A_1093 : vector<16xf32>
      %max3A_1101 = arith.constant 0.000000e+00 : f32
      %max3A_1102 = vector.broadcast %max3A_1101 : f32 to vector<16xf32>
      %max3A_1103 = arith.maximumf %sub3A_1100, %max3A_1102 : vector<16xf32>
      %sub3A_1104 = arith.subf %min3A_1099, %max3A_1095 : vector<16xf32>
      %max3A_1105 = arith.constant 0.000000e+00 : f32
      %max3A_1106 = vector.broadcast %max3A_1105 : f32 to vector<16xf32>
      %max3A_1107 = arith.maximumf %sub3A_1104, %max3A_1106 : vector<16xf32>
      %mul3A_1108 = arith.mulf %max3A_1103, %max3A_1107 : vector<16xf32>
      %add3A_1109 = vector.broadcast %mul3A_127 : f32 to vector<16xf32>
      %add3A_1110 = arith.addf %get3A_1022, %add3A_1109 : vector<16xf32>
      %sub3A_1111 = arith.subf %add3A_1110, %mul3A_1108 : vector<16xf32>
      %div3A_1112 = arith.divf %mul3A_1108, %sub3A_1111 : vector<16xf32>
      %gt3A_1113 = arith.cmpf ogt, %div3A_1112, %scan3A_1002 : vector<16xf32>
      %select_n3A_1114 = arith.select %gt3A_1113, %div3A_1112, %scan3A_1002 : vector<16xi1>, vector<16xf32>
      %select_n3A_1115 = arith.select %gt3A_1113, %add3A_1010, %scan3A_1003 : vector<16xi1>, vector<16xi32>
      %scan3A_1116 = arith.constant 1 : i32
      %scan3A_1117 = arith.addi %scan3A_995, %scan3A_1116 : i32
      %add3A_1118 = arith.constant 0 : i32
      %add3A_1119 = arith.addi %scan3A_1117, %add3A_1118 : i32
      %mul3A_1120 = arith.constant 16 : i32
      %mul3A_1121 = arith.muli %add3A_1119, %mul3A_1120 : i32
      %add3A_1122 = arith.addi %mul3A_32, %mul3A_1121 : i32
      %add3A_1123 = vector.broadcast %add3A_1122 : i32 to vector<16xi32>
      %add3A_1124 = arith.addi %add3A_1123, %iota3A : vector<16xi32>
      %mul3A_1125 = arith.constant 16 : i32
      %mul3A_1126 = arith.muli %add3A_1119, %mul3A_1125 : i32
      %get3A_1127 = arith.index_cast %mul3A_1126 : i32 to index
      %get3A_1128 = tpu.vector_load %arg5[%get3A_1127] {strides = array<i32>} : memref<2560xf32, #tpu.memory_space<vmem>>, vector<16xf32>,
      %get3A_1129 = arith.index_cast %mul3A_1126 : i32 to index
      %get3A_1130 = tpu.vector_load %arg6[%get3A_1129] {strides = array<i32>} : memref<2560xf32, #tpu.memory_space<vmem>>, vector<16xf32>,
      %get3A_1131 = arith.index_cast %mul3A_1126 : i32 to index
      %get3A_1132 = tpu.vector_load %arg10[%get3A_1131] {strides = array<i32>} : memref<2560xf32, #tpu.memory_space<vmem>>, vector<16xf32>,
      %get3A_1133 = arith.index_cast %mul3A_1126 : i32 to index
      %get3A_1134 = tpu.vector_load %arg11[%get3A_1133] {strides = array<i32>} : memref<2560xf32, #tpu.memory_space<vmem>>, vector<16xf32>,
      %get3A_1135 = arith.index_cast %mul3A_1126 : i32 to index
      %get3A_1136 = tpu.vector_load %arg12[%get3A_1135] {strides = array<i32>} : memref<2560xf32, #tpu.memory_space<vmem>>, vector<16xf32>,
      %max3A_1137 = vector.broadcast %squeeze3A : f32 to vector<16xf32>
      %max3A_1138 = arith.maximumf %get3A_1128, %max3A_1137 : vector<16xf32>
      %max3A_1139 = vector.broadcast %squeeze3A_87 : f32 to vector<16xf32>
      %max3A_1140 = arith.maximumf %get3A_1130, %max3A_1139 : vector<16xf32>
      %min3A_1141 = vector.broadcast %add3A_92 : f32 to vector<16xf32>
      %min3A_1142 = arith.minimumf %get3A_1132, %min3A_1141 : vector<16xf32>
      %min3A_1143 = vector.broadcast %add3A_93 : f32 to vector<16xf32>
      %min3A_1144 = arith.minimumf %get3A_1134, %min3A_1143 : vector<16xf32>
      %sub3A_1145 = arith.subf %min3A_1142, %max3A_1138 : vector<16xf32>
      %max3A_1146 = arith.constant 0.000000e+00 : f32
      %max3A_1147 = vector.broadcast %max3A_1146 : f32 to vector<16xf32>
      %max3A_1148 = arith.maximumf %sub3A_1145, %max3A_1147 : vector<16xf32>
      %sub3A_1149 = arith.subf %min3A_1144, %max3A_1140 : vector<16xf32>
      %max3A_1150 = arith.constant 0.000000e+00 : f32
      %max3A_1151 = vector.broadcast %max3A_1150 : f32 to vector<16xf32>
      %max3A_1152 = arith.maximumf %sub3A_1149, %max3A_1151 : vector<16xf32>
      %mul3A_1153 = arith.mulf %max3A_1148, %max3A_1152 : vector<16xf32>
      %add3A_1154 = vector.broadcast %mul3A_94 : f32 to vector<16xf32>
      %add3A_1155 = arith.addf %get3A_1136, %add3A_1154 : vector<16xf32>
      %sub3A_1156 = arith.subf %add3A_1155, %mul3A_1153 : vector<16xf32>
      %div3A_1157 = arith.divf %mul3A_1153, %sub3A_1156 : vector<16xf32>
      %gt3A_1158 = arith.cmpf ogt, %div3A_1157, %select_n3A_1042 : vector<16xf32>
      %select_n3A_1159 = arith.select %gt3A_1158, %div3A_1157, %select_n3A_1042 : vector<16xi1>, vector<16xf32>
      %select_n3A_1160 = arith.select %gt3A_1158, %add3A_1124, %select_n3A_1043 : vector<16xi1>, vector<16xi32>
      %max3A_1161 = vector.broadcast %squeeze3A_96 : f32 to vector<16xf32>
      %max3A_1162 = arith.maximumf %get3A_1128, %max3A_1161 : vector<16xf32>
      %max3A_1163 = vector.broadcast %squeeze3A_98 : f32 to vector<16xf32>
      %max3A_1164 = arith.maximumf %get3A_1130, %max3A_1163 : vector<16xf32>
      %min3A_1165 = vector.broadcast %add3A_103 : f32 to vector<16xf32>
      %min3A_1166 = arith.minimumf %get3A_1132, %min3A_1165 : vector<16xf32>
      %min3A_1167 = vector.broadcast %add3A_104 : f32 to vector<16xf32>
      %min3A_1168 = arith.minimumf %get3A_1134, %min3A_1167 : vector<16xf32>
      %sub3A_1169 = arith.subf %min3A_1166, %max3A_1162 : vector<16xf32>
      %max3A_1170 = arith.constant 0.000000e+00 : f32
      %max3A_1171 = vector.broadcast %max3A_1170 : f32 to vector<16xf32>
      %max3A_1172 = arith.maximumf %sub3A_1169, %max3A_1171 : vector<16xf32>
      %sub3A_1173 = arith.subf %min3A_1168, %max3A_1164 : vector<16xf32>
      %max3A_1174 = arith.constant 0.000000e+00 : f32
      %max3A_1175 = vector.broadcast %max3A_1174 : f32 to vector<16xf32>
      %max3A_1176 = arith.maximumf %sub3A_1173, %max3A_1175 : vector<16xf32>
      %mul3A_1177 = arith.mulf %max3A_1172, %max3A_1176 : vector<16xf32>
      %add3A_1178 = vector.broadcast %mul3A_105 : f32 to vector<16xf32>
      %add3A_1179 = arith.addf %get3A_1136, %add3A_1178 : vector<16xf32>
      %sub3A_1180 = arith.subf %add3A_1179, %mul3A_1177 : vector<16xf32>
      %div3A_1181 = arith.divf %mul3A_1177, %sub3A_1180 : vector<16xf32>
      %gt3A_1182 = arith.cmpf ogt, %div3A_1181, %select_n3A_1066 : vector<16xf32>
      %select_n3A_1183 = arith.select %gt3A_1182, %div3A_1181, %select_n3A_1066 : vector<16xi1>, vector<16xf32>
      %select_n3A_1184 = arith.select %gt3A_1182, %add3A_1124, %select_n3A_1067 : vector<16xi1>, vector<16xi32>
      %max3A_1185 = vector.broadcast %squeeze3A_107 : f32 to vector<16xf32>
      %max3A_1186 = arith.maximumf %get3A_1128, %max3A_1185 : vector<16xf32>
      %max3A_1187 = vector.broadcast %squeeze3A_109 : f32 to vector<16xf32>
      %max3A_1188 = arith.maximumf %get3A_1130, %max3A_1187 : vector<16xf32>
      %min3A_1189 = vector.broadcast %add3A_114 : f32 to vector<16xf32>
      %min3A_1190 = arith.minimumf %get3A_1132, %min3A_1189 : vector<16xf32>
      %min3A_1191 = vector.broadcast %add3A_115 : f32 to vector<16xf32>
      %min3A_1192 = arith.minimumf %get3A_1134, %min3A_1191 : vector<16xf32>
      %sub3A_1193 = arith.subf %min3A_1190, %max3A_1186 : vector<16xf32>
      %max3A_1194 = arith.constant 0.000000e+00 : f32
      %max3A_1195 = vector.broadcast %max3A_1194 : f32 to vector<16xf32>
      %max3A_1196 = arith.maximumf %sub3A_1193, %max3A_1195 : vector<16xf32>
      %sub3A_1197 = arith.subf %min3A_1192, %max3A_1188 : vector<16xf32>
      %max3A_1198 = arith.constant 0.000000e+00 : f32
      %max3A_1199 = vector.broadcast %max3A_1198 : f32 to vector<16xf32>
      %max3A_1200 = arith.maximumf %sub3A_1197, %max3A_1199 : vector<16xf32>
      %mul3A_1201 = arith.mulf %max3A_1196, %max3A_1200 : vector<16xf32>
      %add3A_1202 = vector.broadcast %mul3A_116 : f32 to vector<16xf32>
      %add3A_1203 = arith.addf %get3A_1136, %add3A_1202 : vector<16xf32>
      %sub3A_1204 = arith.subf %add3A_1203, %mul3A_1201 : vector<16xf32>
      %div3A_1205 = arith.divf %mul3A_1201, %sub3A_1204 : vector<16xf32>
      %gt3A_1206 = arith.cmpf ogt, %div3A_1205, %select_n3A_1090 : vector<16xf32>
      %select_n3A_1207 = arith.select %gt3A_1206, %div3A_1205, %select_n3A_1090 : vector<16xi1>, vector<16xf32>
      %select_n3A_1208 = arith.select %gt3A_1206, %add3A_1124, %select_n3A_1091 : vector<16xi1>, vector<16xi32>
      %max3A_1209 = vector.broadcast %squeeze3A_118 : f32 to vector<16xf32>
      %max3A_1210 = arith.maximumf %get3A_1128, %max3A_1209 : vector<16xf32>
      %max3A_1211 = vector.broadcast %squeeze3A_120 : f32 to vector<16xf32>
      %max3A_1212 = arith.maximumf %get3A_1130, %max3A_1211 : vector<16xf32>
      %min3A_1213 = vector.broadcast %add3A_125 : f32 to vector<16xf32>
      %min3A_1214 = arith.minimumf %get3A_1132, %min3A_1213 : vector<16xf32>
      %min3A_1215 = vector.broadcast %add3A_126 : f32 to vector<16xf32>
      %min3A_1216 = arith.minimumf %get3A_1134, %min3A_1215 : vector<16xf32>
      %sub3A_1217 = arith.subf %min3A_1214, %max3A_1210 : vector<16xf32>
      %max3A_1218 = arith.constant 0.000000e+00 : f32
      %max3A_1219 = vector.broadcast %max3A_1218 : f32 to vector<16xf32>
      %max3A_1220 = arith.maximumf %sub3A_1217, %max3A_1219 : vector<16xf32>
      %sub3A_1221 = arith.subf %min3A_1216, %max3A_1212 : vector<16xf32>
      %max3A_1222 = arith.constant 0.000000e+00 : f32
      %max3A_1223 = vector.broadcast %max3A_1222 : f32 to vector<16xf32>
      %max3A_1224 = arith.maximumf %sub3A_1221, %max3A_1223 : vector<16xf32>
      %mul3A_1225 = arith.mulf %max3A_1220, %max3A_1224 : vector<16xf32>
      %add3A_1226 = vector.broadcast %mul3A_127 : f32 to vector<16xf32>
      %add3A_1227 = arith.addf %get3A_1136, %add3A_1226 : vector<16xf32>
      %sub3A_1228 = arith.subf %add3A_1227, %mul3A_1225 : vector<16xf32>
      %div3A_1229 = arith.divf %mul3A_1225, %sub3A_1228 : vector<16xf32>
      %gt3A_1230 = arith.cmpf ogt, %div3A_1229, %select_n3A_1114 : vector<16xf32>
      %select_n3A_1231 = arith.select %gt3A_1230, %div3A_1229, %select_n3A_1114 : vector<16xi1>, vector<16xf32>
      %select_n3A_1232 = arith.select %gt3A_1230, %add3A_1124, %select_n3A_1115 : vector<16xi1>, vector<16xi32>
      scf.yield %select_n3A_1159, %select_n3A_1160, %select_n3A_1183, %select_n3A_1184, %select_n3A_1207, %select_n3A_1208, %select_n3A_1231, %select_n3A_1232 : vector<16xf32>, vector<16xi32>, vector<16xf32>, vector<16xi32>, vector<16xf32>, vector<16xi32>, vector<16xf32>, vector<16xi32>
    }
    %scan3A_145 = arith.constant 160 : i32
    %reduce_max3A = arith.constant true
    %reduce_max3A_146 = vector.broadcast %reduce_max3A : i1 to vector<16xi1>
    %reduce_max3A_147 = tpu.scan <max>, %scan3A_144#0 masked %reduce_max3A_146 : vector<16xf32>, vector<16xi1> -> vector<16xf32>
    %reduce_max3A_148 = vector.extract %reduce_max3A_147[15] : f32 from vector<16xf32>
    %eq3A_149 = vector.broadcast %reduce_max3A_148 : f32 to vector<16xf32>
    %eq3A_150 = arith.cmpf oeq, %scan3A_144#0, %eq3A_149 : vector<16xf32>
    %jit3A_151 = arith.constant 1073741824 : i32
    %broadcast_in_dim3A_152 = vector.broadcast %jit3A_151 : i32 to vector<16xi32>
    %select_n3A_153 = arith.select %eq3A_150, %scan3A_144#1, %broadcast_in_dim3A_152 : vector<16xi1>, vector<16xi32>
    %reduce_min3A = arith.constant true
    %reduce_min3A_154 = vector.broadcast %reduce_min3A : i1 to vector<16xi1>
    %reduce_min3A_155 = arith.constant -2147483648 : i32
    %reduce_min3A_156 = vector.broadcast %reduce_min3A_155 : i32 to vector<16xi32>
    %reduce_min3A_157 = arith.xori %select_n3A_153, %reduce_min3A_156 : vector<16xi32>
    %reduce_min3A_158 = tpu.scan <min>, %reduce_min3A_157 masked %reduce_min3A_154 : vector<16xi32>, vector<16xi1> -> vector<16xi32>
    %reduce_min3A_159 = arith.xori %reduce_min3A_158, %reduce_min3A_156 : vector<16xi32>
    %reduce_min3A_160 = vector.extract %reduce_min3A_159[15] : i32 from vector<16xi32>
    %eq3A_161 = arith.constant 0 : i32
    %eq3A_162 = vector.broadcast %eq3A_161 : i32 to vector<16xi32>
    %eq3A_163 = arith.cmpi eq, %iota3A, %eq3A_162 : vector<16xi32>
    %broadcast_in_dim3A_164 = vector.broadcast %reduce_max3A_148 : f32 to vector<16xf32>
    %select_n3A_165 = arith.select %eq3A_163, %broadcast_in_dim3A_164, %broadcast_in_dim3A_81 : vector<16xi1>, vector<16xf32>
    %eq3A_166 = arith.constant 0 : i32
    %eq3A_167 = vector.broadcast %eq3A_166 : i32 to vector<16xi32>
    %eq3A_168 = arith.cmpi eq, %iota3A, %eq3A_167 : vector<16xi32>
    %broadcast_in_dim3A_169 = vector.broadcast %reduce_min3A_160 : i32 to vector<16xi32>
    %select_n3A_170 = arith.select %eq3A_168, %broadcast_in_dim3A_169, %broadcast_in_dim3A_84 : vector<16xi1>, vector<16xi32>
    %reduce_max3A_171 = arith.constant true
    %reduce_max3A_172 = vector.broadcast %reduce_max3A_171 : i1 to vector<16xi1>
    %reduce_max3A_173 = tpu.scan <max>, %scan3A_144#2 masked %reduce_max3A_172 : vector<16xf32>, vector<16xi1> -> vector<16xf32>
    %reduce_max3A_174 = vector.extract %reduce_max3A_173[15] : f32 from vector<16xf32>
    %eq3A_175 = vector.broadcast %reduce_max3A_174 : f32 to vector<16xf32>
    %eq3A_176 = arith.cmpf oeq, %scan3A_144#2, %eq3A_175 : vector<16xf32>
    %jit3A_177 = arith.constant 1073741824 : i32
    %broadcast_in_dim3A_178 = vector.broadcast %jit3A_177 : i32 to vector<16xi32>
    %select_n3A_179 = arith.select %eq3A_176, %scan3A_144#3, %broadcast_in_dim3A_178 : vector<16xi1>, vector<16xi32>
    %reduce_min3A_180 = arith.constant true
    %reduce_min3A_181 = vector.broadcast %reduce_min3A_180 : i1 to vector<16xi1>
    %reduce_min3A_182 = arith.constant -2147483648 : i32
    %reduce_min3A_183 = vector.broadcast %reduce_min3A_182 : i32 to vector<16xi32>
    %reduce_min3A_184 = arith.xori %select_n3A_179, %reduce_min3A_183 : vector<16xi32>
    %reduce_min3A_185 = tpu.scan <min>, %reduce_min3A_184 masked %reduce_min3A_181 : vector<16xi32>, vector<16xi1> -> vector<16xi32>
    %reduce_min3A_186 = arith.xori %reduce_min3A_185, %reduce_min3A_183 : vector<16xi32>
    %reduce_min3A_187 = vector.extract %reduce_min3A_186[15] : i32 from vector<16xi32>
    %eq3A_188 = arith.constant 1 : i32
    %eq3A_189 = vector.broadcast %eq3A_188 : i32 to vector<16xi32>
    %eq3A_190 = arith.cmpi eq, %iota3A, %eq3A_189 : vector<16xi32>
    %broadcast_in_dim3A_191 = vector.broadcast %reduce_max3A_174 : f32 to vector<16xf32>
    %select_n3A_192 = arith.select %eq3A_190, %broadcast_in_dim3A_191, %select_n3A_165 : vector<16xi1>, vector<16xf32>
    %eq3A_193 = arith.constant 1 : i32
    %eq3A_194 = vector.broadcast %eq3A_193 : i32 to vector<16xi32>
    %eq3A_195 = arith.cmpi eq, %iota3A, %eq3A_194 : vector<16xi32>
    %broadcast_in_dim3A_196 = vector.broadcast %reduce_min3A_187 : i32 to vector<16xi32>
    %select_n3A_197 = arith.select %eq3A_195, %broadcast_in_dim3A_196, %select_n3A_170 : vector<16xi1>, vector<16xi32>
    %reduce_max3A_198 = arith.constant true
    %reduce_max3A_199 = vector.broadcast %reduce_max3A_198 : i1 to vector<16xi1>
    %reduce_max3A_200 = tpu.scan <max>, %scan3A_144#4 masked %reduce_max3A_199 : vector<16xf32>, vector<16xi1> -> vector<16xf32>
    %reduce_max3A_201 = vector.extract %reduce_max3A_200[15] : f32 from vector<16xf32>
    %eq3A_202 = vector.broadcast %reduce_max3A_201 : f32 to vector<16xf32>
    %eq3A_203 = arith.cmpf oeq, %scan3A_144#4, %eq3A_202 : vector<16xf32>
    %jit3A_204 = arith.constant 1073741824 : i32
    %broadcast_in_dim3A_205 = vector.broadcast %jit3A_204 : i32 to vector<16xi32>
    %select_n3A_206 = arith.select %eq3A_203, %scan3A_144#5, %broadcast_in_dim3A_205 : vector<16xi1>, vector<16xi32>
    %reduce_min3A_207 = arith.constant true
    %reduce_min3A_208 = vector.broadcast %reduce_min3A_207 : i1 to vector<16xi1>
    %reduce_min3A_209 = arith.constant -2147483648 : i32
    %reduce_min3A_210 = vector.broadcast %reduce_min3A_209 : i32 to vector<16xi32>
    %reduce_min3A_211 = arith.xori %select_n3A_206, %reduce_min3A_210 : vector<16xi32>
    %reduce_min3A_212 = tpu.scan <min>, %reduce_min3A_211 masked %reduce_min3A_208 : vector<16xi32>, vector<16xi1> -> vector<16xi32>
    %reduce_min3A_213 = arith.xori %reduce_min3A_212, %reduce_min3A_210 : vector<16xi32>
    %reduce_min3A_214 = vector.extract %reduce_min3A_213[15] : i32 from vector<16xi32>
    %eq3A_215 = arith.constant 2 : i32
    %eq3A_216 = vector.broadcast %eq3A_215 : i32 to vector<16xi32>
    %eq3A_217 = arith.cmpi eq, %iota3A, %eq3A_216 : vector<16xi32>
    %broadcast_in_dim3A_218 = vector.broadcast %reduce_max3A_201 : f32 to vector<16xf32>
    %select_n3A_219 = arith.select %eq3A_217, %broadcast_in_dim3A_218, %select_n3A_192 : vector<16xi1>, vector<16xf32>
    %eq3A_220 = arith.constant 2 : i32
    %eq3A_221 = vector.broadcast %eq3A_220 : i32 to vector<16xi32>
    %eq3A_222 = arith.cmpi eq, %iota3A, %eq3A_221 : vector<16xi32>
    %broadcast_in_dim3A_223 = vector.broadcast %reduce_min3A_214 : i32 to vector<16xi32>
    %select_n3A_224 = arith.select %eq3A_222, %broadcast_in_dim3A_223, %select_n3A_197 : vector<16xi1>, vector<16xi32>
    %reduce_max3A_225 = arith.constant true
    %reduce_max3A_226 = vector.broadcast %reduce_max3A_225 : i1 to vector<16xi1>
    %reduce_max3A_227 = tpu.scan <max>, %scan3A_144#6 masked %reduce_max3A_226 : vector<16xf32>, vector<16xi1> -> vector<16xf32>
    %reduce_max3A_228 = vector.extract %reduce_max3A_227[15] : f32 from vector<16xf32>
    %eq3A_229 = vector.broadcast %reduce_max3A_228 : f32 to vector<16xf32>
    %eq3A_230 = arith.cmpf oeq, %scan3A_144#6, %eq3A_229 : vector<16xf32>
    %jit3A_231 = arith.constant 1073741824 : i32
    %broadcast_in_dim3A_232 = vector.broadcast %jit3A_231 : i32 to vector<16xi32>
    %select_n3A_233 = arith.select %eq3A_230, %scan3A_144#7, %broadcast_in_dim3A_232 : vector<16xi1>, vector<16xi32>
    %reduce_min3A_234 = arith.constant true
    %reduce_min3A_235 = vector.broadcast %reduce_min3A_234 : i1 to vector<16xi1>
    %reduce_min3A_236 = arith.constant -2147483648 : i32
    %reduce_min3A_237 = vector.broadcast %reduce_min3A_236 : i32 to vector<16xi32>
    %reduce_min3A_238 = arith.xori %select_n3A_233, %reduce_min3A_237 : vector<16xi32>
    %reduce_min3A_239 = tpu.scan <min>, %reduce_min3A_238 masked %reduce_min3A_235 : vector<16xi32>, vector<16xi1> -> vector<16xi32>
    %reduce_min3A_240 = arith.xori %reduce_min3A_239, %reduce_min3A_237 : vector<16xi32>
    %reduce_min3A_241 = vector.extract %reduce_min3A_240[15] : i32 from vector<16xi32>
    %eq3A_242 = arith.constant 3 : i32
    %eq3A_243 = vector.broadcast %eq3A_242 : i32 to vector<16xi32>
    %eq3A_244 = arith.cmpi eq, %iota3A, %eq3A_243 : vector<16xi32>
    %broadcast_in_dim3A_245 = vector.broadcast %reduce_max3A_228 : f32 to vector<16xf32>
    %select_n3A_246 = arith.select %eq3A_244, %broadcast_in_dim3A_245, %select_n3A_219 : vector<16xi1>, vector<16xf32>
    %eq3A_247 = arith.constant 3 : i32
    %eq3A_248 = vector.broadcast %eq3A_247 : i32 to vector<16xi32>
    %eq3A_249 = arith.cmpi eq, %iota3A, %eq3A_248 : vector<16xi32>
    %broadcast_in_dim3A_250 = vector.broadcast %reduce_min3A_241 : i32 to vector<16xi32>
    %select_n3A_251 = arith.select %eq3A_249, %broadcast_in_dim3A_250, %select_n3A_224 : vector<16xi1>, vector<16xi32>
    %slice3A_252 = vector.extract_strided_slice %get3A_66 {offsets = [4], sizes = [1], strides = [1]} : vector<16xf32> to vector<1xf32>
    %squeeze3A_253 = vector.extract %slice3A_252[0] : f32 from vector<1xf32>
    %slice3A_254 = vector.extract_strided_slice %get3A_70 {offsets = [4], sizes = [1], strides = [1]} : vector<16xf32> to vector<1xf32>
    %squeeze3A_255 = vector.extract %slice3A_254[0] : f32 from vector<1xf32>
    %slice3A_256 = vector.extract_strided_slice %get3A_74 {offsets = [4], sizes = [1], strides = [1]} : vector<16xf32> to vector<1xf32>
    %squeeze3A_257 = vector.extract %slice3A_256[0] : f32 from vector<1xf32>
    %slice3A_258 = vector.extract_strided_slice %get3A_78 {offsets = [4], sizes = [1], strides = [1]} : vector<16xf32> to vector<1xf32>
    %squeeze3A_259 = vector.extract %slice3A_258[0] : f32 from vector<1xf32>
    %add3A_260 = arith.addf %squeeze3A_253, %squeeze3A_257 : f32
    %add3A_261 = arith.addf %squeeze3A_255, %squeeze3A_259 : f32
    %mul3A_262 = arith.mulf %squeeze3A_257, %squeeze3A_259 : f32
    %slice3A_263 = vector.extract_strided_slice %get3A_66 {offsets = [5], sizes = [1], strides = [1]} : vector<16xf32> to vector<1xf32>
    %squeeze3A_264 = vector.extract %slice3A_263[0] : f32 from vector<1xf32>
    %slice3A_265 = vector.extract_strided_slice %get3A_70 {offsets = [5], sizes = [1], strides = [1]} : vector<16xf32> to vector<1xf32>
    %squeeze3A_266 = vector.extract %slice3A_265[0] : f32 from vector<1xf32>
    %slice3A_267 = vector.extract_strided_slice %get3A_74 {offsets = [5], sizes = [1], strides = [1]} : vector<16xf32> to vector<1xf32>
    %squeeze3A_268 = vector.extract %slice3A_267[0] : f32 from vector<1xf32>
    %slice3A_269 = vector.extract_strided_slice %get3A_78 {offsets = [5], sizes = [1], strides = [1]} : vector<16xf32> to vector<1xf32>
    %squeeze3A_270 = vector.extract %slice3A_269[0] : f32 from vector<1xf32>
    %add3A_271 = arith.addf %squeeze3A_264, %squeeze3A_268 : f32
    %add3A_272 = arith.addf %squeeze3A_266, %squeeze3A_270 : f32
    %mul3A_273 = arith.mulf %squeeze3A_268, %squeeze3A_270 : f32
    %slice3A_274 = vector.extract_strided_slice %get3A_66 {offsets = [6], sizes = [1], strides = [1]} : vector<16xf32> to vector<1xf32>
    %squeeze3A_275 = vector.extract %slice3A_274[0] : f32 from vector<1xf32>
    %slice3A_276 = vector.extract_strided_slice %get3A_70 {offsets = [6], sizes = [1], strides = [1]} : vector<16xf32> to vector<1xf32>
    %squeeze3A_277 = vector.extract %slice3A_276[0] : f32 from vector<1xf32>
    %slice3A_278 = vector.extract_strided_slice %get3A_74 {offsets = [6], sizes = [1], strides = [1]} : vector<16xf32> to vector<1xf32>
    %squeeze3A_279 = vector.extract %slice3A_278[0] : f32 from vector<1xf32>
    %slice3A_280 = vector.extract_strided_slice %get3A_78 {offsets = [6], sizes = [1], strides = [1]} : vector<16xf32> to vector<1xf32>
    %squeeze3A_281 = vector.extract %slice3A_280[0] : f32 from vector<1xf32>
    %add3A_282 = arith.addf %squeeze3A_275, %squeeze3A_279 : f32
    %add3A_283 = arith.addf %squeeze3A_277, %squeeze3A_281 : f32
    %mul3A_284 = arith.mulf %squeeze3A_279, %squeeze3A_281 : f32
    %slice3A_285 = vector.extract_strided_slice %get3A_66 {offsets = [7], sizes = [1], strides = [1]} : vector<16xf32> to vector<1xf32>
    %squeeze3A_286 = vector.extract %slice3A_285[0] : f32 from vector<1xf32>
    %slice3A_287 = vector.extract_strided_slice %get3A_70 {offsets = [7], sizes = [1], strides = [1]} : vector<16xf32> to vector<1xf32>
    %squeeze3A_288 = vector.extract %slice3A_287[0] : f32 from vector<1xf32>
    %slice3A_289 = vector.extract_strided_slice %get3A_74 {offsets = [7], sizes = [1], strides = [1]} : vector<16xf32> to vector<1xf32>
    %squeeze3A_290 = vector.extract %slice3A_289[0] : f32 from vector<1xf32>
    %slice3A_291 = vector.extract_strided_slice %get3A_78 {offsets = [7], sizes = [1], strides = [1]} : vector<16xf32> to vector<1xf32>
    %squeeze3A_292 = vector.extract %slice3A_291[0] : f32 from vector<1xf32>
    %add3A_293 = arith.addf %squeeze3A_286, %squeeze3A_290 : f32
    %add3A_294 = arith.addf %squeeze3A_288, %squeeze3A_292 : f32
    %mul3A_295 = arith.mulf %squeeze3A_290, %squeeze3A_292 : f32
    %broadcast_in_dim3A_296 = arith.constant -1.000000e+00 : f32
    %broadcast_in_dim3A_297 = vector.broadcast %broadcast_in_dim3A_296 : f32 to vector<16xf32>
    %broadcast_in_dim3A_298 = vector.broadcast %mul3A_32 : i32 to vector<16xi32>
    %broadcast_in_dim3A_299 = arith.constant -1.000000e+00 : f32
    %broadcast_in_dim3A_300 = vector.broadcast %broadcast_in_dim3A_299 : f32 to vector<16xf32>
    %broadcast_in_dim3A_301 = vector.broadcast %mul3A_32 : i32 to vector<16xi32>
    %broadcast_in_dim3A_302 = arith.constant -1.000000e+00 : f32
    %broadcast_in_dim3A_303 = vector.broadcast %broadcast_in_dim3A_302 : f32 to vector<16xf32>
    %broadcast_in_dim3A_304 = vector.broadcast %mul3A_32 : i32 to vector<16xi32>
    %broadcast_in_dim3A_305 = arith.constant -1.000000e+00 : f32
    %broadcast_in_dim3A_306 = vector.broadcast %broadcast_in_dim3A_305 : f32 to vector<16xf32>
    %broadcast_in_dim3A_307 = vector.broadcast %mul3A_32 : i32 to vector<16xi32>
    %scan3A_308 = arith.constant 0 : i32
    %scan3A_309 = arith.constant 160 : i32
    %scan3A_310 = arith.addi %scan3A_308, %scan3A_309 : i32
    %scan3A_311 = arith.constant 2 : i32
    %scan3A_312:8 = scf.for %scan3A_995 = %scan3A_308 to %scan3A_310 step %scan3A_311 iter_args(%scan3A_996 = %broadcast_in_dim3A_297, %scan3A_997 = %broadcast_in_dim3A_298, %scan3A_998 = %broadcast_in_dim3A_300, %scan3A_999 = %broadcast_in_dim3A_301, %scan3A_1000 = %broadcast_in_dim3A_303, %scan3A_1001 = %broadcast_in_dim3A_304, %scan3A_1002 = %broadcast_in_dim3A_306, %scan3A_1003 = %broadcast_in_dim3A_307) -> (vector<16xf32>, vector<16xi32>, vector<16xf32>, vector<16xi32>, vector<16xf32>, vector<16xi32>, vector<16xf32>, vector<16xi32>)  : i32 {
      %add3A_1004 = arith.constant 0 : i32
      %add3A_1005 = arith.addi %scan3A_995, %add3A_1004 : i32
      %mul3A_1006 = arith.constant 16 : i32
      %mul3A_1007 = arith.muli %add3A_1005, %mul3A_1006 : i32
      %add3A_1008 = arith.addi %mul3A_32, %mul3A_1007 : i32
      %add3A_1009 = vector.broadcast %add3A_1008 : i32 to vector<16xi32>
      %add3A_1010 = arith.addi %add3A_1009, %iota3A : vector<16xi32>
      %mul3A_1011 = arith.constant 16 : i32
      %mul3A_1012 = arith.muli %add3A_1005, %mul3A_1011 : i32
      %get3A_1013 = arith.index_cast %mul3A_1012 : i32 to index
      %get3A_1014 = tpu.vector_load %arg5[%get3A_1013] {strides = array<i32>} : memref<2560xf32, #tpu.memory_space<vmem>>, vector<16xf32>,
      %get3A_1015 = arith.index_cast %mul3A_1012 : i32 to index
      %get3A_1016 = tpu.vector_load %arg6[%get3A_1015] {strides = array<i32>} : memref<2560xf32, #tpu.memory_space<vmem>>, vector<16xf32>,
      %get3A_1017 = arith.index_cast %mul3A_1012 : i32 to index
      %get3A_1018 = tpu.vector_load %arg10[%get3A_1017] {strides = array<i32>} : memref<2560xf32, #tpu.memory_space<vmem>>, vector<16xf32>,
      %get3A_1019 = arith.index_cast %mul3A_1012 : i32 to index
      %get3A_1020 = tpu.vector_load %arg11[%get3A_1019] {strides = array<i32>} : memref<2560xf32, #tpu.memory_space<vmem>>, vector<16xf32>,
      %get3A_1021 = arith.index_cast %mul3A_1012 : i32 to index
      %get3A_1022 = tpu.vector_load %arg12[%get3A_1021] {strides = array<i32>} : memref<2560xf32, #tpu.memory_space<vmem>>, vector<16xf32>,
      %max3A = vector.broadcast %squeeze3A_253 : f32 to vector<16xf32>
      %max3A_1023 = arith.maximumf %get3A_1014, %max3A : vector<16xf32>
      %max3A_1024 = vector.broadcast %squeeze3A_255 : f32 to vector<16xf32>
      %max3A_1025 = arith.maximumf %get3A_1016, %max3A_1024 : vector<16xf32>
      %min3A = vector.broadcast %add3A_260 : f32 to vector<16xf32>
      %min3A_1026 = arith.minimumf %get3A_1018, %min3A : vector<16xf32>
      %min3A_1027 = vector.broadcast %add3A_261 : f32 to vector<16xf32>
      %min3A_1028 = arith.minimumf %get3A_1020, %min3A_1027 : vector<16xf32>
      %sub3A_1029 = arith.subf %min3A_1026, %max3A_1023 : vector<16xf32>
      %max3A_1030 = arith.constant 0.000000e+00 : f32
      %max3A_1031 = vector.broadcast %max3A_1030 : f32 to vector<16xf32>
      %max3A_1032 = arith.maximumf %sub3A_1029, %max3A_1031 : vector<16xf32>
      %sub3A_1033 = arith.subf %min3A_1028, %max3A_1025 : vector<16xf32>
      %max3A_1034 = arith.constant 0.000000e+00 : f32
      %max3A_1035 = vector.broadcast %max3A_1034 : f32 to vector<16xf32>
      %max3A_1036 = arith.maximumf %sub3A_1033, %max3A_1035 : vector<16xf32>
      %mul3A_1037 = arith.mulf %max3A_1032, %max3A_1036 : vector<16xf32>
      %add3A_1038 = vector.broadcast %mul3A_262 : f32 to vector<16xf32>
      %add3A_1039 = arith.addf %get3A_1022, %add3A_1038 : vector<16xf32>
      %sub3A_1040 = arith.subf %add3A_1039, %mul3A_1037 : vector<16xf32>
      %div3A_1041 = arith.divf %mul3A_1037, %sub3A_1040 : vector<16xf32>
      %gt3A = arith.cmpf ogt, %div3A_1041, %scan3A_996 : vector<16xf32>
      %select_n3A_1042 = arith.select %gt3A, %div3A_1041, %scan3A_996 : vector<16xi1>, vector<16xf32>
      %select_n3A_1043 = arith.select %gt3A, %add3A_1010, %scan3A_997 : vector<16xi1>, vector<16xi32>
      %max3A_1044 = vector.broadcast %squeeze3A_264 : f32 to vector<16xf32>
      %max3A_1045 = arith.maximumf %get3A_1014, %max3A_1044 : vector<16xf32>
      %max3A_1046 = vector.broadcast %squeeze3A_266 : f32 to vector<16xf32>
      %max3A_1047 = arith.maximumf %get3A_1016, %max3A_1046 : vector<16xf32>
      %min3A_1048 = vector.broadcast %add3A_271 : f32 to vector<16xf32>
      %min3A_1049 = arith.minimumf %get3A_1018, %min3A_1048 : vector<16xf32>
      %min3A_1050 = vector.broadcast %add3A_272 : f32 to vector<16xf32>
      %min3A_1051 = arith.minimumf %get3A_1020, %min3A_1050 : vector<16xf32>
      %sub3A_1052 = arith.subf %min3A_1049, %max3A_1045 : vector<16xf32>
      %max3A_1053 = arith.constant 0.000000e+00 : f32
      %max3A_1054 = vector.broadcast %max3A_1053 : f32 to vector<16xf32>
      %max3A_1055 = arith.maximumf %sub3A_1052, %max3A_1054 : vector<16xf32>
      %sub3A_1056 = arith.subf %min3A_1051, %max3A_1047 : vector<16xf32>
      %max3A_1057 = arith.constant 0.000000e+00 : f32
      %max3A_1058 = vector.broadcast %max3A_1057 : f32 to vector<16xf32>
      %max3A_1059 = arith.maximumf %sub3A_1056, %max3A_1058 : vector<16xf32>
      %mul3A_1060 = arith.mulf %max3A_1055, %max3A_1059 : vector<16xf32>
      %add3A_1061 = vector.broadcast %mul3A_273 : f32 to vector<16xf32>
      %add3A_1062 = arith.addf %get3A_1022, %add3A_1061 : vector<16xf32>
      %sub3A_1063 = arith.subf %add3A_1062, %mul3A_1060 : vector<16xf32>
      %div3A_1064 = arith.divf %mul3A_1060, %sub3A_1063 : vector<16xf32>
      %gt3A_1065 = arith.cmpf ogt, %div3A_1064, %scan3A_998 : vector<16xf32>
      %select_n3A_1066 = arith.select %gt3A_1065, %div3A_1064, %scan3A_998 : vector<16xi1>, vector<16xf32>
      %select_n3A_1067 = arith.select %gt3A_1065, %add3A_1010, %scan3A_999 : vector<16xi1>, vector<16xi32>
      %max3A_1068 = vector.broadcast %squeeze3A_275 : f32 to vector<16xf32>
      %max3A_1069 = arith.maximumf %get3A_1014, %max3A_1068 : vector<16xf32>
      %max3A_1070 = vector.broadcast %squeeze3A_277 : f32 to vector<16xf32>
      %max3A_1071 = arith.maximumf %get3A_1016, %max3A_1070 : vector<16xf32>
      %min3A_1072 = vector.broadcast %add3A_282 : f32 to vector<16xf32>
      %min3A_1073 = arith.minimumf %get3A_1018, %min3A_1072 : vector<16xf32>
      %min3A_1074 = vector.broadcast %add3A_283 : f32 to vector<16xf32>
      %min3A_1075 = arith.minimumf %get3A_1020, %min3A_1074 : vector<16xf32>
      %sub3A_1076 = arith.subf %min3A_1073, %max3A_1069 : vector<16xf32>
      %max3A_1077 = arith.constant 0.000000e+00 : f32
      %max3A_1078 = vector.broadcast %max3A_1077 : f32 to vector<16xf32>
      %max3A_1079 = arith.maximumf %sub3A_1076, %max3A_1078 : vector<16xf32>
      %sub3A_1080 = arith.subf %min3A_1075, %max3A_1071 : vector<16xf32>
      %max3A_1081 = arith.constant 0.000000e+00 : f32
      %max3A_1082 = vector.broadcast %max3A_1081 : f32 to vector<16xf32>
      %max3A_1083 = arith.maximumf %sub3A_1080, %max3A_1082 : vector<16xf32>
      %mul3A_1084 = arith.mulf %max3A_1079, %max3A_1083 : vector<16xf32>
      %add3A_1085 = vector.broadcast %mul3A_284 : f32 to vector<16xf32>
      %add3A_1086 = arith.addf %get3A_1022, %add3A_1085 : vector<16xf32>
      %sub3A_1087 = arith.subf %add3A_1086, %mul3A_1084 : vector<16xf32>
      %div3A_1088 = arith.divf %mul3A_1084, %sub3A_1087 : vector<16xf32>
      %gt3A_1089 = arith.cmpf ogt, %div3A_1088, %scan3A_1000 : vector<16xf32>
      %select_n3A_1090 = arith.select %gt3A_1089, %div3A_1088, %scan3A_1000 : vector<16xi1>, vector<16xf32>
      %select_n3A_1091 = arith.select %gt3A_1089, %add3A_1010, %scan3A_1001 : vector<16xi1>, vector<16xi32>
      %max3A_1092 = vector.broadcast %squeeze3A_286 : f32 to vector<16xf32>
      %max3A_1093 = arith.maximumf %get3A_1014, %max3A_1092 : vector<16xf32>
      %max3A_1094 = vector.broadcast %squeeze3A_288 : f32 to vector<16xf32>
      %max3A_1095 = arith.maximumf %get3A_1016, %max3A_1094 : vector<16xf32>
      %min3A_1096 = vector.broadcast %add3A_293 : f32 to vector<16xf32>
      %min3A_1097 = arith.minimumf %get3A_1018, %min3A_1096 : vector<16xf32>
      %min3A_1098 = vector.broadcast %add3A_294 : f32 to vector<16xf32>
      %min3A_1099 = arith.minimumf %get3A_1020, %min3A_1098 : vector<16xf32>
      %sub3A_1100 = arith.subf %min3A_1097, %max3A_1093 : vector<16xf32>
      %max3A_1101 = arith.constant 0.000000e+00 : f32
      %max3A_1102 = vector.broadcast %max3A_1101 : f32 to vector<16xf32>
      %max3A_1103 = arith.maximumf %sub3A_1100, %max3A_1102 : vector<16xf32>
      %sub3A_1104 = arith.subf %min3A_1099, %max3A_1095 : vector<16xf32>
      %max3A_1105 = arith.constant 0.000000e+00 : f32
      %max3A_1106 = vector.broadcast %max3A_1105 : f32 to vector<16xf32>
      %max3A_1107 = arith.maximumf %sub3A_1104, %max3A_1106 : vector<16xf32>
      %mul3A_1108 = arith.mulf %max3A_1103, %max3A_1107 : vector<16xf32>
      %add3A_1109 = vector.broadcast %mul3A_295 : f32 to vector<16xf32>
      %add3A_1110 = arith.addf %get3A_1022, %add3A_1109 : vector<16xf32>
      %sub3A_1111 = arith.subf %add3A_1110, %mul3A_1108 : vector<16xf32>
      %div3A_1112 = arith.divf %mul3A_1108, %sub3A_1111 : vector<16xf32>
      %gt3A_1113 = arith.cmpf ogt, %div3A_1112, %scan3A_1002 : vector<16xf32>
      %select_n3A_1114 = arith.select %gt3A_1113, %div3A_1112, %scan3A_1002 : vector<16xi1>, vector<16xf32>
      %select_n3A_1115 = arith.select %gt3A_1113, %add3A_1010, %scan3A_1003 : vector<16xi1>, vector<16xi32>
      %scan3A_1116 = arith.constant 1 : i32
      %scan3A_1117 = arith.addi %scan3A_995, %scan3A_1116 : i32
      %add3A_1118 = arith.constant 0 : i32
      %add3A_1119 = arith.addi %scan3A_1117, %add3A_1118 : i32
      %mul3A_1120 = arith.constant 16 : i32
      %mul3A_1121 = arith.muli %add3A_1119, %mul3A_1120 : i32
      %add3A_1122 = arith.addi %mul3A_32, %mul3A_1121 : i32
      %add3A_1123 = vector.broadcast %add3A_1122 : i32 to vector<16xi32>
      %add3A_1124 = arith.addi %add3A_1123, %iota3A : vector<16xi32>
      %mul3A_1125 = arith.constant 16 : i32
      %mul3A_1126 = arith.muli %add3A_1119, %mul3A_1125 : i32
      %get3A_1127 = arith.index_cast %mul3A_1126 : i32 to index
      %get3A_1128 = tpu.vector_load %arg5[%get3A_1127] {strides = array<i32>} : memref<2560xf32, #tpu.memory_space<vmem>>, vector<16xf32>,
      %get3A_1129 = arith.index_cast %mul3A_1126 : i32 to index
      %get3A_1130 = tpu.vector_load %arg6[%get3A_1129] {strides = array<i32>} : memref<2560xf32, #tpu.memory_space<vmem>>, vector<16xf32>,
      %get3A_1131 = arith.index_cast %mul3A_1126 : i32 to index
      %get3A_1132 = tpu.vector_load %arg10[%get3A_1131] {strides = array<i32>} : memref<2560xf32, #tpu.memory_space<vmem>>, vector<16xf32>,
      %get3A_1133 = arith.index_cast %mul3A_1126 : i32 to index
      %get3A_1134 = tpu.vector_load %arg11[%get3A_1133] {strides = array<i32>} : memref<2560xf32, #tpu.memory_space<vmem>>, vector<16xf32>,
      %get3A_1135 = arith.index_cast %mul3A_1126 : i32 to index
      %get3A_1136 = tpu.vector_load %arg12[%get3A_1135] {strides = array<i32>} : memref<2560xf32, #tpu.memory_space<vmem>>, vector<16xf32>,
      %max3A_1137 = vector.broadcast %squeeze3A_253 : f32 to vector<16xf32>
      %max3A_1138 = arith.maximumf %get3A_1128, %max3A_1137 : vector<16xf32>
      %max3A_1139 = vector.broadcast %squeeze3A_255 : f32 to vector<16xf32>
      %max3A_1140 = arith.maximumf %get3A_1130, %max3A_1139 : vector<16xf32>
      %min3A_1141 = vector.broadcast %add3A_260 : f32 to vector<16xf32>
      %min3A_1142 = arith.minimumf %get3A_1132, %min3A_1141 : vector<16xf32>
      %min3A_1143 = vector.broadcast %add3A_261 : f32 to vector<16xf32>
      %min3A_1144 = arith.minimumf %get3A_1134, %min3A_1143 : vector<16xf32>
      %sub3A_1145 = arith.subf %min3A_1142, %max3A_1138 : vector<16xf32>
      %max3A_1146 = arith.constant 0.000000e+00 : f32
      %max3A_1147 = vector.broadcast %max3A_1146 : f32 to vector<16xf32>
      %max3A_1148 = arith.maximumf %sub3A_1145, %max3A_1147 : vector<16xf32>
      %sub3A_1149 = arith.subf %min3A_1144, %max3A_1140 : vector<16xf32>
      %max3A_1150 = arith.constant 0.000000e+00 : f32
      %max3A_1151 = vector.broadcast %max3A_1150 : f32 to vector<16xf32>
      %max3A_1152 = arith.maximumf %sub3A_1149, %max3A_1151 : vector<16xf32>
      %mul3A_1153 = arith.mulf %max3A_1148, %max3A_1152 : vector<16xf32>
      %add3A_1154 = vector.broadcast %mul3A_262 : f32 to vector<16xf32>
      %add3A_1155 = arith.addf %get3A_1136, %add3A_1154 : vector<16xf32>
      %sub3A_1156 = arith.subf %add3A_1155, %mul3A_1153 : vector<16xf32>
      %div3A_1157 = arith.divf %mul3A_1153, %sub3A_1156 : vector<16xf32>
      %gt3A_1158 = arith.cmpf ogt, %div3A_1157, %select_n3A_1042 : vector<16xf32>
      %select_n3A_1159 = arith.select %gt3A_1158, %div3A_1157, %select_n3A_1042 : vector<16xi1>, vector<16xf32>
      %select_n3A_1160 = arith.select %gt3A_1158, %add3A_1124, %select_n3A_1043 : vector<16xi1>, vector<16xi32>
      %max3A_1161 = vector.broadcast %squeeze3A_264 : f32 to vector<16xf32>
      %max3A_1162 = arith.maximumf %get3A_1128, %max3A_1161 : vector<16xf32>
      %max3A_1163 = vector.broadcast %squeeze3A_266 : f32 to vector<16xf32>
      %max3A_1164 = arith.maximumf %get3A_1130, %max3A_1163 : vector<16xf32>
      %min3A_1165 = vector.broadcast %add3A_271 : f32 to vector<16xf32>
      %min3A_1166 = arith.minimumf %get3A_1132, %min3A_1165 : vector<16xf32>
      %min3A_1167 = vector.broadcast %add3A_272 : f32 to vector<16xf32>
      %min3A_1168 = arith.minimumf %get3A_1134, %min3A_1167 : vector<16xf32>
      %sub3A_1169 = arith.subf %min3A_1166, %max3A_1162 : vector<16xf32>
      %max3A_1170 = arith.constant 0.000000e+00 : f32
      %max3A_1171 = vector.broadcast %max3A_1170 : f32 to vector<16xf32>
      %max3A_1172 = arith.maximumf %sub3A_1169, %max3A_1171 : vector<16xf32>
      %sub3A_1173 = arith.subf %min3A_1168, %max3A_1164 : vector<16xf32>
      %max3A_1174 = arith.constant 0.000000e+00 : f32
      %max3A_1175 = vector.broadcast %max3A_1174 : f32 to vector<16xf32>
      %max3A_1176 = arith.maximumf %sub3A_1173, %max3A_1175 : vector<16xf32>
      %mul3A_1177 = arith.mulf %max3A_1172, %max3A_1176 : vector<16xf32>
      %add3A_1178 = vector.broadcast %mul3A_273 : f32 to vector<16xf32>
      %add3A_1179 = arith.addf %get3A_1136, %add3A_1178 : vector<16xf32>
      %sub3A_1180 = arith.subf %add3A_1179, %mul3A_1177 : vector<16xf32>
      %div3A_1181 = arith.divf %mul3A_1177, %sub3A_1180 : vector<16xf32>
      %gt3A_1182 = arith.cmpf ogt, %div3A_1181, %select_n3A_1066 : vector<16xf32>
      %select_n3A_1183 = arith.select %gt3A_1182, %div3A_1181, %select_n3A_1066 : vector<16xi1>, vector<16xf32>
      %select_n3A_1184 = arith.select %gt3A_1182, %add3A_1124, %select_n3A_1067 : vector<16xi1>, vector<16xi32>
      %max3A_1185 = vector.broadcast %squeeze3A_275 : f32 to vector<16xf32>
      %max3A_1186 = arith.maximumf %get3A_1128, %max3A_1185 : vector<16xf32>
      %max3A_1187 = vector.broadcast %squeeze3A_277 : f32 to vector<16xf32>
      %max3A_1188 = arith.maximumf %get3A_1130, %max3A_1187 : vector<16xf32>
      %min3A_1189 = vector.broadcast %add3A_282 : f32 to vector<16xf32>
      %min3A_1190 = arith.minimumf %get3A_1132, %min3A_1189 : vector<16xf32>
      %min3A_1191 = vector.broadcast %add3A_283 : f32 to vector<16xf32>
      %min3A_1192 = arith.minimumf %get3A_1134, %min3A_1191 : vector<16xf32>
      %sub3A_1193 = arith.subf %min3A_1190, %max3A_1186 : vector<16xf32>
      %max3A_1194 = arith.constant 0.000000e+00 : f32
      %max3A_1195 = vector.broadcast %max3A_1194 : f32 to vector<16xf32>
      %max3A_1196 = arith.maximumf %sub3A_1193, %max3A_1195 : vector<16xf32>
      %sub3A_1197 = arith.subf %min3A_1192, %max3A_1188 : vector<16xf32>
      %max3A_1198 = arith.constant 0.000000e+00 : f32
      %max3A_1199 = vector.broadcast %max3A_1198 : f32 to vector<16xf32>
      %max3A_1200 = arith.maximumf %sub3A_1197, %max3A_1199 : vector<16xf32>
      %mul3A_1201 = arith.mulf %max3A_1196, %max3A_1200 : vector<16xf32>
      %add3A_1202 = vector.broadcast %mul3A_284 : f32 to vector<16xf32>
      %add3A_1203 = arith.addf %get3A_1136, %add3A_1202 : vector<16xf32>
      %sub3A_1204 = arith.subf %add3A_1203, %mul3A_1201 : vector<16xf32>
      %div3A_1205 = arith.divf %mul3A_1201, %sub3A_1204 : vector<16xf32>
      %gt3A_1206 = arith.cmpf ogt, %div3A_1205, %select_n3A_1090 : vector<16xf32>
      %select_n3A_1207 = arith.select %gt3A_1206, %div3A_1205, %select_n3A_1090 : vector<16xi1>, vector<16xf32>
      %select_n3A_1208 = arith.select %gt3A_1206, %add3A_1124, %select_n3A_1091 : vector<16xi1>, vector<16xi32>
      %max3A_1209 = vector.broadcast %squeeze3A_286 : f32 to vector<16xf32>
      %max3A_1210 = arith.maximumf %get3A_1128, %max3A_1209 : vector<16xf32>
      %max3A_1211 = vector.broadcast %squeeze3A_288 : f32 to vector<16xf32>
      %max3A_1212 = arith.maximumf %get3A_1130, %max3A_1211 : vector<16xf32>
      %min3A_1213 = vector.broadcast %add3A_293 : f32 to vector<16xf32>
      %min3A_1214 = arith.minimumf %get3A_1132, %min3A_1213 : vector<16xf32>
      %min3A_1215 = vector.broadcast %add3A_294 : f32 to vector<16xf32>
      %min3A_1216 = arith.minimumf %get3A_1134, %min3A_1215 : vector<16xf32>
      %sub3A_1217 = arith.subf %min3A_1214, %max3A_1210 : vector<16xf32>
      %max3A_1218 = arith.constant 0.000000e+00 : f32
      %max3A_1219 = vector.broadcast %max3A_1218 : f32 to vector<16xf32>
      %max3A_1220 = arith.maximumf %sub3A_1217, %max3A_1219 : vector<16xf32>
      %sub3A_1221 = arith.subf %min3A_1216, %max3A_1212 : vector<16xf32>
      %max3A_1222 = arith.constant 0.000000e+00 : f32
      %max3A_1223 = vector.broadcast %max3A_1222 : f32 to vector<16xf32>
      %max3A_1224 = arith.maximumf %sub3A_1221, %max3A_1223 : vector<16xf32>
      %mul3A_1225 = arith.mulf %max3A_1220, %max3A_1224 : vector<16xf32>
      %add3A_1226 = vector.broadcast %mul3A_295 : f32 to vector<16xf32>
      %add3A_1227 = arith.addf %get3A_1136, %add3A_1226 : vector<16xf32>
      %sub3A_1228 = arith.subf %add3A_1227, %mul3A_1225 : vector<16xf32>
      %div3A_1229 = arith.divf %mul3A_1225, %sub3A_1228 : vector<16xf32>
      %gt3A_1230 = arith.cmpf ogt, %div3A_1229, %select_n3A_1114 : vector<16xf32>
      %select_n3A_1231 = arith.select %gt3A_1230, %div3A_1229, %select_n3A_1114 : vector<16xi1>, vector<16xf32>
      %select_n3A_1232 = arith.select %gt3A_1230, %add3A_1124, %select_n3A_1115 : vector<16xi1>, vector<16xi32>
      scf.yield %select_n3A_1159, %select_n3A_1160, %select_n3A_1183, %select_n3A_1184, %select_n3A_1207, %select_n3A_1208, %select_n3A_1231, %select_n3A_1232 : vector<16xf32>, vector<16xi32>, vector<16xf32>, vector<16xi32>, vector<16xf32>, vector<16xi32>, vector<16xf32>, vector<16xi32>
    }
    %scan3A_313 = arith.constant 160 : i32
    %reduce_max3A_314 = arith.constant true
    %reduce_max3A_315 = vector.broadcast %reduce_max3A_314 : i1 to vector<16xi1>
    %reduce_max3A_316 = tpu.scan <max>, %scan3A_312#0 masked %reduce_max3A_315 : vector<16xf32>, vector<16xi1> -> vector<16xf32>
    %reduce_max3A_317 = vector.extract %reduce_max3A_316[15] : f32 from vector<16xf32>
    %eq3A_318 = vector.broadcast %reduce_max3A_317 : f32 to vector<16xf32>
    %eq3A_319 = arith.cmpf oeq, %scan3A_312#0, %eq3A_318 : vector<16xf32>
    %jit3A_320 = arith.constant 1073741824 : i32
    %broadcast_in_dim3A_321 = vector.broadcast %jit3A_320 : i32 to vector<16xi32>
    %select_n3A_322 = arith.select %eq3A_319, %scan3A_312#1, %broadcast_in_dim3A_321 : vector<16xi1>, vector<16xi32>
    %reduce_min3A_323 = arith.constant true
    %reduce_min3A_324 = vector.broadcast %reduce_min3A_323 : i1 to vector<16xi1>
    %reduce_min3A_325 = arith.constant -2147483648 : i32
    %reduce_min3A_326 = vector.broadcast %reduce_min3A_325 : i32 to vector<16xi32>
    %reduce_min3A_327 = arith.xori %select_n3A_322, %reduce_min3A_326 : vector<16xi32>
    %reduce_min3A_328 = tpu.scan <min>, %reduce_min3A_327 masked %reduce_min3A_324 : vector<16xi32>, vector<16xi1> -> vector<16xi32>
    %reduce_min3A_329 = arith.xori %reduce_min3A_328, %reduce_min3A_326 : vector<16xi32>
    %reduce_min3A_330 = vector.extract %reduce_min3A_329[15] : i32 from vector<16xi32>
    %eq3A_331 = arith.constant 4 : i32
    %eq3A_332 = vector.broadcast %eq3A_331 : i32 to vector<16xi32>
    %eq3A_333 = arith.cmpi eq, %iota3A, %eq3A_332 : vector<16xi32>
    %broadcast_in_dim3A_334 = vector.broadcast %reduce_max3A_317 : f32 to vector<16xf32>
    %select_n3A_335 = arith.select %eq3A_333, %broadcast_in_dim3A_334, %select_n3A_246 : vector<16xi1>, vector<16xf32>
    %eq3A_336 = arith.constant 4 : i32
    %eq3A_337 = vector.broadcast %eq3A_336 : i32 to vector<16xi32>
    %eq3A_338 = arith.cmpi eq, %iota3A, %eq3A_337 : vector<16xi32>
    %broadcast_in_dim3A_339 = vector.broadcast %reduce_min3A_330 : i32 to vector<16xi32>
    %select_n3A_340 = arith.select %eq3A_338, %broadcast_in_dim3A_339, %select_n3A_251 : vector<16xi1>, vector<16xi32>
    %reduce_max3A_341 = arith.constant true
    %reduce_max3A_342 = vector.broadcast %reduce_max3A_341 : i1 to vector<16xi1>
    %reduce_max3A_343 = tpu.scan <max>, %scan3A_312#2 masked %reduce_max3A_342 : vector<16xf32>, vector<16xi1> -> vector<16xf32>
    %reduce_max3A_344 = vector.extract %reduce_max3A_343[15] : f32 from vector<16xf32>
    %eq3A_345 = vector.broadcast %reduce_max3A_344 : f32 to vector<16xf32>
    %eq3A_346 = arith.cmpf oeq, %scan3A_312#2, %eq3A_345 : vector<16xf32>
    %jit3A_347 = arith.constant 1073741824 : i32
    %broadcast_in_dim3A_348 = vector.broadcast %jit3A_347 : i32 to vector<16xi32>
    %select_n3A_349 = arith.select %eq3A_346, %scan3A_312#3, %broadcast_in_dim3A_348 : vector<16xi1>, vector<16xi32>
    %reduce_min3A_350 = arith.constant true
    %reduce_min3A_351 = vector.broadcast %reduce_min3A_350 : i1 to vector<16xi1>
    %reduce_min3A_352 = arith.constant -2147483648 : i32
    %reduce_min3A_353 = vector.broadcast %reduce_min3A_352 : i32 to vector<16xi32>
    %reduce_min3A_354 = arith.xori %select_n3A_349, %reduce_min3A_353 : vector<16xi32>
    %reduce_min3A_355 = tpu.scan <min>, %reduce_min3A_354 masked %reduce_min3A_351 : vector<16xi32>, vector<16xi1> -> vector<16xi32>
    %reduce_min3A_356 = arith.xori %reduce_min3A_355, %reduce_min3A_353 : vector<16xi32>
    %reduce_min3A_357 = vector.extract %reduce_min3A_356[15] : i32 from vector<16xi32>
    %eq3A_358 = arith.constant 5 : i32
    %eq3A_359 = vector.broadcast %eq3A_358 : i32 to vector<16xi32>
    %eq3A_360 = arith.cmpi eq, %iota3A, %eq3A_359 : vector<16xi32>
    %broadcast_in_dim3A_361 = vector.broadcast %reduce_max3A_344 : f32 to vector<16xf32>
    %select_n3A_362 = arith.select %eq3A_360, %broadcast_in_dim3A_361, %select_n3A_335 : vector<16xi1>, vector<16xf32>
    %eq3A_363 = arith.constant 5 : i32
    %eq3A_364 = vector.broadcast %eq3A_363 : i32 to vector<16xi32>
    %eq3A_365 = arith.cmpi eq, %iota3A, %eq3A_364 : vector<16xi32>
    %broadcast_in_dim3A_366 = vector.broadcast %reduce_min3A_357 : i32 to vector<16xi32>
    %select_n3A_367 = arith.select %eq3A_365, %broadcast_in_dim3A_366, %select_n3A_340 : vector<16xi1>, vector<16xi32>
    %reduce_max3A_368 = arith.constant true
    %reduce_max3A_369 = vector.broadcast %reduce_max3A_368 : i1 to vector<16xi1>
    %reduce_max3A_370 = tpu.scan <max>, %scan3A_312#4 masked %reduce_max3A_369 : vector<16xf32>, vector<16xi1> -> vector<16xf32>
    %reduce_max3A_371 = vector.extract %reduce_max3A_370[15] : f32 from vector<16xf32>
    %eq3A_372 = vector.broadcast %reduce_max3A_371 : f32 to vector<16xf32>
    %eq3A_373 = arith.cmpf oeq, %scan3A_312#4, %eq3A_372 : vector<16xf32>
    %jit3A_374 = arith.constant 1073741824 : i32
    %broadcast_in_dim3A_375 = vector.broadcast %jit3A_374 : i32 to vector<16xi32>
    %select_n3A_376 = arith.select %eq3A_373, %scan3A_312#5, %broadcast_in_dim3A_375 : vector<16xi1>, vector<16xi32>
    %reduce_min3A_377 = arith.constant true
    %reduce_min3A_378 = vector.broadcast %reduce_min3A_377 : i1 to vector<16xi1>
    %reduce_min3A_379 = arith.constant -2147483648 : i32
    %reduce_min3A_380 = vector.broadcast %reduce_min3A_379 : i32 to vector<16xi32>
    %reduce_min3A_381 = arith.xori %select_n3A_376, %reduce_min3A_380 : vector<16xi32>
    %reduce_min3A_382 = tpu.scan <min>, %reduce_min3A_381 masked %reduce_min3A_378 : vector<16xi32>, vector<16xi1> -> vector<16xi32>
    %reduce_min3A_383 = arith.xori %reduce_min3A_382, %reduce_min3A_380 : vector<16xi32>
    %reduce_min3A_384 = vector.extract %reduce_min3A_383[15] : i32 from vector<16xi32>
    %eq3A_385 = arith.constant 6 : i32
    %eq3A_386 = vector.broadcast %eq3A_385 : i32 to vector<16xi32>
    %eq3A_387 = arith.cmpi eq, %iota3A, %eq3A_386 : vector<16xi32>
    %broadcast_in_dim3A_388 = vector.broadcast %reduce_max3A_371 : f32 to vector<16xf32>
    %select_n3A_389 = arith.select %eq3A_387, %broadcast_in_dim3A_388, %select_n3A_362 : vector<16xi1>, vector<16xf32>
    %eq3A_390 = arith.constant 6 : i32
    %eq3A_391 = vector.broadcast %eq3A_390 : i32 to vector<16xi32>
    %eq3A_392 = arith.cmpi eq, %iota3A, %eq3A_391 : vector<16xi32>
    %broadcast_in_dim3A_393 = vector.broadcast %reduce_min3A_384 : i32 to vector<16xi32>
    %select_n3A_394 = arith.select %eq3A_392, %broadcast_in_dim3A_393, %select_n3A_367 : vector<16xi1>, vector<16xi32>
    %reduce_max3A_395 = arith.constant true
    %reduce_max3A_396 = vector.broadcast %reduce_max3A_395 : i1 to vector<16xi1>
    %reduce_max3A_397 = tpu.scan <max>, %scan3A_312#6 masked %reduce_max3A_396 : vector<16xf32>, vector<16xi1> -> vector<16xf32>
    %reduce_max3A_398 = vector.extract %reduce_max3A_397[15] : f32 from vector<16xf32>
    %eq3A_399 = vector.broadcast %reduce_max3A_398 : f32 to vector<16xf32>
    %eq3A_400 = arith.cmpf oeq, %scan3A_312#6, %eq3A_399 : vector<16xf32>
    %jit3A_401 = arith.constant 1073741824 : i32
    %broadcast_in_dim3A_402 = vector.broadcast %jit3A_401 : i32 to vector<16xi32>
    %select_n3A_403 = arith.select %eq3A_400, %scan3A_312#7, %broadcast_in_dim3A_402 : vector<16xi1>, vector<16xi32>
    %reduce_min3A_404 = arith.constant true
    %reduce_min3A_405 = vector.broadcast %reduce_min3A_404 : i1 to vector<16xi1>
    %reduce_min3A_406 = arith.constant -2147483648 : i32
    %reduce_min3A_407 = vector.broadcast %reduce_min3A_406 : i32 to vector<16xi32>
    %reduce_min3A_408 = arith.xori %select_n3A_403, %reduce_min3A_407 : vector<16xi32>
    %reduce_min3A_409 = tpu.scan <min>, %reduce_min3A_408 masked %reduce_min3A_405 : vector<16xi32>, vector<16xi1> -> vector<16xi32>
    %reduce_min3A_410 = arith.xori %reduce_min3A_409, %reduce_min3A_407 : vector<16xi32>
    %reduce_min3A_411 = vector.extract %reduce_min3A_410[15] : i32 from vector<16xi32>
    %eq3A_412 = arith.constant 7 : i32
    %eq3A_413 = vector.broadcast %eq3A_412 : i32 to vector<16xi32>
    %eq3A_414 = arith.cmpi eq, %iota3A, %eq3A_413 : vector<16xi32>
    %broadcast_in_dim3A_415 = vector.broadcast %reduce_max3A_398 : f32 to vector<16xf32>
    %select_n3A_416 = arith.select %eq3A_414, %broadcast_in_dim3A_415, %select_n3A_389 : vector<16xi1>, vector<16xf32>
    %eq3A_417 = arith.constant 7 : i32
    %eq3A_418 = vector.broadcast %eq3A_417 : i32 to vector<16xi32>
    %eq3A_419 = arith.cmpi eq, %iota3A, %eq3A_418 : vector<16xi32>
    %broadcast_in_dim3A_420 = vector.broadcast %reduce_min3A_411 : i32 to vector<16xi32>
    %select_n3A_421 = arith.select %eq3A_419, %broadcast_in_dim3A_420, %select_n3A_394 : vector<16xi1>, vector<16xi32>
    %slice3A_422 = vector.extract_strided_slice %get3A_66 {offsets = [8], sizes = [1], strides = [1]} : vector<16xf32> to vector<1xf32>
    %squeeze3A_423 = vector.extract %slice3A_422[0] : f32 from vector<1xf32>
    %slice3A_424 = vector.extract_strided_slice %get3A_70 {offsets = [8], sizes = [1], strides = [1]} : vector<16xf32> to vector<1xf32>
    %squeeze3A_425 = vector.extract %slice3A_424[0] : f32 from vector<1xf32>
    %slice3A_426 = vector.extract_strided_slice %get3A_74 {offsets = [8], sizes = [1], strides = [1]} : vector<16xf32> to vector<1xf32>
    %squeeze3A_427 = vector.extract %slice3A_426[0] : f32 from vector<1xf32>
    %slice3A_428 = vector.extract_strided_slice %get3A_78 {offsets = [8], sizes = [1], strides = [1]} : vector<16xf32> to vector<1xf32>
    %squeeze3A_429 = vector.extract %slice3A_428[0] : f32 from vector<1xf32>
    %add3A_430 = arith.addf %squeeze3A_423, %squeeze3A_427 : f32
    %add3A_431 = arith.addf %squeeze3A_425, %squeeze3A_429 : f32
    %mul3A_432 = arith.mulf %squeeze3A_427, %squeeze3A_429 : f32
    %slice3A_433 = vector.extract_strided_slice %get3A_66 {offsets = [9], sizes = [1], strides = [1]} : vector<16xf32> to vector<1xf32>
    %squeeze3A_434 = vector.extract %slice3A_433[0] : f32 from vector<1xf32>
    %slice3A_435 = vector.extract_strided_slice %get3A_70 {offsets = [9], sizes = [1], strides = [1]} : vector<16xf32> to vector<1xf32>
    %squeeze3A_436 = vector.extract %slice3A_435[0] : f32 from vector<1xf32>
    %slice3A_437 = vector.extract_strided_slice %get3A_74 {offsets = [9], sizes = [1], strides = [1]} : vector<16xf32> to vector<1xf32>
    %squeeze3A_438 = vector.extract %slice3A_437[0] : f32 from vector<1xf32>
    %slice3A_439 = vector.extract_strided_slice %get3A_78 {offsets = [9], sizes = [1], strides = [1]} : vector<16xf32> to vector<1xf32>
    %squeeze3A_440 = vector.extract %slice3A_439[0] : f32 from vector<1xf32>
    %add3A_441 = arith.addf %squeeze3A_434, %squeeze3A_438 : f32
    %add3A_442 = arith.addf %squeeze3A_436, %squeeze3A_440 : f32
    %mul3A_443 = arith.mulf %squeeze3A_438, %squeeze3A_440 : f32
    %slice3A_444 = vector.extract_strided_slice %get3A_66 {offsets = [10], sizes = [1], strides = [1]} : vector<16xf32> to vector<1xf32>
    %squeeze3A_445 = vector.extract %slice3A_444[0] : f32 from vector<1xf32>
    %slice3A_446 = vector.extract_strided_slice %get3A_70 {offsets = [10], sizes = [1], strides = [1]} : vector<16xf32> to vector<1xf32>
    %squeeze3A_447 = vector.extract %slice3A_446[0] : f32 from vector<1xf32>
    %slice3A_448 = vector.extract_strided_slice %get3A_74 {offsets = [10], sizes = [1], strides = [1]} : vector<16xf32> to vector<1xf32>
    %squeeze3A_449 = vector.extract %slice3A_448[0] : f32 from vector<1xf32>
    %slice3A_450 = vector.extract_strided_slice %get3A_78 {offsets = [10], sizes = [1], strides = [1]} : vector<16xf32> to vector<1xf32>
    %squeeze3A_451 = vector.extract %slice3A_450[0] : f32 from vector<1xf32>
    %add3A_452 = arith.addf %squeeze3A_445, %squeeze3A_449 : f32
    %add3A_453 = arith.addf %squeeze3A_447, %squeeze3A_451 : f32
    %mul3A_454 = arith.mulf %squeeze3A_449, %squeeze3A_451 : f32
    %slice3A_455 = vector.extract_strided_slice %get3A_66 {offsets = [11], sizes = [1], strides = [1]} : vector<16xf32> to vector<1xf32>
    %squeeze3A_456 = vector.extract %slice3A_455[0] : f32 from vector<1xf32>
    %slice3A_457 = vector.extract_strided_slice %get3A_70 {offsets = [11], sizes = [1], strides = [1]} : vector<16xf32> to vector<1xf32>
    %squeeze3A_458 = vector.extract %slice3A_457[0] : f32 from vector<1xf32>
    %slice3A_459 = vector.extract_strided_slice %get3A_74 {offsets = [11], sizes = [1], strides = [1]} : vector<16xf32> to vector<1xf32>
    %squeeze3A_460 = vector.extract %slice3A_459[0] : f32 from vector<1xf32>
    %slice3A_461 = vector.extract_strided_slice %get3A_78 {offsets = [11], sizes = [1], strides = [1]} : vector<16xf32> to vector<1xf32>
    %squeeze3A_462 = vector.extract %slice3A_461[0] : f32 from vector<1xf32>
    %add3A_463 = arith.addf %squeeze3A_456, %squeeze3A_460 : f32
    %add3A_464 = arith.addf %squeeze3A_458, %squeeze3A_462 : f32
    %mul3A_465 = arith.mulf %squeeze3A_460, %squeeze3A_462 : f32
    %broadcast_in_dim3A_466 = arith.constant -1.000000e+00 : f32
    %broadcast_in_dim3A_467 = vector.broadcast %broadcast_in_dim3A_466 : f32 to vector<16xf32>
    %broadcast_in_dim3A_468 = vector.broadcast %mul3A_32 : i32 to vector<16xi32>
    %broadcast_in_dim3A_469 = arith.constant -1.000000e+00 : f32
    %broadcast_in_dim3A_470 = vector.broadcast %broadcast_in_dim3A_469 : f32 to vector<16xf32>
    %broadcast_in_dim3A_471 = vector.broadcast %mul3A_32 : i32 to vector<16xi32>
    %broadcast_in_dim3A_472 = arith.constant -1.000000e+00 : f32
    %broadcast_in_dim3A_473 = vector.broadcast %broadcast_in_dim3A_472 : f32 to vector<16xf32>
    %broadcast_in_dim3A_474 = vector.broadcast %mul3A_32 : i32 to vector<16xi32>
    %broadcast_in_dim3A_475 = arith.constant -1.000000e+00 : f32
    %broadcast_in_dim3A_476 = vector.broadcast %broadcast_in_dim3A_475 : f32 to vector<16xf32>
    %broadcast_in_dim3A_477 = vector.broadcast %mul3A_32 : i32 to vector<16xi32>
    %scan3A_478 = arith.constant 0 : i32
    %scan3A_479 = arith.constant 160 : i32
    %scan3A_480 = arith.addi %scan3A_478, %scan3A_479 : i32
    %scan3A_481 = arith.constant 2 : i32
    %scan3A_482:8 = scf.for %scan3A_995 = %scan3A_478 to %scan3A_480 step %scan3A_481 iter_args(%scan3A_996 = %broadcast_in_dim3A_467, %scan3A_997 = %broadcast_in_dim3A_468, %scan3A_998 = %broadcast_in_dim3A_470, %scan3A_999 = %broadcast_in_dim3A_471, %scan3A_1000 = %broadcast_in_dim3A_473, %scan3A_1001 = %broadcast_in_dim3A_474, %scan3A_1002 = %broadcast_in_dim3A_476, %scan3A_1003 = %broadcast_in_dim3A_477) -> (vector<16xf32>, vector<16xi32>, vector<16xf32>, vector<16xi32>, vector<16xf32>, vector<16xi32>, vector<16xf32>, vector<16xi32>)  : i32 {
      %add3A_1004 = arith.constant 0 : i32
      %add3A_1005 = arith.addi %scan3A_995, %add3A_1004 : i32
      %mul3A_1006 = arith.constant 16 : i32
      %mul3A_1007 = arith.muli %add3A_1005, %mul3A_1006 : i32
      %add3A_1008 = arith.addi %mul3A_32, %mul3A_1007 : i32
      %add3A_1009 = vector.broadcast %add3A_1008 : i32 to vector<16xi32>
      %add3A_1010 = arith.addi %add3A_1009, %iota3A : vector<16xi32>
      %mul3A_1011 = arith.constant 16 : i32
      %mul3A_1012 = arith.muli %add3A_1005, %mul3A_1011 : i32
      %get3A_1013 = arith.index_cast %mul3A_1012 : i32 to index
      %get3A_1014 = tpu.vector_load %arg5[%get3A_1013] {strides = array<i32>} : memref<2560xf32, #tpu.memory_space<vmem>>, vector<16xf32>,
      %get3A_1015 = arith.index_cast %mul3A_1012 : i32 to index
      %get3A_1016 = tpu.vector_load %arg6[%get3A_1015] {strides = array<i32>} : memref<2560xf32, #tpu.memory_space<vmem>>, vector<16xf32>,
      %get3A_1017 = arith.index_cast %mul3A_1012 : i32 to index
      %get3A_1018 = tpu.vector_load %arg10[%get3A_1017] {strides = array<i32>} : memref<2560xf32, #tpu.memory_space<vmem>>, vector<16xf32>,
      %get3A_1019 = arith.index_cast %mul3A_1012 : i32 to index
      %get3A_1020 = tpu.vector_load %arg11[%get3A_1019] {strides = array<i32>} : memref<2560xf32, #tpu.memory_space<vmem>>, vector<16xf32>,
      %get3A_1021 = arith.index_cast %mul3A_1012 : i32 to index
      %get3A_1022 = tpu.vector_load %arg12[%get3A_1021] {strides = array<i32>} : memref<2560xf32, #tpu.memory_space<vmem>>, vector<16xf32>,
      %max3A = vector.broadcast %squeeze3A_423 : f32 to vector<16xf32>
      %max3A_1023 = arith.maximumf %get3A_1014, %max3A : vector<16xf32>
      %max3A_1024 = vector.broadcast %squeeze3A_425 : f32 to vector<16xf32>
      %max3A_1025 = arith.maximumf %get3A_1016, %max3A_1024 : vector<16xf32>
      %min3A = vector.broadcast %add3A_430 : f32 to vector<16xf32>
      %min3A_1026 = arith.minimumf %get3A_1018, %min3A : vector<16xf32>
      %min3A_1027 = vector.broadcast %add3A_431 : f32 to vector<16xf32>
      %min3A_1028 = arith.minimumf %get3A_1020, %min3A_1027 : vector<16xf32>
      %sub3A_1029 = arith.subf %min3A_1026, %max3A_1023 : vector<16xf32>
      %max3A_1030 = arith.constant 0.000000e+00 : f32
      %max3A_1031 = vector.broadcast %max3A_1030 : f32 to vector<16xf32>
      %max3A_1032 = arith.maximumf %sub3A_1029, %max3A_1031 : vector<16xf32>
      %sub3A_1033 = arith.subf %min3A_1028, %max3A_1025 : vector<16xf32>
      %max3A_1034 = arith.constant 0.000000e+00 : f32
      %max3A_1035 = vector.broadcast %max3A_1034 : f32 to vector<16xf32>
      %max3A_1036 = arith.maximumf %sub3A_1033, %max3A_1035 : vector<16xf32>
      %mul3A_1037 = arith.mulf %max3A_1032, %max3A_1036 : vector<16xf32>
      %add3A_1038 = vector.broadcast %mul3A_432 : f32 to vector<16xf32>
      %add3A_1039 = arith.addf %get3A_1022, %add3A_1038 : vector<16xf32>
      %sub3A_1040 = arith.subf %add3A_1039, %mul3A_1037 : vector<16xf32>
      %div3A_1041 = arith.divf %mul3A_1037, %sub3A_1040 : vector<16xf32>
      %gt3A = arith.cmpf ogt, %div3A_1041, %scan3A_996 : vector<16xf32>
      %select_n3A_1042 = arith.select %gt3A, %div3A_1041, %scan3A_996 : vector<16xi1>, vector<16xf32>
      %select_n3A_1043 = arith.select %gt3A, %add3A_1010, %scan3A_997 : vector<16xi1>, vector<16xi32>
      %max3A_1044 = vector.broadcast %squeeze3A_434 : f32 to vector<16xf32>
      %max3A_1045 = arith.maximumf %get3A_1014, %max3A_1044 : vector<16xf32>
      %max3A_1046 = vector.broadcast %squeeze3A_436 : f32 to vector<16xf32>
      %max3A_1047 = arith.maximumf %get3A_1016, %max3A_1046 : vector<16xf32>
      %min3A_1048 = vector.broadcast %add3A_441 : f32 to vector<16xf32>
      %min3A_1049 = arith.minimumf %get3A_1018, %min3A_1048 : vector<16xf32>
      %min3A_1050 = vector.broadcast %add3A_442 : f32 to vector<16xf32>
      %min3A_1051 = arith.minimumf %get3A_1020, %min3A_1050 : vector<16xf32>
      %sub3A_1052 = arith.subf %min3A_1049, %max3A_1045 : vector<16xf32>
      %max3A_1053 = arith.constant 0.000000e+00 : f32
      %max3A_1054 = vector.broadcast %max3A_1053 : f32 to vector<16xf32>
      %max3A_1055 = arith.maximumf %sub3A_1052, %max3A_1054 : vector<16xf32>
      %sub3A_1056 = arith.subf %min3A_1051, %max3A_1047 : vector<16xf32>
      %max3A_1057 = arith.constant 0.000000e+00 : f32
      %max3A_1058 = vector.broadcast %max3A_1057 : f32 to vector<16xf32>
      %max3A_1059 = arith.maximumf %sub3A_1056, %max3A_1058 : vector<16xf32>
      %mul3A_1060 = arith.mulf %max3A_1055, %max3A_1059 : vector<16xf32>
      %add3A_1061 = vector.broadcast %mul3A_443 : f32 to vector<16xf32>
      %add3A_1062 = arith.addf %get3A_1022, %add3A_1061 : vector<16xf32>
      %sub3A_1063 = arith.subf %add3A_1062, %mul3A_1060 : vector<16xf32>
      %div3A_1064 = arith.divf %mul3A_1060, %sub3A_1063 : vector<16xf32>
      %gt3A_1065 = arith.cmpf ogt, %div3A_1064, %scan3A_998 : vector<16xf32>
      %select_n3A_1066 = arith.select %gt3A_1065, %div3A_1064, %scan3A_998 : vector<16xi1>, vector<16xf32>
      %select_n3A_1067 = arith.select %gt3A_1065, %add3A_1010, %scan3A_999 : vector<16xi1>, vector<16xi32>
      %max3A_1068 = vector.broadcast %squeeze3A_445 : f32 to vector<16xf32>
      %max3A_1069 = arith.maximumf %get3A_1014, %max3A_1068 : vector<16xf32>
      %max3A_1070 = vector.broadcast %squeeze3A_447 : f32 to vector<16xf32>
      %max3A_1071 = arith.maximumf %get3A_1016, %max3A_1070 : vector<16xf32>
      %min3A_1072 = vector.broadcast %add3A_452 : f32 to vector<16xf32>
      %min3A_1073 = arith.minimumf %get3A_1018, %min3A_1072 : vector<16xf32>
      %min3A_1074 = vector.broadcast %add3A_453 : f32 to vector<16xf32>
      %min3A_1075 = arith.minimumf %get3A_1020, %min3A_1074 : vector<16xf32>
      %sub3A_1076 = arith.subf %min3A_1073, %max3A_1069 : vector<16xf32>
      %max3A_1077 = arith.constant 0.000000e+00 : f32
      %max3A_1078 = vector.broadcast %max3A_1077 : f32 to vector<16xf32>
      %max3A_1079 = arith.maximumf %sub3A_1076, %max3A_1078 : vector<16xf32>
      %sub3A_1080 = arith.subf %min3A_1075, %max3A_1071 : vector<16xf32>
      %max3A_1081 = arith.constant 0.000000e+00 : f32
      %max3A_1082 = vector.broadcast %max3A_1081 : f32 to vector<16xf32>
      %max3A_1083 = arith.maximumf %sub3A_1080, %max3A_1082 : vector<16xf32>
      %mul3A_1084 = arith.mulf %max3A_1079, %max3A_1083 : vector<16xf32>
      %add3A_1085 = vector.broadcast %mul3A_454 : f32 to vector<16xf32>
      %add3A_1086 = arith.addf %get3A_1022, %add3A_1085 : vector<16xf32>
      %sub3A_1087 = arith.subf %add3A_1086, %mul3A_1084 : vector<16xf32>
      %div3A_1088 = arith.divf %mul3A_1084, %sub3A_1087 : vector<16xf32>
      %gt3A_1089 = arith.cmpf ogt, %div3A_1088, %scan3A_1000 : vector<16xf32>
      %select_n3A_1090 = arith.select %gt3A_1089, %div3A_1088, %scan3A_1000 : vector<16xi1>, vector<16xf32>
      %select_n3A_1091 = arith.select %gt3A_1089, %add3A_1010, %scan3A_1001 : vector<16xi1>, vector<16xi32>
      %max3A_1092 = vector.broadcast %squeeze3A_456 : f32 to vector<16xf32>
      %max3A_1093 = arith.maximumf %get3A_1014, %max3A_1092 : vector<16xf32>
      %max3A_1094 = vector.broadcast %squeeze3A_458 : f32 to vector<16xf32>
      %max3A_1095 = arith.maximumf %get3A_1016, %max3A_1094 : vector<16xf32>
      %min3A_1096 = vector.broadcast %add3A_463 : f32 to vector<16xf32>
      %min3A_1097 = arith.minimumf %get3A_1018, %min3A_1096 : vector<16xf32>
      %min3A_1098 = vector.broadcast %add3A_464 : f32 to vector<16xf32>
      %min3A_1099 = arith.minimumf %get3A_1020, %min3A_1098 : vector<16xf32>
      %sub3A_1100 = arith.subf %min3A_1097, %max3A_1093 : vector<16xf32>
      %max3A_1101 = arith.constant 0.000000e+00 : f32
      %max3A_1102 = vector.broadcast %max3A_1101 : f32 to vector<16xf32>
      %max3A_1103 = arith.maximumf %sub3A_1100, %max3A_1102 : vector<16xf32>
      %sub3A_1104 = arith.subf %min3A_1099, %max3A_1095 : vector<16xf32>
      %max3A_1105 = arith.constant 0.000000e+00 : f32
      %max3A_1106 = vector.broadcast %max3A_1105 : f32 to vector<16xf32>
      %max3A_1107 = arith.maximumf %sub3A_1104, %max3A_1106 : vector<16xf32>
      %mul3A_1108 = arith.mulf %max3A_1103, %max3A_1107 : vector<16xf32>
      %add3A_1109 = vector.broadcast %mul3A_465 : f32 to vector<16xf32>
      %add3A_1110 = arith.addf %get3A_1022, %add3A_1109 : vector<16xf32>
      %sub3A_1111 = arith.subf %add3A_1110, %mul3A_1108 : vector<16xf32>
      %div3A_1112 = arith.divf %mul3A_1108, %sub3A_1111 : vector<16xf32>
      %gt3A_1113 = arith.cmpf ogt, %div3A_1112, %scan3A_1002 : vector<16xf32>
      %select_n3A_1114 = arith.select %gt3A_1113, %div3A_1112, %scan3A_1002 : vector<16xi1>, vector<16xf32>
      %select_n3A_1115 = arith.select %gt3A_1113, %add3A_1010, %scan3A_1003 : vector<16xi1>, vector<16xi32>
      %scan3A_1116 = arith.constant 1 : i32
      %scan3A_1117 = arith.addi %scan3A_995, %scan3A_1116 : i32
      %add3A_1118 = arith.constant 0 : i32
      %add3A_1119 = arith.addi %scan3A_1117, %add3A_1118 : i32
      %mul3A_1120 = arith.constant 16 : i32
      %mul3A_1121 = arith.muli %add3A_1119, %mul3A_1120 : i32
      %add3A_1122 = arith.addi %mul3A_32, %mul3A_1121 : i32
      %add3A_1123 = vector.broadcast %add3A_1122 : i32 to vector<16xi32>
      %add3A_1124 = arith.addi %add3A_1123, %iota3A : vector<16xi32>
      %mul3A_1125 = arith.constant 16 : i32
      %mul3A_1126 = arith.muli %add3A_1119, %mul3A_1125 : i32
      %get3A_1127 = arith.index_cast %mul3A_1126 : i32 to index
      %get3A_1128 = tpu.vector_load %arg5[%get3A_1127] {strides = array<i32>} : memref<2560xf32, #tpu.memory_space<vmem>>, vector<16xf32>,
      %get3A_1129 = arith.index_cast %mul3A_1126 : i32 to index
      %get3A_1130 = tpu.vector_load %arg6[%get3A_1129] {strides = array<i32>} : memref<2560xf32, #tpu.memory_space<vmem>>, vector<16xf32>,
      %get3A_1131 = arith.index_cast %mul3A_1126 : i32 to index
      %get3A_1132 = tpu.vector_load %arg10[%get3A_1131] {strides = array<i32>} : memref<2560xf32, #tpu.memory_space<vmem>>, vector<16xf32>,
      %get3A_1133 = arith.index_cast %mul3A_1126 : i32 to index
      %get3A_1134 = tpu.vector_load %arg11[%get3A_1133] {strides = array<i32>} : memref<2560xf32, #tpu.memory_space<vmem>>, vector<16xf32>,
      %get3A_1135 = arith.index_cast %mul3A_1126 : i32 to index
      %get3A_1136 = tpu.vector_load %arg12[%get3A_1135] {strides = array<i32>} : memref<2560xf32, #tpu.memory_space<vmem>>, vector<16xf32>,
      %max3A_1137 = vector.broadcast %squeeze3A_423 : f32 to vector<16xf32>
      %max3A_1138 = arith.maximumf %get3A_1128, %max3A_1137 : vector<16xf32>
      %max3A_1139 = vector.broadcast %squeeze3A_425 : f32 to vector<16xf32>
      %max3A_1140 = arith.maximumf %get3A_1130, %max3A_1139 : vector<16xf32>
      %min3A_1141 = vector.broadcast %add3A_430 : f32 to vector<16xf32>
      %min3A_1142 = arith.minimumf %get3A_1132, %min3A_1141 : vector<16xf32>
      %min3A_1143 = vector.broadcast %add3A_431 : f32 to vector<16xf32>
      %min3A_1144 = arith.minimumf %get3A_1134, %min3A_1143 : vector<16xf32>
      %sub3A_1145 = arith.subf %min3A_1142, %max3A_1138 : vector<16xf32>
      %max3A_1146 = arith.constant 0.000000e+00 : f32
      %max3A_1147 = vector.broadcast %max3A_1146 : f32 to vector<16xf32>
      %max3A_1148 = arith.maximumf %sub3A_1145, %max3A_1147 : vector<16xf32>
      %sub3A_1149 = arith.subf %min3A_1144, %max3A_1140 : vector<16xf32>
      %max3A_1150 = arith.constant 0.000000e+00 : f32
      %max3A_1151 = vector.broadcast %max3A_1150 : f32 to vector<16xf32>
      %max3A_1152 = arith.maximumf %sub3A_1149, %max3A_1151 : vector<16xf32>
      %mul3A_1153 = arith.mulf %max3A_1148, %max3A_1152 : vector<16xf32>
      %add3A_1154 = vector.broadcast %mul3A_432 : f32 to vector<16xf32>
      %add3A_1155 = arith.addf %get3A_1136, %add3A_1154 : vector<16xf32>
      %sub3A_1156 = arith.subf %add3A_1155, %mul3A_1153 : vector<16xf32>
      %div3A_1157 = arith.divf %mul3A_1153, %sub3A_1156 : vector<16xf32>
      %gt3A_1158 = arith.cmpf ogt, %div3A_1157, %select_n3A_1042 : vector<16xf32>
      %select_n3A_1159 = arith.select %gt3A_1158, %div3A_1157, %select_n3A_1042 : vector<16xi1>, vector<16xf32>
      %select_n3A_1160 = arith.select %gt3A_1158, %add3A_1124, %select_n3A_1043 : vector<16xi1>, vector<16xi32>
      %max3A_1161 = vector.broadcast %squeeze3A_434 : f32 to vector<16xf32>
      %max3A_1162 = arith.maximumf %get3A_1128, %max3A_1161 : vector<16xf32>
      %max3A_1163 = vector.broadcast %squeeze3A_436 : f32 to vector<16xf32>
      %max3A_1164 = arith.maximumf %get3A_1130, %max3A_1163 : vector<16xf32>
      %min3A_1165 = vector.broadcast %add3A_441 : f32 to vector<16xf32>
      %min3A_1166 = arith.minimumf %get3A_1132, %min3A_1165 : vector<16xf32>
      %min3A_1167 = vector.broadcast %add3A_442 : f32 to vector<16xf32>
      %min3A_1168 = arith.minimumf %get3A_1134, %min3A_1167 : vector<16xf32>
      %sub3A_1169 = arith.subf %min3A_1166, %max3A_1162 : vector<16xf32>
      %max3A_1170 = arith.constant 0.000000e+00 : f32
      %max3A_1171 = vector.broadcast %max3A_1170 : f32 to vector<16xf32>
      %max3A_1172 = arith.maximumf %sub3A_1169, %max3A_1171 : vector<16xf32>
      %sub3A_1173 = arith.subf %min3A_1168, %max3A_1164 : vector<16xf32>
      %max3A_1174 = arith.constant 0.000000e+00 : f32
      %max3A_1175 = vector.broadcast %max3A_1174 : f32 to vector<16xf32>
      %max3A_1176 = arith.maximumf %sub3A_1173, %max3A_1175 : vector<16xf32>
      %mul3A_1177 = arith.mulf %max3A_1172, %max3A_1176 : vector<16xf32>
      %add3A_1178 = vector.broadcast %mul3A_443 : f32 to vector<16xf32>
      %add3A_1179 = arith.addf %get3A_1136, %add3A_1178 : vector<16xf32>
      %sub3A_1180 = arith.subf %add3A_1179, %mul3A_1177 : vector<16xf32>
      %div3A_1181 = arith.divf %mul3A_1177, %sub3A_1180 : vector<16xf32>
      %gt3A_1182 = arith.cmpf ogt, %div3A_1181, %select_n3A_1066 : vector<16xf32>
      %select_n3A_1183 = arith.select %gt3A_1182, %div3A_1181, %select_n3A_1066 : vector<16xi1>, vector<16xf32>
      %select_n3A_1184 = arith.select %gt3A_1182, %add3A_1124, %select_n3A_1067 : vector<16xi1>, vector<16xi32>
      %max3A_1185 = vector.broadcast %squeeze3A_445 : f32 to vector<16xf32>
      %max3A_1186 = arith.maximumf %get3A_1128, %max3A_1185 : vector<16xf32>
      %max3A_1187 = vector.broadcast %squeeze3A_447 : f32 to vector<16xf32>
      %max3A_1188 = arith.maximumf %get3A_1130, %max3A_1187 : vector<16xf32>
      %min3A_1189 = vector.broadcast %add3A_452 : f32 to vector<16xf32>
      %min3A_1190 = arith.minimumf %get3A_1132, %min3A_1189 : vector<16xf32>
      %min3A_1191 = vector.broadcast %add3A_453 : f32 to vector<16xf32>
      %min3A_1192 = arith.minimumf %get3A_1134, %min3A_1191 : vector<16xf32>
      %sub3A_1193 = arith.subf %min3A_1190, %max3A_1186 : vector<16xf32>
      %max3A_1194 = arith.constant 0.000000e+00 : f32
      %max3A_1195 = vector.broadcast %max3A_1194 : f32 to vector<16xf32>
      %max3A_1196 = arith.maximumf %sub3A_1193, %max3A_1195 : vector<16xf32>
      %sub3A_1197 = arith.subf %min3A_1192, %max3A_1188 : vector<16xf32>
      %max3A_1198 = arith.constant 0.000000e+00 : f32
      %max3A_1199 = vector.broadcast %max3A_1198 : f32 to vector<16xf32>
      %max3A_1200 = arith.maximumf %sub3A_1197, %max3A_1199 : vector<16xf32>
      %mul3A_1201 = arith.mulf %max3A_1196, %max3A_1200 : vector<16xf32>
      %add3A_1202 = vector.broadcast %mul3A_454 : f32 to vector<16xf32>
      %add3A_1203 = arith.addf %get3A_1136, %add3A_1202 : vector<16xf32>
      %sub3A_1204 = arith.subf %add3A_1203, %mul3A_1201 : vector<16xf32>
      %div3A_1205 = arith.divf %mul3A_1201, %sub3A_1204 : vector<16xf32>
      %gt3A_1206 = arith.cmpf ogt, %div3A_1205, %select_n3A_1090 : vector<16xf32>
      %select_n3A_1207 = arith.select %gt3A_1206, %div3A_1205, %select_n3A_1090 : vector<16xi1>, vector<16xf32>
      %select_n3A_1208 = arith.select %gt3A_1206, %add3A_1124, %select_n3A_1091 : vector<16xi1>, vector<16xi32>
      %max3A_1209 = vector.broadcast %squeeze3A_456 : f32 to vector<16xf32>
      %max3A_1210 = arith.maximumf %get3A_1128, %max3A_1209 : vector<16xf32>
      %max3A_1211 = vector.broadcast %squeeze3A_458 : f32 to vector<16xf32>
      %max3A_1212 = arith.maximumf %get3A_1130, %max3A_1211 : vector<16xf32>
      %min3A_1213 = vector.broadcast %add3A_463 : f32 to vector<16xf32>
      %min3A_1214 = arith.minimumf %get3A_1132, %min3A_1213 : vector<16xf32>
      %min3A_1215 = vector.broadcast %add3A_464 : f32 to vector<16xf32>
      %min3A_1216 = arith.minimumf %get3A_1134, %min3A_1215 : vector<16xf32>
      %sub3A_1217 = arith.subf %min3A_1214, %max3A_1210 : vector<16xf32>
      %max3A_1218 = arith.constant 0.000000e+00 : f32
      %max3A_1219 = vector.broadcast %max3A_1218 : f32 to vector<16xf32>
      %max3A_1220 = arith.maximumf %sub3A_1217, %max3A_1219 : vector<16xf32>
      %sub3A_1221 = arith.subf %min3A_1216, %max3A_1212 : vector<16xf32>
      %max3A_1222 = arith.constant 0.000000e+00 : f32
      %max3A_1223 = vector.broadcast %max3A_1222 : f32 to vector<16xf32>
      %max3A_1224 = arith.maximumf %sub3A_1221, %max3A_1223 : vector<16xf32>
      %mul3A_1225 = arith.mulf %max3A_1220, %max3A_1224 : vector<16xf32>
      %add3A_1226 = vector.broadcast %mul3A_465 : f32 to vector<16xf32>
      %add3A_1227 = arith.addf %get3A_1136, %add3A_1226 : vector<16xf32>
      %sub3A_1228 = arith.subf %add3A_1227, %mul3A_1225 : vector<16xf32>
      %div3A_1229 = arith.divf %mul3A_1225, %sub3A_1228 : vector<16xf32>
      %gt3A_1230 = arith.cmpf ogt, %div3A_1229, %select_n3A_1114 : vector<16xf32>
      %select_n3A_1231 = arith.select %gt3A_1230, %div3A_1229, %select_n3A_1114 : vector<16xi1>, vector<16xf32>
      %select_n3A_1232 = arith.select %gt3A_1230, %add3A_1124, %select_n3A_1115 : vector<16xi1>, vector<16xi32>
      scf.yield %select_n3A_1159, %select_n3A_1160, %select_n3A_1183, %select_n3A_1184, %select_n3A_1207, %select_n3A_1208, %select_n3A_1231, %select_n3A_1232 : vector<16xf32>, vector<16xi32>, vector<16xf32>, vector<16xi32>, vector<16xf32>, vector<16xi32>, vector<16xf32>, vector<16xi32>
    }
    %scan3A_483 = arith.constant 160 : i32
    %reduce_max3A_484 = arith.constant true
    %reduce_max3A_485 = vector.broadcast %reduce_max3A_484 : i1 to vector<16xi1>
    %reduce_max3A_486 = tpu.scan <max>, %scan3A_482#0 masked %reduce_max3A_485 : vector<16xf32>, vector<16xi1> -> vector<16xf32>
    %reduce_max3A_487 = vector.extract %reduce_max3A_486[15] : f32 from vector<16xf32>
    %eq3A_488 = vector.broadcast %reduce_max3A_487 : f32 to vector<16xf32>
    %eq3A_489 = arith.cmpf oeq, %scan3A_482#0, %eq3A_488 : vector<16xf32>
    %jit3A_490 = arith.constant 1073741824 : i32
    %broadcast_in_dim3A_491 = vector.broadcast %jit3A_490 : i32 to vector<16xi32>
    %select_n3A_492 = arith.select %eq3A_489, %scan3A_482#1, %broadcast_in_dim3A_491 : vector<16xi1>, vector<16xi32>
    %reduce_min3A_493 = arith.constant true
    %reduce_min3A_494 = vector.broadcast %reduce_min3A_493 : i1 to vector<16xi1>
    %reduce_min3A_495 = arith.constant -2147483648 : i32
    %reduce_min3A_496 = vector.broadcast %reduce_min3A_495 : i32 to vector<16xi32>
    %reduce_min3A_497 = arith.xori %select_n3A_492, %reduce_min3A_496 : vector<16xi32>
    %reduce_min3A_498 = tpu.scan <min>, %reduce_min3A_497 masked %reduce_min3A_494 : vector<16xi32>, vector<16xi1> -> vector<16xi32>
    %reduce_min3A_499 = arith.xori %reduce_min3A_498, %reduce_min3A_496 : vector<16xi32>
    %reduce_min3A_500 = vector.extract %reduce_min3A_499[15] : i32 from vector<16xi32>
    %eq3A_501 = arith.constant 8 : i32
    %eq3A_502 = vector.broadcast %eq3A_501 : i32 to vector<16xi32>
    %eq3A_503 = arith.cmpi eq, %iota3A, %eq3A_502 : vector<16xi32>
    %broadcast_in_dim3A_504 = vector.broadcast %reduce_max3A_487 : f32 to vector<16xf32>
    %select_n3A_505 = arith.select %eq3A_503, %broadcast_in_dim3A_504, %select_n3A_416 : vector<16xi1>, vector<16xf32>
    %eq3A_506 = arith.constant 8 : i32
    %eq3A_507 = vector.broadcast %eq3A_506 : i32 to vector<16xi32>
    %eq3A_508 = arith.cmpi eq, %iota3A, %eq3A_507 : vector<16xi32>
    %broadcast_in_dim3A_509 = vector.broadcast %reduce_min3A_500 : i32 to vector<16xi32>
    %select_n3A_510 = arith.select %eq3A_508, %broadcast_in_dim3A_509, %select_n3A_421 : vector<16xi1>, vector<16xi32>
    %reduce_max3A_511 = arith.constant true
    %reduce_max3A_512 = vector.broadcast %reduce_max3A_511 : i1 to vector<16xi1>
    %reduce_max3A_513 = tpu.scan <max>, %scan3A_482#2 masked %reduce_max3A_512 : vector<16xf32>, vector<16xi1> -> vector<16xf32>
    %reduce_max3A_514 = vector.extract %reduce_max3A_513[15] : f32 from vector<16xf32>
    %eq3A_515 = vector.broadcast %reduce_max3A_514 : f32 to vector<16xf32>
    %eq3A_516 = arith.cmpf oeq, %scan3A_482#2, %eq3A_515 : vector<16xf32>
    %jit3A_517 = arith.constant 1073741824 : i32
    %broadcast_in_dim3A_518 = vector.broadcast %jit3A_517 : i32 to vector<16xi32>
    %select_n3A_519 = arith.select %eq3A_516, %scan3A_482#3, %broadcast_in_dim3A_518 : vector<16xi1>, vector<16xi32>
    %reduce_min3A_520 = arith.constant true
    %reduce_min3A_521 = vector.broadcast %reduce_min3A_520 : i1 to vector<16xi1>
    %reduce_min3A_522 = arith.constant -2147483648 : i32
    %reduce_min3A_523 = vector.broadcast %reduce_min3A_522 : i32 to vector<16xi32>
    %reduce_min3A_524 = arith.xori %select_n3A_519, %reduce_min3A_523 : vector<16xi32>
    %reduce_min3A_525 = tpu.scan <min>, %reduce_min3A_524 masked %reduce_min3A_521 : vector<16xi32>, vector<16xi1> -> vector<16xi32>
    %reduce_min3A_526 = arith.xori %reduce_min3A_525, %reduce_min3A_523 : vector<16xi32>
    %reduce_min3A_527 = vector.extract %reduce_min3A_526[15] : i32 from vector<16xi32>
    %eq3A_528 = arith.constant 9 : i32
    %eq3A_529 = vector.broadcast %eq3A_528 : i32 to vector<16xi32>
    %eq3A_530 = arith.cmpi eq, %iota3A, %eq3A_529 : vector<16xi32>
    %broadcast_in_dim3A_531 = vector.broadcast %reduce_max3A_514 : f32 to vector<16xf32>
    %select_n3A_532 = arith.select %eq3A_530, %broadcast_in_dim3A_531, %select_n3A_505 : vector<16xi1>, vector<16xf32>
    %eq3A_533 = arith.constant 9 : i32
    %eq3A_534 = vector.broadcast %eq3A_533 : i32 to vector<16xi32>
    %eq3A_535 = arith.cmpi eq, %iota3A, %eq3A_534 : vector<16xi32>
    %broadcast_in_dim3A_536 = vector.broadcast %reduce_min3A_527 : i32 to vector<16xi32>
    %select_n3A_537 = arith.select %eq3A_535, %broadcast_in_dim3A_536, %select_n3A_510 : vector<16xi1>, vector<16xi32>
    %reduce_max3A_538 = arith.constant true
    %reduce_max3A_539 = vector.broadcast %reduce_max3A_538 : i1 to vector<16xi1>
    %reduce_max3A_540 = tpu.scan <max>, %scan3A_482#4 masked %reduce_max3A_539 : vector<16xf32>, vector<16xi1> -> vector<16xf32>
    %reduce_max3A_541 = vector.extract %reduce_max3A_540[15] : f32 from vector<16xf32>
    %eq3A_542 = vector.broadcast %reduce_max3A_541 : f32 to vector<16xf32>
    %eq3A_543 = arith.cmpf oeq, %scan3A_482#4, %eq3A_542 : vector<16xf32>
    %jit3A_544 = arith.constant 1073741824 : i32
    %broadcast_in_dim3A_545 = vector.broadcast %jit3A_544 : i32 to vector<16xi32>
    %select_n3A_546 = arith.select %eq3A_543, %scan3A_482#5, %broadcast_in_dim3A_545 : vector<16xi1>, vector<16xi32>
    %reduce_min3A_547 = arith.constant true
    %reduce_min3A_548 = vector.broadcast %reduce_min3A_547 : i1 to vector<16xi1>
    %reduce_min3A_549 = arith.constant -2147483648 : i32
    %reduce_min3A_550 = vector.broadcast %reduce_min3A_549 : i32 to vector<16xi32>
    %reduce_min3A_551 = arith.xori %select_n3A_546, %reduce_min3A_550 : vector<16xi32>
    %reduce_min3A_552 = tpu.scan <min>, %reduce_min3A_551 masked %reduce_min3A_548 : vector<16xi32>, vector<16xi1> -> vector<16xi32>
    %reduce_min3A_553 = arith.xori %reduce_min3A_552, %reduce_min3A_550 : vector<16xi32>
    %reduce_min3A_554 = vector.extract %reduce_min3A_553[15] : i32 from vector<16xi32>
    %eq3A_555 = arith.constant 10 : i32
    %eq3A_556 = vector.broadcast %eq3A_555 : i32 to vector<16xi32>
    %eq3A_557 = arith.cmpi eq, %iota3A, %eq3A_556 : vector<16xi32>
    %broadcast_in_dim3A_558 = vector.broadcast %reduce_max3A_541 : f32 to vector<16xf32>
    %select_n3A_559 = arith.select %eq3A_557, %broadcast_in_dim3A_558, %select_n3A_532 : vector<16xi1>, vector<16xf32>
    %eq3A_560 = arith.constant 10 : i32
    %eq3A_561 = vector.broadcast %eq3A_560 : i32 to vector<16xi32>
    %eq3A_562 = arith.cmpi eq, %iota3A, %eq3A_561 : vector<16xi32>
    %broadcast_in_dim3A_563 = vector.broadcast %reduce_min3A_554 : i32 to vector<16xi32>
    %select_n3A_564 = arith.select %eq3A_562, %broadcast_in_dim3A_563, %select_n3A_537 : vector<16xi1>, vector<16xi32>
    %reduce_max3A_565 = arith.constant true
    %reduce_max3A_566 = vector.broadcast %reduce_max3A_565 : i1 to vector<16xi1>
    %reduce_max3A_567 = tpu.scan <max>, %scan3A_482#6 masked %reduce_max3A_566 : vector<16xf32>, vector<16xi1> -> vector<16xf32>
    %reduce_max3A_568 = vector.extract %reduce_max3A_567[15] : f32 from vector<16xf32>
    %eq3A_569 = vector.broadcast %reduce_max3A_568 : f32 to vector<16xf32>
    %eq3A_570 = arith.cmpf oeq, %scan3A_482#6, %eq3A_569 : vector<16xf32>
    %jit3A_571 = arith.constant 1073741824 : i32
    %broadcast_in_dim3A_572 = vector.broadcast %jit3A_571 : i32 to vector<16xi32>
    %select_n3A_573 = arith.select %eq3A_570, %scan3A_482#7, %broadcast_in_dim3A_572 : vector<16xi1>, vector<16xi32>
    %reduce_min3A_574 = arith.constant true
    %reduce_min3A_575 = vector.broadcast %reduce_min3A_574 : i1 to vector<16xi1>
    %reduce_min3A_576 = arith.constant -2147483648 : i32
    %reduce_min3A_577 = vector.broadcast %reduce_min3A_576 : i32 to vector<16xi32>
    %reduce_min3A_578 = arith.xori %select_n3A_573, %reduce_min3A_577 : vector<16xi32>
    %reduce_min3A_579 = tpu.scan <min>, %reduce_min3A_578 masked %reduce_min3A_575 : vector<16xi32>, vector<16xi1> -> vector<16xi32>
    %reduce_min3A_580 = arith.xori %reduce_min3A_579, %reduce_min3A_577 : vector<16xi32>
    %reduce_min3A_581 = vector.extract %reduce_min3A_580[15] : i32 from vector<16xi32>
    %eq3A_582 = arith.constant 11 : i32
    %eq3A_583 = vector.broadcast %eq3A_582 : i32 to vector<16xi32>
    %eq3A_584 = arith.cmpi eq, %iota3A, %eq3A_583 : vector<16xi32>
    %broadcast_in_dim3A_585 = vector.broadcast %reduce_max3A_568 : f32 to vector<16xf32>
    %select_n3A_586 = arith.select %eq3A_584, %broadcast_in_dim3A_585, %select_n3A_559 : vector<16xi1>, vector<16xf32>
    %eq3A_587 = arith.constant 11 : i32
    %eq3A_588 = vector.broadcast %eq3A_587 : i32 to vector<16xi32>
    %eq3A_589 = arith.cmpi eq, %iota3A, %eq3A_588 : vector<16xi32>
    %broadcast_in_dim3A_590 = vector.broadcast %reduce_min3A_581 : i32 to vector<16xi32>
    %select_n3A_591 = arith.select %eq3A_589, %broadcast_in_dim3A_590, %select_n3A_564 : vector<16xi1>, vector<16xi32>
    %slice3A_592 = vector.extract_strided_slice %get3A_66 {offsets = [12], sizes = [1], strides = [1]} : vector<16xf32> to vector<1xf32>
    %squeeze3A_593 = vector.extract %slice3A_592[0] : f32 from vector<1xf32>
    %slice3A_594 = vector.extract_strided_slice %get3A_70 {offsets = [12], sizes = [1], strides = [1]} : vector<16xf32> to vector<1xf32>
    %squeeze3A_595 = vector.extract %slice3A_594[0] : f32 from vector<1xf32>
    %slice3A_596 = vector.extract_strided_slice %get3A_74 {offsets = [12], sizes = [1], strides = [1]} : vector<16xf32> to vector<1xf32>
    %squeeze3A_597 = vector.extract %slice3A_596[0] : f32 from vector<1xf32>
    %slice3A_598 = vector.extract_strided_slice %get3A_78 {offsets = [12], sizes = [1], strides = [1]} : vector<16xf32> to vector<1xf32>
    %squeeze3A_599 = vector.extract %slice3A_598[0] : f32 from vector<1xf32>
    %add3A_600 = arith.addf %squeeze3A_593, %squeeze3A_597 : f32
    %add3A_601 = arith.addf %squeeze3A_595, %squeeze3A_599 : f32
    %mul3A_602 = arith.mulf %squeeze3A_597, %squeeze3A_599 : f32
    %slice3A_603 = vector.extract_strided_slice %get3A_66 {offsets = [13], sizes = [1], strides = [1]} : vector<16xf32> to vector<1xf32>
    %squeeze3A_604 = vector.extract %slice3A_603[0] : f32 from vector<1xf32>
    %slice3A_605 = vector.extract_strided_slice %get3A_70 {offsets = [13], sizes = [1], strides = [1]} : vector<16xf32> to vector<1xf32>
    %squeeze3A_606 = vector.extract %slice3A_605[0] : f32 from vector<1xf32>
    %slice3A_607 = vector.extract_strided_slice %get3A_74 {offsets = [13], sizes = [1], strides = [1]} : vector<16xf32> to vector<1xf32>
    %squeeze3A_608 = vector.extract %slice3A_607[0] : f32 from vector<1xf32>
    %slice3A_609 = vector.extract_strided_slice %get3A_78 {offsets = [13], sizes = [1], strides = [1]} : vector<16xf32> to vector<1xf32>
    %squeeze3A_610 = vector.extract %slice3A_609[0] : f32 from vector<1xf32>
    %add3A_611 = arith.addf %squeeze3A_604, %squeeze3A_608 : f32
    %add3A_612 = arith.addf %squeeze3A_606, %squeeze3A_610 : f32
    %mul3A_613 = arith.mulf %squeeze3A_608, %squeeze3A_610 : f32
    %slice3A_614 = vector.extract_strided_slice %get3A_66 {offsets = [14], sizes = [1], strides = [1]} : vector<16xf32> to vector<1xf32>
    %squeeze3A_615 = vector.extract %slice3A_614[0] : f32 from vector<1xf32>
    %slice3A_616 = vector.extract_strided_slice %get3A_70 {offsets = [14], sizes = [1], strides = [1]} : vector<16xf32> to vector<1xf32>
    %squeeze3A_617 = vector.extract %slice3A_616[0] : f32 from vector<1xf32>
    %slice3A_618 = vector.extract_strided_slice %get3A_74 {offsets = [14], sizes = [1], strides = [1]} : vector<16xf32> to vector<1xf32>
    %squeeze3A_619 = vector.extract %slice3A_618[0] : f32 from vector<1xf32>
    %slice3A_620 = vector.extract_strided_slice %get3A_78 {offsets = [14], sizes = [1], strides = [1]} : vector<16xf32> to vector<1xf32>
    %squeeze3A_621 = vector.extract %slice3A_620[0] : f32 from vector<1xf32>
    %add3A_622 = arith.addf %squeeze3A_615, %squeeze3A_619 : f32
    %add3A_623 = arith.addf %squeeze3A_617, %squeeze3A_621 : f32
    %mul3A_624 = arith.mulf %squeeze3A_619, %squeeze3A_621 : f32
    %slice3A_625 = vector.extract_strided_slice %get3A_66 {offsets = [15], sizes = [1], strides = [1]} : vector<16xf32> to vector<1xf32>
    %squeeze3A_626 = vector.extract %slice3A_625[0] : f32 from vector<1xf32>
    %slice3A_627 = vector.extract_strided_slice %get3A_70 {offsets = [15], sizes = [1], strides = [1]} : vector<16xf32> to vector<1xf32>
    %squeeze3A_628 = vector.extract %slice3A_627[0] : f32 from vector<1xf32>
    %slice3A_629 = vector.extract_strided_slice %get3A_74 {offsets = [15], sizes = [1], strides = [1]} : vector<16xf32> to vector<1xf32>
    %squeeze3A_630 = vector.extract %slice3A_629[0] : f32 from vector<1xf32>
    %slice3A_631 = vector.extract_strided_slice %get3A_78 {offsets = [15], sizes = [1], strides = [1]} : vector<16xf32> to vector<1xf32>
    %squeeze3A_632 = vector.extract %slice3A_631[0] : f32 from vector<1xf32>
    %add3A_633 = arith.addf %squeeze3A_626, %squeeze3A_630 : f32
    %add3A_634 = arith.addf %squeeze3A_628, %squeeze3A_632 : f32
    %mul3A_635 = arith.mulf %squeeze3A_630, %squeeze3A_632 : f32
    %broadcast_in_dim3A_636 = arith.constant -1.000000e+00 : f32
    %broadcast_in_dim3A_637 = vector.broadcast %broadcast_in_dim3A_636 : f32 to vector<16xf32>
    %broadcast_in_dim3A_638 = vector.broadcast %mul3A_32 : i32 to vector<16xi32>
    %broadcast_in_dim3A_639 = arith.constant -1.000000e+00 : f32
    %broadcast_in_dim3A_640 = vector.broadcast %broadcast_in_dim3A_639 : f32 to vector<16xf32>
    %broadcast_in_dim3A_641 = vector.broadcast %mul3A_32 : i32 to vector<16xi32>
    %broadcast_in_dim3A_642 = arith.constant -1.000000e+00 : f32
    %broadcast_in_dim3A_643 = vector.broadcast %broadcast_in_dim3A_642 : f32 to vector<16xf32>
    %broadcast_in_dim3A_644 = vector.broadcast %mul3A_32 : i32 to vector<16xi32>
    %broadcast_in_dim3A_645 = arith.constant -1.000000e+00 : f32
    %broadcast_in_dim3A_646 = vector.broadcast %broadcast_in_dim3A_645 : f32 to vector<16xf32>
    %broadcast_in_dim3A_647 = vector.broadcast %mul3A_32 : i32 to vector<16xi32>
    %scan3A_648 = arith.constant 0 : i32
    %scan3A_649 = arith.constant 160 : i32
    %scan3A_650 = arith.addi %scan3A_648, %scan3A_649 : i32
    %scan3A_651 = arith.constant 2 : i32
    %scan3A_652:8 = scf.for %scan3A_995 = %scan3A_648 to %scan3A_650 step %scan3A_651 iter_args(%scan3A_996 = %broadcast_in_dim3A_637, %scan3A_997 = %broadcast_in_dim3A_638, %scan3A_998 = %broadcast_in_dim3A_640, %scan3A_999 = %broadcast_in_dim3A_641, %scan3A_1000 = %broadcast_in_dim3A_643, %scan3A_1001 = %broadcast_in_dim3A_644, %scan3A_1002 = %broadcast_in_dim3A_646, %scan3A_1003 = %broadcast_in_dim3A_647) -> (vector<16xf32>, vector<16xi32>, vector<16xf32>, vector<16xi32>, vector<16xf32>, vector<16xi32>, vector<16xf32>, vector<16xi32>)  : i32 {
      %add3A_1004 = arith.constant 0 : i32
      %add3A_1005 = arith.addi %scan3A_995, %add3A_1004 : i32
      %mul3A_1006 = arith.constant 16 : i32
      %mul3A_1007 = arith.muli %add3A_1005, %mul3A_1006 : i32
      %add3A_1008 = arith.addi %mul3A_32, %mul3A_1007 : i32
      %add3A_1009 = vector.broadcast %add3A_1008 : i32 to vector<16xi32>
      %add3A_1010 = arith.addi %add3A_1009, %iota3A : vector<16xi32>
      %mul3A_1011 = arith.constant 16 : i32
      %mul3A_1012 = arith.muli %add3A_1005, %mul3A_1011 : i32
      %get3A_1013 = arith.index_cast %mul3A_1012 : i32 to index
      %get3A_1014 = tpu.vector_load %arg5[%get3A_1013] {strides = array<i32>} : memref<2560xf32, #tpu.memory_space<vmem>>, vector<16xf32>,
      %get3A_1015 = arith.index_cast %mul3A_1012 : i32 to index
      %get3A_1016 = tpu.vector_load %arg6[%get3A_1015] {strides = array<i32>} : memref<2560xf32, #tpu.memory_space<vmem>>, vector<16xf32>,
      %get3A_1017 = arith.index_cast %mul3A_1012 : i32 to index
      %get3A_1018 = tpu.vector_load %arg10[%get3A_1017] {strides = array<i32>} : memref<2560xf32, #tpu.memory_space<vmem>>, vector<16xf32>,
      %get3A_1019 = arith.index_cast %mul3A_1012 : i32 to index
      %get3A_1020 = tpu.vector_load %arg11[%get3A_1019] {strides = array<i32>} : memref<2560xf32, #tpu.memory_space<vmem>>, vector<16xf32>,
      %get3A_1021 = arith.index_cast %mul3A_1012 : i32 to index
      %get3A_1022 = tpu.vector_load %arg12[%get3A_1021] {strides = array<i32>} : memref<2560xf32, #tpu.memory_space<vmem>>, vector<16xf32>,
      %max3A = vector.broadcast %squeeze3A_593 : f32 to vector<16xf32>
      %max3A_1023 = arith.maximumf %get3A_1014, %max3A : vector<16xf32>
      %max3A_1024 = vector.broadcast %squeeze3A_595 : f32 to vector<16xf32>
      %max3A_1025 = arith.maximumf %get3A_1016, %max3A_1024 : vector<16xf32>
      %min3A = vector.broadcast %add3A_600 : f32 to vector<16xf32>
      %min3A_1026 = arith.minimumf %get3A_1018, %min3A : vector<16xf32>
      %min3A_1027 = vector.broadcast %add3A_601 : f32 to vector<16xf32>
      %min3A_1028 = arith.minimumf %get3A_1020, %min3A_1027 : vector<16xf32>
      %sub3A_1029 = arith.subf %min3A_1026, %max3A_1023 : vector<16xf32>
      %max3A_1030 = arith.constant 0.000000e+00 : f32
      %max3A_1031 = vector.broadcast %max3A_1030 : f32 to vector<16xf32>
      %max3A_1032 = arith.maximumf %sub3A_1029, %max3A_1031 : vector<16xf32>
      %sub3A_1033 = arith.subf %min3A_1028, %max3A_1025 : vector<16xf32>
      %max3A_1034 = arith.constant 0.000000e+00 : f32
      %max3A_1035 = vector.broadcast %max3A_1034 : f32 to vector<16xf32>
      %max3A_1036 = arith.maximumf %sub3A_1033, %max3A_1035 : vector<16xf32>
      %mul3A_1037 = arith.mulf %max3A_1032, %max3A_1036 : vector<16xf32>
      %add3A_1038 = vector.broadcast %mul3A_602 : f32 to vector<16xf32>
      %add3A_1039 = arith.addf %get3A_1022, %add3A_1038 : vector<16xf32>
      %sub3A_1040 = arith.subf %add3A_1039, %mul3A_1037 : vector<16xf32>
      %div3A_1041 = arith.divf %mul3A_1037, %sub3A_1040 : vector<16xf32>
      %gt3A = arith.cmpf ogt, %div3A_1041, %scan3A_996 : vector<16xf32>
      %select_n3A_1042 = arith.select %gt3A, %div3A_1041, %scan3A_996 : vector<16xi1>, vector<16xf32>
      %select_n3A_1043 = arith.select %gt3A, %add3A_1010, %scan3A_997 : vector<16xi1>, vector<16xi32>
      %max3A_1044 = vector.broadcast %squeeze3A_604 : f32 to vector<16xf32>
      %max3A_1045 = arith.maximumf %get3A_1014, %max3A_1044 : vector<16xf32>
      %max3A_1046 = vector.broadcast %squeeze3A_606 : f32 to vector<16xf32>
      %max3A_1047 = arith.maximumf %get3A_1016, %max3A_1046 : vector<16xf32>
      %min3A_1048 = vector.broadcast %add3A_611 : f32 to vector<16xf32>
      %min3A_1049 = arith.minimumf %get3A_1018, %min3A_1048 : vector<16xf32>
      %min3A_1050 = vector.broadcast %add3A_612 : f32 to vector<16xf32>
      %min3A_1051 = arith.minimumf %get3A_1020, %min3A_1050 : vector<16xf32>
      %sub3A_1052 = arith.subf %min3A_1049, %max3A_1045 : vector<16xf32>
      %max3A_1053 = arith.constant 0.000000e+00 : f32
      %max3A_1054 = vector.broadcast %max3A_1053 : f32 to vector<16xf32>
      %max3A_1055 = arith.maximumf %sub3A_1052, %max3A_1054 : vector<16xf32>
      %sub3A_1056 = arith.subf %min3A_1051, %max3A_1047 : vector<16xf32>
      %max3A_1057 = arith.constant 0.000000e+00 : f32
      %max3A_1058 = vector.broadcast %max3A_1057 : f32 to vector<16xf32>
      %max3A_1059 = arith.maximumf %sub3A_1056, %max3A_1058 : vector<16xf32>
      %mul3A_1060 = arith.mulf %max3A_1055, %max3A_1059 : vector<16xf32>
      %add3A_1061 = vector.broadcast %mul3A_613 : f32 to vector<16xf32>
      %add3A_1062 = arith.addf %get3A_1022, %add3A_1061 : vector<16xf32>
      %sub3A_1063 = arith.subf %add3A_1062, %mul3A_1060 : vector<16xf32>
      %div3A_1064 = arith.divf %mul3A_1060, %sub3A_1063 : vector<16xf32>
      %gt3A_1065 = arith.cmpf ogt, %div3A_1064, %scan3A_998 : vector<16xf32>
      %select_n3A_1066 = arith.select %gt3A_1065, %div3A_1064, %scan3A_998 : vector<16xi1>, vector<16xf32>
      %select_n3A_1067 = arith.select %gt3A_1065, %add3A_1010, %scan3A_999 : vector<16xi1>, vector<16xi32>
      %max3A_1068 = vector.broadcast %squeeze3A_615 : f32 to vector<16xf32>
      %max3A_1069 = arith.maximumf %get3A_1014, %max3A_1068 : vector<16xf32>
      %max3A_1070 = vector.broadcast %squeeze3A_617 : f32 to vector<16xf32>
      %max3A_1071 = arith.maximumf %get3A_1016, %max3A_1070 : vector<16xf32>
      %min3A_1072 = vector.broadcast %add3A_622 : f32 to vector<16xf32>
      %min3A_1073 = arith.minimumf %get3A_1018, %min3A_1072 : vector<16xf32>
      %min3A_1074 = vector.broadcast %add3A_623 : f32 to vector<16xf32>
      %min3A_1075 = arith.minimumf %get3A_1020, %min3A_1074 : vector<16xf32>
      %sub3A_1076 = arith.subf %min3A_1073, %max3A_1069 : vector<16xf32>
      %max3A_1077 = arith.constant 0.000000e+00 : f32
      %max3A_1078 = vector.broadcast %max3A_1077 : f32 to vector<16xf32>
      %max3A_1079 = arith.maximumf %sub3A_1076, %max3A_1078 : vector<16xf32>
      %sub3A_1080 = arith.subf %min3A_1075, %max3A_1071 : vector<16xf32>
      %max3A_1081 = arith.constant 0.000000e+00 : f32
      %max3A_1082 = vector.broadcast %max3A_1081 : f32 to vector<16xf32>
      %max3A_1083 = arith.maximumf %sub3A_1080, %max3A_1082 : vector<16xf32>
      %mul3A_1084 = arith.mulf %max3A_1079, %max3A_1083 : vector<16xf32>
      %add3A_1085 = vector.broadcast %mul3A_624 : f32 to vector<16xf32>
      %add3A_1086 = arith.addf %get3A_1022, %add3A_1085 : vector<16xf32>
      %sub3A_1087 = arith.subf %add3A_1086, %mul3A_1084 : vector<16xf32>
      %div3A_1088 = arith.divf %mul3A_1084, %sub3A_1087 : vector<16xf32>
      %gt3A_1089 = arith.cmpf ogt, %div3A_1088, %scan3A_1000 : vector<16xf32>
      %select_n3A_1090 = arith.select %gt3A_1089, %div3A_1088, %scan3A_1000 : vector<16xi1>, vector<16xf32>
      %select_n3A_1091 = arith.select %gt3A_1089, %add3A_1010, %scan3A_1001 : vector<16xi1>, vector<16xi32>
      %max3A_1092 = vector.broadcast %squeeze3A_626 : f32 to vector<16xf32>
      %max3A_1093 = arith.maximumf %get3A_1014, %max3A_1092 : vector<16xf32>
      %max3A_1094 = vector.broadcast %squeeze3A_628 : f32 to vector<16xf32>
      %max3A_1095 = arith.maximumf %get3A_1016, %max3A_1094 : vector<16xf32>
      %min3A_1096 = vector.broadcast %add3A_633 : f32 to vector<16xf32>
      %min3A_1097 = arith.minimumf %get3A_1018, %min3A_1096 : vector<16xf32>
      %min3A_1098 = vector.broadcast %add3A_634 : f32 to vector<16xf32>
      %min3A_1099 = arith.minimumf %get3A_1020, %min3A_1098 : vector<16xf32>
      %sub3A_1100 = arith.subf %min3A_1097, %max3A_1093 : vector<16xf32>
      %max3A_1101 = arith.constant 0.000000e+00 : f32
      %max3A_1102 = vector.broadcast %max3A_1101 : f32 to vector<16xf32>
      %max3A_1103 = arith.maximumf %sub3A_1100, %max3A_1102 : vector<16xf32>
      %sub3A_1104 = arith.subf %min3A_1099, %max3A_1095 : vector<16xf32>
      %max3A_1105 = arith.constant 0.000000e+00 : f32
      %max3A_1106 = vector.broadcast %max3A_1105 : f32 to vector<16xf32>
      %max3A_1107 = arith.maximumf %sub3A_1104, %max3A_1106 : vector<16xf32>
      %mul3A_1108 = arith.mulf %max3A_1103, %max3A_1107 : vector<16xf32>
      %add3A_1109 = vector.broadcast %mul3A_635 : f32 to vector<16xf32>
      %add3A_1110 = arith.addf %get3A_1022, %add3A_1109 : vector<16xf32>
      %sub3A_1111 = arith.subf %add3A_1110, %mul3A_1108 : vector<16xf32>
      %div3A_1112 = arith.divf %mul3A_1108, %sub3A_1111 : vector<16xf32>
      %gt3A_1113 = arith.cmpf ogt, %div3A_1112, %scan3A_1002 : vector<16xf32>
      %select_n3A_1114 = arith.select %gt3A_1113, %div3A_1112, %scan3A_1002 : vector<16xi1>, vector<16xf32>
      %select_n3A_1115 = arith.select %gt3A_1113, %add3A_1010, %scan3A_1003 : vector<16xi1>, vector<16xi32>
      %scan3A_1116 = arith.constant 1 : i32
      %scan3A_1117 = arith.addi %scan3A_995, %scan3A_1116 : i32
      %add3A_1118 = arith.constant 0 : i32
      %add3A_1119 = arith.addi %scan3A_1117, %add3A_1118 : i32
      %mul3A_1120 = arith.constant 16 : i32
      %mul3A_1121 = arith.muli %add3A_1119, %mul3A_1120 : i32
      %add3A_1122 = arith.addi %mul3A_32, %mul3A_1121 : i32
      %add3A_1123 = vector.broadcast %add3A_1122 : i32 to vector<16xi32>
      %add3A_1124 = arith.addi %add3A_1123, %iota3A : vector<16xi32>
      %mul3A_1125 = arith.constant 16 : i32
      %mul3A_1126 = arith.muli %add3A_1119, %mul3A_1125 : i32
      %get3A_1127 = arith.index_cast %mul3A_1126 : i32 to index
      %get3A_1128 = tpu.vector_load %arg5[%get3A_1127] {strides = array<i32>} : memref<2560xf32, #tpu.memory_space<vmem>>, vector<16xf32>,
      %get3A_1129 = arith.index_cast %mul3A_1126 : i32 to index
      %get3A_1130 = tpu.vector_load %arg6[%get3A_1129] {strides = array<i32>} : memref<2560xf32, #tpu.memory_space<vmem>>, vector<16xf32>,
      %get3A_1131 = arith.index_cast %mul3A_1126 : i32 to index
      %get3A_1132 = tpu.vector_load %arg10[%get3A_1131] {strides = array<i32>} : memref<2560xf32, #tpu.memory_space<vmem>>, vector<16xf32>,
      %get3A_1133 = arith.index_cast %mul3A_1126 : i32 to index
      %get3A_1134 = tpu.vector_load %arg11[%get3A_1133] {strides = array<i32>} : memref<2560xf32, #tpu.memory_space<vmem>>, vector<16xf32>,
      %get3A_1135 = arith.index_cast %mul3A_1126 : i32 to index
      %get3A_1136 = tpu.vector_load %arg12[%get3A_1135] {strides = array<i32>} : memref<2560xf32, #tpu.memory_space<vmem>>, vector<16xf32>,
      %max3A_1137 = vector.broadcast %squeeze3A_593 : f32 to vector<16xf32>
      %max3A_1138 = arith.maximumf %get3A_1128, %max3A_1137 : vector<16xf32>
      %max3A_1139 = vector.broadcast %squeeze3A_595 : f32 to vector<16xf32>
      %max3A_1140 = arith.maximumf %get3A_1130, %max3A_1139 : vector<16xf32>
      %min3A_1141 = vector.broadcast %add3A_600 : f32 to vector<16xf32>
      %min3A_1142 = arith.minimumf %get3A_1132, %min3A_1141 : vector<16xf32>
      %min3A_1143 = vector.broadcast %add3A_601 : f32 to vector<16xf32>
      %min3A_1144 = arith.minimumf %get3A_1134, %min3A_1143 : vector<16xf32>
      %sub3A_1145 = arith.subf %min3A_1142, %max3A_1138 : vector<16xf32>
      %max3A_1146 = arith.constant 0.000000e+00 : f32
      %max3A_1147 = vector.broadcast %max3A_1146 : f32 to vector<16xf32>
      %max3A_1148 = arith.maximumf %sub3A_1145, %max3A_1147 : vector<16xf32>
      %sub3A_1149 = arith.subf %min3A_1144, %max3A_1140 : vector<16xf32>
      %max3A_1150 = arith.constant 0.000000e+00 : f32
      %max3A_1151 = vector.broadcast %max3A_1150 : f32 to vector<16xf32>
      %max3A_1152 = arith.maximumf %sub3A_1149, %max3A_1151 : vector<16xf32>
      %mul3A_1153 = arith.mulf %max3A_1148, %max3A_1152 : vector<16xf32>
      %add3A_1154 = vector.broadcast %mul3A_602 : f32 to vector<16xf32>
      %add3A_1155 = arith.addf %get3A_1136, %add3A_1154 : vector<16xf32>
      %sub3A_1156 = arith.subf %add3A_1155, %mul3A_1153 : vector<16xf32>
      %div3A_1157 = arith.divf %mul3A_1153, %sub3A_1156 : vector<16xf32>
      %gt3A_1158 = arith.cmpf ogt, %div3A_1157, %select_n3A_1042 : vector<16xf32>
      %select_n3A_1159 = arith.select %gt3A_1158, %div3A_1157, %select_n3A_1042 : vector<16xi1>, vector<16xf32>
      %select_n3A_1160 = arith.select %gt3A_1158, %add3A_1124, %select_n3A_1043 : vector<16xi1>, vector<16xi32>
      %max3A_1161 = vector.broadcast %squeeze3A_604 : f32 to vector<16xf32>
      %max3A_1162 = arith.maximumf %get3A_1128, %max3A_1161 : vector<16xf32>
      %max3A_1163 = vector.broadcast %squeeze3A_606 : f32 to vector<16xf32>
      %max3A_1164 = arith.maximumf %get3A_1130, %max3A_1163 : vector<16xf32>
      %min3A_1165 = vector.broadcast %add3A_611 : f32 to vector<16xf32>
      %min3A_1166 = arith.minimumf %get3A_1132, %min3A_1165 : vector<16xf32>
      %min3A_1167 = vector.broadcast %add3A_612 : f32 to vector<16xf32>
      %min3A_1168 = arith.minimumf %get3A_1134, %min3A_1167 : vector<16xf32>
      %sub3A_1169 = arith.subf %min3A_1166, %max3A_1162 : vector<16xf32>
      %max3A_1170 = arith.constant 0.000000e+00 : f32
      %max3A_1171 = vector.broadcast %max3A_1170 : f32 to vector<16xf32>
      %max3A_1172 = arith.maximumf %sub3A_1169, %max3A_1171 : vector<16xf32>
      %sub3A_1173 = arith.subf %min3A_1168, %max3A_1164 : vector<16xf32>
      %max3A_1174 = arith.constant 0.000000e+00 : f32
      %max3A_1175 = vector.broadcast %max3A_1174 : f32 to vector<16xf32>
      %max3A_1176 = arith.maximumf %sub3A_1173, %max3A_1175 : vector<16xf32>
      %mul3A_1177 = arith.mulf %max3A_1172, %max3A_1176 : vector<16xf32>
      %add3A_1178 = vector.broadcast %mul3A_613 : f32 to vector<16xf32>
      %add3A_1179 = arith.addf %get3A_1136, %add3A_1178 : vector<16xf32>
      %sub3A_1180 = arith.subf %add3A_1179, %mul3A_1177 : vector<16xf32>
      %div3A_1181 = arith.divf %mul3A_1177, %sub3A_1180 : vector<16xf32>
      %gt3A_1182 = arith.cmpf ogt, %div3A_1181, %select_n3A_1066 : vector<16xf32>
      %select_n3A_1183 = arith.select %gt3A_1182, %div3A_1181, %select_n3A_1066 : vector<16xi1>, vector<16xf32>
      %select_n3A_1184 = arith.select %gt3A_1182, %add3A_1124, %select_n3A_1067 : vector<16xi1>, vector<16xi32>
      %max3A_1185 = vector.broadcast %squeeze3A_615 : f32 to vector<16xf32>
      %max3A_1186 = arith.maximumf %get3A_1128, %max3A_1185 : vector<16xf32>
      %max3A_1187 = vector.broadcast %squeeze3A_617 : f32 to vector<16xf32>
      %max3A_1188 = arith.maximumf %get3A_1130, %max3A_1187 : vector<16xf32>
      %min3A_1189 = vector.broadcast %add3A_622 : f32 to vector<16xf32>
      %min3A_1190 = arith.minimumf %get3A_1132, %min3A_1189 : vector<16xf32>
      %min3A_1191 = vector.broadcast %add3A_623 : f32 to vector<16xf32>
      %min3A_1192 = arith.minimumf %get3A_1134, %min3A_1191 : vector<16xf32>
      %sub3A_1193 = arith.subf %min3A_1190, %max3A_1186 : vector<16xf32>
      %max3A_1194 = arith.constant 0.000000e+00 : f32
      %max3A_1195 = vector.broadcast %max3A_1194 : f32 to vector<16xf32>
      %max3A_1196 = arith.maximumf %sub3A_1193, %max3A_1195 : vector<16xf32>
      %sub3A_1197 = arith.subf %min3A_1192, %max3A_1188 : vector<16xf32>
      %max3A_1198 = arith.constant 0.000000e+00 : f32
      %max3A_1199 = vector.broadcast %max3A_1198 : f32 to vector<16xf32>
      %max3A_1200 = arith.maximumf %sub3A_1197, %max3A_1199 : vector<16xf32>
      %mul3A_1201 = arith.mulf %max3A_1196, %max3A_1200 : vector<16xf32>
      %add3A_1202 = vector.broadcast %mul3A_624 : f32 to vector<16xf32>
      %add3A_1203 = arith.addf %get3A_1136, %add3A_1202 : vector<16xf32>
      %sub3A_1204 = arith.subf %add3A_1203, %mul3A_1201 : vector<16xf32>
      %div3A_1205 = arith.divf %mul3A_1201, %sub3A_1204 : vector<16xf32>
      %gt3A_1206 = arith.cmpf ogt, %div3A_1205, %select_n3A_1090 : vector<16xf32>
      %select_n3A_1207 = arith.select %gt3A_1206, %div3A_1205, %select_n3A_1090 : vector<16xi1>, vector<16xf32>
      %select_n3A_1208 = arith.select %gt3A_1206, %add3A_1124, %select_n3A_1091 : vector<16xi1>, vector<16xi32>
      %max3A_1209 = vector.broadcast %squeeze3A_626 : f32 to vector<16xf32>
      %max3A_1210 = arith.maximumf %get3A_1128, %max3A_1209 : vector<16xf32>
      %max3A_1211 = vector.broadcast %squeeze3A_628 : f32 to vector<16xf32>
      %max3A_1212 = arith.maximumf %get3A_1130, %max3A_1211 : vector<16xf32>
      %min3A_1213 = vector.broadcast %add3A_633 : f32 to vector<16xf32>
      %min3A_1214 = arith.minimumf %get3A_1132, %min3A_1213 : vector<16xf32>
      %min3A_1215 = vector.broadcast %add3A_634 : f32 to vector<16xf32>
      %min3A_1216 = arith.minimumf %get3A_1134, %min3A_1215 : vector<16xf32>
      %sub3A_1217 = arith.subf %min3A_1214, %max3A_1210 : vector<16xf32>
      %max3A_1218 = arith.constant 0.000000e+00 : f32
      %max3A_1219 = vector.broadcast %max3A_1218 : f32 to vector<16xf32>
      %max3A_1220 = arith.maximumf %sub3A_1217, %max3A_1219 : vector<16xf32>
      %sub3A_1221 = arith.subf %min3A_1216, %max3A_1212 : vector<16xf32>
      %max3A_1222 = arith.constant 0.000000e+00 : f32
      %max3A_1223 = vector.broadcast %max3A_1222 : f32 to vector<16xf32>
      %max3A_1224 = arith.maximumf %sub3A_1221, %max3A_1223 : vector<16xf32>
      %mul3A_1225 = arith.mulf %max3A_1220, %max3A_1224 : vector<16xf32>
      %add3A_1226 = vector.broadcast %mul3A_635 : f32 to vector<16xf32>
      %add3A_1227 = arith.addf %get3A_1136, %add3A_1226 : vector<16xf32>
      %sub3A_1228 = arith.subf %add3A_1227, %mul3A_1225 : vector<16xf32>
      %div3A_1229 = arith.divf %mul3A_1225, %sub3A_1228 : vector<16xf32>
      %gt3A_1230 = arith.cmpf ogt, %div3A_1229, %select_n3A_1114 : vector<16xf32>
      %select_n3A_1231 = arith.select %gt3A_1230, %div3A_1229, %select_n3A_1114 : vector<16xi1>, vector<16xf32>
      %select_n3A_1232 = arith.select %gt3A_1230, %add3A_1124, %select_n3A_1115 : vector<16xi1>, vector<16xi32>
      scf.yield %select_n3A_1159, %select_n3A_1160, %select_n3A_1183, %select_n3A_1184, %select_n3A_1207, %select_n3A_1208, %select_n3A_1231, %select_n3A_1232 : vector<16xf32>, vector<16xi32>, vector<16xf32>, vector<16xi32>, vector<16xf32>, vector<16xi32>, vector<16xf32>, vector<16xi32>
    }
    %scan3A_653 = arith.constant 160 : i32
    %reduce_max3A_654 = arith.constant true
    %reduce_max3A_655 = vector.broadcast %reduce_max3A_654 : i1 to vector<16xi1>
    %reduce_max3A_656 = tpu.scan <max>, %scan3A_652#0 masked %reduce_max3A_655 : vector<16xf32>, vector<16xi1> -> vector<16xf32>
    %reduce_max3A_657 = vector.extract %reduce_max3A_656[15] : f32 from vector<16xf32>
    %eq3A_658 = vector.broadcast %reduce_max3A_657 : f32 to vector<16xf32>
    %eq3A_659 = arith.cmpf oeq, %scan3A_652#0, %eq3A_658 : vector<16xf32>
    %jit3A_660 = arith.constant 1073741824 : i32
    %broadcast_in_dim3A_661 = vector.broadcast %jit3A_660 : i32 to vector<16xi32>
    %select_n3A_662 = arith.select %eq3A_659, %scan3A_652#1, %broadcast_in_dim3A_661 : vector<16xi1>, vector<16xi32>
    %reduce_min3A_663 = arith.constant true
    %reduce_min3A_664 = vector.broadcast %reduce_min3A_663 : i1 to vector<16xi1>
    %reduce_min3A_665 = arith.constant -2147483648 : i32
    %reduce_min3A_666 = vector.broadcast %reduce_min3A_665 : i32 to vector<16xi32>
    %reduce_min3A_667 = arith.xori %select_n3A_662, %reduce_min3A_666 : vector<16xi32>
    %reduce_min3A_668 = tpu.scan <min>, %reduce_min3A_667 masked %reduce_min3A_664 : vector<16xi32>, vector<16xi1> -> vector<16xi32>
    %reduce_min3A_669 = arith.xori %reduce_min3A_668, %reduce_min3A_666 : vector<16xi32>
    %reduce_min3A_670 = vector.extract %reduce_min3A_669[15] : i32 from vector<16xi32>
    %eq3A_671 = arith.constant 12 : i32
    %eq3A_672 = vector.broadcast %eq3A_671 : i32 to vector<16xi32>
    %eq3A_673 = arith.cmpi eq, %iota3A, %eq3A_672 : vector<16xi32>
    %broadcast_in_dim3A_674 = vector.broadcast %reduce_max3A_657 : f32 to vector<16xf32>
    %select_n3A_675 = arith.select %eq3A_673, %broadcast_in_dim3A_674, %select_n3A_586 : vector<16xi1>, vector<16xf32>
    %eq3A_676 = arith.constant 12 : i32
    %eq3A_677 = vector.broadcast %eq3A_676 : i32 to vector<16xi32>
    %eq3A_678 = arith.cmpi eq, %iota3A, %eq3A_677 : vector<16xi32>
    %broadcast_in_dim3A_679 = vector.broadcast %reduce_min3A_670 : i32 to vector<16xi32>
    %select_n3A_680 = arith.select %eq3A_678, %broadcast_in_dim3A_679, %select_n3A_591 : vector<16xi1>, vector<16xi32>
    %reduce_max3A_681 = arith.constant true
    %reduce_max3A_682 = vector.broadcast %reduce_max3A_681 : i1 to vector<16xi1>
    %reduce_max3A_683 = tpu.scan <max>, %scan3A_652#2 masked %reduce_max3A_682 : vector<16xf32>, vector<16xi1> -> vector<16xf32>
    %reduce_max3A_684 = vector.extract %reduce_max3A_683[15] : f32 from vector<16xf32>
    %eq3A_685 = vector.broadcast %reduce_max3A_684 : f32 to vector<16xf32>
    %eq3A_686 = arith.cmpf oeq, %scan3A_652#2, %eq3A_685 : vector<16xf32>
    %jit3A_687 = arith.constant 1073741824 : i32
    %broadcast_in_dim3A_688 = vector.broadcast %jit3A_687 : i32 to vector<16xi32>
    %select_n3A_689 = arith.select %eq3A_686, %scan3A_652#3, %broadcast_in_dim3A_688 : vector<16xi1>, vector<16xi32>
    %reduce_min3A_690 = arith.constant true
    %reduce_min3A_691 = vector.broadcast %reduce_min3A_690 : i1 to vector<16xi1>
    %reduce_min3A_692 = arith.constant -2147483648 : i32
    %reduce_min3A_693 = vector.broadcast %reduce_min3A_692 : i32 to vector<16xi32>
    %reduce_min3A_694 = arith.xori %select_n3A_689, %reduce_min3A_693 : vector<16xi32>
    %reduce_min3A_695 = tpu.scan <min>, %reduce_min3A_694 masked %reduce_min3A_691 : vector<16xi32>, vector<16xi1> -> vector<16xi32>
    %reduce_min3A_696 = arith.xori %reduce_min3A_695, %reduce_min3A_693 : vector<16xi32>
    %reduce_min3A_697 = vector.extract %reduce_min3A_696[15] : i32 from vector<16xi32>
    %eq3A_698 = arith.constant 13 : i32
    %eq3A_699 = vector.broadcast %eq3A_698 : i32 to vector<16xi32>
    %eq3A_700 = arith.cmpi eq, %iota3A, %eq3A_699 : vector<16xi32>
    %broadcast_in_dim3A_701 = vector.broadcast %reduce_max3A_684 : f32 to vector<16xf32>
    %select_n3A_702 = arith.select %eq3A_700, %broadcast_in_dim3A_701, %select_n3A_675 : vector<16xi1>, vector<16xf32>
    %eq3A_703 = arith.constant 13 : i32
    %eq3A_704 = vector.broadcast %eq3A_703 : i32 to vector<16xi32>
    %eq3A_705 = arith.cmpi eq, %iota3A, %eq3A_704 : vector<16xi32>
    %broadcast_in_dim3A_706 = vector.broadcast %reduce_min3A_697 : i32 to vector<16xi32>
    %select_n3A_707 = arith.select %eq3A_705, %broadcast_in_dim3A_706, %select_n3A_680 : vector<16xi1>, vector<16xi32>
    %reduce_max3A_708 = arith.constant true
    %reduce_max3A_709 = vector.broadcast %reduce_max3A_708 : i1 to vector<16xi1>
    %reduce_max3A_710 = tpu.scan <max>, %scan3A_652#4 masked %reduce_max3A_709 : vector<16xf32>, vector<16xi1> -> vector<16xf32>
    %reduce_max3A_711 = vector.extract %reduce_max3A_710[15] : f32 from vector<16xf32>
    %eq3A_712 = vector.broadcast %reduce_max3A_711 : f32 to vector<16xf32>
    %eq3A_713 = arith.cmpf oeq, %scan3A_652#4, %eq3A_712 : vector<16xf32>
    %jit3A_714 = arith.constant 1073741824 : i32
    %broadcast_in_dim3A_715 = vector.broadcast %jit3A_714 : i32 to vector<16xi32>
    %select_n3A_716 = arith.select %eq3A_713, %scan3A_652#5, %broadcast_in_dim3A_715 : vector<16xi1>, vector<16xi32>
    %reduce_min3A_717 = arith.constant true
    %reduce_min3A_718 = vector.broadcast %reduce_min3A_717 : i1 to vector<16xi1>
    %reduce_min3A_719 = arith.constant -2147483648 : i32
    %reduce_min3A_720 = vector.broadcast %reduce_min3A_719 : i32 to vector<16xi32>
    %reduce_min3A_721 = arith.xori %select_n3A_716, %reduce_min3A_720 : vector<16xi32>
    %reduce_min3A_722 = tpu.scan <min>, %reduce_min3A_721 masked %reduce_min3A_718 : vector<16xi32>, vector<16xi1> -> vector<16xi32>
    %reduce_min3A_723 = arith.xori %reduce_min3A_722, %reduce_min3A_720 : vector<16xi32>
    %reduce_min3A_724 = vector.extract %reduce_min3A_723[15] : i32 from vector<16xi32>
    %eq3A_725 = arith.constant 14 : i32
    %eq3A_726 = vector.broadcast %eq3A_725 : i32 to vector<16xi32>
    %eq3A_727 = arith.cmpi eq, %iota3A, %eq3A_726 : vector<16xi32>
    %broadcast_in_dim3A_728 = vector.broadcast %reduce_max3A_711 : f32 to vector<16xf32>
    %select_n3A_729 = arith.select %eq3A_727, %broadcast_in_dim3A_728, %select_n3A_702 : vector<16xi1>, vector<16xf32>
    %eq3A_730 = arith.constant 14 : i32
    %eq3A_731 = vector.broadcast %eq3A_730 : i32 to vector<16xi32>
    %eq3A_732 = arith.cmpi eq, %iota3A, %eq3A_731 : vector<16xi32>
    %broadcast_in_dim3A_733 = vector.broadcast %reduce_min3A_724 : i32 to vector<16xi32>
    %select_n3A_734 = arith.select %eq3A_732, %broadcast_in_dim3A_733, %select_n3A_707 : vector<16xi1>, vector<16xi32>
    %reduce_max3A_735 = arith.constant true
    %reduce_max3A_736 = vector.broadcast %reduce_max3A_735 : i1 to vector<16xi1>
    %reduce_max3A_737 = tpu.scan <max>, %scan3A_652#6 masked %reduce_max3A_736 : vector<16xf32>, vector<16xi1> -> vector<16xf32>
    %reduce_max3A_738 = vector.extract %reduce_max3A_737[15] : f32 from vector<16xf32>
    %eq3A_739 = vector.broadcast %reduce_max3A_738 : f32 to vector<16xf32>
    %eq3A_740 = arith.cmpf oeq, %scan3A_652#6, %eq3A_739 : vector<16xf32>
    %jit3A_741 = arith.constant 1073741824 : i32
    %broadcast_in_dim3A_742 = vector.broadcast %jit3A_741 : i32 to vector<16xi32>
    %select_n3A_743 = arith.select %eq3A_740, %scan3A_652#7, %broadcast_in_dim3A_742 : vector<16xi1>, vector<16xi32>
    %reduce_min3A_744 = arith.constant true
    %reduce_min3A_745 = vector.broadcast %reduce_min3A_744 : i1 to vector<16xi1>
    %reduce_min3A_746 = arith.constant -2147483648 : i32
    %reduce_min3A_747 = vector.broadcast %reduce_min3A_746 : i32 to vector<16xi32>
    %reduce_min3A_748 = arith.xori %select_n3A_743, %reduce_min3A_747 : vector<16xi32>
    %reduce_min3A_749 = tpu.scan <min>, %reduce_min3A_748 masked %reduce_min3A_745 : vector<16xi32>, vector<16xi1> -> vector<16xi32>
    %reduce_min3A_750 = arith.xori %reduce_min3A_749, %reduce_min3A_747 : vector<16xi32>
    %reduce_min3A_751 = vector.extract %reduce_min3A_750[15] : i32 from vector<16xi32>
    %eq3A_752 = arith.constant 15 : i32
    %eq3A_753 = vector.broadcast %eq3A_752 : i32 to vector<16xi32>
    %eq3A_754 = arith.cmpi eq, %iota3A, %eq3A_753 : vector<16xi32>
    %broadcast_in_dim3A_755 = vector.broadcast %reduce_max3A_738 : f32 to vector<16xf32>
    %select_n3A_756 = arith.select %eq3A_754, %broadcast_in_dim3A_755, %select_n3A_729 : vector<16xi1>, vector<16xf32>
    %eq3A_757 = arith.constant 15 : i32
    %eq3A_758 = vector.broadcast %eq3A_757 : i32 to vector<16xi32>
    %eq3A_759 = arith.cmpi eq, %iota3A, %eq3A_758 : vector<16xi32>
    %broadcast_in_dim3A_760 = vector.broadcast %reduce_min3A_751 : i32 to vector<16xi32>
    %select_n3A_761 = arith.select %eq3A_759, %broadcast_in_dim3A_760, %select_n3A_734 : vector<16xi1>, vector<16xi32>
    %slice3A_762 = vector.extract_strided_slice %get3A_68 {offsets = [0], sizes = [1], strides = [1]} : vector<16xf32> to vector<1xf32>
    %squeeze3A_763 = vector.extract %slice3A_762[0] : f32 from vector<1xf32>
    %slice3A_764 = vector.extract_strided_slice %get3A_72 {offsets = [0], sizes = [1], strides = [1]} : vector<16xf32> to vector<1xf32>
    %squeeze3A_765 = vector.extract %slice3A_764[0] : f32 from vector<1xf32>
    %slice3A_766 = vector.extract_strided_slice %get3A_76 {offsets = [0], sizes = [1], strides = [1]} : vector<16xf32> to vector<1xf32>
    %squeeze3A_767 = vector.extract %slice3A_766[0] : f32 from vector<1xf32>
    %slice3A_768 = vector.extract_strided_slice %get3A_80 {offsets = [0], sizes = [1], strides = [1]} : vector<16xf32> to vector<1xf32>
    %squeeze3A_769 = vector.extract %slice3A_768[0] : f32 from vector<1xf32>
    %add3A_770 = arith.addf %squeeze3A_763, %squeeze3A_767 : f32
    %add3A_771 = arith.addf %squeeze3A_765, %squeeze3A_769 : f32
    %mul3A_772 = arith.mulf %squeeze3A_767, %squeeze3A_769 : f32
    %slice3A_773 = vector.extract_strided_slice %get3A_68 {offsets = [1], sizes = [1], strides = [1]} : vector<16xf32> to vector<1xf32>
    %squeeze3A_774 = vector.extract %slice3A_773[0] : f32 from vector<1xf32>
    %slice3A_775 = vector.extract_strided_slice %get3A_72 {offsets = [1], sizes = [1], strides = [1]} : vector<16xf32> to vector<1xf32>
    %squeeze3A_776 = vector.extract %slice3A_775[0] : f32 from vector<1xf32>
    %slice3A_777 = vector.extract_strided_slice %get3A_76 {offsets = [1], sizes = [1], strides = [1]} : vector<16xf32> to vector<1xf32>
    %squeeze3A_778 = vector.extract %slice3A_777[0] : f32 from vector<1xf32>
    %slice3A_779 = vector.extract_strided_slice %get3A_80 {offsets = [1], sizes = [1], strides = [1]} : vector<16xf32> to vector<1xf32>
    %squeeze3A_780 = vector.extract %slice3A_779[0] : f32 from vector<1xf32>
    %add3A_781 = arith.addf %squeeze3A_774, %squeeze3A_778 : f32
    %add3A_782 = arith.addf %squeeze3A_776, %squeeze3A_780 : f32
    %mul3A_783 = arith.mulf %squeeze3A_778, %squeeze3A_780 : f32
    %slice3A_784 = vector.extract_strided_slice %get3A_68 {offsets = [2], sizes = [1], strides = [1]} : vector<16xf32> to vector<1xf32>
    %squeeze3A_785 = vector.extract %slice3A_784[0] : f32 from vector<1xf32>
    %slice3A_786 = vector.extract_strided_slice %get3A_72 {offsets = [2], sizes = [1], strides = [1]} : vector<16xf32> to vector<1xf32>
    %squeeze3A_787 = vector.extract %slice3A_786[0] : f32 from vector<1xf32>
    %slice3A_788 = vector.extract_strided_slice %get3A_76 {offsets = [2], sizes = [1], strides = [1]} : vector<16xf32> to vector<1xf32>
    %squeeze3A_789 = vector.extract %slice3A_788[0] : f32 from vector<1xf32>
    %slice3A_790 = vector.extract_strided_slice %get3A_80 {offsets = [2], sizes = [1], strides = [1]} : vector<16xf32> to vector<1xf32>
    %squeeze3A_791 = vector.extract %slice3A_790[0] : f32 from vector<1xf32>
    %add3A_792 = arith.addf %squeeze3A_785, %squeeze3A_789 : f32
    %add3A_793 = arith.addf %squeeze3A_787, %squeeze3A_791 : f32
    %mul3A_794 = arith.mulf %squeeze3A_789, %squeeze3A_791 : f32
    %slice3A_795 = vector.extract_strided_slice %get3A_68 {offsets = [3], sizes = [1], strides = [1]} : vector<16xf32> to vector<1xf32>
    %squeeze3A_796 = vector.extract %slice3A_795[0] : f32 from vector<1xf32>
    %slice3A_797 = vector.extract_strided_slice %get3A_72 {offsets = [3], sizes = [1], strides = [1]} : vector<16xf32> to vector<1xf32>
    %squeeze3A_798 = vector.extract %slice3A_797[0] : f32 from vector<1xf32>
    %slice3A_799 = vector.extract_strided_slice %get3A_76 {offsets = [3], sizes = [1], strides = [1]} : vector<16xf32> to vector<1xf32>
    %squeeze3A_800 = vector.extract %slice3A_799[0] : f32 from vector<1xf32>
    %slice3A_801 = vector.extract_strided_slice %get3A_80 {offsets = [3], sizes = [1], strides = [1]} : vector<16xf32> to vector<1xf32>
    %squeeze3A_802 = vector.extract %slice3A_801[0] : f32 from vector<1xf32>
    %add3A_803 = arith.addf %squeeze3A_796, %squeeze3A_800 : f32
    %add3A_804 = arith.addf %squeeze3A_798, %squeeze3A_802 : f32
    %mul3A_805 = arith.mulf %squeeze3A_800, %squeeze3A_802 : f32
    %broadcast_in_dim3A_806 = arith.constant -1.000000e+00 : f32
    %broadcast_in_dim3A_807 = vector.broadcast %broadcast_in_dim3A_806 : f32 to vector<16xf32>
    %broadcast_in_dim3A_808 = vector.broadcast %mul3A_32 : i32 to vector<16xi32>
    %broadcast_in_dim3A_809 = arith.constant -1.000000e+00 : f32
    %broadcast_in_dim3A_810 = vector.broadcast %broadcast_in_dim3A_809 : f32 to vector<16xf32>
    %broadcast_in_dim3A_811 = vector.broadcast %mul3A_32 : i32 to vector<16xi32>
    %broadcast_in_dim3A_812 = arith.constant -1.000000e+00 : f32
    %broadcast_in_dim3A_813 = vector.broadcast %broadcast_in_dim3A_812 : f32 to vector<16xf32>
    %broadcast_in_dim3A_814 = vector.broadcast %mul3A_32 : i32 to vector<16xi32>
    %broadcast_in_dim3A_815 = arith.constant -1.000000e+00 : f32
    %broadcast_in_dim3A_816 = vector.broadcast %broadcast_in_dim3A_815 : f32 to vector<16xf32>
    %broadcast_in_dim3A_817 = vector.broadcast %mul3A_32 : i32 to vector<16xi32>
    %scan3A_818 = arith.constant 0 : i32
    %scan3A_819 = arith.constant 160 : i32
    %scan3A_820 = arith.addi %scan3A_818, %scan3A_819 : i32
    %scan3A_821 = arith.constant 2 : i32
    %scan3A_822:8 = scf.for %scan3A_995 = %scan3A_818 to %scan3A_820 step %scan3A_821 iter_args(%scan3A_996 = %broadcast_in_dim3A_807, %scan3A_997 = %broadcast_in_dim3A_808, %scan3A_998 = %broadcast_in_dim3A_810, %scan3A_999 = %broadcast_in_dim3A_811, %scan3A_1000 = %broadcast_in_dim3A_813, %scan3A_1001 = %broadcast_in_dim3A_814, %scan3A_1002 = %broadcast_in_dim3A_816, %scan3A_1003 = %broadcast_in_dim3A_817) -> (vector<16xf32>, vector<16xi32>, vector<16xf32>, vector<16xi32>, vector<16xf32>, vector<16xi32>, vector<16xf32>, vector<16xi32>)  : i32 {
      %add3A_1004 = arith.constant 0 : i32
      %add3A_1005 = arith.addi %scan3A_995, %add3A_1004 : i32
      %mul3A_1006 = arith.constant 16 : i32
      %mul3A_1007 = arith.muli %add3A_1005, %mul3A_1006 : i32
      %add3A_1008 = arith.addi %mul3A_32, %mul3A_1007 : i32
      %add3A_1009 = vector.broadcast %add3A_1008 : i32 to vector<16xi32>
      %add3A_1010 = arith.addi %add3A_1009, %iota3A : vector<16xi32>
      %mul3A_1011 = arith.constant 16 : i32
      %mul3A_1012 = arith.muli %add3A_1005, %mul3A_1011 : i32
      %get3A_1013 = arith.index_cast %mul3A_1012 : i32 to index
      %get3A_1014 = tpu.vector_load %arg5[%get3A_1013] {strides = array<i32>} : memref<2560xf32, #tpu.memory_space<vmem>>, vector<16xf32>,
      %get3A_1015 = arith.index_cast %mul3A_1012 : i32 to index
      %get3A_1016 = tpu.vector_load %arg6[%get3A_1015] {strides = array<i32>} : memref<2560xf32, #tpu.memory_space<vmem>>, vector<16xf32>,
      %get3A_1017 = arith.index_cast %mul3A_1012 : i32 to index
      %get3A_1018 = tpu.vector_load %arg10[%get3A_1017] {strides = array<i32>} : memref<2560xf32, #tpu.memory_space<vmem>>, vector<16xf32>,
      %get3A_1019 = arith.index_cast %mul3A_1012 : i32 to index
      %get3A_1020 = tpu.vector_load %arg11[%get3A_1019] {strides = array<i32>} : memref<2560xf32, #tpu.memory_space<vmem>>, vector<16xf32>,
      %get3A_1021 = arith.index_cast %mul3A_1012 : i32 to index
      %get3A_1022 = tpu.vector_load %arg12[%get3A_1021] {strides = array<i32>} : memref<2560xf32, #tpu.memory_space<vmem>>, vector<16xf32>,
      %max3A = vector.broadcast %squeeze3A_763 : f32 to vector<16xf32>
      %max3A_1023 = arith.maximumf %get3A_1014, %max3A : vector<16xf32>
      %max3A_1024 = vector.broadcast %squeeze3A_765 : f32 to vector<16xf32>
      %max3A_1025 = arith.maximumf %get3A_1016, %max3A_1024 : vector<16xf32>
      %min3A = vector.broadcast %add3A_770 : f32 to vector<16xf32>
      %min3A_1026 = arith.minimumf %get3A_1018, %min3A : vector<16xf32>
      %min3A_1027 = vector.broadcast %add3A_771 : f32 to vector<16xf32>
      %min3A_1028 = arith.minimumf %get3A_1020, %min3A_1027 : vector<16xf32>
      %sub3A_1029 = arith.subf %min3A_1026, %max3A_1023 : vector<16xf32>
      %max3A_1030 = arith.constant 0.000000e+00 : f32
      %max3A_1031 = vector.broadcast %max3A_1030 : f32 to vector<16xf32>
      %max3A_1032 = arith.maximumf %sub3A_1029, %max3A_1031 : vector<16xf32>
      %sub3A_1033 = arith.subf %min3A_1028, %max3A_1025 : vector<16xf32>
      %max3A_1034 = arith.constant 0.000000e+00 : f32
      %max3A_1035 = vector.broadcast %max3A_1034 : f32 to vector<16xf32>
      %max3A_1036 = arith.maximumf %sub3A_1033, %max3A_1035 : vector<16xf32>
      %mul3A_1037 = arith.mulf %max3A_1032, %max3A_1036 : vector<16xf32>
      %add3A_1038 = vector.broadcast %mul3A_772 : f32 to vector<16xf32>
      %add3A_1039 = arith.addf %get3A_1022, %add3A_1038 : vector<16xf32>
      %sub3A_1040 = arith.subf %add3A_1039, %mul3A_1037 : vector<16xf32>
      %div3A_1041 = arith.divf %mul3A_1037, %sub3A_1040 : vector<16xf32>
      %gt3A = arith.cmpf ogt, %div3A_1041, %scan3A_996 : vector<16xf32>
      %select_n3A_1042 = arith.select %gt3A, %div3A_1041, %scan3A_996 : vector<16xi1>, vector<16xf32>
      %select_n3A_1043 = arith.select %gt3A, %add3A_1010, %scan3A_997 : vector<16xi1>, vector<16xi32>
      %max3A_1044 = vector.broadcast %squeeze3A_774 : f32 to vector<16xf32>
      %max3A_1045 = arith.maximumf %get3A_1014, %max3A_1044 : vector<16xf32>
      %max3A_1046 = vector.broadcast %squeeze3A_776 : f32 to vector<16xf32>
      %max3A_1047 = arith.maximumf %get3A_1016, %max3A_1046 : vector<16xf32>
      %min3A_1048 = vector.broadcast %add3A_781 : f32 to vector<16xf32>
      %min3A_1049 = arith.minimumf %get3A_1018, %min3A_1048 : vector<16xf32>
      %min3A_1050 = vector.broadcast %add3A_782 : f32 to vector<16xf32>
      %min3A_1051 = arith.minimumf %get3A_1020, %min3A_1050 : vector<16xf32>
      %sub3A_1052 = arith.subf %min3A_1049, %max3A_1045 : vector<16xf32>
      %max3A_1053 = arith.constant 0.000000e+00 : f32
      %max3A_1054 = vector.broadcast %max3A_1053 : f32 to vector<16xf32>
      %max3A_1055 = arith.maximumf %sub3A_1052, %max3A_1054 : vector<16xf32>
      %sub3A_1056 = arith.subf %min3A_1051, %max3A_1047 : vector<16xf32>
      %max3A_1057 = arith.constant 0.000000e+00 : f32
      %max3A_1058 = vector.broadcast %max3A_1057 : f32 to vector<16xf32>
      %max3A_1059 = arith.maximumf %sub3A_1056, %max3A_1058 : vector<16xf32>
      %mul3A_1060 = arith.mulf %max3A_1055, %max3A_1059 : vector<16xf32>
      %add3A_1061 = vector.broadcast %mul3A_783 : f32 to vector<16xf32>
      %add3A_1062 = arith.addf %get3A_1022, %add3A_1061 : vector<16xf32>
      %sub3A_1063 = arith.subf %add3A_1062, %mul3A_1060 : vector<16xf32>
      %div3A_1064 = arith.divf %mul3A_1060, %sub3A_1063 : vector<16xf32>
      %gt3A_1065 = arith.cmpf ogt, %div3A_1064, %scan3A_998 : vector<16xf32>
      %select_n3A_1066 = arith.select %gt3A_1065, %div3A_1064, %scan3A_998 : vector<16xi1>, vector<16xf32>
      %select_n3A_1067 = arith.select %gt3A_1065, %add3A_1010, %scan3A_999 : vector<16xi1>, vector<16xi32>
      %max3A_1068 = vector.broadcast %squeeze3A_785 : f32 to vector<16xf32>
      %max3A_1069 = arith.maximumf %get3A_1014, %max3A_1068 : vector<16xf32>
      %max3A_1070 = vector.broadcast %squeeze3A_787 : f32 to vector<16xf32>
      %max3A_1071 = arith.maximumf %get3A_1016, %max3A_1070 : vector<16xf32>
      %min3A_1072 = vector.broadcast %add3A_792 : f32 to vector<16xf32>
      %min3A_1073 = arith.minimumf %get3A_1018, %min3A_1072 : vector<16xf32>
      %min3A_1074 = vector.broadcast %add3A_793 : f32 to vector<16xf32>
      %min3A_1075 = arith.minimumf %get3A_1020, %min3A_1074 : vector<16xf32>
      %sub3A_1076 = arith.subf %min3A_1073, %max3A_1069 : vector<16xf32>
      %max3A_1077 = arith.constant 0.000000e+00 : f32
      %max3A_1078 = vector.broadcast %max3A_1077 : f32 to vector<16xf32>
      %max3A_1079 = arith.maximumf %sub3A_1076, %max3A_1078 : vector<16xf32>
      %sub3A_1080 = arith.subf %min3A_1075, %max3A_1071 : vector<16xf32>
      %max3A_1081 = arith.constant 0.000000e+00 : f32
      %max3A_1082 = vector.broadcast %max3A_1081 : f32 to vector<16xf32>
      %max3A_1083 = arith.maximumf %sub3A_1080, %max3A_1082 : vector<16xf32>
      %mul3A_1084 = arith.mulf %max3A_1079, %max3A_1083 : vector<16xf32>
      %add3A_1085 = vector.broadcast %mul3A_794 : f32 to vector<16xf32>
      %add3A_1086 = arith.addf %get3A_1022, %add3A_1085 : vector<16xf32>
      %sub3A_1087 = arith.subf %add3A_1086, %mul3A_1084 : vector<16xf32>
      %div3A_1088 = arith.divf %mul3A_1084, %sub3A_1087 : vector<16xf32>
      %gt3A_1089 = arith.cmpf ogt, %div3A_1088, %scan3A_1000 : vector<16xf32>
      %select_n3A_1090 = arith.select %gt3A_1089, %div3A_1088, %scan3A_1000 : vector<16xi1>, vector<16xf32>
      %select_n3A_1091 = arith.select %gt3A_1089, %add3A_1010, %scan3A_1001 : vector<16xi1>, vector<16xi32>
      %max3A_1092 = vector.broadcast %squeeze3A_796 : f32 to vector<16xf32>
      %max3A_1093 = arith.maximumf %get3A_1014, %max3A_1092 : vector<16xf32>
      %max3A_1094 = vector.broadcast %squeeze3A_798 : f32 to vector<16xf32>
      %max3A_1095 = arith.maximumf %get3A_1016, %max3A_1094 : vector<16xf32>
      %min3A_1096 = vector.broadcast %add3A_803 : f32 to vector<16xf32>
      %min3A_1097 = arith.minimumf %get3A_1018, %min3A_1096 : vector<16xf32>
      %min3A_1098 = vector.broadcast %add3A_804 : f32 to vector<16xf32>
      %min3A_1099 = arith.minimumf %get3A_1020, %min3A_1098 : vector<16xf32>
      %sub3A_1100 = arith.subf %min3A_1097, %max3A_1093 : vector<16xf32>
      %max3A_1101 = arith.constant 0.000000e+00 : f32
      %max3A_1102 = vector.broadcast %max3A_1101 : f32 to vector<16xf32>
      %max3A_1103 = arith.maximumf %sub3A_1100, %max3A_1102 : vector<16xf32>
      %sub3A_1104 = arith.subf %min3A_1099, %max3A_1095 : vector<16xf32>
      %max3A_1105 = arith.constant 0.000000e+00 : f32
      %max3A_1106 = vector.broadcast %max3A_1105 : f32 to vector<16xf32>
      %max3A_1107 = arith.maximumf %sub3A_1104, %max3A_1106 : vector<16xf32>
      %mul3A_1108 = arith.mulf %max3A_1103, %max3A_1107 : vector<16xf32>
      %add3A_1109 = vector.broadcast %mul3A_805 : f32 to vector<16xf32>
      %add3A_1110 = arith.addf %get3A_1022, %add3A_1109 : vector<16xf32>
      %sub3A_1111 = arith.subf %add3A_1110, %mul3A_1108 : vector<16xf32>
      %div3A_1112 = arith.divf %mul3A_1108, %sub3A_1111 : vector<16xf32>
      %gt3A_1113 = arith.cmpf ogt, %div3A_1112, %scan3A_1002 : vector<16xf32>
      %select_n3A_1114 = arith.select %gt3A_1113, %div3A_1112, %scan3A_1002 : vector<16xi1>, vector<16xf32>
      %select_n3A_1115 = arith.select %gt3A_1113, %add3A_1010, %scan3A_1003 : vector<16xi1>, vector<16xi32>
      %scan3A_1116 = arith.constant 1 : i32
      %scan3A_1117 = arith.addi %scan3A_995, %scan3A_1116 : i32
      %add3A_1118 = arith.constant 0 : i32
      %add3A_1119 = arith.addi %scan3A_1117, %add3A_1118 : i32
      %mul3A_1120 = arith.constant 16 : i32
      %mul3A_1121 = arith.muli %add3A_1119, %mul3A_1120 : i32
      %add3A_1122 = arith.addi %mul3A_32, %mul3A_1121 : i32
      %add3A_1123 = vector.broadcast %add3A_1122 : i32 to vector<16xi32>
      %add3A_1124 = arith.addi %add3A_1123, %iota3A : vector<16xi32>
      %mul3A_1125 = arith.constant 16 : i32
      %mul3A_1126 = arith.muli %add3A_1119, %mul3A_1125 : i32
      %get3A_1127 = arith.index_cast %mul3A_1126 : i32 to index
      %get3A_1128 = tpu.vector_load %arg5[%get3A_1127] {strides = array<i32>} : memref<2560xf32, #tpu.memory_space<vmem>>, vector<16xf32>,
      %get3A_1129 = arith.index_cast %mul3A_1126 : i32 to index
      %get3A_1130 = tpu.vector_load %arg6[%get3A_1129] {strides = array<i32>} : memref<2560xf32, #tpu.memory_space<vmem>>, vector<16xf32>,
      %get3A_1131 = arith.index_cast %mul3A_1126 : i32 to index
      %get3A_1132 = tpu.vector_load %arg10[%get3A_1131] {strides = array<i32>} : memref<2560xf32, #tpu.memory_space<vmem>>, vector<16xf32>,
      %get3A_1133 = arith.index_cast %mul3A_1126 : i32 to index
      %get3A_1134 = tpu.vector_load %arg11[%get3A_1133] {strides = array<i32>} : memref<2560xf32, #tpu.memory_space<vmem>>, vector<16xf32>,
      %get3A_1135 = arith.index_cast %mul3A_1126 : i32 to index
      %get3A_1136 = tpu.vector_load %arg12[%get3A_1135] {strides = array<i32>} : memref<2560xf32, #tpu.memory_space<vmem>>, vector<16xf32>,
      %max3A_1137 = vector.broadcast %squeeze3A_763 : f32 to vector<16xf32>
      %max3A_1138 = arith.maximumf %get3A_1128, %max3A_1137 : vector<16xf32>
      %max3A_1139 = vector.broadcast %squeeze3A_765 : f32 to vector<16xf32>
      %max3A_1140 = arith.maximumf %get3A_1130, %max3A_1139 : vector<16xf32>
      %min3A_1141 = vector.broadcast %add3A_770 : f32 to vector<16xf32>
      %min3A_1142 = arith.minimumf %get3A_1132, %min3A_1141 : vector<16xf32>
      %min3A_1143 = vector.broadcast %add3A_771 : f32 to vector<16xf32>
      %min3A_1144 = arith.minimumf %get3A_1134, %min3A_1143 : vector<16xf32>
      %sub3A_1145 = arith.subf %min3A_1142, %max3A_1138 : vector<16xf32>
      %max3A_1146 = arith.constant 0.000000e+00 : f32
      %max3A_1147 = vector.broadcast %max3A_1146 : f32 to vector<16xf32>
      %max3A_1148 = arith.maximumf %sub3A_1145, %max3A_1147 : vector<16xf32>
      %sub3A_1149 = arith.subf %min3A_1144, %max3A_1140 : vector<16xf32>
      %max3A_1150 = arith.constant 0.000000e+00 : f32
      %max3A_1151 = vector.broadcast %max3A_1150 : f32 to vector<16xf32>
      %max3A_1152 = arith.maximumf %sub3A_1149, %max3A_1151 : vector<16xf32>
      %mul3A_1153 = arith.mulf %max3A_1148, %max3A_1152 : vector<16xf32>
      %add3A_1154 = vector.broadcast %mul3A_772 : f32 to vector<16xf32>
      %add3A_1155 = arith.addf %get3A_1136, %add3A_1154 : vector<16xf32>
      %sub3A_1156 = arith.subf %add3A_1155, %mul3A_1153 : vector<16xf32>
      %div3A_1157 = arith.divf %mul3A_1153, %sub3A_1156 : vector<16xf32>
      %gt3A_1158 = arith.cmpf ogt, %div3A_1157, %select_n3A_1042 : vector<16xf32>
      %select_n3A_1159 = arith.select %gt3A_1158, %div3A_1157, %select_n3A_1042 : vector<16xi1>, vector<16xf32>
      %select_n3A_1160 = arith.select %gt3A_1158, %add3A_1124, %select_n3A_1043 : vector<16xi1>, vector<16xi32>
      %max3A_1161 = vector.broadcast %squeeze3A_774 : f32 to vector<16xf32>
      %max3A_1162 = arith.maximumf %get3A_1128, %max3A_1161 : vector<16xf32>
      %max3A_1163 = vector.broadcast %squeeze3A_776 : f32 to vector<16xf32>
      %max3A_1164 = arith.maximumf %get3A_1130, %max3A_1163 : vector<16xf32>
      %min3A_1165 = vector.broadcast %add3A_781 : f32 to vector<16xf32>
      %min3A_1166 = arith.minimumf %get3A_1132, %min3A_1165 : vector<16xf32>
      %min3A_1167 = vector.broadcast %add3A_782 : f32 to vector<16xf32>
      %min3A_1168 = arith.minimumf %get3A_1134, %min3A_1167 : vector<16xf32>
      %sub3A_1169 = arith.subf %min3A_1166, %max3A_1162 : vector<16xf32>
      %max3A_1170 = arith.constant 0.000000e+00 : f32
      %max3A_1171 = vector.broadcast %max3A_1170 : f32 to vector<16xf32>
      %max3A_1172 = arith.maximumf %sub3A_1169, %max3A_1171 : vector<16xf32>
      %sub3A_1173 = arith.subf %min3A_1168, %max3A_1164 : vector<16xf32>
      %max3A_1174 = arith.constant 0.000000e+00 : f32
      %max3A_1175 = vector.broadcast %max3A_1174 : f32 to vector<16xf32>
      %max3A_1176 = arith.maximumf %sub3A_1173, %max3A_1175 : vector<16xf32>
      %mul3A_1177 = arith.mulf %max3A_1172, %max3A_1176 : vector<16xf32>
      %add3A_1178 = vector.broadcast %mul3A_783 : f32 to vector<16xf32>
      %add3A_1179 = arith.addf %get3A_1136, %add3A_1178 : vector<16xf32>
      %sub3A_1180 = arith.subf %add3A_1179, %mul3A_1177 : vector<16xf32>
      %div3A_1181 = arith.divf %mul3A_1177, %sub3A_1180 : vector<16xf32>
      %gt3A_1182 = arith.cmpf ogt, %div3A_1181, %select_n3A_1066 : vector<16xf32>
      %select_n3A_1183 = arith.select %gt3A_1182, %div3A_1181, %select_n3A_1066 : vector<16xi1>, vector<16xf32>
      %select_n3A_1184 = arith.select %gt3A_1182, %add3A_1124, %select_n3A_1067 : vector<16xi1>, vector<16xi32>
      %max3A_1185 = vector.broadcast %squeeze3A_785 : f32 to vector<16xf32>
      %max3A_1186 = arith.maximumf %get3A_1128, %max3A_1185 : vector<16xf32>
      %max3A_1187 = vector.broadcast %squeeze3A_787 : f32 to vector<16xf32>
      %max3A_1188 = arith.maximumf %get3A_1130, %max3A_1187 : vector<16xf32>
      %min3A_1189 = vector.broadcast %add3A_792 : f32 to vector<16xf32>
      %min3A_1190 = arith.minimumf %get3A_1132, %min3A_1189 : vector<16xf32>
      %min3A_1191 = vector.broadcast %add3A_793 : f32 to vector<16xf32>
      %min3A_1192 = arith.minimumf %get3A_1134, %min3A_1191 : vector<16xf32>
      %sub3A_1193 = arith.subf %min3A_1190, %max3A_1186 : vector<16xf32>
      %max3A_1194 = arith.constant 0.000000e+00 : f32
      %max3A_1195 = vector.broadcast %max3A_1194 : f32 to vector<16xf32>
      %max3A_1196 = arith.maximumf %sub3A_1193, %max3A_1195 : vector<16xf32>
      %sub3A_1197 = arith.subf %min3A_1192, %max3A_1188 : vector<16xf32>
      %max3A_1198 = arith.constant 0.000000e+00 : f32
      %max3A_1199 = vector.broadcast %max3A_1198 : f32 to vector<16xf32>
      %max3A_1200 = arith.maximumf %sub3A_1197, %max3A_1199 : vector<16xf32>
      %mul3A_1201 = arith.mulf %max3A_1196, %max3A_1200 : vector<16xf32>
      %add3A_1202 = vector.broadcast %mul3A_794 : f32 to vector<16xf32>
      %add3A_1203 = arith.addf %get3A_1136, %add3A_1202 : vector<16xf32>
      %sub3A_1204 = arith.subf %add3A_1203, %mul3A_1201 : vector<16xf32>
      %div3A_1205 = arith.divf %mul3A_1201, %sub3A_1204 : vector<16xf32>
      %gt3A_1206 = arith.cmpf ogt, %div3A_1205, %select_n3A_1090 : vector<16xf32>
      %select_n3A_1207 = arith.select %gt3A_1206, %div3A_1205, %select_n3A_1090 : vector<16xi1>, vector<16xf32>
      %select_n3A_1208 = arith.select %gt3A_1206, %add3A_1124, %select_n3A_1091 : vector<16xi1>, vector<16xi32>
      %max3A_1209 = vector.broadcast %squeeze3A_796 : f32 to vector<16xf32>
      %max3A_1210 = arith.maximumf %get3A_1128, %max3A_1209 : vector<16xf32>
      %max3A_1211 = vector.broadcast %squeeze3A_798 : f32 to vector<16xf32>
      %max3A_1212 = arith.maximumf %get3A_1130, %max3A_1211 : vector<16xf32>
      %min3A_1213 = vector.broadcast %add3A_803 : f32 to vector<16xf32>
      %min3A_1214 = arith.minimumf %get3A_1132, %min3A_1213 : vector<16xf32>
      %min3A_1215 = vector.broadcast %add3A_804 : f32 to vector<16xf32>
      %min3A_1216 = arith.minimumf %get3A_1134, %min3A_1215 : vector<16xf32>
      %sub3A_1217 = arith.subf %min3A_1214, %max3A_1210 : vector<16xf32>
      %max3A_1218 = arith.constant 0.000000e+00 : f32
      %max3A_1219 = vector.broadcast %max3A_1218 : f32 to vector<16xf32>
      %max3A_1220 = arith.maximumf %sub3A_1217, %max3A_1219 : vector<16xf32>
      %sub3A_1221 = arith.subf %min3A_1216, %max3A_1212 : vector<16xf32>
      %max3A_1222 = arith.constant 0.000000e+00 : f32
      %max3A_1223 = vector.broadcast %max3A_1222 : f32 to vector<16xf32>
      %max3A_1224 = arith.maximumf %sub3A_1221, %max3A_1223 : vector<16xf32>
      %mul3A_1225 = arith.mulf %max3A_1220, %max3A_1224 : vector<16xf32>
      %add3A_1226 = vector.broadcast %mul3A_805 : f32 to vector<16xf32>
      %add3A_1227 = arith.addf %get3A_1136, %add3A_1226 : vector<16xf32>
      %sub3A_1228 = arith.subf %add3A_1227, %mul3A_1225 : vector<16xf32>
      %div3A_1229 = arith.divf %mul3A_1225, %sub3A_1228 : vector<16xf32>
      %gt3A_1230 = arith.cmpf ogt, %div3A_1229, %select_n3A_1114 : vector<16xf32>
      %select_n3A_1231 = arith.select %gt3A_1230, %div3A_1229, %select_n3A_1114 : vector<16xi1>, vector<16xf32>
      %select_n3A_1232 = arith.select %gt3A_1230, %add3A_1124, %select_n3A_1115 : vector<16xi1>, vector<16xi32>
      scf.yield %select_n3A_1159, %select_n3A_1160, %select_n3A_1183, %select_n3A_1184, %select_n3A_1207, %select_n3A_1208, %select_n3A_1231, %select_n3A_1232 : vector<16xf32>, vector<16xi32>, vector<16xf32>, vector<16xi32>, vector<16xf32>, vector<16xi32>, vector<16xf32>, vector<16xi32>
    }
    %scan3A_823 = arith.constant 160 : i32
    %reduce_max3A_824 = arith.constant true
    %reduce_max3A_825 = vector.broadcast %reduce_max3A_824 : i1 to vector<16xi1>
    %reduce_max3A_826 = tpu.scan <max>, %scan3A_822#0 masked %reduce_max3A_825 : vector<16xf32>, vector<16xi1> -> vector<16xf32>
    %reduce_max3A_827 = vector.extract %reduce_max3A_826[15] : f32 from vector<16xf32>
    %eq3A_828 = vector.broadcast %reduce_max3A_827 : f32 to vector<16xf32>
    %eq3A_829 = arith.cmpf oeq, %scan3A_822#0, %eq3A_828 : vector<16xf32>
    %jit3A_830 = arith.constant 1073741824 : i32
    %broadcast_in_dim3A_831 = vector.broadcast %jit3A_830 : i32 to vector<16xi32>
    %select_n3A_832 = arith.select %eq3A_829, %scan3A_822#1, %broadcast_in_dim3A_831 : vector<16xi1>, vector<16xi32>
    %reduce_min3A_833 = arith.constant true
    %reduce_min3A_834 = vector.broadcast %reduce_min3A_833 : i1 to vector<16xi1>
    %reduce_min3A_835 = arith.constant -2147483648 : i32
    %reduce_min3A_836 = vector.broadcast %reduce_min3A_835 : i32 to vector<16xi32>
    %reduce_min3A_837 = arith.xori %select_n3A_832, %reduce_min3A_836 : vector<16xi32>
    %reduce_min3A_838 = tpu.scan <min>, %reduce_min3A_837 masked %reduce_min3A_834 : vector<16xi32>, vector<16xi1> -> vector<16xi32>
    %reduce_min3A_839 = arith.xori %reduce_min3A_838, %reduce_min3A_836 : vector<16xi32>
    %reduce_min3A_840 = vector.extract %reduce_min3A_839[15] : i32 from vector<16xi32>
    %eq3A_841 = arith.constant 0 : i32
    %eq3A_842 = vector.broadcast %eq3A_841 : i32 to vector<16xi32>
    %eq3A_843 = arith.cmpi eq, %iota3A, %eq3A_842 : vector<16xi32>
    %broadcast_in_dim3A_844 = vector.broadcast %reduce_max3A_827 : f32 to vector<16xf32>
    %select_n3A_845 = arith.select %eq3A_843, %broadcast_in_dim3A_844, %broadcast_in_dim3A_83 : vector<16xi1>, vector<16xf32>
    %eq3A_846 = arith.constant 0 : i32
    %eq3A_847 = vector.broadcast %eq3A_846 : i32 to vector<16xi32>
    %eq3A_848 = arith.cmpi eq, %iota3A, %eq3A_847 : vector<16xi32>
    %broadcast_in_dim3A_849 = vector.broadcast %reduce_min3A_840 : i32 to vector<16xi32>
    %select_n3A_850 = arith.select %eq3A_848, %broadcast_in_dim3A_849, %broadcast_in_dim3A_85 : vector<16xi1>, vector<16xi32>
    %reduce_max3A_851 = arith.constant true
    %reduce_max3A_852 = vector.broadcast %reduce_max3A_851 : i1 to vector<16xi1>
    %reduce_max3A_853 = tpu.scan <max>, %scan3A_822#2 masked %reduce_max3A_852 : vector<16xf32>, vector<16xi1> -> vector<16xf32>
    %reduce_max3A_854 = vector.extract %reduce_max3A_853[15] : f32 from vector<16xf32>
    %eq3A_855 = vector.broadcast %reduce_max3A_854 : f32 to vector<16xf32>
    %eq3A_856 = arith.cmpf oeq, %scan3A_822#2, %eq3A_855 : vector<16xf32>
    %jit3A_857 = arith.constant 1073741824 : i32
    %broadcast_in_dim3A_858 = vector.broadcast %jit3A_857 : i32 to vector<16xi32>
    %select_n3A_859 = arith.select %eq3A_856, %scan3A_822#3, %broadcast_in_dim3A_858 : vector<16xi1>, vector<16xi32>
    %reduce_min3A_860 = arith.constant true
    %reduce_min3A_861 = vector.broadcast %reduce_min3A_860 : i1 to vector<16xi1>
    %reduce_min3A_862 = arith.constant -2147483648 : i32
    %reduce_min3A_863 = vector.broadcast %reduce_min3A_862 : i32 to vector<16xi32>
    %reduce_min3A_864 = arith.xori %select_n3A_859, %reduce_min3A_863 : vector<16xi32>
    %reduce_min3A_865 = tpu.scan <min>, %reduce_min3A_864 masked %reduce_min3A_861 : vector<16xi32>, vector<16xi1> -> vector<16xi32>
    %reduce_min3A_866 = arith.xori %reduce_min3A_865, %reduce_min3A_863 : vector<16xi32>
    %reduce_min3A_867 = vector.extract %reduce_min3A_866[15] : i32 from vector<16xi32>
    %eq3A_868 = arith.constant 1 : i32
    %eq3A_869 = vector.broadcast %eq3A_868 : i32 to vector<16xi32>
    %eq3A_870 = arith.cmpi eq, %iota3A, %eq3A_869 : vector<16xi32>
    %broadcast_in_dim3A_871 = vector.broadcast %reduce_max3A_854 : f32 to vector<16xf32>
    %select_n3A_872 = arith.select %eq3A_870, %broadcast_in_dim3A_871, %select_n3A_845 : vector<16xi1>, vector<16xf32>
    %eq3A_873 = arith.constant 1 : i32
    %eq3A_874 = vector.broadcast %eq3A_873 : i32 to vector<16xi32>
    %eq3A_875 = arith.cmpi eq, %iota3A, %eq3A_874 : vector<16xi32>
    %broadcast_in_dim3A_876 = vector.broadcast %reduce_min3A_867 : i32 to vector<16xi32>
    %select_n3A_877 = arith.select %eq3A_875, %broadcast_in_dim3A_876, %select_n3A_850 : vector<16xi1>, vector<16xi32>
    %reduce_max3A_878 = arith.constant true
    %reduce_max3A_879 = vector.broadcast %reduce_max3A_878 : i1 to vector<16xi1>
    %reduce_max3A_880 = tpu.scan <max>, %scan3A_822#4 masked %reduce_max3A_879 : vector<16xf32>, vector<16xi1> -> vector<16xf32>
    %reduce_max3A_881 = vector.extract %reduce_max3A_880[15] : f32 from vector<16xf32>
    %eq3A_882 = vector.broadcast %reduce_max3A_881 : f32 to vector<16xf32>
    %eq3A_883 = arith.cmpf oeq, %scan3A_822#4, %eq3A_882 : vector<16xf32>
    %jit3A_884 = arith.constant 1073741824 : i32
    %broadcast_in_dim3A_885 = vector.broadcast %jit3A_884 : i32 to vector<16xi32>
    %select_n3A_886 = arith.select %eq3A_883, %scan3A_822#5, %broadcast_in_dim3A_885 : vector<16xi1>, vector<16xi32>
    %reduce_min3A_887 = arith.constant true
    %reduce_min3A_888 = vector.broadcast %reduce_min3A_887 : i1 to vector<16xi1>
    %reduce_min3A_889 = arith.constant -2147483648 : i32
    %reduce_min3A_890 = vector.broadcast %reduce_min3A_889 : i32 to vector<16xi32>
    %reduce_min3A_891 = arith.xori %select_n3A_886, %reduce_min3A_890 : vector<16xi32>
    %reduce_min3A_892 = tpu.scan <min>, %reduce_min3A_891 masked %reduce_min3A_888 : vector<16xi32>, vector<16xi1> -> vector<16xi32>
    %reduce_min3A_893 = arith.xori %reduce_min3A_892, %reduce_min3A_890 : vector<16xi32>
    %reduce_min3A_894 = vector.extract %reduce_min3A_893[15] : i32 from vector<16xi32>
    %eq3A_895 = arith.constant 2 : i32
    %eq3A_896 = vector.broadcast %eq3A_895 : i32 to vector<16xi32>
    %eq3A_897 = arith.cmpi eq, %iota3A, %eq3A_896 : vector<16xi32>
    %broadcast_in_dim3A_898 = vector.broadcast %reduce_max3A_881 : f32 to vector<16xf32>
    %select_n3A_899 = arith.select %eq3A_897, %broadcast_in_dim3A_898, %select_n3A_872 : vector<16xi1>, vector<16xf32>
    %eq3A_900 = arith.constant 2 : i32
    %eq3A_901 = vector.broadcast %eq3A_900 : i32 to vector<16xi32>
    %eq3A_902 = arith.cmpi eq, %iota3A, %eq3A_901 : vector<16xi32>
    %broadcast_in_dim3A_903 = vector.broadcast %reduce_min3A_894 : i32 to vector<16xi32>
    %select_n3A_904 = arith.select %eq3A_902, %broadcast_in_dim3A_903, %select_n3A_877 : vector<16xi1>, vector<16xi32>
    %reduce_max3A_905 = arith.constant true
    %reduce_max3A_906 = vector.broadcast %reduce_max3A_905 : i1 to vector<16xi1>
    %reduce_max3A_907 = tpu.scan <max>, %scan3A_822#6 masked %reduce_max3A_906 : vector<16xf32>, vector<16xi1> -> vector<16xf32>
    %reduce_max3A_908 = vector.extract %reduce_max3A_907[15] : f32 from vector<16xf32>
    %eq3A_909 = vector.broadcast %reduce_max3A_908 : f32 to vector<16xf32>
    %eq3A_910 = arith.cmpf oeq, %scan3A_822#6, %eq3A_909 : vector<16xf32>
    %jit3A_911 = arith.constant 1073741824 : i32
    %broadcast_in_dim3A_912 = vector.broadcast %jit3A_911 : i32 to vector<16xi32>
    %select_n3A_913 = arith.select %eq3A_910, %scan3A_822#7, %broadcast_in_dim3A_912 : vector<16xi1>, vector<16xi32>
    %reduce_min3A_914 = arith.constant true
    %reduce_min3A_915 = vector.broadcast %reduce_min3A_914 : i1 to vector<16xi1>
    %reduce_min3A_916 = arith.constant -2147483648 : i32
    %reduce_min3A_917 = vector.broadcast %reduce_min3A_916 : i32 to vector<16xi32>
    %reduce_min3A_918 = arith.xori %select_n3A_913, %reduce_min3A_917 : vector<16xi32>
    %reduce_min3A_919 = tpu.scan <min>, %reduce_min3A_918 masked %reduce_min3A_915 : vector<16xi32>, vector<16xi1> -> vector<16xi32>
    %reduce_min3A_920 = arith.xori %reduce_min3A_919, %reduce_min3A_917 : vector<16xi32>
    %reduce_min3A_921 = vector.extract %reduce_min3A_920[15] : i32 from vector<16xi32>
    %eq3A_922 = arith.constant 3 : i32
    %eq3A_923 = vector.broadcast %eq3A_922 : i32 to vector<16xi32>
    %eq3A_924 = arith.cmpi eq, %iota3A, %eq3A_923 : vector<16xi32>
    %broadcast_in_dim3A_925 = vector.broadcast %reduce_max3A_908 : f32 to vector<16xf32>
    %select_n3A_926 = arith.select %eq3A_924, %broadcast_in_dim3A_925, %select_n3A_899 : vector<16xi1>, vector<16xf32>
    %eq3A_927 = arith.constant 3 : i32
    %eq3A_928 = vector.broadcast %eq3A_927 : i32 to vector<16xi32>
    %eq3A_929 = arith.cmpi eq, %iota3A, %eq3A_928 : vector<16xi32>
    %broadcast_in_dim3A_930 = vector.broadcast %reduce_min3A_921 : i32 to vector<16xi32>
    %select_n3A_931 = arith.select %eq3A_929, %broadcast_in_dim3A_930, %select_n3A_904 : vector<16xi1>, vector<16xi32>
    %swap3A = arith.constant 0 : index
    %swap3A_932 = tpu.vector_load %arg14[%swap3A] {strides = array<i32>} : memref<384xf32, #tpu.memory_space<vmem>>, vector<16xf32>,
    tpu.vector_store %arg14[%swap3A], %select_n3A_756 {strides = array<i32>} : memref<384xf32, #tpu.memory_space<vmem>>, vector<16xf32>,
    %swap3A_933 = arith.constant 16 : index
    %swap3A_934 = tpu.vector_load %arg14[%swap3A_933] {strides = array<i32>} : memref<384xf32, #tpu.memory_space<vmem>>, vector<16xf32>,
    tpu.vector_store %arg14[%swap3A_933], %select_n3A_926 {strides = array<i32>} : memref<384xf32, #tpu.memory_space<vmem>>, vector<16xf32>,
    %swap3A_935 = arith.constant 0 : index
    %swap3A_936 = tpu.vector_load %arg15[%swap3A_935] {strides = array<i32>} : memref<32xi32, #tpu.memory_space<vmem>>, vector<16xi32>,
    tpu.vector_store %arg15[%swap3A_935], %select_n3A_761 {strides = array<i32>} : memref<32xi32, #tpu.memory_space<vmem>>, vector<16xi32>,
    %swap3A_937 = arith.constant 16 : index
    %swap3A_938 = tpu.vector_load %arg15[%swap3A_937] {strides = array<i32>} : memref<32xi32, #tpu.memory_space<vmem>>, vector<16xi32>,
    tpu.vector_store %arg15[%swap3A_937], %select_n3A_931 {strides = array<i32>} : memref<32xi32, #tpu.memory_space<vmem>>, vector<16xi32>,
    %sub3A_939 = vector.broadcast %mul3A_32 : i32 to vector<16xi32>
    %sub3A_940 = arith.subi %select_n3A_761, %sub3A_939 : vector<16xi32>
    %gather3A = tpu.vector_load_idx %arg5[%sub3A_940] : memref<2560xf32, #tpu.memory_space<vmem>>[vector<16xi32>], vector<16xf32>,
    %swap3A_941 = arith.constant 32 : index
    %swap3A_942 = tpu.vector_load %arg14[%swap3A_941] {strides = array<i32>} : memref<384xf32, #tpu.memory_space<vmem>>, vector<16xf32>,
    tpu.vector_store %arg14[%swap3A_941], %gather3A {strides = array<i32>} : memref<384xf32, #tpu.memory_space<vmem>>, vector<16xf32>,
    %gather3A_943 = tpu.vector_load_idx %arg6[%sub3A_940] : memref<2560xf32, #tpu.memory_space<vmem>>[vector<16xi32>], vector<16xf32>,
    %swap3A_944 = arith.constant 64 : index
    %swap3A_945 = tpu.vector_load %arg14[%swap3A_944] {strides = array<i32>} : memref<384xf32, #tpu.memory_space<vmem>>, vector<16xf32>,
    tpu.vector_store %arg14[%swap3A_944], %gather3A_943 {strides = array<i32>} : memref<384xf32, #tpu.memory_space<vmem>>, vector<16xf32>,
    %gather3A_946 = tpu.vector_load_idx %arg7[%sub3A_940] : memref<2560xf32, #tpu.memory_space<vmem>>[vector<16xi32>], vector<16xf32>,
    %swap3A_947 = arith.constant 96 : index
    %swap3A_948 = tpu.vector_load %arg14[%swap3A_947] {strides = array<i32>} : memref<384xf32, #tpu.memory_space<vmem>>, vector<16xf32>,
    tpu.vector_store %arg14[%swap3A_947], %gather3A_946 {strides = array<i32>} : memref<384xf32, #tpu.memory_space<vmem>>, vector<16xf32>,
    %gather3A_949 = tpu.vector_load_idx %arg8[%sub3A_940] : memref<2560xf32, #tpu.memory_space<vmem>>[vector<16xi32>], vector<16xf32>,
    %swap3A_950 = arith.constant 128 : index
    %swap3A_951 = tpu.vector_load %arg14[%swap3A_950] {strides = array<i32>} : memref<384xf32, #tpu.memory_space<vmem>>, vector<16xf32>,
    tpu.vector_store %arg14[%swap3A_950], %gather3A_949 {strides = array<i32>} : memref<384xf32, #tpu.memory_space<vmem>>, vector<16xf32>,
    %gather3A_952 = tpu.vector_load_idx %arg9[%sub3A_940] : memref<2560xf32, #tpu.memory_space<vmem>>[vector<16xi32>], vector<16xf32>,
    %swap3A_953 = arith.constant 160 : index
    %swap3A_954 = tpu.vector_load %arg14[%swap3A_953] {strides = array<i32>} : memref<384xf32, #tpu.memory_space<vmem>>, vector<16xf32>,
    tpu.vector_store %arg14[%swap3A_953], %gather3A_952 {strides = array<i32>} : memref<384xf32, #tpu.memory_space<vmem>>, vector<16xf32>,
    %sub3A_955 = vector.broadcast %mul3A_32 : i32 to vector<16xi32>
    %sub3A_956 = arith.subi %select_n3A_931, %sub3A_955 : vector<16xi32>
    %gather3A_957 = tpu.vector_load_idx %arg5[%sub3A_956] : memref<2560xf32, #tpu.memory_space<vmem>>[vector<16xi32>], vector<16xf32>,
    %swap3A_958 = arith.constant 48 : index
    %swap3A_959 = tpu.vector_load %arg14[%swap3A_958] {strides = array<i32>} : memref<384xf32, #tpu.memory_space<vmem>>, vector<16xf32>,
    tpu.vector_store %arg14[%swap3A_958], %gather3A_957 {strides = array<i32>} : memref<384xf32, #tpu.memory_space<vmem>>, vector<16xf32>,
    %gather3A_960 = tpu.vector_load_idx %arg6[%sub3A_956] : memref<2560xf32, #tpu.memory_space<vmem>>[vector<16xi32>], vector<16xf32>,
    %swap3A_961 = arith.constant 80 : index
    %swap3A_962 = tpu.vector_load %arg14[%swap3A_961] {strides = array<i32>} : memref<384xf32, #tpu.memory_space<vmem>>, vector<16xf32>,
    tpu.vector_store %arg14[%swap3A_961], %gather3A_960 {strides = array<i32>} : memref<384xf32, #tpu.memory_space<vmem>>, vector<16xf32>,
    %gather3A_963 = tpu.vector_load_idx %arg7[%sub3A_956] : memref<2560xf32, #tpu.memory_space<vmem>>[vector<16xi32>], vector<16xf32>,
    %swap3A_964 = arith.constant 112 : index
    %swap3A_965 = tpu.vector_load %arg14[%swap3A_964] {strides = array<i32>} : memref<384xf32, #tpu.memory_space<vmem>>, vector<16xf32>,
    tpu.vector_store %arg14[%swap3A_964], %gather3A_963 {strides = array<i32>} : memref<384xf32, #tpu.memory_space<vmem>>, vector<16xf32>,
    %gather3A_966 = tpu.vector_load_idx %arg8[%sub3A_956] : memref<2560xf32, #tpu.memory_space<vmem>>[vector<16xi32>], vector<16xf32>,
    %swap3A_967 = arith.constant 144 : index
    %swap3A_968 = tpu.vector_load %arg14[%swap3A_967] {strides = array<i32>} : memref<384xf32, #tpu.memory_space<vmem>>, vector<16xf32>,
    tpu.vector_store %arg14[%swap3A_967], %gather3A_966 {strides = array<i32>} : memref<384xf32, #tpu.memory_space<vmem>>, vector<16xf32>,
    %gather3A_969 = tpu.vector_load_idx %arg9[%sub3A_956] : memref<2560xf32, #tpu.memory_space<vmem>>[vector<16xi32>], vector<16xf32>,
    %swap3A_970 = arith.constant 176 : index
    %swap3A_971 = tpu.vector_load %arg14[%swap3A_970] {strides = array<i32>} : memref<384xf32, #tpu.memory_space<vmem>>, vector<16xf32>,
    tpu.vector_store %arg14[%swap3A_970], %gather3A_969 {strides = array<i32>} : memref<384xf32, #tpu.memory_space<vmem>>, vector<16xf32>,
    %mul3A_972 = arith.constant 384 : i32
    %mul3A_973 = arith.muli %arg1, %mul3A_972 : i32
    "tpu.region"() ({
      %run_scoped3A = tpu.sem_alloc : memref<!tpu.dma_semaphore, #tpu.memory_space<semaphore_mem>>
      %dma_start3A = tpu.memref_slice %arg19[%mul3A_973] : memref<6144xf32, #tpu.memory_space<vmem_shared>> -> memref<384xf32, #tpu.memory_space<vmem_shared>>
      %dma_start3A_995 = tpu.memref_slice %arg19[%mul3A_973] : memref<6144xf32, #tpu.memory_space<vmem_shared>> -> memref<384xf32, #tpu.memory_space<vmem_shared>>
      tpu.enqueue_dma source(%arg14 : memref<384xf32, #tpu.memory_space<vmem>>) target(%dma_start3A_995 : memref<384xf32, #tpu.memory_space<vmem_shared>>) target_semaphore(%run_scoped3A : memref<!tpu.dma_semaphore, #tpu.memory_space<semaphore_mem>>)
      %dma_wait3A = tpu.memref_slice %arg19[%mul3A_973] : memref<6144xf32, #tpu.memory_space<vmem_shared>> -> memref<384xf32, #tpu.memory_space<vmem_shared>>
      %dma_wait3A_996 = tpu.memref_slice %arg19[%mul3A_973] : memref<6144xf32, #tpu.memory_space<vmem_shared>> -> memref<384xf32, #tpu.memory_space<vmem_shared>>
      tpu.wait_dma2 semaphore(%run_scoped3A : memref<!tpu.dma_semaphore, #tpu.memory_space<semaphore_mem>>) src(%arg14 : memref<384xf32, #tpu.memory_space<vmem>>) dst(%dma_wait3A_996 : memref<384xf32, #tpu.memory_space<vmem_shared>>)
      tpu.yield
    }) : () -> ()
    %mul3A_974 = arith.constant 32 : i32
    %mul3A_975 = arith.muli %arg1, %mul3A_974 : i32
    "tpu.region"() ({
      %run_scoped3A = tpu.sem_alloc : memref<!tpu.dma_semaphore, #tpu.memory_space<semaphore_mem>>
      %dma_start3A = tpu.memref_slice %arg20[%mul3A_975] : memref<512xi32, #tpu.memory_space<vmem_shared>> -> memref<32xi32, #tpu.memory_space<vmem_shared>>
      %dma_start3A_995 = tpu.memref_slice %arg20[%mul3A_975] : memref<512xi32, #tpu.memory_space<vmem_shared>> -> memref<32xi32, #tpu.memory_space<vmem_shared>>
      tpu.enqueue_dma source(%arg15 : memref<32xi32, #tpu.memory_space<vmem>>) target(%dma_start3A_995 : memref<32xi32, #tpu.memory_space<vmem_shared>>) target_semaphore(%run_scoped3A : memref<!tpu.dma_semaphore, #tpu.memory_space<semaphore_mem>>)
      %dma_wait3A = tpu.memref_slice %arg20[%mul3A_975] : memref<512xi32, #tpu.memory_space<vmem_shared>> -> memref<32xi32, #tpu.memory_space<vmem_shared>>
      %dma_wait3A_996 = tpu.memref_slice %arg20[%mul3A_975] : memref<512xi32, #tpu.memory_space<vmem_shared>> -> memref<32xi32, #tpu.memory_space<vmem_shared>>
      tpu.wait_dma2 semaphore(%run_scoped3A : memref<!tpu.dma_semaphore, #tpu.memory_space<semaphore_mem>>) src(%arg15 : memref<32xi32, #tpu.memory_space<vmem>>) dst(%dma_wait3A_996 : memref<32xi32, #tpu.memory_space<vmem_shared>>)
      tpu.yield
    }) : () -> ()
    %barrier3A = arith.constant 0 : index
    tpu.barrier barrier_id(%barrier3A)
    %jit3A_976 = arith.constant 8 : i32
    %eq3A_977 = arith.constant 0 : i32
    %eq3A_978 = arith.cmpi eq, %jit3A_976, %eq3A_977 : i32
    %jit3A_979 = arith.constant 1 : i32
    %select_n3A_980 = arith.select %eq3A_978, %jit3A_979, %jit3A_976 : i32
    %rem3A_981 = arith.remsi %arg1, %select_n3A_980 : i32
    %ne3A_982 = arith.constant 0 : i32
    %ne3A_983 = arith.cmpi ne, %rem3A_981, %ne3A_982 : i32
    %lt3A_984 = arith.constant 0 : i32
    %lt3A_985 = arith.cmpi slt, %rem3A_981, %lt3A_984 : i32
    %lt3A_986 = arith.constant 0 : i32
    %lt3A_987 = arith.cmpi slt, %select_n3A_980, %lt3A_986 : i32
    %ne3A_988 = arith.xori %lt3A_985, %lt3A_987 : i1
    %and3A_989 = arith.andi %ne3A_988, %ne3A_983 : i1
    %add3A_990 = arith.addi %rem3A_981, %select_n3A_980 : i32
    %select_n3A_991 = arith.select %and3A_989, %add3A_990, %rem3A_981 : i32
    %eq3A_992 = arith.constant 0 : i32
    %eq3A_993 = arith.cmpi eq, %select_n3A_991, %eq3A_992 : i32
    %convert_element_type3A = arith.extui %eq3A_993 : i1 to i32
    %cond3A = arith.constant 0 : i32
    %cond3A_994 = arith.cmpi ne, %convert_element_type3A, %cond3A : i32
    scf.if %cond3A_994 {
      %mul3A_995 = arith.constant 384 : i32
      %mul3A_996 = arith.muli %arg1, %mul3A_995 : i32
      "tpu.region"() ({
        %run_scoped3A = tpu.sem_alloc : memref<!tpu.dma_semaphore, #tpu.memory_space<semaphore_mem>>
        %dma_start3A = tpu.memref_slice %arg19[%mul3A_996] : memref<6144xf32, #tpu.memory_space<vmem_shared>> -> memref<3072xf32, #tpu.memory_space<vmem_shared>>
        %dma_start3A_2208 = tpu.memref_slice %arg19[%mul3A_996] : memref<6144xf32, #tpu.memory_space<vmem_shared>> -> memref<3072xf32, #tpu.memory_space<vmem_shared>>
        tpu.enqueue_dma source(%dma_start3A_2208 : memref<3072xf32, #tpu.memory_space<vmem_shared>>) target(%arg16 : memref<3072xf32, #tpu.memory_space<vmem>>) target_semaphore(%run_scoped3A : memref<!tpu.dma_semaphore, #tpu.memory_space<semaphore_mem>>)
        %dma_wait3A = tpu.memref_slice %arg19[%mul3A_996] : memref<6144xf32, #tpu.memory_space<vmem_shared>> -> memref<3072xf32, #tpu.memory_space<vmem_shared>>
        %dma_wait3A_2209 = tpu.memref_slice %arg19[%mul3A_996] : memref<6144xf32, #tpu.memory_space<vmem_shared>> -> memref<3072xf32, #tpu.memory_space<vmem_shared>>
        tpu.wait_dma2 semaphore(%run_scoped3A : memref<!tpu.dma_semaphore, #tpu.memory_space<semaphore_mem>>) src(%dma_wait3A_2209 : memref<3072xf32, #tpu.memory_space<vmem_shared>>) dst(%arg16 : memref<3072xf32, #tpu.memory_space<vmem>>)
        tpu.yield
      }) : () -> ()
      %mul3A_997 = arith.constant 32 : i32
      %mul3A_998 = arith.muli %arg1, %mul3A_997 : i32
      "tpu.region"() ({
        %run_scoped3A = tpu.sem_alloc : memref<!tpu.dma_semaphore, #tpu.memory_space<semaphore_mem>>
        %dma_start3A = tpu.memref_slice %arg20[%mul3A_998] : memref<512xi32, #tpu.memory_space<vmem_shared>> -> memref<256xi32, #tpu.memory_space<vmem_shared>>
        %dma_start3A_2208 = tpu.memref_slice %arg20[%mul3A_998] : memref<512xi32, #tpu.memory_space<vmem_shared>> -> memref<256xi32, #tpu.memory_space<vmem_shared>>
        tpu.enqueue_dma source(%dma_start3A_2208 : memref<256xi32, #tpu.memory_space<vmem_shared>>) target(%arg17 : memref<256xi32, #tpu.memory_space<vmem>>) target_semaphore(%run_scoped3A : memref<!tpu.dma_semaphore, #tpu.memory_space<semaphore_mem>>)
        %dma_wait3A = tpu.memref_slice %arg20[%mul3A_998] : memref<512xi32, #tpu.memory_space<vmem_shared>> -> memref<256xi32, #tpu.memory_space<vmem_shared>>
        %dma_wait3A_2209 = tpu.memref_slice %arg20[%mul3A_998] : memref<512xi32, #tpu.memory_space<vmem_shared>> -> memref<256xi32, #tpu.memory_space<vmem_shared>>
        tpu.wait_dma2 semaphore(%run_scoped3A : memref<!tpu.dma_semaphore, #tpu.memory_space<semaphore_mem>>) src(%dma_wait3A_2209 : memref<256xi32, #tpu.memory_space<vmem_shared>>) dst(%arg17 : memref<256xi32, #tpu.memory_space<vmem>>)
        tpu.yield
      }) : () -> ()
      %broadcast_in_dim3A_999 = arith.constant -1.000000e+00 : f32
      %broadcast_in_dim3A_1000 = vector.broadcast %broadcast_in_dim3A_999 : f32 to vector<16xf32>
      %broadcast_in_dim3A_1001 = arith.constant -1.000000e+00 : f32
      %broadcast_in_dim3A_1002 = vector.broadcast %broadcast_in_dim3A_1001 : f32 to vector<16xf32>
      %broadcast_in_dim3A_1003 = arith.constant 0 : i32
      %broadcast_in_dim3A_1004 = vector.broadcast %broadcast_in_dim3A_1003 : i32 to vector<16xi32>
      %broadcast_in_dim3A_1005 = arith.constant 0 : i32
      %broadcast_in_dim3A_1006 = vector.broadcast %broadcast_in_dim3A_1005 : i32 to vector<16xi32>
      %broadcast_in_dim3A_1007 = arith.constant 0.000000e+00 : f32
      %broadcast_in_dim3A_1008 = vector.broadcast %broadcast_in_dim3A_1007 : f32 to vector<16xf32>
      %broadcast_in_dim3A_1009 = arith.constant 0.000000e+00 : f32
      %broadcast_in_dim3A_1010 = vector.broadcast %broadcast_in_dim3A_1009 : f32 to vector<16xf32>
      %broadcast_in_dim3A_1011 = arith.constant 0.000000e+00 : f32
      %broadcast_in_dim3A_1012 = vector.broadcast %broadcast_in_dim3A_1011 : f32 to vector<16xf32>
      %broadcast_in_dim3A_1013 = arith.constant 0.000000e+00 : f32
      %broadcast_in_dim3A_1014 = vector.broadcast %broadcast_in_dim3A_1013 : f32 to vector<16xf32>
      %broadcast_in_dim3A_1015 = arith.constant 0.000000e+00 : f32
      %broadcast_in_dim3A_1016 = vector.broadcast %broadcast_in_dim3A_1015 : f32 to vector<16xf32>
      %broadcast_in_dim3A_1017 = arith.constant 0.000000e+00 : f32
      %broadcast_in_dim3A_1018 = vector.broadcast %broadcast_in_dim3A_1017 : f32 to vector<16xf32>
      %broadcast_in_dim3A_1019 = arith.constant 0.000000e+00 : f32
      %broadcast_in_dim3A_1020 = vector.broadcast %broadcast_in_dim3A_1019 : f32 to vector<16xf32>
      %broadcast_in_dim3A_1021 = arith.constant 0.000000e+00 : f32
      %broadcast_in_dim3A_1022 = vector.broadcast %broadcast_in_dim3A_1021 : f32 to vector<16xf32>
      %broadcast_in_dim3A_1023 = arith.constant 0.000000e+00 : f32
      %broadcast_in_dim3A_1024 = vector.broadcast %broadcast_in_dim3A_1023 : f32 to vector<16xf32>
      %broadcast_in_dim3A_1025 = arith.constant 0.000000e+00 : f32
      %broadcast_in_dim3A_1026 = vector.broadcast %broadcast_in_dim3A_1025 : f32 to vector<16xf32>
      %get3A_1027 = arith.constant 0 : index
      %get3A_1028 = tpu.vector_load %arg16[%get3A_1027] {strides = array<i32>} : memref<3072xf32, #tpu.memory_space<vmem>>, vector<16xf32>,
      %get3A_1029 = arith.constant 0 : index
      %get3A_1030 = tpu.vector_load %arg17[%get3A_1029] {strides = array<i32>} : memref<256xi32, #tpu.memory_space<vmem>>, vector<16xi32>,
      %gt3A = arith.cmpf ogt, %get3A_1028, %broadcast_in_dim3A_1000 : vector<16xf32>
      %select_n3A_1031 = arith.select %gt3A, %get3A_1028, %broadcast_in_dim3A_1000 : vector<16xi1>, vector<16xf32>
      %select_n3A_1032 = arith.select %gt3A, %get3A_1030, %broadcast_in_dim3A_1004 : vector<16xi1>, vector<16xi32>
      %get3A_1033 = arith.constant 32 : index
      %get3A_1034 = tpu.vector_load %arg16[%get3A_1033] {strides = array<i32>} : memref<3072xf32, #tpu.memory_space<vmem>>, vector<16xf32>,
      %select_n3A_1035 = arith.select %gt3A, %get3A_1034, %broadcast_in_dim3A_1008 : vector<16xi1>, vector<16xf32>
      %get3A_1036 = arith.constant 64 : index
      %get3A_1037 = tpu.vector_load %arg16[%get3A_1036] {strides = array<i32>} : memref<3072xf32, #tpu.memory_space<vmem>>, vector<16xf32>,
      %select_n3A_1038 = arith.select %gt3A, %get3A_1037, %broadcast_in_dim3A_1012 : vector<16xi1>, vector<16xf32>
      %get3A_1039 = arith.constant 96 : index
      %get3A_1040 = tpu.vector_load %arg16[%get3A_1039] {strides = array<i32>} : memref<3072xf32, #tpu.memory_space<vmem>>, vector<16xf32>,
      %select_n3A_1041 = arith.select %gt3A, %get3A_1040, %broadcast_in_dim3A_1016 : vector<16xi1>, vector<16xf32>
      %get3A_1042 = arith.constant 128 : index
      %get3A_1043 = tpu.vector_load %arg16[%get3A_1042] {strides = array<i32>} : memref<3072xf32, #tpu.memory_space<vmem>>, vector<16xf32>,
      %select_n3A_1044 = arith.select %gt3A, %get3A_1043, %broadcast_in_dim3A_1020 : vector<16xi1>, vector<16xf32>
      %get3A_1045 = arith.constant 160 : index
      %get3A_1046 = tpu.vector_load %arg16[%get3A_1045] {strides = array<i32>} : memref<3072xf32, #tpu.memory_space<vmem>>, vector<16xf32>,
      %select_n3A_1047 = arith.select %gt3A, %get3A_1046, %broadcast_in_dim3A_1024 : vector<16xi1>, vector<16xf32>
      %get3A_1048 = arith.constant 16 : index
      %get3A_1049 = tpu.vector_load %arg16[%get3A_1048] {strides = array<i32>} : memref<3072xf32, #tpu.memory_space<vmem>>, vector<16xf32>,
      %get3A_1050 = arith.constant 16 : index
      %get3A_1051 = tpu.vector_load %arg17[%get3A_1050] {strides = array<i32>} : memref<256xi32, #tpu.memory_space<vmem>>, vector<16xi32>,
      %gt3A_1052 = arith.cmpf ogt, %get3A_1049, %broadcast_in_dim3A_1002 : vector<16xf32>
      %select_n3A_1053 = arith.select %gt3A_1052, %get3A_1049, %broadcast_in_dim3A_1002 : vector<16xi1>, vector<16xf32>
      %select_n3A_1054 = arith.select %gt3A_1052, %get3A_1051, %broadcast_in_dim3A_1006 : vector<16xi1>, vector<16xi32>
      %get3A_1055 = arith.constant 48 : index
      %get3A_1056 = tpu.vector_load %arg16[%get3A_1055] {strides = array<i32>} : memref<3072xf32, #tpu.memory_space<vmem>>, vector<16xf32>,
      %select_n3A_1057 = arith.select %gt3A_1052, %get3A_1056, %broadcast_in_dim3A_1010 : vector<16xi1>, vector<16xf32>
      %get3A_1058 = arith.constant 80 : index
      %get3A_1059 = tpu.vector_load %arg16[%get3A_1058] {strides = array<i32>} : memref<3072xf32, #tpu.memory_space<vmem>>, vector<16xf32>,
      %select_n3A_1060 = arith.select %gt3A_1052, %get3A_1059, %broadcast_in_dim3A_1014 : vector<16xi1>, vector<16xf32>
      %get3A_1061 = arith.constant 112 : index
      %get3A_1062 = tpu.vector_load %arg16[%get3A_1061] {strides = array<i32>} : memref<3072xf32, #tpu.memory_space<vmem>>, vector<16xf32>,
      %select_n3A_1063 = arith.select %gt3A_1052, %get3A_1062, %broadcast_in_dim3A_1018 : vector<16xi1>, vector<16xf32>
      %get3A_1064 = arith.constant 144 : index
      %get3A_1065 = tpu.vector_load %arg16[%get3A_1064] {strides = array<i32>} : memref<3072xf32, #tpu.memory_space<vmem>>, vector<16xf32>,
      %select_n3A_1066 = arith.select %gt3A_1052, %get3A_1065, %broadcast_in_dim3A_1022 : vector<16xi1>, vector<16xf32>
      %get3A_1067 = arith.constant 176 : index
      %get3A_1068 = tpu.vector_load %arg16[%get3A_1067] {strides = array<i32>} : memref<3072xf32, #tpu.memory_space<vmem>>, vector<16xf32>,
      %select_n3A_1069 = arith.select %gt3A_1052, %get3A_1068, %broadcast_in_dim3A_1026 : vector<16xi1>, vector<16xf32>
      %get3A_1070 = arith.constant 384 : index
      %get3A_1071 = tpu.vector_load %arg16[%get3A_1070] {strides = array<i32>} : memref<3072xf32, #tpu.memory_space<vmem>>, vector<16xf32>,
      %get3A_1072 = arith.constant 32 : index
      %get3A_1073 = tpu.vector_load %arg17[%get3A_1072] {strides = array<i32>} : memref<256xi32, #tpu.memory_space<vmem>>, vector<16xi32>,
      %gt3A_1074 = arith.cmpf ogt, %get3A_1071, %select_n3A_1031 : vector<16xf32>
      %select_n3A_1075 = arith.select %gt3A_1074, %get3A_1071, %select_n3A_1031 : vector<16xi1>, vector<16xf32>
      %select_n3A_1076 = arith.select %gt3A_1074, %get3A_1073, %select_n3A_1032 : vector<16xi1>, vector<16xi32>
      %get3A_1077 = arith.constant 416 : index
      %get3A_1078 = tpu.vector_load %arg16[%get3A_1077] {strides = array<i32>} : memref<3072xf32, #tpu.memory_space<vmem>>, vector<16xf32>,
      %select_n3A_1079 = arith.select %gt3A_1074, %get3A_1078, %select_n3A_1035 : vector<16xi1>, vector<16xf32>
      %get3A_1080 = arith.constant 448 : index
      %get3A_1081 = tpu.vector_load %arg16[%get3A_1080] {strides = array<i32>} : memref<3072xf32, #tpu.memory_space<vmem>>, vector<16xf32>,
      %select_n3A_1082 = arith.select %gt3A_1074, %get3A_1081, %select_n3A_1038 : vector<16xi1>, vector<16xf32>
      %get3A_1083 = arith.constant 480 : index
      %get3A_1084 = tpu.vector_load %arg16[%get3A_1083] {strides = array<i32>} : memref<3072xf32, #tpu.memory_space<vmem>>, vector<16xf32>,
      %select_n3A_1085 = arith.select %gt3A_1074, %get3A_1084, %select_n3A_1041 : vector<16xi1>, vector<16xf32>
      %get3A_1086 = arith.constant 512 : index
      %get3A_1087 = tpu.vector_load %arg16[%get3A_1086] {strides = array<i32>} : memref<3072xf32, #tpu.memory_space<vmem>>, vector<16xf32>,
      %select_n3A_1088 = arith.select %gt3A_1074, %get3A_1087, %select_n3A_1044 : vector<16xi1>, vector<16xf32>
      %get3A_1089 = arith.constant 544 : index
      %get3A_1090 = tpu.vector_load %arg16[%get3A_1089] {strides = array<i32>} : memref<3072xf32, #tpu.memory_space<vmem>>, vector<16xf32>,
      %select_n3A_1091 = arith.select %gt3A_1074, %get3A_1090, %select_n3A_1047 : vector<16xi1>, vector<16xf32>
      %get3A_1092 = arith.constant 400 : index
      %get3A_1093 = tpu.vector_load %arg16[%get3A_1092] {strides = array<i32>} : memref<3072xf32, #tpu.memory_space<vmem>>, vector<16xf32>,
      %get3A_1094 = arith.constant 48 : index
      %get3A_1095 = tpu.vector_load %arg17[%get3A_1094] {strides = array<i32>} : memref<256xi32, #tpu.memory_space<vmem>>, vector<16xi32>,
      %gt3A_1096 = arith.cmpf ogt, %get3A_1093, %select_n3A_1053 : vector<16xf32>
      %select_n3A_1097 = arith.select %gt3A_1096, %get3A_1093, %select_n3A_1053 : vector<16xi1>, vector<16xf32>
      %select_n3A_1098 = arith.select %gt3A_1096, %get3A_1095, %select_n3A_1054 : vector<16xi1>, vector<16xi32>
      %get3A_1099 = arith.constant 432 : index
      %get3A_1100 = tpu.vector_load %arg16[%get3A_1099] {strides = array<i32>} : memref<3072xf32, #tpu.memory_space<vmem>>, vector<16xf32>,
      %select_n3A_1101 = arith.select %gt3A_1096, %get3A_1100, %select_n3A_1057 : vector<16xi1>, vector<16xf32>
      %get3A_1102 = arith.constant 464 : index
      %get3A_1103 = tpu.vector_load %arg16[%get3A_1102] {strides = array<i32>} : memref<3072xf32, #tpu.memory_space<vmem>>, vector<16xf32>,
      %select_n3A_1104 = arith.select %gt3A_1096, %get3A_1103, %select_n3A_1060 : vector<16xi1>, vector<16xf32>
      %get3A_1105 = arith.constant 496 : index
      %get3A_1106 = tpu.vector_load %arg16[%get3A_1105] {strides = array<i32>} : memref<3072xf32, #tpu.memory_space<vmem>>, vector<16xf32>,
      %select_n3A_1107 = arith.select %gt3A_1096, %get3A_1106, %select_n3A_1063 : vector<16xi1>, vector<16xf32>
      %get3A_1108 = arith.constant 528 : index
      %get3A_1109 = tpu.vector_load %arg16[%get3A_1108] {strides = array<i32>} : memref<3072xf32, #tpu.memory_space<vmem>>, vector<16xf32>,
      %select_n3A_1110 = arith.select %gt3A_1096, %get3A_1109, %select_n3A_1066 : vector<16xi1>, vector<16xf32>
      %get3A_1111 = arith.constant 560 : index
      %get3A_1112 = tpu.vector_load %arg16[%get3A_1111] {strides = array<i32>} : memref<3072xf32, #tpu.memory_space<vmem>>, vector<16xf32>,
      %select_n3A_1113 = arith.select %gt3A_1096, %get3A_1112, %select_n3A_1069 : vector<16xi1>, vector<16xf32>
      %get3A_1114 = arith.constant 768 : index
      %get3A_1115 = tpu.vector_load %arg16[%get3A_1114] {strides = array<i32>} : memref<3072xf32, #tpu.memory_space<vmem>>, vector<16xf32>,
      %get3A_1116 = arith.constant 64 : index
      %get3A_1117 = tpu.vector_load %arg17[%get3A_1116] {strides = array<i32>} : memref<256xi32, #tpu.memory_space<vmem>>, vector<16xi32>,
      %gt3A_1118 = arith.cmpf ogt, %get3A_1115, %select_n3A_1075 : vector<16xf32>
      %select_n3A_1119 = arith.select %gt3A_1118, %get3A_1115, %select_n3A_1075 : vector<16xi1>, vector<16xf32>
      %select_n3A_1120 = arith.select %gt3A_1118, %get3A_1117, %select_n3A_1076 : vector<16xi1>, vector<16xi32>
      %get3A_1121 = arith.constant 800 : index
      %get3A_1122 = tpu.vector_load %arg16[%get3A_1121] {strides = array<i32>} : memref<3072xf32, #tpu.memory_space<vmem>>, vector<16xf32>,
      %select_n3A_1123 = arith.select %gt3A_1118, %get3A_1122, %select_n3A_1079 : vector<16xi1>, vector<16xf32>
      %get3A_1124 = arith.constant 832 : index
      %get3A_1125 = tpu.vector_load %arg16[%get3A_1124] {strides = array<i32>} : memref<3072xf32, #tpu.memory_space<vmem>>, vector<16xf32>,
      %select_n3A_1126 = arith.select %gt3A_1118, %get3A_1125, %select_n3A_1082 : vector<16xi1>, vector<16xf32>
      %get3A_1127 = arith.constant 864 : index
      %get3A_1128 = tpu.vector_load %arg16[%get3A_1127] {strides = array<i32>} : memref<3072xf32, #tpu.memory_space<vmem>>, vector<16xf32>,
      %select_n3A_1129 = arith.select %gt3A_1118, %get3A_1128, %select_n3A_1085 : vector<16xi1>, vector<16xf32>
      %get3A_1130 = arith.constant 896 : index
      %get3A_1131 = tpu.vector_load %arg16[%get3A_1130] {strides = array<i32>} : memref<3072xf32, #tpu.memory_space<vmem>>, vector<16xf32>,
      %select_n3A_1132 = arith.select %gt3A_1118, %get3A_1131, %select_n3A_1088 : vector<16xi1>, vector<16xf32>
      %get3A_1133 = arith.constant 928 : index
      %get3A_1134 = tpu.vector_load %arg16[%get3A_1133] {strides = array<i32>} : memref<3072xf32, #tpu.memory_space<vmem>>, vector<16xf32>,
      %select_n3A_1135 = arith.select %gt3A_1118, %get3A_1134, %select_n3A_1091 : vector<16xi1>, vector<16xf32>
      %get3A_1136 = arith.constant 784 : index
      %get3A_1137 = tpu.vector_load %arg16[%get3A_1136] {strides = array<i32>} : memref<3072xf32, #tpu.memory_space<vmem>>, vector<16xf32>,
      %get3A_1138 = arith.constant 80 : index
      %get3A_1139 = tpu.vector_load %arg17[%get3A_1138] {strides = array<i32>} : memref<256xi32, #tpu.memory_space<vmem>>, vector<16xi32>,
      %gt3A_1140 = arith.cmpf ogt, %get3A_1137, %select_n3A_1097 : vector<16xf32>
      %select_n3A_1141 = arith.select %gt3A_1140, %get3A_1137, %select_n3A_1097 : vector<16xi1>, vector<16xf32>
      %select_n3A_1142 = arith.select %gt3A_1140, %get3A_1139, %select_n3A_1098 : vector<16xi1>, vector<16xi32>
      %get3A_1143 = arith.constant 816 : index
      %get3A_1144 = tpu.vector_load %arg16[%get3A_1143] {strides = array<i32>} : memref<3072xf32, #tpu.memory_space<vmem>>, vector<16xf32>,
      %select_n3A_1145 = arith.select %gt3A_1140, %get3A_1144, %select_n3A_1101 : vector<16xi1>, vector<16xf32>
      %get3A_1146 = arith.constant 848 : index
      %get3A_1147 = tpu.vector_load %arg16[%get3A_1146] {strides = array<i32>} : memref<3072xf32, #tpu.memory_space<vmem>>, vector<16xf32>,
      %select_n3A_1148 = arith.select %gt3A_1140, %get3A_1147, %select_n3A_1104 : vector<16xi1>, vector<16xf32>
      %get3A_1149 = arith.constant 880 : index
      %get3A_1150 = tpu.vector_load %arg16[%get3A_1149] {strides = array<i32>} : memref<3072xf32, #tpu.memory_space<vmem>>, vector<16xf32>,
      %select_n3A_1151 = arith.select %gt3A_1140, %get3A_1150, %select_n3A_1107 : vector<16xi1>, vector<16xf32>
      %get3A_1152 = arith.constant 912 : index
      %get3A_1153 = tpu.vector_load %arg16[%get3A_1152] {strides = array<i32>} : memref<3072xf32, #tpu.memory_space<vmem>>, vector<16xf32>,
      %select_n3A_1154 = arith.select %gt3A_1140, %get3A_1153, %select_n3A_1110 : vector<16xi1>, vector<16xf32>
      %get3A_1155 = arith.constant 944 : index
      %get3A_1156 = tpu.vector_load %arg16[%get3A_1155] {strides = array<i32>} : memref<3072xf32, #tpu.memory_space<vmem>>, vector<16xf32>,
      %select_n3A_1157 = arith.select %gt3A_1140, %get3A_1156, %select_n3A_1113 : vector<16xi1>, vector<16xf32>
      %get3A_1158 = arith.constant 1152 : index
      %get3A_1159 = tpu.vector_load %arg16[%get3A_1158] {strides = array<i32>} : memref<3072xf32, #tpu.memory_space<vmem>>, vector<16xf32>,
      %get3A_1160 = arith.constant 96 : index
      %get3A_1161 = tpu.vector_load %arg17[%get3A_1160] {strides = array<i32>} : memref<256xi32, #tpu.memory_space<vmem>>, vector<16xi32>,
      %gt3A_1162 = arith.cmpf ogt, %get3A_1159, %select_n3A_1119 : vector<16xf32>
      %select_n3A_1163 = arith.select %gt3A_1162, %get3A_1159, %select_n3A_1119 : vector<16xi1>, vector<16xf32>
      %select_n3A_1164 = arith.select %gt3A_1162, %get3A_1161, %select_n3A_1120 : vector<16xi1>, vector<16xi32>
      %get3A_1165 = arith.constant 1184 : index
      %get3A_1166 = tpu.vector_load %arg16[%get3A_1165] {strides = array<i32>} : memref<3072xf32, #tpu.memory_space<vmem>>, vector<16xf32>,
      %select_n3A_1167 = arith.select %gt3A_1162, %get3A_1166, %select_n3A_1123 : vector<16xi1>, vector<16xf32>
      %get3A_1168 = arith.constant 1216 : index
      %get3A_1169 = tpu.vector_load %arg16[%get3A_1168] {strides = array<i32>} : memref<3072xf32, #tpu.memory_space<vmem>>, vector<16xf32>,
      %select_n3A_1170 = arith.select %gt3A_1162, %get3A_1169, %select_n3A_1126 : vector<16xi1>, vector<16xf32>
      %get3A_1171 = arith.constant 1248 : index
      %get3A_1172 = tpu.vector_load %arg16[%get3A_1171] {strides = array<i32>} : memref<3072xf32, #tpu.memory_space<vmem>>, vector<16xf32>,
      %select_n3A_1173 = arith.select %gt3A_1162, %get3A_1172, %select_n3A_1129 : vector<16xi1>, vector<16xf32>
      %get3A_1174 = arith.constant 1280 : index
      %get3A_1175 = tpu.vector_load %arg16[%get3A_1174] {strides = array<i32>} : memref<3072xf32, #tpu.memory_space<vmem>>, vector<16xf32>,
      %select_n3A_1176 = arith.select %gt3A_1162, %get3A_1175, %select_n3A_1132 : vector<16xi1>, vector<16xf32>
      %get3A_1177 = arith.constant 1312 : index
      %get3A_1178 = tpu.vector_load %arg16[%get3A_1177] {strides = array<i32>} : memref<3072xf32, #tpu.memory_space<vmem>>, vector<16xf32>,
      %select_n3A_1179 = arith.select %gt3A_1162, %get3A_1178, %select_n3A_1135 : vector<16xi1>, vector<16xf32>
      %get3A_1180 = arith.constant 1168 : index
      %get3A_1181 = tpu.vector_load %arg16[%get3A_1180] {strides = array<i32>} : memref<3072xf32, #tpu.memory_space<vmem>>, vector<16xf32>,
      %get3A_1182 = arith.constant 112 : index
      %get3A_1183 = tpu.vector_load %arg17[%get3A_1182] {strides = array<i32>} : memref<256xi32, #tpu.memory_space<vmem>>, vector<16xi32>,
      %gt3A_1184 = arith.cmpf ogt, %get3A_1181, %select_n3A_1141 : vector<16xf32>
      %select_n3A_1185 = arith.select %gt3A_1184, %get3A_1181, %select_n3A_1141 : vector<16xi1>, vector<16xf32>
      %select_n3A_1186 = arith.select %gt3A_1184, %get3A_1183, %select_n3A_1142 : vector<16xi1>, vector<16xi32>
      %get3A_1187 = arith.constant 1200 : index
      %get3A_1188 = tpu.vector_load %arg16[%get3A_1187] {strides = array<i32>} : memref<3072xf32, #tpu.memory_space<vmem>>, vector<16xf32>,
      %select_n3A_1189 = arith.select %gt3A_1184, %get3A_1188, %select_n3A_1145 : vector<16xi1>, vector<16xf32>
      %get3A_1190 = arith.constant 1232 : index
      %get3A_1191 = tpu.vector_load %arg16[%get3A_1190] {strides = array<i32>} : memref<3072xf32, #tpu.memory_space<vmem>>, vector<16xf32>,
      %select_n3A_1192 = arith.select %gt3A_1184, %get3A_1191, %select_n3A_1148 : vector<16xi1>, vector<16xf32>
      %get3A_1193 = arith.constant 1264 : index
      %get3A_1194 = tpu.vector_load %arg16[%get3A_1193] {strides = array<i32>} : memref<3072xf32, #tpu.memory_space<vmem>>, vector<16xf32>,
      %select_n3A_1195 = arith.select %gt3A_1184, %get3A_1194, %select_n3A_1151 : vector<16xi1>, vector<16xf32>
      %get3A_1196 = arith.constant 1296 : index
      %get3A_1197 = tpu.vector_load %arg16[%get3A_1196] {strides = array<i32>} : memref<3072xf32, #tpu.memory_space<vmem>>, vector<16xf32>,
      %select_n3A_1198 = arith.select %gt3A_1184, %get3A_1197, %select_n3A_1154 : vector<16xi1>, vector<16xf32>
      %get3A_1199 = arith.constant 1328 : index
      %get3A_1200 = tpu.vector_load %arg16[%get3A_1199] {strides = array<i32>} : memref<3072xf32, #tpu.memory_space<vmem>>, vector<16xf32>,
      %select_n3A_1201 = arith.select %gt3A_1184, %get3A_1200, %select_n3A_1157 : vector<16xi1>, vector<16xf32>
      %get3A_1202 = arith.constant 1536 : index
      %get3A_1203 = tpu.vector_load %arg16[%get3A_1202] {strides = array<i32>} : memref<3072xf32, #tpu.memory_space<vmem>>, vector<16xf32>,
      %get3A_1204 = arith.constant 128 : index
      %get3A_1205 = tpu.vector_load %arg17[%get3A_1204] {strides = array<i32>} : memref<256xi32, #tpu.memory_space<vmem>>, vector<16xi32>,
      %gt3A_1206 = arith.cmpf ogt, %get3A_1203, %select_n3A_1163 : vector<16xf32>
      %select_n3A_1207 = arith.select %gt3A_1206, %get3A_1203, %select_n3A_1163 : vector<16xi1>, vector<16xf32>
      %select_n3A_1208 = arith.select %gt3A_1206, %get3A_1205, %select_n3A_1164 : vector<16xi1>, vector<16xi32>
      %get3A_1209 = arith.constant 1568 : index
      %get3A_1210 = tpu.vector_load %arg16[%get3A_1209] {strides = array<i32>} : memref<3072xf32, #tpu.memory_space<vmem>>, vector<16xf32>,
      %select_n3A_1211 = arith.select %gt3A_1206, %get3A_1210, %select_n3A_1167 : vector<16xi1>, vector<16xf32>
      %get3A_1212 = arith.constant 1600 : index
      %get3A_1213 = tpu.vector_load %arg16[%get3A_1212] {strides = array<i32>} : memref<3072xf32, #tpu.memory_space<vmem>>, vector<16xf32>,
      %select_n3A_1214 = arith.select %gt3A_1206, %get3A_1213, %select_n3A_1170 : vector<16xi1>, vector<16xf32>
      %get3A_1215 = arith.constant 1632 : index
      %get3A_1216 = tpu.vector_load %arg16[%get3A_1215] {strides = array<i32>} : memref<3072xf32, #tpu.memory_space<vmem>>, vector<16xf32>,
      %select_n3A_1217 = arith.select %gt3A_1206, %get3A_1216, %select_n3A_1173 : vector<16xi1>, vector<16xf32>
      %get3A_1218 = arith.constant 1664 : index
      %get3A_1219 = tpu.vector_load %arg16[%get3A_1218] {strides = array<i32>} : memref<3072xf32, #tpu.memory_space<vmem>>, vector<16xf32>,
      %select_n3A_1220 = arith.select %gt3A_1206, %get3A_1219, %select_n3A_1176 : vector<16xi1>, vector<16xf32>
      %get3A_1221 = arith.constant 1696 : index
      %get3A_1222 = tpu.vector_load %arg16[%get3A_1221] {strides = array<i32>} : memref<3072xf32, #tpu.memory_space<vmem>>, vector<16xf32>,
      %select_n3A_1223 = arith.select %gt3A_1206, %get3A_1222, %select_n3A_1179 : vector<16xi1>, vector<16xf32>
      %get3A_1224 = arith.constant 1552 : index
      %get3A_1225 = tpu.vector_load %arg16[%get3A_1224] {strides = array<i32>} : memref<3072xf32, #tpu.memory_space<vmem>>, vector<16xf32>,
      %get3A_1226 = arith.constant 144 : index
      %get3A_1227 = tpu.vector_load %arg17[%get3A_1226] {strides = array<i32>} : memref<256xi32, #tpu.memory_space<vmem>>, vector<16xi32>,
      %gt3A_1228 = arith.cmpf ogt, %get3A_1225, %select_n3A_1185 : vector<16xf32>
      %select_n3A_1229 = arith.select %gt3A_1228, %get3A_1225, %select_n3A_1185 : vector<16xi1>, vector<16xf32>
      %select_n3A_1230 = arith.select %gt3A_1228, %get3A_1227, %select_n3A_1186 : vector<16xi1>, vector<16xi32>
      %get3A_1231 = arith.constant 1584 : index
      %get3A_1232 = tpu.vector_load %arg16[%get3A_1231] {strides = array<i32>} : memref<3072xf32, #tpu.memory_space<vmem>>, vector<16xf32>,
      %select_n3A_1233 = arith.select %gt3A_1228, %get3A_1232, %select_n3A_1189 : vector<16xi1>, vector<16xf32>
      %get3A_1234 = arith.constant 1616 : index
      %get3A_1235 = tpu.vector_load %arg16[%get3A_1234] {strides = array<i32>} : memref<3072xf32, #tpu.memory_space<vmem>>, vector<16xf32>,
      %select_n3A_1236 = arith.select %gt3A_1228, %get3A_1235, %select_n3A_1192 : vector<16xi1>, vector<16xf32>
      %get3A_1237 = arith.constant 1648 : index
      %get3A_1238 = tpu.vector_load %arg16[%get3A_1237] {strides = array<i32>} : memref<3072xf32, #tpu.memory_space<vmem>>, vector<16xf32>,
      %select_n3A_1239 = arith.select %gt3A_1228, %get3A_1238, %select_n3A_1195 : vector<16xi1>, vector<16xf32>
      %get3A_1240 = arith.constant 1680 : index
      %get3A_1241 = tpu.vector_load %arg16[%get3A_1240] {strides = array<i32>} : memref<3072xf32, #tpu.memory_space<vmem>>, vector<16xf32>,
      %select_n3A_1242 = arith.select %gt3A_1228, %get3A_1241, %select_n3A_1198 : vector<16xi1>, vector<16xf32>
      %get3A_1243 = arith.constant 1712 : index
      %get3A_1244 = tpu.vector_load %arg16[%get3A_1243] {strides = array<i32>} : memref<3072xf32, #tpu.memory_space<vmem>>, vector<16xf32>,
      %select_n3A_1245 = arith.select %gt3A_1228, %get3A_1244, %select_n3A_1201 : vector<16xi1>, vector<16xf32>
      %get3A_1246 = arith.constant 1920 : index
      %get3A_1247 = tpu.vector_load %arg16[%get3A_1246] {strides = array<i32>} : memref<3072xf32, #tpu.memory_space<vmem>>, vector<16xf32>,
      %get3A_1248 = arith.constant 160 : index
      %get3A_1249 = tpu.vector_load %arg17[%get3A_1248] {strides = array<i32>} : memref<256xi32, #tpu.memory_space<vmem>>, vector<16xi32>,
      %gt3A_1250 = arith.cmpf ogt, %get3A_1247, %select_n3A_1207 : vector<16xf32>
      %select_n3A_1251 = arith.select %gt3A_1250, %get3A_1247, %select_n3A_1207 : vector<16xi1>, vector<16xf32>
      %select_n3A_1252 = arith.select %gt3A_1250, %get3A_1249, %select_n3A_1208 : vector<16xi1>, vector<16xi32>
      %get3A_1253 = arith.constant 1952 : index
      %get3A_1254 = tpu.vector_load %arg16[%get3A_1253] {strides = array<i32>} : memref<3072xf32, #tpu.memory_space<vmem>>, vector<16xf32>,
      %select_n3A_1255 = arith.select %gt3A_1250, %get3A_1254, %select_n3A_1211 : vector<16xi1>, vector<16xf32>
      %get3A_1256 = arith.constant 1984 : index
      %get3A_1257 = tpu.vector_load %arg16[%get3A_1256] {strides = array<i32>} : memref<3072xf32, #tpu.memory_space<vmem>>, vector<16xf32>,
      %select_n3A_1258 = arith.select %gt3A_1250, %get3A_1257, %select_n3A_1214 : vector<16xi1>, vector<16xf32>
      %get3A_1259 = arith.constant 2016 : index
      %get3A_1260 = tpu.vector_load %arg16[%get3A_1259] {strides = array<i32>} : memref<3072xf32, #tpu.memory_space<vmem>>, vector<16xf32>,
      %select_n3A_1261 = arith.select %gt3A_1250, %get3A_1260, %select_n3A_1217 : vector<16xi1>, vector<16xf32>
      %get3A_1262 = arith.constant 2048 : index
      %get3A_1263 = tpu.vector_load %arg16[%get3A_1262] {strides = array<i32>} : memref<3072xf32, #tpu.memory_space<vmem>>, vector<16xf32>,
      %select_n3A_1264 = arith.select %gt3A_1250, %get3A_1263, %select_n3A_1220 : vector<16xi1>, vector<16xf32>
      %get3A_1265 = arith.constant 2080 : index
      %get3A_1266 = tpu.vector_load %arg16[%get3A_1265] {strides = array<i32>} : memref<3072xf32, #tpu.memory_space<vmem>>, vector<16xf32>,
      %select_n3A_1267 = arith.select %gt3A_1250, %get3A_1266, %select_n3A_1223 : vector<16xi1>, vector<16xf32>
      %get3A_1268 = arith.constant 1936 : index
      %get3A_1269 = tpu.vector_load %arg16[%get3A_1268] {strides = array<i32>} : memref<3072xf32, #tpu.memory_space<vmem>>, vector<16xf32>,
      %get3A_1270 = arith.constant 176 : index
      %get3A_1271 = tpu.vector_load %arg17[%get3A_1270] {strides = array<i32>} : memref<256xi32, #tpu.memory_space<vmem>>, vector<16xi32>,
      %gt3A_1272 = arith.cmpf ogt, %get3A_1269, %select_n3A_1229 : vector<16xf32>
      %select_n3A_1273 = arith.select %gt3A_1272, %get3A_1269, %select_n3A_1229 : vector<16xi1>, vector<16xf32>
      %select_n3A_1274 = arith.select %gt3A_1272, %get3A_1271, %select_n3A_1230 : vector<16xi1>, vector<16xi32>
      %get3A_1275 = arith.constant 1968 : index
      %get3A_1276 = tpu.vector_load %arg16[%get3A_1275] {strides = array<i32>} : memref<3072xf32, #tpu.memory_space<vmem>>, vector<16xf32>,
      %select_n3A_1277 = arith.select %gt3A_1272, %get3A_1276, %select_n3A_1233 : vector<16xi1>, vector<16xf32>
      %get3A_1278 = arith.constant 2000 : index
      %get3A_1279 = tpu.vector_load %arg16[%get3A_1278] {strides = array<i32>} : memref<3072xf32, #tpu.memory_space<vmem>>, vector<16xf32>,
      %select_n3A_1280 = arith.select %gt3A_1272, %get3A_1279, %select_n3A_1236 : vector<16xi1>, vector<16xf32>
      %get3A_1281 = arith.constant 2032 : index
      %get3A_1282 = tpu.vector_load %arg16[%get3A_1281] {strides = array<i32>} : memref<3072xf32, #tpu.memory_space<vmem>>, vector<16xf32>,
      %select_n3A_1283 = arith.select %gt3A_1272, %get3A_1282, %select_n3A_1239 : vector<16xi1>, vector<16xf32>
      %get3A_1284 = arith.constant 2064 : index
      %get3A_1285 = tpu.vector_load %arg16[%get3A_1284] {strides = array<i32>} : memref<3072xf32, #tpu.memory_space<vmem>>, vector<16xf32>,
      %select_n3A_1286 = arith.select %gt3A_1272, %get3A_1285, %select_n3A_1242 : vector<16xi1>, vector<16xf32>
      %get3A_1287 = arith.constant 2096 : index
      %get3A_1288 = tpu.vector_load %arg16[%get3A_1287] {strides = array<i32>} : memref<3072xf32, #tpu.memory_space<vmem>>, vector<16xf32>,
      %select_n3A_1289 = arith.select %gt3A_1272, %get3A_1288, %select_n3A_1245 : vector<16xi1>, vector<16xf32>
      %get3A_1290 = arith.constant 2304 : index
      %get3A_1291 = tpu.vector_load %arg16[%get3A_1290] {strides = array<i32>} : memref<3072xf32, #tpu.memory_space<vmem>>, vector<16xf32>,
      %get3A_1292 = arith.constant 192 : index
      %get3A_1293 = tpu.vector_load %arg17[%get3A_1292] {strides = array<i32>} : memref<256xi32, #tpu.memory_space<vmem>>, vector<16xi32>,
      %gt3A_1294 = arith.cmpf ogt, %get3A_1291, %select_n3A_1251 : vector<16xf32>
      %select_n3A_1295 = arith.select %gt3A_1294, %get3A_1291, %select_n3A_1251 : vector<16xi1>, vector<16xf32>
      %select_n3A_1296 = arith.select %gt3A_1294, %get3A_1293, %select_n3A_1252 : vector<16xi1>, vector<16xi32>
      %get3A_1297 = arith.constant 2336 : index
      %get3A_1298 = tpu.vector_load %arg16[%get3A_1297] {strides = array<i32>} : memref<3072xf32, #tpu.memory_space<vmem>>, vector<16xf32>,
      %select_n3A_1299 = arith.select %gt3A_1294, %get3A_1298, %select_n3A_1255 : vector<16xi1>, vector<16xf32>
      %get3A_1300 = arith.constant 2368 : index
      %get3A_1301 = tpu.vector_load %arg16[%get3A_1300] {strides = array<i32>} : memref<3072xf32, #tpu.memory_space<vmem>>, vector<16xf32>,
      %select_n3A_1302 = arith.select %gt3A_1294, %get3A_1301, %select_n3A_1258 : vector<16xi1>, vector<16xf32>
      %get3A_1303 = arith.constant 2400 : index
      %get3A_1304 = tpu.vector_load %arg16[%get3A_1303] {strides = array<i32>} : memref<3072xf32, #tpu.memory_space<vmem>>, vector<16xf32>,
      %select_n3A_1305 = arith.select %gt3A_1294, %get3A_1304, %select_n3A_1261 : vector<16xi1>, vector<16xf32>
      %get3A_1306 = arith.constant 2432 : index
      %get3A_1307 = tpu.vector_load %arg16[%get3A_1306] {strides = array<i32>} : memref<3072xf32, #tpu.memory_space<vmem>>, vector<16xf32>,
      %select_n3A_1308 = arith.select %gt3A_1294, %get3A_1307, %select_n3A_1264 : vector<16xi1>, vector<16xf32>
      %get3A_1309 = arith.constant 2464 : index
      %get3A_1310 = tpu.vector_load %arg16[%get3A_1309] {strides = array<i32>} : memref<3072xf32, #tpu.memory_space<vmem>>, vector<16xf32>,
      %select_n3A_1311 = arith.select %gt3A_1294, %get3A_1310, %select_n3A_1267 : vector<16xi1>, vector<16xf32>
      %get3A_1312 = arith.constant 2320 : index
      %get3A_1313 = tpu.vector_load %arg16[%get3A_1312] {strides = array<i32>} : memref<3072xf32, #tpu.memory_space<vmem>>, vector<16xf32>,
      %get3A_1314 = arith.constant 208 : index
      %get3A_1315 = tpu.vector_load %arg17[%get3A_1314] {strides = array<i32>} : memref<256xi32, #tpu.memory_space<vmem>>, vector<16xi32>,
      %gt3A_1316 = arith.cmpf ogt, %get3A_1313, %select_n3A_1273 : vector<16xf32>
      %select_n3A_1317 = arith.select %gt3A_1316, %get3A_1313, %select_n3A_1273 : vector<16xi1>, vector<16xf32>
      %select_n3A_1318 = arith.select %gt3A_1316, %get3A_1315, %select_n3A_1274 : vector<16xi1>, vector<16xi32>
      %get3A_1319 = arith.constant 2352 : index
      %get3A_1320 = tpu.vector_load %arg16[%get3A_1319] {strides = array<i32>} : memref<3072xf32, #tpu.memory_space<vmem>>, vector<16xf32>,
      %select_n3A_1321 = arith.select %gt3A_1316, %get3A_1320, %select_n3A_1277 : vector<16xi1>, vector<16xf32>
      %get3A_1322 = arith.constant 2384 : index
      %get3A_1323 = tpu.vector_load %arg16[%get3A_1322] {strides = array<i32>} : memref<3072xf32, #tpu.memory_space<vmem>>, vector<16xf32>,
      %select_n3A_1324 = arith.select %gt3A_1316, %get3A_1323, %select_n3A_1280 : vector<16xi1>, vector<16xf32>
      %get3A_1325 = arith.constant 2416 : index
      %get3A_1326 = tpu.vector_load %arg16[%get3A_1325] {strides = array<i32>} : memref<3072xf32, #tpu.memory_space<vmem>>, vector<16xf32>,
      %select_n3A_1327 = arith.select %gt3A_1316, %get3A_1326, %select_n3A_1283 : vector<16xi1>, vector<16xf32>
      %get3A_1328 = arith.constant 2448 : index
      %get3A_1329 = tpu.vector_load %arg16[%get3A_1328] {strides = array<i32>} : memref<3072xf32, #tpu.memory_space<vmem>>, vector<16xf32>,
      %select_n3A_1330 = arith.select %gt3A_1316, %get3A_1329, %select_n3A_1286 : vector<16xi1>, vector<16xf32>
      %get3A_1331 = arith.constant 2480 : index
      %get3A_1332 = tpu.vector_load %arg16[%get3A_1331] {strides = array<i32>} : memref<3072xf32, #tpu.memory_space<vmem>>, vector<16xf32>,
      %select_n3A_1333 = arith.select %gt3A_1316, %get3A_1332, %select_n3A_1289 : vector<16xi1>, vector<16xf32>
      %get3A_1334 = arith.constant 2688 : index
      %get3A_1335 = tpu.vector_load %arg16[%get3A_1334] {strides = array<i32>} : memref<3072xf32, #tpu.memory_space<vmem>>, vector<16xf32>,
      %get3A_1336 = arith.constant 224 : index
      %get3A_1337 = tpu.vector_load %arg17[%get3A_1336] {strides = array<i32>} : memref<256xi32, #tpu.memory_space<vmem>>, vector<16xi32>,
      %gt3A_1338 = arith.cmpf ogt, %get3A_1335, %select_n3A_1295 : vector<16xf32>
      %select_n3A_1339 = arith.select %gt3A_1338, %get3A_1335, %select_n3A_1295 : vector<16xi1>, vector<16xf32>
      %select_n3A_1340 = arith.select %gt3A_1338, %get3A_1337, %select_n3A_1296 : vector<16xi1>, vector<16xi32>
      %get3A_1341 = arith.constant 2720 : index
      %get3A_1342 = tpu.vector_load %arg16[%get3A_1341] {strides = array<i32>} : memref<3072xf32, #tpu.memory_space<vmem>>, vector<16xf32>,
      %select_n3A_1343 = arith.select %gt3A_1338, %get3A_1342, %select_n3A_1299 : vector<16xi1>, vector<16xf32>
      %get3A_1344 = arith.constant 2752 : index
      %get3A_1345 = tpu.vector_load %arg16[%get3A_1344] {strides = array<i32>} : memref<3072xf32, #tpu.memory_space<vmem>>, vector<16xf32>,
      %select_n3A_1346 = arith.select %gt3A_1338, %get3A_1345, %select_n3A_1302 : vector<16xi1>, vector<16xf32>
      %get3A_1347 = arith.constant 2784 : index
      %get3A_1348 = tpu.vector_load %arg16[%get3A_1347] {strides = array<i32>} : memref<3072xf32, #tpu.memory_space<vmem>>, vector<16xf32>,
      %select_n3A_1349 = arith.select %gt3A_1338, %get3A_1348, %select_n3A_1305 : vector<16xi1>, vector<16xf32>
      %get3A_1350 = arith.constant 2816 : index
      %get3A_1351 = tpu.vector_load %arg16[%get3A_1350] {strides = array<i32>} : memref<3072xf32, #tpu.memory_space<vmem>>, vector<16xf32>,
      %select_n3A_1352 = arith.select %gt3A_1338, %get3A_1351, %select_n3A_1308 : vector<16xi1>, vector<16xf32>
      %get3A_1353 = arith.constant 2848 : index
      %get3A_1354 = tpu.vector_load %arg16[%get3A_1353] {strides = array<i32>} : memref<3072xf32, #tpu.memory_space<vmem>>, vector<16xf32>,
      %select_n3A_1355 = arith.select %gt3A_1338, %get3A_1354, %select_n3A_1311 : vector<16xi1>, vector<16xf32>
      %get3A_1356 = arith.constant 2704 : index
      %get3A_1357 = tpu.vector_load %arg16[%get3A_1356] {strides = array<i32>} : memref<3072xf32, #tpu.memory_space<vmem>>, vector<16xf32>,
      %get3A_1358 = arith.constant 240 : index
      %get3A_1359 = tpu.vector_load %arg17[%get3A_1358] {strides = array<i32>} : memref<256xi32, #tpu.memory_space<vmem>>, vector<16xi32>,
      %gt3A_1360 = arith.cmpf ogt, %get3A_1357, %select_n3A_1317 : vector<16xf32>
      %select_n3A_1361 = arith.select %gt3A_1360, %get3A_1357, %select_n3A_1317 : vector<16xi1>, vector<16xf32>
      %select_n3A_1362 = arith.select %gt3A_1360, %get3A_1359, %select_n3A_1318 : vector<16xi1>, vector<16xi32>
      %get3A_1363 = arith.constant 2736 : index
      %get3A_1364 = tpu.vector_load %arg16[%get3A_1363] {strides = array<i32>} : memref<3072xf32, #tpu.memory_space<vmem>>, vector<16xf32>,
      %select_n3A_1365 = arith.select %gt3A_1360, %get3A_1364, %select_n3A_1321 : vector<16xi1>, vector<16xf32>
      %get3A_1366 = arith.constant 2768 : index
      %get3A_1367 = tpu.vector_load %arg16[%get3A_1366] {strides = array<i32>} : memref<3072xf32, #tpu.memory_space<vmem>>, vector<16xf32>,
      %select_n3A_1368 = arith.select %gt3A_1360, %get3A_1367, %select_n3A_1324 : vector<16xi1>, vector<16xf32>
      %get3A_1369 = arith.constant 2800 : index
      %get3A_1370 = tpu.vector_load %arg16[%get3A_1369] {strides = array<i32>} : memref<3072xf32, #tpu.memory_space<vmem>>, vector<16xf32>,
      %select_n3A_1371 = arith.select %gt3A_1360, %get3A_1370, %select_n3A_1327 : vector<16xi1>, vector<16xf32>
      %get3A_1372 = arith.constant 2832 : index
      %get3A_1373 = tpu.vector_load %arg16[%get3A_1372] {strides = array<i32>} : memref<3072xf32, #tpu.memory_space<vmem>>, vector<16xf32>,
      %select_n3A_1374 = arith.select %gt3A_1360, %get3A_1373, %select_n3A_1330 : vector<16xi1>, vector<16xf32>
      %get3A_1375 = arith.constant 2864 : index
      %get3A_1376 = tpu.vector_load %arg16[%get3A_1375] {strides = array<i32>} : memref<3072xf32, #tpu.memory_space<vmem>>, vector<16xf32>,
      %select_n3A_1377 = arith.select %gt3A_1360, %get3A_1376, %select_n3A_1333 : vector<16xi1>, vector<16xf32>
      %gt3A_1378 = arith.constant 5.000000e-01 : f32
      %gt3A_1379 = vector.broadcast %gt3A_1378 : f32 to vector<16xf32>
      %gt3A_1380 = arith.cmpf ogt, %select_n3A_1339, %gt3A_1379 : vector<16xf32>
      %gt3A_1381 = arith.constant 5.000000e-01 : f32
      %gt3A_1382 = vector.broadcast %gt3A_1381 : f32 to vector<16xf32>
      %gt3A_1383 = arith.cmpf ogt, %select_n3A_1361, %gt3A_1382 : vector<16xf32>
      %convert_element_type3A_1384 = arith.extui %gt3A_1380 : vector<16xi1> to vector<16xi32>
      %convert_element_type3A_1385 = arith.extui %gt3A_1383 : vector<16xi1> to vector<16xi32>
      %add3A_1386 = arith.constant 16 : i32
      %add3A_1387 = vector.broadcast %add3A_1386 : i32 to vector<16xi32>
      %add3A_1388 = arith.addi %iota3A, %add3A_1387 : vector<16xi32>
      %broadcast_in_dim3A_1389 = arith.constant false
      %broadcast_in_dim3A_1390 = vector.broadcast %broadcast_in_dim3A_1389 : i1 to vector<16xi1>
      %broadcast_in_dim3A_1391 = arith.constant false
      %broadcast_in_dim3A_1392 = vector.broadcast %broadcast_in_dim3A_1391 : i1 to vector<16xi1>
      %slice3A_1393 = vector.extract_strided_slice %select_n3A_1340 {offsets = [0], sizes = [1], strides = [1]} : vector<16xi32> to vector<1xi32>
      %squeeze3A_1394 = vector.extract %slice3A_1393[0] : i32 from vector<1xi32>
      %slice3A_1395 = vector.extract_strided_slice %convert_element_type3A_1384 {offsets = [0], sizes = [1], strides = [1]} : vector<16xi32> to vector<1xi32>
      %squeeze3A_1396 = vector.extract %slice3A_1395[0] : i32 from vector<1xi32>
      %gt3A_1397 = arith.constant 0 : i32
      %gt3A_1398 = arith.cmpi sgt, %squeeze3A_1396, %gt3A_1397 : i32
      %eq3A_1399 = vector.broadcast %squeeze3A_1394 : i32 to vector<16xi32>
      %eq3A_1400 = arith.cmpi eq, %select_n3A_1340, %eq3A_1399 : vector<16xi32>
      %and3A_1401 = vector.broadcast %gt3A_1398 : i1 to vector<16xi1>
      %and3A_1402 = arith.andi %and3A_1401, %eq3A_1400 : vector<16xi1>
      %gt3A_1403 = arith.constant 0 : i32
      %gt3A_1404 = vector.broadcast %gt3A_1403 : i32 to vector<16xi32>
      %gt3A_1405 = arith.cmpi sgt, %iota3A, %gt3A_1404 : vector<16xi32>
      %and3A_1406 = arith.andi %and3A_1402, %gt3A_1405 : vector<16xi1>
      %or3A = arith.ori %broadcast_in_dim3A_1390, %and3A_1406 : vector<16xi1>
      %eq3A_1407 = vector.broadcast %squeeze3A_1394 : i32 to vector<16xi32>
      %eq3A_1408 = arith.cmpi eq, %select_n3A_1362, %eq3A_1407 : vector<16xi32>
      %and3A_1409 = vector.broadcast %gt3A_1398 : i1 to vector<16xi1>
      %and3A_1410 = arith.andi %and3A_1409, %eq3A_1408 : vector<16xi1>
      %gt3A_1411 = arith.constant 0 : i32
      %gt3A_1412 = vector.broadcast %gt3A_1411 : i32 to vector<16xi32>
      %gt3A_1413 = arith.cmpi sgt, %add3A_1388, %gt3A_1412 : vector<16xi32>
      %and3A_1414 = arith.andi %and3A_1410, %gt3A_1413 : vector<16xi1>
      %or3A_1415 = arith.ori %broadcast_in_dim3A_1392, %and3A_1414 : vector<16xi1>
      %slice3A_1416 = vector.extract_strided_slice %select_n3A_1340 {offsets = [1], sizes = [1], strides = [1]} : vector<16xi32> to vector<1xi32>
      %squeeze3A_1417 = vector.extract %slice3A_1416[0] : i32 from vector<1xi32>
      %slice3A_1418 = vector.extract_strided_slice %convert_element_type3A_1384 {offsets = [1], sizes = [1], strides = [1]} : vector<16xi32> to vector<1xi32>
      %squeeze3A_1419 = vector.extract %slice3A_1418[0] : i32 from vector<1xi32>
      %gt3A_1420 = arith.constant 0 : i32
      %gt3A_1421 = arith.cmpi sgt, %squeeze3A_1419, %gt3A_1420 : i32
      %eq3A_1422 = vector.broadcast %squeeze3A_1417 : i32 to vector<16xi32>
      %eq3A_1423 = arith.cmpi eq, %select_n3A_1340, %eq3A_1422 : vector<16xi32>
      %and3A_1424 = vector.broadcast %gt3A_1421 : i1 to vector<16xi1>
      %and3A_1425 = arith.andi %and3A_1424, %eq3A_1423 : vector<16xi1>
      %gt3A_1426 = arith.constant 1 : i32
      %gt3A_1427 = vector.broadcast %gt3A_1426 : i32 to vector<16xi32>
      %gt3A_1428 = arith.cmpi sgt, %iota3A, %gt3A_1427 : vector<16xi32>
      %and3A_1429 = arith.andi %and3A_1425, %gt3A_1428 : vector<16xi1>
      %or3A_1430 = arith.ori %or3A, %and3A_1429 : vector<16xi1>
      %eq3A_1431 = vector.broadcast %squeeze3A_1417 : i32 to vector<16xi32>
      %eq3A_1432 = arith.cmpi eq, %select_n3A_1362, %eq3A_1431 : vector<16xi32>
      %and3A_1433 = vector.broadcast %gt3A_1421 : i1 to vector<16xi1>
      %and3A_1434 = arith.andi %and3A_1433, %eq3A_1432 : vector<16xi1>
      %gt3A_1435 = arith.constant 1 : i32
      %gt3A_1436 = vector.broadcast %gt3A_1435 : i32 to vector<16xi32>
      %gt3A_1437 = arith.cmpi sgt, %add3A_1388, %gt3A_1436 : vector<16xi32>
      %and3A_1438 = arith.andi %and3A_1434, %gt3A_1437 : vector<16xi1>
      %or3A_1439 = arith.ori %or3A_1415, %and3A_1438 : vector<16xi1>
      %slice3A_1440 = vector.extract_strided_slice %select_n3A_1340 {offsets = [2], sizes = [1], strides = [1]} : vector<16xi32> to vector<1xi32>
      %squeeze3A_1441 = vector.extract %slice3A_1440[0] : i32 from vector<1xi32>
      %slice3A_1442 = vector.extract_strided_slice %convert_element_type3A_1384 {offsets = [2], sizes = [1], strides = [1]} : vector<16xi32> to vector<1xi32>
      %squeeze3A_1443 = vector.extract %slice3A_1442[0] : i32 from vector<1xi32>
      %gt3A_1444 = arith.constant 0 : i32
      %gt3A_1445 = arith.cmpi sgt, %squeeze3A_1443, %gt3A_1444 : i32
      %eq3A_1446 = vector.broadcast %squeeze3A_1441 : i32 to vector<16xi32>
      %eq3A_1447 = arith.cmpi eq, %select_n3A_1340, %eq3A_1446 : vector<16xi32>
      %and3A_1448 = vector.broadcast %gt3A_1445 : i1 to vector<16xi1>
      %and3A_1449 = arith.andi %and3A_1448, %eq3A_1447 : vector<16xi1>
      %gt3A_1450 = arith.constant 2 : i32
      %gt3A_1451 = vector.broadcast %gt3A_1450 : i32 to vector<16xi32>
      %gt3A_1452 = arith.cmpi sgt, %iota3A, %gt3A_1451 : vector<16xi32>
      %and3A_1453 = arith.andi %and3A_1449, %gt3A_1452 : vector<16xi1>
      %or3A_1454 = arith.ori %or3A_1430, %and3A_1453 : vector<16xi1>
      %eq3A_1455 = vector.broadcast %squeeze3A_1441 : i32 to vector<16xi32>
      %eq3A_1456 = arith.cmpi eq, %select_n3A_1362, %eq3A_1455 : vector<16xi32>
      %and3A_1457 = vector.broadcast %gt3A_1445 : i1 to vector<16xi1>
      %and3A_1458 = arith.andi %and3A_1457, %eq3A_1456 : vector<16xi1>
      %gt3A_1459 = arith.constant 2 : i32
      %gt3A_1460 = vector.broadcast %gt3A_1459 : i32 to vector<16xi32>
      %gt3A_1461 = arith.cmpi sgt, %add3A_1388, %gt3A_1460 : vector<16xi32>
      %and3A_1462 = arith.andi %and3A_1458, %gt3A_1461 : vector<16xi1>
      %or3A_1463 = arith.ori %or3A_1439, %and3A_1462 : vector<16xi1>
      %slice3A_1464 = vector.extract_strided_slice %select_n3A_1340 {offsets = [3], sizes = [1], strides = [1]} : vector<16xi32> to vector<1xi32>
      %squeeze3A_1465 = vector.extract %slice3A_1464[0] : i32 from vector<1xi32>
      %slice3A_1466 = vector.extract_strided_slice %convert_element_type3A_1384 {offsets = [3], sizes = [1], strides = [1]} : vector<16xi32> to vector<1xi32>
      %squeeze3A_1467 = vector.extract %slice3A_1466[0] : i32 from vector<1xi32>
      %gt3A_1468 = arith.constant 0 : i32
      %gt3A_1469 = arith.cmpi sgt, %squeeze3A_1467, %gt3A_1468 : i32
      %eq3A_1470 = vector.broadcast %squeeze3A_1465 : i32 to vector<16xi32>
      %eq3A_1471 = arith.cmpi eq, %select_n3A_1340, %eq3A_1470 : vector<16xi32>
      %and3A_1472 = vector.broadcast %gt3A_1469 : i1 to vector<16xi1>
      %and3A_1473 = arith.andi %and3A_1472, %eq3A_1471 : vector<16xi1>
      %gt3A_1474 = arith.constant 3 : i32
      %gt3A_1475 = vector.broadcast %gt3A_1474 : i32 to vector<16xi32>
      %gt3A_1476 = arith.cmpi sgt, %iota3A, %gt3A_1475 : vector<16xi32>
      %and3A_1477 = arith.andi %and3A_1473, %gt3A_1476 : vector<16xi1>
      %or3A_1478 = arith.ori %or3A_1454, %and3A_1477 : vector<16xi1>
      %eq3A_1479 = vector.broadcast %squeeze3A_1465 : i32 to vector<16xi32>
      %eq3A_1480 = arith.cmpi eq, %select_n3A_1362, %eq3A_1479 : vector<16xi32>
      %and3A_1481 = vector.broadcast %gt3A_1469 : i1 to vector<16xi1>
      %and3A_1482 = arith.andi %and3A_1481, %eq3A_1480 : vector<16xi1>
      %gt3A_1483 = arith.constant 3 : i32
      %gt3A_1484 = vector.broadcast %gt3A_1483 : i32 to vector<16xi32>
      %gt3A_1485 = arith.cmpi sgt, %add3A_1388, %gt3A_1484 : vector<16xi32>
      %and3A_1486 = arith.andi %and3A_1482, %gt3A_1485 : vector<16xi1>
      %or3A_1487 = arith.ori %or3A_1463, %and3A_1486 : vector<16xi1>
      %slice3A_1488 = vector.extract_strided_slice %select_n3A_1340 {offsets = [4], sizes = [1], strides = [1]} : vector<16xi32> to vector<1xi32>
      %squeeze3A_1489 = vector.extract %slice3A_1488[0] : i32 from vector<1xi32>
      %slice3A_1490 = vector.extract_strided_slice %convert_element_type3A_1384 {offsets = [4], sizes = [1], strides = [1]} : vector<16xi32> to vector<1xi32>
      %squeeze3A_1491 = vector.extract %slice3A_1490[0] : i32 from vector<1xi32>
      %gt3A_1492 = arith.constant 0 : i32
      %gt3A_1493 = arith.cmpi sgt, %squeeze3A_1491, %gt3A_1492 : i32
      %eq3A_1494 = vector.broadcast %squeeze3A_1489 : i32 to vector<16xi32>
      %eq3A_1495 = arith.cmpi eq, %select_n3A_1340, %eq3A_1494 : vector<16xi32>
      %and3A_1496 = vector.broadcast %gt3A_1493 : i1 to vector<16xi1>
      %and3A_1497 = arith.andi %and3A_1496, %eq3A_1495 : vector<16xi1>
      %gt3A_1498 = arith.constant 4 : i32
      %gt3A_1499 = vector.broadcast %gt3A_1498 : i32 to vector<16xi32>
      %gt3A_1500 = arith.cmpi sgt, %iota3A, %gt3A_1499 : vector<16xi32>
      %and3A_1501 = arith.andi %and3A_1497, %gt3A_1500 : vector<16xi1>
      %or3A_1502 = arith.ori %or3A_1478, %and3A_1501 : vector<16xi1>
      %eq3A_1503 = vector.broadcast %squeeze3A_1489 : i32 to vector<16xi32>
      %eq3A_1504 = arith.cmpi eq, %select_n3A_1362, %eq3A_1503 : vector<16xi32>
      %and3A_1505 = vector.broadcast %gt3A_1493 : i1 to vector<16xi1>
      %and3A_1506 = arith.andi %and3A_1505, %eq3A_1504 : vector<16xi1>
      %gt3A_1507 = arith.constant 4 : i32
      %gt3A_1508 = vector.broadcast %gt3A_1507 : i32 to vector<16xi32>
      %gt3A_1509 = arith.cmpi sgt, %add3A_1388, %gt3A_1508 : vector<16xi32>
      %and3A_1510 = arith.andi %and3A_1506, %gt3A_1509 : vector<16xi1>
      %or3A_1511 = arith.ori %or3A_1487, %and3A_1510 : vector<16xi1>
      %slice3A_1512 = vector.extract_strided_slice %select_n3A_1340 {offsets = [5], sizes = [1], strides = [1]} : vector<16xi32> to vector<1xi32>
      %squeeze3A_1513 = vector.extract %slice3A_1512[0] : i32 from vector<1xi32>
      %slice3A_1514 = vector.extract_strided_slice %convert_element_type3A_1384 {offsets = [5], sizes = [1], strides = [1]} : vector<16xi32> to vector<1xi32>
      %squeeze3A_1515 = vector.extract %slice3A_1514[0] : i32 from vector<1xi32>
      %gt3A_1516 = arith.constant 0 : i32
      %gt3A_1517 = arith.cmpi sgt, %squeeze3A_1515, %gt3A_1516 : i32
      %eq3A_1518 = vector.broadcast %squeeze3A_1513 : i32 to vector<16xi32>
      %eq3A_1519 = arith.cmpi eq, %select_n3A_1340, %eq3A_1518 : vector<16xi32>
      %and3A_1520 = vector.broadcast %gt3A_1517 : i1 to vector<16xi1>
      %and3A_1521 = arith.andi %and3A_1520, %eq3A_1519 : vector<16xi1>
      %gt3A_1522 = arith.constant 5 : i32
      %gt3A_1523 = vector.broadcast %gt3A_1522 : i32 to vector<16xi32>
      %gt3A_1524 = arith.cmpi sgt, %iota3A, %gt3A_1523 : vector<16xi32>
      %and3A_1525 = arith.andi %and3A_1521, %gt3A_1524 : vector<16xi1>
      %or3A_1526 = arith.ori %or3A_1502, %and3A_1525 : vector<16xi1>
      %eq3A_1527 = vector.broadcast %squeeze3A_1513 : i32 to vector<16xi32>
      %eq3A_1528 = arith.cmpi eq, %select_n3A_1362, %eq3A_1527 : vector<16xi32>
      %and3A_1529 = vector.broadcast %gt3A_1517 : i1 to vector<16xi1>
      %and3A_1530 = arith.andi %and3A_1529, %eq3A_1528 : vector<16xi1>
      %gt3A_1531 = arith.constant 5 : i32
      %gt3A_1532 = vector.broadcast %gt3A_1531 : i32 to vector<16xi32>
      %gt3A_1533 = arith.cmpi sgt, %add3A_1388, %gt3A_1532 : vector<16xi32>
      %and3A_1534 = arith.andi %and3A_1530, %gt3A_1533 : vector<16xi1>
      %or3A_1535 = arith.ori %or3A_1511, %and3A_1534 : vector<16xi1>
      %slice3A_1536 = vector.extract_strided_slice %select_n3A_1340 {offsets = [6], sizes = [1], strides = [1]} : vector<16xi32> to vector<1xi32>
      %squeeze3A_1537 = vector.extract %slice3A_1536[0] : i32 from vector<1xi32>
      %slice3A_1538 = vector.extract_strided_slice %convert_element_type3A_1384 {offsets = [6], sizes = [1], strides = [1]} : vector<16xi32> to vector<1xi32>
      %squeeze3A_1539 = vector.extract %slice3A_1538[0] : i32 from vector<1xi32>
      %gt3A_1540 = arith.constant 0 : i32
      %gt3A_1541 = arith.cmpi sgt, %squeeze3A_1539, %gt3A_1540 : i32
      %eq3A_1542 = vector.broadcast %squeeze3A_1537 : i32 to vector<16xi32>
      %eq3A_1543 = arith.cmpi eq, %select_n3A_1340, %eq3A_1542 : vector<16xi32>
      %and3A_1544 = vector.broadcast %gt3A_1541 : i1 to vector<16xi1>
      %and3A_1545 = arith.andi %and3A_1544, %eq3A_1543 : vector<16xi1>
      %gt3A_1546 = arith.constant 6 : i32
      %gt3A_1547 = vector.broadcast %gt3A_1546 : i32 to vector<16xi32>
      %gt3A_1548 = arith.cmpi sgt, %iota3A, %gt3A_1547 : vector<16xi32>
      %and3A_1549 = arith.andi %and3A_1545, %gt3A_1548 : vector<16xi1>
      %or3A_1550 = arith.ori %or3A_1526, %and3A_1549 : vector<16xi1>
      %eq3A_1551 = vector.broadcast %squeeze3A_1537 : i32 to vector<16xi32>
      %eq3A_1552 = arith.cmpi eq, %select_n3A_1362, %eq3A_1551 : vector<16xi32>
      %and3A_1553 = vector.broadcast %gt3A_1541 : i1 to vector<16xi1>
      %and3A_1554 = arith.andi %and3A_1553, %eq3A_1552 : vector<16xi1>
      %gt3A_1555 = arith.constant 6 : i32
      %gt3A_1556 = vector.broadcast %gt3A_1555 : i32 to vector<16xi32>
      %gt3A_1557 = arith.cmpi sgt, %add3A_1388, %gt3A_1556 : vector<16xi32>
      %and3A_1558 = arith.andi %and3A_1554, %gt3A_1557 : vector<16xi1>
      %or3A_1559 = arith.ori %or3A_1535, %and3A_1558 : vector<16xi1>
      %slice3A_1560 = vector.extract_strided_slice %select_n3A_1340 {offsets = [7], sizes = [1], strides = [1]} : vector<16xi32> to vector<1xi32>
      %squeeze3A_1561 = vector.extract %slice3A_1560[0] : i32 from vector<1xi32>
      %slice3A_1562 = vector.extract_strided_slice %convert_element_type3A_1384 {offsets = [7], sizes = [1], strides = [1]} : vector<16xi32> to vector<1xi32>
      %squeeze3A_1563 = vector.extract %slice3A_1562[0] : i32 from vector<1xi32>
      %gt3A_1564 = arith.constant 0 : i32
      %gt3A_1565 = arith.cmpi sgt, %squeeze3A_1563, %gt3A_1564 : i32
      %eq3A_1566 = vector.broadcast %squeeze3A_1561 : i32 to vector<16xi32>
      %eq3A_1567 = arith.cmpi eq, %select_n3A_1340, %eq3A_1566 : vector<16xi32>
      %and3A_1568 = vector.broadcast %gt3A_1565 : i1 to vector<16xi1>
      %and3A_1569 = arith.andi %and3A_1568, %eq3A_1567 : vector<16xi1>
      %gt3A_1570 = arith.constant 7 : i32
      %gt3A_1571 = vector.broadcast %gt3A_1570 : i32 to vector<16xi32>
      %gt3A_1572 = arith.cmpi sgt, %iota3A, %gt3A_1571 : vector<16xi32>
      %and3A_1573 = arith.andi %and3A_1569, %gt3A_1572 : vector<16xi1>
      %or3A_1574 = arith.ori %or3A_1550, %and3A_1573 : vector<16xi1>
      %eq3A_1575 = vector.broadcast %squeeze3A_1561 : i32 to vector<16xi32>
      %eq3A_1576 = arith.cmpi eq, %select_n3A_1362, %eq3A_1575 : vector<16xi32>
      %and3A_1577 = vector.broadcast %gt3A_1565 : i1 to vector<16xi1>
      %and3A_1578 = arith.andi %and3A_1577, %eq3A_1576 : vector<16xi1>
      %gt3A_1579 = arith.constant 7 : i32
      %gt3A_1580 = vector.broadcast %gt3A_1579 : i32 to vector<16xi32>
      %gt3A_1581 = arith.cmpi sgt, %add3A_1388, %gt3A_1580 : vector<16xi32>
      %and3A_1582 = arith.andi %and3A_1578, %gt3A_1581 : vector<16xi1>
      %or3A_1583 = arith.ori %or3A_1559, %and3A_1582 : vector<16xi1>
      %slice3A_1584 = vector.extract_strided_slice %select_n3A_1340 {offsets = [8], sizes = [1], strides = [1]} : vector<16xi32> to vector<1xi32>
      %squeeze3A_1585 = vector.extract %slice3A_1584[0] : i32 from vector<1xi32>
      %slice3A_1586 = vector.extract_strided_slice %convert_element_type3A_1384 {offsets = [8], sizes = [1], strides = [1]} : vector<16xi32> to vector<1xi32>
      %squeeze3A_1587 = vector.extract %slice3A_1586[0] : i32 from vector<1xi32>
      %gt3A_1588 = arith.constant 0 : i32
      %gt3A_1589 = arith.cmpi sgt, %squeeze3A_1587, %gt3A_1588 : i32
      %eq3A_1590 = vector.broadcast %squeeze3A_1585 : i32 to vector<16xi32>
      %eq3A_1591 = arith.cmpi eq, %select_n3A_1340, %eq3A_1590 : vector<16xi32>
      %and3A_1592 = vector.broadcast %gt3A_1589 : i1 to vector<16xi1>
      %and3A_1593 = arith.andi %and3A_1592, %eq3A_1591 : vector<16xi1>
      %gt3A_1594 = arith.constant 8 : i32
      %gt3A_1595 = vector.broadcast %gt3A_1594 : i32 to vector<16xi32>
      %gt3A_1596 = arith.cmpi sgt, %iota3A, %gt3A_1595 : vector<16xi32>
      %and3A_1597 = arith.andi %and3A_1593, %gt3A_1596 : vector<16xi1>
      %or3A_1598 = arith.ori %or3A_1574, %and3A_1597 : vector<16xi1>
      %eq3A_1599 = vector.broadcast %squeeze3A_1585 : i32 to vector<16xi32>
      %eq3A_1600 = arith.cmpi eq, %select_n3A_1362, %eq3A_1599 : vector<16xi32>
      %and3A_1601 = vector.broadcast %gt3A_1589 : i1 to vector<16xi1>
      %and3A_1602 = arith.andi %and3A_1601, %eq3A_1600 : vector<16xi1>
      %gt3A_1603 = arith.constant 8 : i32
      %gt3A_1604 = vector.broadcast %gt3A_1603 : i32 to vector<16xi32>
      %gt3A_1605 = arith.cmpi sgt, %add3A_1388, %gt3A_1604 : vector<16xi32>
      %and3A_1606 = arith.andi %and3A_1602, %gt3A_1605 : vector<16xi1>
      %or3A_1607 = arith.ori %or3A_1583, %and3A_1606 : vector<16xi1>
      %slice3A_1608 = vector.extract_strided_slice %select_n3A_1340 {offsets = [9], sizes = [1], strides = [1]} : vector<16xi32> to vector<1xi32>
      %squeeze3A_1609 = vector.extract %slice3A_1608[0] : i32 from vector<1xi32>
      %slice3A_1610 = vector.extract_strided_slice %convert_element_type3A_1384 {offsets = [9], sizes = [1], strides = [1]} : vector<16xi32> to vector<1xi32>
      %squeeze3A_1611 = vector.extract %slice3A_1610[0] : i32 from vector<1xi32>
      %gt3A_1612 = arith.constant 0 : i32
      %gt3A_1613 = arith.cmpi sgt, %squeeze3A_1611, %gt3A_1612 : i32
      %eq3A_1614 = vector.broadcast %squeeze3A_1609 : i32 to vector<16xi32>
      %eq3A_1615 = arith.cmpi eq, %select_n3A_1340, %eq3A_1614 : vector<16xi32>
      %and3A_1616 = vector.broadcast %gt3A_1613 : i1 to vector<16xi1>
      %and3A_1617 = arith.andi %and3A_1616, %eq3A_1615 : vector<16xi1>
      %gt3A_1618 = arith.constant 9 : i32
      %gt3A_1619 = vector.broadcast %gt3A_1618 : i32 to vector<16xi32>
      %gt3A_1620 = arith.cmpi sgt, %iota3A, %gt3A_1619 : vector<16xi32>
      %and3A_1621 = arith.andi %and3A_1617, %gt3A_1620 : vector<16xi1>
      %or3A_1622 = arith.ori %or3A_1598, %and3A_1621 : vector<16xi1>
      %eq3A_1623 = vector.broadcast %squeeze3A_1609 : i32 to vector<16xi32>
      %eq3A_1624 = arith.cmpi eq, %select_n3A_1362, %eq3A_1623 : vector<16xi32>
      %and3A_1625 = vector.broadcast %gt3A_1613 : i1 to vector<16xi1>
      %and3A_1626 = arith.andi %and3A_1625, %eq3A_1624 : vector<16xi1>
      %gt3A_1627 = arith.constant 9 : i32
      %gt3A_1628 = vector.broadcast %gt3A_1627 : i32 to vector<16xi32>
      %gt3A_1629 = arith.cmpi sgt, %add3A_1388, %gt3A_1628 : vector<16xi32>
      %and3A_1630 = arith.andi %and3A_1626, %gt3A_1629 : vector<16xi1>
      %or3A_1631 = arith.ori %or3A_1607, %and3A_1630 : vector<16xi1>
      %slice3A_1632 = vector.extract_strided_slice %select_n3A_1340 {offsets = [10], sizes = [1], strides = [1]} : vector<16xi32> to vector<1xi32>
      %squeeze3A_1633 = vector.extract %slice3A_1632[0] : i32 from vector<1xi32>
      %slice3A_1634 = vector.extract_strided_slice %convert_element_type3A_1384 {offsets = [10], sizes = [1], strides = [1]} : vector<16xi32> to vector<1xi32>
      %squeeze3A_1635 = vector.extract %slice3A_1634[0] : i32 from vector<1xi32>
      %gt3A_1636 = arith.constant 0 : i32
      %gt3A_1637 = arith.cmpi sgt, %squeeze3A_1635, %gt3A_1636 : i32
      %eq3A_1638 = vector.broadcast %squeeze3A_1633 : i32 to vector<16xi32>
      %eq3A_1639 = arith.cmpi eq, %select_n3A_1340, %eq3A_1638 : vector<16xi32>
      %and3A_1640 = vector.broadcast %gt3A_1637 : i1 to vector<16xi1>
      %and3A_1641 = arith.andi %and3A_1640, %eq3A_1639 : vector<16xi1>
      %gt3A_1642 = arith.constant 10 : i32
      %gt3A_1643 = vector.broadcast %gt3A_1642 : i32 to vector<16xi32>
      %gt3A_1644 = arith.cmpi sgt, %iota3A, %gt3A_1643 : vector<16xi32>
      %and3A_1645 = arith.andi %and3A_1641, %gt3A_1644 : vector<16xi1>
      %or3A_1646 = arith.ori %or3A_1622, %and3A_1645 : vector<16xi1>
      %eq3A_1647 = vector.broadcast %squeeze3A_1633 : i32 to vector<16xi32>
      %eq3A_1648 = arith.cmpi eq, %select_n3A_1362, %eq3A_1647 : vector<16xi32>
      %and3A_1649 = vector.broadcast %gt3A_1637 : i1 to vector<16xi1>
      %and3A_1650 = arith.andi %and3A_1649, %eq3A_1648 : vector<16xi1>
      %gt3A_1651 = arith.constant 10 : i32
      %gt3A_1652 = vector.broadcast %gt3A_1651 : i32 to vector<16xi32>
      %gt3A_1653 = arith.cmpi sgt, %add3A_1388, %gt3A_1652 : vector<16xi32>
      %and3A_1654 = arith.andi %and3A_1650, %gt3A_1653 : vector<16xi1>
      %or3A_1655 = arith.ori %or3A_1631, %and3A_1654 : vector<16xi1>
      %slice3A_1656 = vector.extract_strided_slice %select_n3A_1340 {offsets = [11], sizes = [1], strides = [1]} : vector<16xi32> to vector<1xi32>
      %squeeze3A_1657 = vector.extract %slice3A_1656[0] : i32 from vector<1xi32>
      %slice3A_1658 = vector.extract_strided_slice %convert_element_type3A_1384 {offsets = [11], sizes = [1], strides = [1]} : vector<16xi32> to vector<1xi32>
      %squeeze3A_1659 = vector.extract %slice3A_1658[0] : i32 from vector<1xi32>
      %gt3A_1660 = arith.constant 0 : i32
      %gt3A_1661 = arith.cmpi sgt, %squeeze3A_1659, %gt3A_1660 : i32
      %eq3A_1662 = vector.broadcast %squeeze3A_1657 : i32 to vector<16xi32>
      %eq3A_1663 = arith.cmpi eq, %select_n3A_1340, %eq3A_1662 : vector<16xi32>
      %and3A_1664 = vector.broadcast %gt3A_1661 : i1 to vector<16xi1>
      %and3A_1665 = arith.andi %and3A_1664, %eq3A_1663 : vector<16xi1>
      %gt3A_1666 = arith.constant 11 : i32
      %gt3A_1667 = vector.broadcast %gt3A_1666 : i32 to vector<16xi32>
      %gt3A_1668 = arith.cmpi sgt, %iota3A, %gt3A_1667 : vector<16xi32>
      %and3A_1669 = arith.andi %and3A_1665, %gt3A_1668 : vector<16xi1>
      %or3A_1670 = arith.ori %or3A_1646, %and3A_1669 : vector<16xi1>
      %eq3A_1671 = vector.broadcast %squeeze3A_1657 : i32 to vector<16xi32>
      %eq3A_1672 = arith.cmpi eq, %select_n3A_1362, %eq3A_1671 : vector<16xi32>
      %and3A_1673 = vector.broadcast %gt3A_1661 : i1 to vector<16xi1>
      %and3A_1674 = arith.andi %and3A_1673, %eq3A_1672 : vector<16xi1>
      %gt3A_1675 = arith.constant 11 : i32
      %gt3A_1676 = vector.broadcast %gt3A_1675 : i32 to vector<16xi32>
      %gt3A_1677 = arith.cmpi sgt, %add3A_1388, %gt3A_1676 : vector<16xi32>
      %and3A_1678 = arith.andi %and3A_1674, %gt3A_1677 : vector<16xi1>
      %or3A_1679 = arith.ori %or3A_1655, %and3A_1678 : vector<16xi1>
      %slice3A_1680 = vector.extract_strided_slice %select_n3A_1340 {offsets = [12], sizes = [1], strides = [1]} : vector<16xi32> to vector<1xi32>
      %squeeze3A_1681 = vector.extract %slice3A_1680[0] : i32 from vector<1xi32>
      %slice3A_1682 = vector.extract_strided_slice %convert_element_type3A_1384 {offsets = [12], sizes = [1], strides = [1]} : vector<16xi32> to vector<1xi32>
      %squeeze3A_1683 = vector.extract %slice3A_1682[0] : i32 from vector<1xi32>
      %gt3A_1684 = arith.constant 0 : i32
      %gt3A_1685 = arith.cmpi sgt, %squeeze3A_1683, %gt3A_1684 : i32
      %eq3A_1686 = vector.broadcast %squeeze3A_1681 : i32 to vector<16xi32>
      %eq3A_1687 = arith.cmpi eq, %select_n3A_1340, %eq3A_1686 : vector<16xi32>
      %and3A_1688 = vector.broadcast %gt3A_1685 : i1 to vector<16xi1>
      %and3A_1689 = arith.andi %and3A_1688, %eq3A_1687 : vector<16xi1>
      %gt3A_1690 = arith.constant 12 : i32
      %gt3A_1691 = vector.broadcast %gt3A_1690 : i32 to vector<16xi32>
      %gt3A_1692 = arith.cmpi sgt, %iota3A, %gt3A_1691 : vector<16xi32>
      %and3A_1693 = arith.andi %and3A_1689, %gt3A_1692 : vector<16xi1>
      %or3A_1694 = arith.ori %or3A_1670, %and3A_1693 : vector<16xi1>
      %eq3A_1695 = vector.broadcast %squeeze3A_1681 : i32 to vector<16xi32>
      %eq3A_1696 = arith.cmpi eq, %select_n3A_1362, %eq3A_1695 : vector<16xi32>
      %and3A_1697 = vector.broadcast %gt3A_1685 : i1 to vector<16xi1>
      %and3A_1698 = arith.andi %and3A_1697, %eq3A_1696 : vector<16xi1>
      %gt3A_1699 = arith.constant 12 : i32
      %gt3A_1700 = vector.broadcast %gt3A_1699 : i32 to vector<16xi32>
      %gt3A_1701 = arith.cmpi sgt, %add3A_1388, %gt3A_1700 : vector<16xi32>
      %and3A_1702 = arith.andi %and3A_1698, %gt3A_1701 : vector<16xi1>
      %or3A_1703 = arith.ori %or3A_1679, %and3A_1702 : vector<16xi1>
      %slice3A_1704 = vector.extract_strided_slice %select_n3A_1340 {offsets = [13], sizes = [1], strides = [1]} : vector<16xi32> to vector<1xi32>
      %squeeze3A_1705 = vector.extract %slice3A_1704[0] : i32 from vector<1xi32>
      %slice3A_1706 = vector.extract_strided_slice %convert_element_type3A_1384 {offsets = [13], sizes = [1], strides = [1]} : vector<16xi32> to vector<1xi32>
      %squeeze3A_1707 = vector.extract %slice3A_1706[0] : i32 from vector<1xi32>
      %gt3A_1708 = arith.constant 0 : i32
      %gt3A_1709 = arith.cmpi sgt, %squeeze3A_1707, %gt3A_1708 : i32
      %eq3A_1710 = vector.broadcast %squeeze3A_1705 : i32 to vector<16xi32>
      %eq3A_1711 = arith.cmpi eq, %select_n3A_1340, %eq3A_1710 : vector<16xi32>
      %and3A_1712 = vector.broadcast %gt3A_1709 : i1 to vector<16xi1>
      %and3A_1713 = arith.andi %and3A_1712, %eq3A_1711 : vector<16xi1>
      %gt3A_1714 = arith.constant 13 : i32
      %gt3A_1715 = vector.broadcast %gt3A_1714 : i32 to vector<16xi32>
      %gt3A_1716 = arith.cmpi sgt, %iota3A, %gt3A_1715 : vector<16xi32>
      %and3A_1717 = arith.andi %and3A_1713, %gt3A_1716 : vector<16xi1>
      %or3A_1718 = arith.ori %or3A_1694, %and3A_1717 : vector<16xi1>
      %eq3A_1719 = vector.broadcast %squeeze3A_1705 : i32 to vector<16xi32>
      %eq3A_1720 = arith.cmpi eq, %select_n3A_1362, %eq3A_1719 : vector<16xi32>
      %and3A_1721 = vector.broadcast %gt3A_1709 : i1 to vector<16xi1>
      %and3A_1722 = arith.andi %and3A_1721, %eq3A_1720 : vector<16xi1>
      %gt3A_1723 = arith.constant 13 : i32
      %gt3A_1724 = vector.broadcast %gt3A_1723 : i32 to vector<16xi32>
      %gt3A_1725 = arith.cmpi sgt, %add3A_1388, %gt3A_1724 : vector<16xi32>
      %and3A_1726 = arith.andi %and3A_1722, %gt3A_1725 : vector<16xi1>
      %or3A_1727 = arith.ori %or3A_1703, %and3A_1726 : vector<16xi1>
      %slice3A_1728 = vector.extract_strided_slice %select_n3A_1340 {offsets = [14], sizes = [1], strides = [1]} : vector<16xi32> to vector<1xi32>
      %squeeze3A_1729 = vector.extract %slice3A_1728[0] : i32 from vector<1xi32>
      %slice3A_1730 = vector.extract_strided_slice %convert_element_type3A_1384 {offsets = [14], sizes = [1], strides = [1]} : vector<16xi32> to vector<1xi32>
      %squeeze3A_1731 = vector.extract %slice3A_1730[0] : i32 from vector<1xi32>
      %gt3A_1732 = arith.constant 0 : i32
      %gt3A_1733 = arith.cmpi sgt, %squeeze3A_1731, %gt3A_1732 : i32
      %eq3A_1734 = vector.broadcast %squeeze3A_1729 : i32 to vector<16xi32>
      %eq3A_1735 = arith.cmpi eq, %select_n3A_1340, %eq3A_1734 : vector<16xi32>
      %and3A_1736 = vector.broadcast %gt3A_1733 : i1 to vector<16xi1>
      %and3A_1737 = arith.andi %and3A_1736, %eq3A_1735 : vector<16xi1>
      %gt3A_1738 = arith.constant 14 : i32
      %gt3A_1739 = vector.broadcast %gt3A_1738 : i32 to vector<16xi32>
      %gt3A_1740 = arith.cmpi sgt, %iota3A, %gt3A_1739 : vector<16xi32>
      %and3A_1741 = arith.andi %and3A_1737, %gt3A_1740 : vector<16xi1>
      %or3A_1742 = arith.ori %or3A_1718, %and3A_1741 : vector<16xi1>
      %eq3A_1743 = vector.broadcast %squeeze3A_1729 : i32 to vector<16xi32>
      %eq3A_1744 = arith.cmpi eq, %select_n3A_1362, %eq3A_1743 : vector<16xi32>
      %and3A_1745 = vector.broadcast %gt3A_1733 : i1 to vector<16xi1>
      %and3A_1746 = arith.andi %and3A_1745, %eq3A_1744 : vector<16xi1>
      %gt3A_1747 = arith.constant 14 : i32
      %gt3A_1748 = vector.broadcast %gt3A_1747 : i32 to vector<16xi32>
      %gt3A_1749 = arith.cmpi sgt, %add3A_1388, %gt3A_1748 : vector<16xi32>
      %and3A_1750 = arith.andi %and3A_1746, %gt3A_1749 : vector<16xi1>
      %or3A_1751 = arith.ori %or3A_1727, %and3A_1750 : vector<16xi1>
      %slice3A_1752 = vector.extract_strided_slice %select_n3A_1340 {offsets = [15], sizes = [1], strides = [1]} : vector<16xi32> to vector<1xi32>
      %squeeze3A_1753 = vector.extract %slice3A_1752[0] : i32 from vector<1xi32>
      %slice3A_1754 = vector.extract_strided_slice %convert_element_type3A_1384 {offsets = [15], sizes = [1], strides = [1]} : vector<16xi32> to vector<1xi32>
      %squeeze3A_1755 = vector.extract %slice3A_1754[0] : i32 from vector<1xi32>
      %gt3A_1756 = arith.constant 0 : i32
      %gt3A_1757 = arith.cmpi sgt, %squeeze3A_1755, %gt3A_1756 : i32
      %eq3A_1758 = vector.broadcast %squeeze3A_1753 : i32 to vector<16xi32>
      %eq3A_1759 = arith.cmpi eq, %select_n3A_1340, %eq3A_1758 : vector<16xi32>
      %and3A_1760 = vector.broadcast %gt3A_1757 : i1 to vector<16xi1>
      %and3A_1761 = arith.andi %and3A_1760, %eq3A_1759 : vector<16xi1>
      %gt3A_1762 = arith.constant 15 : i32
      %gt3A_1763 = vector.broadcast %gt3A_1762 : i32 to vector<16xi32>
      %gt3A_1764 = arith.cmpi sgt, %iota3A, %gt3A_1763 : vector<16xi32>
      %and3A_1765 = arith.andi %and3A_1761, %gt3A_1764 : vector<16xi1>
      %or3A_1766 = arith.ori %or3A_1742, %and3A_1765 : vector<16xi1>
      %eq3A_1767 = vector.broadcast %squeeze3A_1753 : i32 to vector<16xi32>
      %eq3A_1768 = arith.cmpi eq, %select_n3A_1362, %eq3A_1767 : vector<16xi32>
      %and3A_1769 = vector.broadcast %gt3A_1757 : i1 to vector<16xi1>
      %and3A_1770 = arith.andi %and3A_1769, %eq3A_1768 : vector<16xi1>
      %gt3A_1771 = arith.constant 15 : i32
      %gt3A_1772 = vector.broadcast %gt3A_1771 : i32 to vector<16xi32>
      %gt3A_1773 = arith.cmpi sgt, %add3A_1388, %gt3A_1772 : vector<16xi32>
      %and3A_1774 = arith.andi %and3A_1770, %gt3A_1773 : vector<16xi1>
      %or3A_1775 = arith.ori %or3A_1751, %and3A_1774 : vector<16xi1>
      %slice3A_1776 = vector.extract_strided_slice %select_n3A_1362 {offsets = [0], sizes = [1], strides = [1]} : vector<16xi32> to vector<1xi32>
      %squeeze3A_1777 = vector.extract %slice3A_1776[0] : i32 from vector<1xi32>
      %slice3A_1778 = vector.extract_strided_slice %convert_element_type3A_1385 {offsets = [0], sizes = [1], strides = [1]} : vector<16xi32> to vector<1xi32>
      %squeeze3A_1779 = vector.extract %slice3A_1778[0] : i32 from vector<1xi32>
      %gt3A_1780 = arith.constant 0 : i32
      %gt3A_1781 = arith.cmpi sgt, %squeeze3A_1779, %gt3A_1780 : i32
      %eq3A_1782 = vector.broadcast %squeeze3A_1777 : i32 to vector<16xi32>
      %eq3A_1783 = arith.cmpi eq, %select_n3A_1340, %eq3A_1782 : vector<16xi32>
      %and3A_1784 = vector.broadcast %gt3A_1781 : i1 to vector<16xi1>
      %and3A_1785 = arith.andi %and3A_1784, %eq3A_1783 : vector<16xi1>
      %gt3A_1786 = arith.constant 16 : i32
      %gt3A_1787 = vector.broadcast %gt3A_1786 : i32 to vector<16xi32>
      %gt3A_1788 = arith.cmpi sgt, %iota3A, %gt3A_1787 : vector<16xi32>
      %and3A_1789 = arith.andi %and3A_1785, %gt3A_1788 : vector<16xi1>
      %or3A_1790 = arith.ori %or3A_1766, %and3A_1789 : vector<16xi1>
      %eq3A_1791 = vector.broadcast %squeeze3A_1777 : i32 to vector<16xi32>
      %eq3A_1792 = arith.cmpi eq, %select_n3A_1362, %eq3A_1791 : vector<16xi32>
      %and3A_1793 = vector.broadcast %gt3A_1781 : i1 to vector<16xi1>
      %and3A_1794 = arith.andi %and3A_1793, %eq3A_1792 : vector<16xi1>
      %gt3A_1795 = arith.constant 16 : i32
      %gt3A_1796 = vector.broadcast %gt3A_1795 : i32 to vector<16xi32>
      %gt3A_1797 = arith.cmpi sgt, %add3A_1388, %gt3A_1796 : vector<16xi32>
      %and3A_1798 = arith.andi %and3A_1794, %gt3A_1797 : vector<16xi1>
      %or3A_1799 = arith.ori %or3A_1775, %and3A_1798 : vector<16xi1>
      %slice3A_1800 = vector.extract_strided_slice %select_n3A_1362 {offsets = [1], sizes = [1], strides = [1]} : vector<16xi32> to vector<1xi32>
      %squeeze3A_1801 = vector.extract %slice3A_1800[0] : i32 from vector<1xi32>
      %slice3A_1802 = vector.extract_strided_slice %convert_element_type3A_1385 {offsets = [1], sizes = [1], strides = [1]} : vector<16xi32> to vector<1xi32>
      %squeeze3A_1803 = vector.extract %slice3A_1802[0] : i32 from vector<1xi32>
      %gt3A_1804 = arith.constant 0 : i32
      %gt3A_1805 = arith.cmpi sgt, %squeeze3A_1803, %gt3A_1804 : i32
      %eq3A_1806 = vector.broadcast %squeeze3A_1801 : i32 to vector<16xi32>
      %eq3A_1807 = arith.cmpi eq, %select_n3A_1340, %eq3A_1806 : vector<16xi32>
      %and3A_1808 = vector.broadcast %gt3A_1805 : i1 to vector<16xi1>
      %and3A_1809 = arith.andi %and3A_1808, %eq3A_1807 : vector<16xi1>
      %gt3A_1810 = arith.constant 17 : i32
      %gt3A_1811 = vector.broadcast %gt3A_1810 : i32 to vector<16xi32>
      %gt3A_1812 = arith.cmpi sgt, %iota3A, %gt3A_1811 : vector<16xi32>
      %and3A_1813 = arith.andi %and3A_1809, %gt3A_1812 : vector<16xi1>
      %or3A_1814 = arith.ori %or3A_1790, %and3A_1813 : vector<16xi1>
      %eq3A_1815 = vector.broadcast %squeeze3A_1801 : i32 to vector<16xi32>
      %eq3A_1816 = arith.cmpi eq, %select_n3A_1362, %eq3A_1815 : vector<16xi32>
      %and3A_1817 = vector.broadcast %gt3A_1805 : i1 to vector<16xi1>
      %and3A_1818 = arith.andi %and3A_1817, %eq3A_1816 : vector<16xi1>
      %gt3A_1819 = arith.constant 17 : i32
      %gt3A_1820 = vector.broadcast %gt3A_1819 : i32 to vector<16xi32>
      %gt3A_1821 = arith.cmpi sgt, %add3A_1388, %gt3A_1820 : vector<16xi32>
      %and3A_1822 = arith.andi %and3A_1818, %gt3A_1821 : vector<16xi1>
      %or3A_1823 = arith.ori %or3A_1799, %and3A_1822 : vector<16xi1>
      %slice3A_1824 = vector.extract_strided_slice %select_n3A_1362 {offsets = [2], sizes = [1], strides = [1]} : vector<16xi32> to vector<1xi32>
      %squeeze3A_1825 = vector.extract %slice3A_1824[0] : i32 from vector<1xi32>
      %slice3A_1826 = vector.extract_strided_slice %convert_element_type3A_1385 {offsets = [2], sizes = [1], strides = [1]} : vector<16xi32> to vector<1xi32>
      %squeeze3A_1827 = vector.extract %slice3A_1826[0] : i32 from vector<1xi32>
      %gt3A_1828 = arith.constant 0 : i32
      %gt3A_1829 = arith.cmpi sgt, %squeeze3A_1827, %gt3A_1828 : i32
      %eq3A_1830 = vector.broadcast %squeeze3A_1825 : i32 to vector<16xi32>
      %eq3A_1831 = arith.cmpi eq, %select_n3A_1340, %eq3A_1830 : vector<16xi32>
      %and3A_1832 = vector.broadcast %gt3A_1829 : i1 to vector<16xi1>
      %and3A_1833 = arith.andi %and3A_1832, %eq3A_1831 : vector<16xi1>
      %gt3A_1834 = arith.constant 18 : i32
      %gt3A_1835 = vector.broadcast %gt3A_1834 : i32 to vector<16xi32>
      %gt3A_1836 = arith.cmpi sgt, %iota3A, %gt3A_1835 : vector<16xi32>
      %and3A_1837 = arith.andi %and3A_1833, %gt3A_1836 : vector<16xi1>
      %or3A_1838 = arith.ori %or3A_1814, %and3A_1837 : vector<16xi1>
      %eq3A_1839 = vector.broadcast %squeeze3A_1825 : i32 to vector<16xi32>
      %eq3A_1840 = arith.cmpi eq, %select_n3A_1362, %eq3A_1839 : vector<16xi32>
      %and3A_1841 = vector.broadcast %gt3A_1829 : i1 to vector<16xi1>
      %and3A_1842 = arith.andi %and3A_1841, %eq3A_1840 : vector<16xi1>
      %gt3A_1843 = arith.constant 18 : i32
      %gt3A_1844 = vector.broadcast %gt3A_1843 : i32 to vector<16xi32>
      %gt3A_1845 = arith.cmpi sgt, %add3A_1388, %gt3A_1844 : vector<16xi32>
      %and3A_1846 = arith.andi %and3A_1842, %gt3A_1845 : vector<16xi1>
      %or3A_1847 = arith.ori %or3A_1823, %and3A_1846 : vector<16xi1>
      %slice3A_1848 = vector.extract_strided_slice %select_n3A_1362 {offsets = [3], sizes = [1], strides = [1]} : vector<16xi32> to vector<1xi32>
      %squeeze3A_1849 = vector.extract %slice3A_1848[0] : i32 from vector<1xi32>
      %slice3A_1850 = vector.extract_strided_slice %convert_element_type3A_1385 {offsets = [3], sizes = [1], strides = [1]} : vector<16xi32> to vector<1xi32>
      %squeeze3A_1851 = vector.extract %slice3A_1850[0] : i32 from vector<1xi32>
      %gt3A_1852 = arith.constant 0 : i32
      %gt3A_1853 = arith.cmpi sgt, %squeeze3A_1851, %gt3A_1852 : i32
      %eq3A_1854 = vector.broadcast %squeeze3A_1849 : i32 to vector<16xi32>
      %eq3A_1855 = arith.cmpi eq, %select_n3A_1340, %eq3A_1854 : vector<16xi32>
      %and3A_1856 = vector.broadcast %gt3A_1853 : i1 to vector<16xi1>
      %and3A_1857 = arith.andi %and3A_1856, %eq3A_1855 : vector<16xi1>
      %gt3A_1858 = arith.constant 19 : i32
      %gt3A_1859 = vector.broadcast %gt3A_1858 : i32 to vector<16xi32>
      %gt3A_1860 = arith.cmpi sgt, %iota3A, %gt3A_1859 : vector<16xi32>
      %and3A_1861 = arith.andi %and3A_1857, %gt3A_1860 : vector<16xi1>
      %or3A_1862 = arith.ori %or3A_1838, %and3A_1861 : vector<16xi1>
      %eq3A_1863 = vector.broadcast %squeeze3A_1849 : i32 to vector<16xi32>
      %eq3A_1864 = arith.cmpi eq, %select_n3A_1362, %eq3A_1863 : vector<16xi32>
      %and3A_1865 = vector.broadcast %gt3A_1853 : i1 to vector<16xi1>
      %and3A_1866 = arith.andi %and3A_1865, %eq3A_1864 : vector<16xi1>
      %gt3A_1867 = arith.constant 19 : i32
      %gt3A_1868 = vector.broadcast %gt3A_1867 : i32 to vector<16xi32>
      %gt3A_1869 = arith.cmpi sgt, %add3A_1388, %gt3A_1868 : vector<16xi32>
      %and3A_1870 = arith.andi %and3A_1866, %gt3A_1869 : vector<16xi1>
      %or3A_1871 = arith.ori %or3A_1847, %and3A_1870 : vector<16xi1>
      %not3A = arith.constant dense<true> : vector<16xi1>
      %not3A_1872 = arith.xori %or3A_1862, %not3A : vector<16xi1>
      %and3A_1873 = arith.andi %gt3A_1380, %not3A_1872 : vector<16xi1>
      %not3A_1874 = arith.constant dense<true> : vector<16xi1>
      %not3A_1875 = arith.xori %or3A_1871, %not3A_1874 : vector<16xi1>
      %and3A_1876 = arith.andi %gt3A_1383, %not3A_1875 : vector<16xi1>
      %jit3A_1877 = arith.constant 1073741824 : i32
      %broadcast_in_dim3A_1878 = vector.broadcast %jit3A_1877 : i32 to vector<16xi32>
      %select_n3A_1879 = arith.select %and3A_1873, %select_n3A_1340, %broadcast_in_dim3A_1878 : vector<16xi1>, vector<16xi32>
      %jit3A_1880 = arith.constant 1073741824 : i32
      %broadcast_in_dim3A_1881 = vector.broadcast %jit3A_1880 : i32 to vector<16xi32>
      %select_n3A_1882 = arith.select %and3A_1876, %select_n3A_1362, %broadcast_in_dim3A_1881 : vector<16xi1>, vector<16xi32>
      %broadcast_in_dim3A_1883 = arith.constant 0 : i32
      %broadcast_in_dim3A_1884 = vector.broadcast %broadcast_in_dim3A_1883 : i32 to vector<16xi32>
      %broadcast_in_dim3A_1885 = arith.constant 0 : i32
      %broadcast_in_dim3A_1886 = vector.broadcast %broadcast_in_dim3A_1885 : i32 to vector<16xi32>
      %slice3A_1887 = vector.extract_strided_slice %select_n3A_1879 {offsets = [0], sizes = [1], strides = [1]} : vector<16xi32> to vector<1xi32>
      %squeeze3A_1888 = vector.extract %slice3A_1887[0] : i32 from vector<1xi32>
      %gt3A_1889 = vector.broadcast %squeeze3A_1888 : i32 to vector<16xi32>
      %gt3A_1890 = arith.cmpi sgt, %select_n3A_1879, %gt3A_1889 : vector<16xi32>
      %convert_element_type3A_1891 = arith.extui %gt3A_1890 : vector<16xi1> to vector<16xi32>
      %add3A_1892 = arith.addi %broadcast_in_dim3A_1884, %convert_element_type3A_1891 : vector<16xi32>
      %gt3A_1893 = vector.broadcast %squeeze3A_1888 : i32 to vector<16xi32>
      %gt3A_1894 = arith.cmpi sgt, %select_n3A_1882, %gt3A_1893 : vector<16xi32>
      %convert_element_type3A_1895 = arith.extui %gt3A_1894 : vector<16xi1> to vector<16xi32>
      %add3A_1896 = arith.addi %broadcast_in_dim3A_1886, %convert_element_type3A_1895 : vector<16xi32>
      %slice3A_1897 = vector.extract_strided_slice %select_n3A_1879 {offsets = [1], sizes = [1], strides = [1]} : vector<16xi32> to vector<1xi32>
      %squeeze3A_1898 = vector.extract %slice3A_1897[0] : i32 from vector<1xi32>
      %gt3A_1899 = vector.broadcast %squeeze3A_1898 : i32 to vector<16xi32>
      %gt3A_1900 = arith.cmpi sgt, %select_n3A_1879, %gt3A_1899 : vector<16xi32>
      %convert_element_type3A_1901 = arith.extui %gt3A_1900 : vector<16xi1> to vector<16xi32>
      %add3A_1902 = arith.addi %add3A_1892, %convert_element_type3A_1901 : vector<16xi32>
      %gt3A_1903 = vector.broadcast %squeeze3A_1898 : i32 to vector<16xi32>
      %gt3A_1904 = arith.cmpi sgt, %select_n3A_1882, %gt3A_1903 : vector<16xi32>
      %convert_element_type3A_1905 = arith.extui %gt3A_1904 : vector<16xi1> to vector<16xi32>
      %add3A_1906 = arith.addi %add3A_1896, %convert_element_type3A_1905 : vector<16xi32>
      %slice3A_1907 = vector.extract_strided_slice %select_n3A_1879 {offsets = [2], sizes = [1], strides = [1]} : vector<16xi32> to vector<1xi32>
      %squeeze3A_1908 = vector.extract %slice3A_1907[0] : i32 from vector<1xi32>
      %gt3A_1909 = vector.broadcast %squeeze3A_1908 : i32 to vector<16xi32>
      %gt3A_1910 = arith.cmpi sgt, %select_n3A_1879, %gt3A_1909 : vector<16xi32>
      %convert_element_type3A_1911 = arith.extui %gt3A_1910 : vector<16xi1> to vector<16xi32>
      %add3A_1912 = arith.addi %add3A_1902, %convert_element_type3A_1911 : vector<16xi32>
      %gt3A_1913 = vector.broadcast %squeeze3A_1908 : i32 to vector<16xi32>
      %gt3A_1914 = arith.cmpi sgt, %select_n3A_1882, %gt3A_1913 : vector<16xi32>
      %convert_element_type3A_1915 = arith.extui %gt3A_1914 : vector<16xi1> to vector<16xi32>
      %add3A_1916 = arith.addi %add3A_1906, %convert_element_type3A_1915 : vector<16xi32>
      %slice3A_1917 = vector.extract_strided_slice %select_n3A_1879 {offsets = [3], sizes = [1], strides = [1]} : vector<16xi32> to vector<1xi32>
      %squeeze3A_1918 = vector.extract %slice3A_1917[0] : i32 from vector<1xi32>
      %gt3A_1919 = vector.broadcast %squeeze3A_1918 : i32 to vector<16xi32>
      %gt3A_1920 = arith.cmpi sgt, %select_n3A_1879, %gt3A_1919 : vector<16xi32>
      %convert_element_type3A_1921 = arith.extui %gt3A_1920 : vector<16xi1> to vector<16xi32>
      %add3A_1922 = arith.addi %add3A_1912, %convert_element_type3A_1921 : vector<16xi32>
      %gt3A_1923 = vector.broadcast %squeeze3A_1918 : i32 to vector<16xi32>
      %gt3A_1924 = arith.cmpi sgt, %select_n3A_1882, %gt3A_1923 : vector<16xi32>
      %convert_element_type3A_1925 = arith.extui %gt3A_1924 : vector<16xi1> to vector<16xi32>
      %add3A_1926 = arith.addi %add3A_1916, %convert_element_type3A_1925 : vector<16xi32>
      %slice3A_1927 = vector.extract_strided_slice %select_n3A_1879 {offsets = [4], sizes = [1], strides = [1]} : vector<16xi32> to vector<1xi32>
      %squeeze3A_1928 = vector.extract %slice3A_1927[0] : i32 from vector<1xi32>
      %gt3A_1929 = vector.broadcast %squeeze3A_1928 : i32 to vector<16xi32>
      %gt3A_1930 = arith.cmpi sgt, %select_n3A_1879, %gt3A_1929 : vector<16xi32>
      %convert_element_type3A_1931 = arith.extui %gt3A_1930 : vector<16xi1> to vector<16xi32>
      %add3A_1932 = arith.addi %add3A_1922, %convert_element_type3A_1931 : vector<16xi32>
      %gt3A_1933 = vector.broadcast %squeeze3A_1928 : i32 to vector<16xi32>
      %gt3A_1934 = arith.cmpi sgt, %select_n3A_1882, %gt3A_1933 : vector<16xi32>
      %convert_element_type3A_1935 = arith.extui %gt3A_1934 : vector<16xi1> to vector<16xi32>
      %add3A_1936 = arith.addi %add3A_1926, %convert_element_type3A_1935 : vector<16xi32>
      %slice3A_1937 = vector.extract_strided_slice %select_n3A_1879 {offsets = [5], sizes = [1], strides = [1]} : vector<16xi32> to vector<1xi32>
      %squeeze3A_1938 = vector.extract %slice3A_1937[0] : i32 from vector<1xi32>
      %gt3A_1939 = vector.broadcast %squeeze3A_1938 : i32 to vector<16xi32>
      %gt3A_1940 = arith.cmpi sgt, %select_n3A_1879, %gt3A_1939 : vector<16xi32>
      %convert_element_type3A_1941 = arith.extui %gt3A_1940 : vector<16xi1> to vector<16xi32>
      %add3A_1942 = arith.addi %add3A_1932, %convert_element_type3A_1941 : vector<16xi32>
      %gt3A_1943 = vector.broadcast %squeeze3A_1938 : i32 to vector<16xi32>
      %gt3A_1944 = arith.cmpi sgt, %select_n3A_1882, %gt3A_1943 : vector<16xi32>
      %convert_element_type3A_1945 = arith.extui %gt3A_1944 : vector<16xi1> to vector<16xi32>
      %add3A_1946 = arith.addi %add3A_1936, %convert_element_type3A_1945 : vector<16xi32>
      %slice3A_1947 = vector.extract_strided_slice %select_n3A_1879 {offsets = [6], sizes = [1], strides = [1]} : vector<16xi32> to vector<1xi32>
      %squeeze3A_1948 = vector.extract %slice3A_1947[0] : i32 from vector<1xi32>
      %gt3A_1949 = vector.broadcast %squeeze3A_1948 : i32 to vector<16xi32>
      %gt3A_1950 = arith.cmpi sgt, %select_n3A_1879, %gt3A_1949 : vector<16xi32>
      %convert_element_type3A_1951 = arith.extui %gt3A_1950 : vector<16xi1> to vector<16xi32>
      %add3A_1952 = arith.addi %add3A_1942, %convert_element_type3A_1951 : vector<16xi32>
      %gt3A_1953 = vector.broadcast %squeeze3A_1948 : i32 to vector<16xi32>
      %gt3A_1954 = arith.cmpi sgt, %select_n3A_1882, %gt3A_1953 : vector<16xi32>
      %convert_element_type3A_1955 = arith.extui %gt3A_1954 : vector<16xi1> to vector<16xi32>
      %add3A_1956 = arith.addi %add3A_1946, %convert_element_type3A_1955 : vector<16xi32>
      %slice3A_1957 = vector.extract_strided_slice %select_n3A_1879 {offsets = [7], sizes = [1], strides = [1]} : vector<16xi32> to vector<1xi32>
      %squeeze3A_1958 = vector.extract %slice3A_1957[0] : i32 from vector<1xi32>
      %gt3A_1959 = vector.broadcast %squeeze3A_1958 : i32 to vector<16xi32>
      %gt3A_1960 = arith.cmpi sgt, %select_n3A_1879, %gt3A_1959 : vector<16xi32>
      %convert_element_type3A_1961 = arith.extui %gt3A_1960 : vector<16xi1> to vector<16xi32>
      %add3A_1962 = arith.addi %add3A_1952, %convert_element_type3A_1961 : vector<16xi32>
      %gt3A_1963 = vector.broadcast %squeeze3A_1958 : i32 to vector<16xi32>
      %gt3A_1964 = arith.cmpi sgt, %select_n3A_1882, %gt3A_1963 : vector<16xi32>
      %convert_element_type3A_1965 = arith.extui %gt3A_1964 : vector<16xi1> to vector<16xi32>
      %add3A_1966 = arith.addi %add3A_1956, %convert_element_type3A_1965 : vector<16xi32>
      %slice3A_1967 = vector.extract_strided_slice %select_n3A_1879 {offsets = [8], sizes = [1], strides = [1]} : vector<16xi32> to vector<1xi32>
      %squeeze3A_1968 = vector.extract %slice3A_1967[0] : i32 from vector<1xi32>
      %gt3A_1969 = vector.broadcast %squeeze3A_1968 : i32 to vector<16xi32>
      %gt3A_1970 = arith.cmpi sgt, %select_n3A_1879, %gt3A_1969 : vector<16xi32>
      %convert_element_type3A_1971 = arith.extui %gt3A_1970 : vector<16xi1> to vector<16xi32>
      %add3A_1972 = arith.addi %add3A_1962, %convert_element_type3A_1971 : vector<16xi32>
      %gt3A_1973 = vector.broadcast %squeeze3A_1968 : i32 to vector<16xi32>
      %gt3A_1974 = arith.cmpi sgt, %select_n3A_1882, %gt3A_1973 : vector<16xi32>
      %convert_element_type3A_1975 = arith.extui %gt3A_1974 : vector<16xi1> to vector<16xi32>
      %add3A_1976 = arith.addi %add3A_1966, %convert_element_type3A_1975 : vector<16xi32>
      %slice3A_1977 = vector.extract_strided_slice %select_n3A_1879 {offsets = [9], sizes = [1], strides = [1]} : vector<16xi32> to vector<1xi32>
      %squeeze3A_1978 = vector.extract %slice3A_1977[0] : i32 from vector<1xi32>
      %gt3A_1979 = vector.broadcast %squeeze3A_1978 : i32 to vector<16xi32>
      %gt3A_1980 = arith.cmpi sgt, %select_n3A_1879, %gt3A_1979 : vector<16xi32>
      %convert_element_type3A_1981 = arith.extui %gt3A_1980 : vector<16xi1> to vector<16xi32>
      %add3A_1982 = arith.addi %add3A_1972, %convert_element_type3A_1981 : vector<16xi32>
      %gt3A_1983 = vector.broadcast %squeeze3A_1978 : i32 to vector<16xi32>
      %gt3A_1984 = arith.cmpi sgt, %select_n3A_1882, %gt3A_1983 : vector<16xi32>
      %convert_element_type3A_1985 = arith.extui %gt3A_1984 : vector<16xi1> to vector<16xi32>
      %add3A_1986 = arith.addi %add3A_1976, %convert_element_type3A_1985 : vector<16xi32>
      %slice3A_1987 = vector.extract_strided_slice %select_n3A_1879 {offsets = [10], sizes = [1], strides = [1]} : vector<16xi32> to vector<1xi32>
      %squeeze3A_1988 = vector.extract %slice3A_1987[0] : i32 from vector<1xi32>
      %gt3A_1989 = vector.broadcast %squeeze3A_1988 : i32 to vector<16xi32>
      %gt3A_1990 = arith.cmpi sgt, %select_n3A_1879, %gt3A_1989 : vector<16xi32>
      %convert_element_type3A_1991 = arith.extui %gt3A_1990 : vector<16xi1> to vector<16xi32>
      %add3A_1992 = arith.addi %add3A_1982, %convert_element_type3A_1991 : vector<16xi32>
      %gt3A_1993 = vector.broadcast %squeeze3A_1988 : i32 to vector<16xi32>
      %gt3A_1994 = arith.cmpi sgt, %select_n3A_1882, %gt3A_1993 : vector<16xi32>
      %convert_element_type3A_1995 = arith.extui %gt3A_1994 : vector<16xi1> to vector<16xi32>
      %add3A_1996 = arith.addi %add3A_1986, %convert_element_type3A_1995 : vector<16xi32>
      %slice3A_1997 = vector.extract_strided_slice %select_n3A_1879 {offsets = [11], sizes = [1], strides = [1]} : vector<16xi32> to vector<1xi32>
      %squeeze3A_1998 = vector.extract %slice3A_1997[0] : i32 from vector<1xi32>
      %gt3A_1999 = vector.broadcast %squeeze3A_1998 : i32 to vector<16xi32>
      %gt3A_2000 = arith.cmpi sgt, %select_n3A_1879, %gt3A_1999 : vector<16xi32>
      %convert_element_type3A_2001 = arith.extui %gt3A_2000 : vector<16xi1> to vector<16xi32>
      %add3A_2002 = arith.addi %add3A_1992, %convert_element_type3A_2001 : vector<16xi32>
      %gt3A_2003 = vector.broadcast %squeeze3A_1998 : i32 to vector<16xi32>
      %gt3A_2004 = arith.cmpi sgt, %select_n3A_1882, %gt3A_2003 : vector<16xi32>
      %convert_element_type3A_2005 = arith.extui %gt3A_2004 : vector<16xi1> to vector<16xi32>
      %add3A_2006 = arith.addi %add3A_1996, %convert_element_type3A_2005 : vector<16xi32>
      %slice3A_2007 = vector.extract_strided_slice %select_n3A_1879 {offsets = [12], sizes = [1], strides = [1]} : vector<16xi32> to vector<1xi32>
      %squeeze3A_2008 = vector.extract %slice3A_2007[0] : i32 from vector<1xi32>
      %gt3A_2009 = vector.broadcast %squeeze3A_2008 : i32 to vector<16xi32>
      %gt3A_2010 = arith.cmpi sgt, %select_n3A_1879, %gt3A_2009 : vector<16xi32>
      %convert_element_type3A_2011 = arith.extui %gt3A_2010 : vector<16xi1> to vector<16xi32>
      %add3A_2012 = arith.addi %add3A_2002, %convert_element_type3A_2011 : vector<16xi32>
      %gt3A_2013 = vector.broadcast %squeeze3A_2008 : i32 to vector<16xi32>
      %gt3A_2014 = arith.cmpi sgt, %select_n3A_1882, %gt3A_2013 : vector<16xi32>
      %convert_element_type3A_2015 = arith.extui %gt3A_2014 : vector<16xi1> to vector<16xi32>
      %add3A_2016 = arith.addi %add3A_2006, %convert_element_type3A_2015 : vector<16xi32>
      %slice3A_2017 = vector.extract_strided_slice %select_n3A_1879 {offsets = [13], sizes = [1], strides = [1]} : vector<16xi32> to vector<1xi32>
      %squeeze3A_2018 = vector.extract %slice3A_2017[0] : i32 from vector<1xi32>
      %gt3A_2019 = vector.broadcast %squeeze3A_2018 : i32 to vector<16xi32>
      %gt3A_2020 = arith.cmpi sgt, %select_n3A_1879, %gt3A_2019 : vector<16xi32>
      %convert_element_type3A_2021 = arith.extui %gt3A_2020 : vector<16xi1> to vector<16xi32>
      %add3A_2022 = arith.addi %add3A_2012, %convert_element_type3A_2021 : vector<16xi32>
      %gt3A_2023 = vector.broadcast %squeeze3A_2018 : i32 to vector<16xi32>
      %gt3A_2024 = arith.cmpi sgt, %select_n3A_1882, %gt3A_2023 : vector<16xi32>
      %convert_element_type3A_2025 = arith.extui %gt3A_2024 : vector<16xi1> to vector<16xi32>
      %add3A_2026 = arith.addi %add3A_2016, %convert_element_type3A_2025 : vector<16xi32>
      %slice3A_2027 = vector.extract_strided_slice %select_n3A_1879 {offsets = [14], sizes = [1], strides = [1]} : vector<16xi32> to vector<1xi32>
      %squeeze3A_2028 = vector.extract %slice3A_2027[0] : i32 from vector<1xi32>
      %gt3A_2029 = vector.broadcast %squeeze3A_2028 : i32 to vector<16xi32>
      %gt3A_2030 = arith.cmpi sgt, %select_n3A_1879, %gt3A_2029 : vector<16xi32>
      %convert_element_type3A_2031 = arith.extui %gt3A_2030 : vector<16xi1> to vector<16xi32>
      %add3A_2032 = arith.addi %add3A_2022, %convert_element_type3A_2031 : vector<16xi32>
      %gt3A_2033 = vector.broadcast %squeeze3A_2028 : i32 to vector<16xi32>
      %gt3A_2034 = arith.cmpi sgt, %select_n3A_1882, %gt3A_2033 : vector<16xi32>
      %convert_element_type3A_2035 = arith.extui %gt3A_2034 : vector<16xi1> to vector<16xi32>
      %add3A_2036 = arith.addi %add3A_2026, %convert_element_type3A_2035 : vector<16xi32>
      %slice3A_2037 = vector.extract_strided_slice %select_n3A_1879 {offsets = [15], sizes = [1], strides = [1]} : vector<16xi32> to vector<1xi32>
      %squeeze3A_2038 = vector.extract %slice3A_2037[0] : i32 from vector<1xi32>
      %gt3A_2039 = vector.broadcast %squeeze3A_2038 : i32 to vector<16xi32>
      %gt3A_2040 = arith.cmpi sgt, %select_n3A_1879, %gt3A_2039 : vector<16xi32>
      %convert_element_type3A_2041 = arith.extui %gt3A_2040 : vector<16xi1> to vector<16xi32>
      %add3A_2042 = arith.addi %add3A_2032, %convert_element_type3A_2041 : vector<16xi32>
      %gt3A_2043 = vector.broadcast %squeeze3A_2038 : i32 to vector<16xi32>
      %gt3A_2044 = arith.cmpi sgt, %select_n3A_1882, %gt3A_2043 : vector<16xi32>
      %convert_element_type3A_2045 = arith.extui %gt3A_2044 : vector<16xi1> to vector<16xi32>
      %add3A_2046 = arith.addi %add3A_2036, %convert_element_type3A_2045 : vector<16xi32>
      %slice3A_2047 = vector.extract_strided_slice %select_n3A_1882 {offsets = [0], sizes = [1], strides = [1]} : vector<16xi32> to vector<1xi32>
      %squeeze3A_2048 = vector.extract %slice3A_2047[0] : i32 from vector<1xi32>
      %gt3A_2049 = vector.broadcast %squeeze3A_2048 : i32 to vector<16xi32>
      %gt3A_2050 = arith.cmpi sgt, %select_n3A_1879, %gt3A_2049 : vector<16xi32>
      %convert_element_type3A_2051 = arith.extui %gt3A_2050 : vector<16xi1> to vector<16xi32>
      %add3A_2052 = arith.addi %add3A_2042, %convert_element_type3A_2051 : vector<16xi32>
      %gt3A_2053 = vector.broadcast %squeeze3A_2048 : i32 to vector<16xi32>
      %gt3A_2054 = arith.cmpi sgt, %select_n3A_1882, %gt3A_2053 : vector<16xi32>
      %convert_element_type3A_2055 = arith.extui %gt3A_2054 : vector<16xi1> to vector<16xi32>
      %add3A_2056 = arith.addi %add3A_2046, %convert_element_type3A_2055 : vector<16xi32>
      %slice3A_2057 = vector.extract_strided_slice %select_n3A_1882 {offsets = [1], sizes = [1], strides = [1]} : vector<16xi32> to vector<1xi32>
      %squeeze3A_2058 = vector.extract %slice3A_2057[0] : i32 from vector<1xi32>
      %gt3A_2059 = vector.broadcast %squeeze3A_2058 : i32 to vector<16xi32>
      %gt3A_2060 = arith.cmpi sgt, %select_n3A_1879, %gt3A_2059 : vector<16xi32>
      %convert_element_type3A_2061 = arith.extui %gt3A_2060 : vector<16xi1> to vector<16xi32>
      %add3A_2062 = arith.addi %add3A_2052, %convert_element_type3A_2061 : vector<16xi32>
      %gt3A_2063 = vector.broadcast %squeeze3A_2058 : i32 to vector<16xi32>
      %gt3A_2064 = arith.cmpi sgt, %select_n3A_1882, %gt3A_2063 : vector<16xi32>
      %convert_element_type3A_2065 = arith.extui %gt3A_2064 : vector<16xi1> to vector<16xi32>
      %add3A_2066 = arith.addi %add3A_2056, %convert_element_type3A_2065 : vector<16xi32>
      %slice3A_2067 = vector.extract_strided_slice %select_n3A_1882 {offsets = [2], sizes = [1], strides = [1]} : vector<16xi32> to vector<1xi32>
      %squeeze3A_2068 = vector.extract %slice3A_2067[0] : i32 from vector<1xi32>
      %gt3A_2069 = vector.broadcast %squeeze3A_2068 : i32 to vector<16xi32>
      %gt3A_2070 = arith.cmpi sgt, %select_n3A_1879, %gt3A_2069 : vector<16xi32>
      %convert_element_type3A_2071 = arith.extui %gt3A_2070 : vector<16xi1> to vector<16xi32>
      %add3A_2072 = arith.addi %add3A_2062, %convert_element_type3A_2071 : vector<16xi32>
      %gt3A_2073 = vector.broadcast %squeeze3A_2068 : i32 to vector<16xi32>
      %gt3A_2074 = arith.cmpi sgt, %select_n3A_1882, %gt3A_2073 : vector<16xi32>
      %convert_element_type3A_2075 = arith.extui %gt3A_2074 : vector<16xi1> to vector<16xi32>
      %add3A_2076 = arith.addi %add3A_2066, %convert_element_type3A_2075 : vector<16xi32>
      %slice3A_2077 = vector.extract_strided_slice %select_n3A_1882 {offsets = [3], sizes = [1], strides = [1]} : vector<16xi32> to vector<1xi32>
      %squeeze3A_2078 = vector.extract %slice3A_2077[0] : i32 from vector<1xi32>
      %gt3A_2079 = vector.broadcast %squeeze3A_2078 : i32 to vector<16xi32>
      %gt3A_2080 = arith.cmpi sgt, %select_n3A_1879, %gt3A_2079 : vector<16xi32>
      %convert_element_type3A_2081 = arith.extui %gt3A_2080 : vector<16xi1> to vector<16xi32>
      %add3A_2082 = arith.addi %add3A_2072, %convert_element_type3A_2081 : vector<16xi32>
      %gt3A_2083 = vector.broadcast %squeeze3A_2078 : i32 to vector<16xi32>
      %gt3A_2084 = arith.cmpi sgt, %select_n3A_1882, %gt3A_2083 : vector<16xi32>
      %convert_element_type3A_2085 = arith.extui %gt3A_2084 : vector<16xi1> to vector<16xi32>
      %add3A_2086 = arith.addi %add3A_2076, %convert_element_type3A_2085 : vector<16xi32>
      %convert_element_type3A_2087 = arith.extui %and3A_1873 : vector<16xi1> to vector<16xi32>
      %reduce_sum3A = arith.constant true
      %reduce_sum3A_2088 = vector.broadcast %reduce_sum3A : i1 to vector<16xi1>
      %reduce_sum3A_2089 = tpu.scan <sum>, %convert_element_type3A_2087 masked %reduce_sum3A_2088 : vector<16xi32>, vector<16xi1> -> vector<16xi32>
      %reduce_sum3A_2090 = vector.extract %reduce_sum3A_2089[15] : i32 from vector<16xi32>
      %convert_element_type3A_2091 = arith.extui %and3A_1876 : vector<16xi1> to vector<16xi32>
      %reduce_sum3A_2092 = arith.constant true
      %reduce_sum3A_2093 = vector.broadcast %reduce_sum3A_2092 : i1 to vector<16xi1>
      %reduce_sum3A_2094 = tpu.scan <sum>, %convert_element_type3A_2091 masked %reduce_sum3A_2093 : vector<16xi32>, vector<16xi1> -> vector<16xi32>
      %reduce_sum3A_2095 = vector.extract %reduce_sum3A_2094[15] : i32 from vector<16xi32>
      %add3A_2096 = arith.addi %reduce_sum3A_2090, %reduce_sum3A_2095 : i32
      %jit3A_2097 = arith.constant 0.000000e+00 : f32
      %broadcast_in_dim3A_2098 = vector.broadcast %jit3A_2097 : f32 to vector<16xf32>
      %select_n3A_2099 = arith.select %and3A_1873, %select_n3A_1355, %broadcast_in_dim3A_2098 : vector<16xi1>, vector<16xf32>
      %reduce_sum3A_2100 = arith.constant true
      %reduce_sum3A_2101 = vector.broadcast %reduce_sum3A_2100 : i1 to vector<16xi1>
      %reduce_sum3A_2102 = tpu.scan <sum>, %select_n3A_2099 masked %reduce_sum3A_2101 : vector<16xf32>, vector<16xi1> -> vector<16xf32>
      %reduce_sum3A_2103 = vector.extract %reduce_sum3A_2102[15] : f32 from vector<16xf32>
      %jit3A_2104 = arith.constant 0.000000e+00 : f32
      %broadcast_in_dim3A_2105 = vector.broadcast %jit3A_2104 : f32 to vector<16xf32>
      %select_n3A_2106 = arith.select %and3A_1876, %select_n3A_1377, %broadcast_in_dim3A_2105 : vector<16xi1>, vector<16xf32>
      %reduce_sum3A_2107 = arith.constant true
      %reduce_sum3A_2108 = vector.broadcast %reduce_sum3A_2107 : i1 to vector<16xi1>
      %reduce_sum3A_2109 = tpu.scan <sum>, %select_n3A_2106 masked %reduce_sum3A_2108 : vector<16xf32>, vector<16xi1> -> vector<16xf32>
      %reduce_sum3A_2110 = vector.extract %reduce_sum3A_2109[15] : f32 from vector<16xf32>
      %add3A_2111 = arith.addf %reduce_sum3A_2103, %reduce_sum3A_2110 : f32
      %broadcast_in_dim3A_2112 = arith.constant 0.000000e+00 : f32
      %broadcast_in_dim3A_2113 = vector.broadcast %broadcast_in_dim3A_2112 : f32 to vector<16xf32>
      %broadcast_in_dim3A_2114 = arith.constant 0.000000e+00 : f32
      %broadcast_in_dim3A_2115 = vector.broadcast %broadcast_in_dim3A_2114 : f32 to vector<16xf32>
      %add3A_2116 = arith.constant 0 : i32
      %add3A_2117 = vector.broadcast %add3A_2116 : i32 to vector<16xi32>
      %add3A_2118 = arith.addi %add3A_2117, %add3A_2082 : vector<16xi32>
      %gather3A_2119 = tpu.vector_load_idx %arg13[%add3A_2118] : memref<128xf32, #tpu.memory_space<vmem>>[vector<16xi32>], vector<16xf32>,
      %sub3A_2120 = arith.subf %select_n3A_1343, %gather3A_2119 : vector<16xf32>
      %mul3A_2121 = arith.mulf %sub3A_2120, %sub3A_2120 : vector<16xf32>
      %add3A_2122 = arith.addf %broadcast_in_dim3A_2115, %mul3A_2121 : vector<16xf32>
      %add3A_2123 = arith.constant 32 : i32
      %add3A_2124 = vector.broadcast %add3A_2123 : i32 to vector<16xi32>
      %add3A_2125 = arith.addi %add3A_2124, %add3A_2082 : vector<16xi32>
      %gather3A_2126 = tpu.vector_load_idx %arg13[%add3A_2125] : memref<128xf32, #tpu.memory_space<vmem>>[vector<16xi32>], vector<16xf32>,
      %sub3A_2127 = arith.subf %select_n3A_1346, %gather3A_2126 : vector<16xf32>
      %mul3A_2128 = arith.mulf %sub3A_2127, %sub3A_2127 : vector<16xf32>
      %add3A_2129 = arith.addf %add3A_2122, %mul3A_2128 : vector<16xf32>
      %add3A_2130 = arith.constant 64 : i32
      %add3A_2131 = vector.broadcast %add3A_2130 : i32 to vector<16xi32>
      %add3A_2132 = arith.addi %add3A_2131, %add3A_2082 : vector<16xi32>
      %gather3A_2133 = tpu.vector_load_idx %arg13[%add3A_2132] : memref<128xf32, #tpu.memory_space<vmem>>[vector<16xi32>], vector<16xf32>,
      %sub3A_2134 = arith.subf %select_n3A_1349, %gather3A_2133 : vector<16xf32>
      %mul3A_2135 = arith.mulf %sub3A_2134, %sub3A_2134 : vector<16xf32>
      %add3A_2136 = arith.addf %add3A_2129, %mul3A_2135 : vector<16xf32>
      %add3A_2137 = arith.constant 96 : i32
      %add3A_2138 = vector.broadcast %add3A_2137 : i32 to vector<16xi32>
      %add3A_2139 = arith.addi %add3A_2138, %add3A_2082 : vector<16xi32>
      %gather3A_2140 = tpu.vector_load_idx %arg13[%add3A_2139] : memref<128xf32, #tpu.memory_space<vmem>>[vector<16xi32>], vector<16xf32>,
      %sub3A_2141 = arith.subf %select_n3A_1352, %gather3A_2140 : vector<16xf32>
      %mul3A_2142 = arith.mulf %sub3A_2141, %sub3A_2141 : vector<16xf32>
      %add3A_2143 = arith.addf %add3A_2136, %mul3A_2142 : vector<16xf32>
      %jit3A_2144 = arith.constant 0.000000e+00 : f32
      %broadcast_in_dim3A_2145 = vector.broadcast %jit3A_2144 : f32 to vector<16xf32>
      %select_n3A_2146 = arith.select %and3A_1873, %add3A_2143, %broadcast_in_dim3A_2145 : vector<16xi1>, vector<16xf32>
      %add3A_2147 = arith.addf %broadcast_in_dim3A_2113, %select_n3A_2146 : vector<16xf32>
      %broadcast_in_dim3A_2148 = arith.constant 0.000000e+00 : f32
      %broadcast_in_dim3A_2149 = vector.broadcast %broadcast_in_dim3A_2148 : f32 to vector<16xf32>
      %add3A_2150 = arith.constant 0 : i32
      %add3A_2151 = vector.broadcast %add3A_2150 : i32 to vector<16xi32>
      %add3A_2152 = arith.addi %add3A_2151, %add3A_2086 : vector<16xi32>
      %gather3A_2153 = tpu.vector_load_idx %arg13[%add3A_2152] : memref<128xf32, #tpu.memory_space<vmem>>[vector<16xi32>], vector<16xf32>,
      %sub3A_2154 = arith.subf %select_n3A_1365, %gather3A_2153 : vector<16xf32>
      %mul3A_2155 = arith.mulf %sub3A_2154, %sub3A_2154 : vector<16xf32>
      %add3A_2156 = arith.addf %broadcast_in_dim3A_2149, %mul3A_2155 : vector<16xf32>
      %add3A_2157 = arith.constant 32 : i32
      %add3A_2158 = vector.broadcast %add3A_2157 : i32 to vector<16xi32>
      %add3A_2159 = arith.addi %add3A_2158, %add3A_2086 : vector<16xi32>
      %gather3A_2160 = tpu.vector_load_idx %arg13[%add3A_2159] : memref<128xf32, #tpu.memory_space<vmem>>[vector<16xi32>], vector<16xf32>,
      %sub3A_2161 = arith.subf %select_n3A_1368, %gather3A_2160 : vector<16xf32>
      %mul3A_2162 = arith.mulf %sub3A_2161, %sub3A_2161 : vector<16xf32>
      %add3A_2163 = arith.addf %add3A_2156, %mul3A_2162 : vector<16xf32>
      %add3A_2164 = arith.constant 64 : i32
      %add3A_2165 = vector.broadcast %add3A_2164 : i32 to vector<16xi32>
      %add3A_2166 = arith.addi %add3A_2165, %add3A_2086 : vector<16xi32>
      %gather3A_2167 = tpu.vector_load_idx %arg13[%add3A_2166] : memref<128xf32, #tpu.memory_space<vmem>>[vector<16xi32>], vector<16xf32>,
      %sub3A_2168 = arith.subf %select_n3A_1371, %gather3A_2167 : vector<16xf32>
      %mul3A_2169 = arith.mulf %sub3A_2168, %sub3A_2168 : vector<16xf32>
      %add3A_2170 = arith.addf %add3A_2163, %mul3A_2169 : vector<16xf32>
      %add3A_2171 = arith.constant 96 : i32
      %add3A_2172 = vector.broadcast %add3A_2171 : i32 to vector<16xi32>
      %add3A_2173 = arith.addi %add3A_2172, %add3A_2086 : vector<16xi32>
      %gather3A_2174 = tpu.vector_load_idx %arg13[%add3A_2173] : memref<128xf32, #tpu.memory_space<vmem>>[vector<16xi32>], vector<16xf32>,
      %sub3A_2175 = arith.subf %select_n3A_1374, %gather3A_2174 : vector<16xf32>
      %mul3A_2176 = arith.mulf %sub3A_2175, %sub3A_2175 : vector<16xf32>
      %add3A_2177 = arith.addf %add3A_2170, %mul3A_2176 : vector<16xf32>
      %jit3A_2178 = arith.constant 0.000000e+00 : f32
      %broadcast_in_dim3A_2179 = vector.broadcast %jit3A_2178 : f32 to vector<16xf32>
      %select_n3A_2180 = arith.select %and3A_1876, %add3A_2177, %broadcast_in_dim3A_2179 : vector<16xi1>, vector<16xf32>
      %add3A_2181 = arith.addf %add3A_2147, %select_n3A_2180 : vector<16xf32>
      %reduce_sum3A_2182 = arith.constant true
      %reduce_sum3A_2183 = vector.broadcast %reduce_sum3A_2182 : i1 to vector<16xi1>
      %reduce_sum3A_2184 = tpu.scan <sum>, %add3A_2181 masked %reduce_sum3A_2183 : vector<16xf32>, vector<16xi1> -> vector<16xf32>
      %reduce_sum3A_2185 = vector.extract %reduce_sum3A_2184[15] : f32 from vector<16xf32>
      %eq3A_2186 = arith.constant 0 : i32
      %eq3A_2187 = vector.broadcast %eq3A_2186 : i32 to vector<16xi32>
      %eq3A_2188 = arith.cmpi eq, %iota3A, %eq3A_2187 : vector<16xi32>
      %convert_element_type3A_2189 = arith.sitofp %add3A_2096 : i32 to f32
      %eq3A_2190 = arith.constant 1 : i32
      %eq3A_2191 = vector.broadcast %eq3A_2190 : i32 to vector<16xi32>
      %eq3A_2192 = arith.cmpi eq, %iota3A, %eq3A_2191 : vector<16xi32>
      %eq3A_2193 = arith.constant 2 : i32
      %eq3A_2194 = vector.broadcast %eq3A_2193 : i32 to vector<16xi32>
      %eq3A_2195 = arith.cmpi eq, %iota3A, %eq3A_2194 : vector<16xi32>
      %jit3A_2196 = arith.constant 0.000000e+00 : f32
      %broadcast_in_dim3A_2197 = vector.broadcast %reduce_sum3A_2185 : f32 to vector<16xf32>
      %broadcast_in_dim3A_2198 = vector.broadcast %jit3A_2196 : f32 to vector<16xf32>
      %select_n3A_2199 = arith.select %eq3A_2195, %broadcast_in_dim3A_2197, %broadcast_in_dim3A_2198 : vector<16xi1>, vector<16xf32>
      %broadcast_in_dim3A_2200 = vector.broadcast %add3A_2111 : f32 to vector<16xf32>
      %select_n3A_2201 = arith.select %eq3A_2192, %broadcast_in_dim3A_2200, %select_n3A_2199 : vector<16xi1>, vector<16xf32>
      %broadcast_in_dim3A_2202 = vector.broadcast %convert_element_type3A_2189 : f32 to vector<16xf32>
      %select_n3A_2203 = arith.select %eq3A_2188, %broadcast_in_dim3A_2202, %select_n3A_2201 : vector<16xi1>, vector<16xf32>
      %swap3A_2204 = arith.constant 0 : index
      %swap3A_2205 = tpu.vector_load %arg18[%swap3A_2204] {strides = array<i32>} : memref<16xf32, #tpu.memory_space<vmem>>, vector<16xf32>,
      tpu.vector_store %arg18[%swap3A_2204], %select_n3A_2203 {strides = array<i32>} : memref<16xf32, #tpu.memory_space<vmem>>, vector<16xf32>,
      %mul3A_2206 = arith.constant 16 : i32
      %mul3A_2207 = arith.muli %add3A, %mul3A_2206 : i32
      "tpu.region"() ({
        %run_scoped3A = tpu.sem_alloc : memref<!tpu.dma_semaphore, #tpu.memory_space<semaphore_mem>>
        %dma_start3A = tpu.memref_slice %arg4[%mul3A_2207] : memref<64xf32, #tpu.memory_space<hbm>> -> memref<16xf32, #tpu.memory_space<hbm>>
        %dma_start3A_2208 = tpu.memref_slice %arg4[%mul3A_2207] : memref<64xf32, #tpu.memory_space<hbm>> -> memref<16xf32, #tpu.memory_space<hbm>>
        tpu.enqueue_dma source(%arg18 : memref<16xf32, #tpu.memory_space<vmem>>) target(%dma_start3A_2208 : memref<16xf32, #tpu.memory_space<hbm>>) target_semaphore(%run_scoped3A : memref<!tpu.dma_semaphore, #tpu.memory_space<semaphore_mem>>)
        %dma_wait3A = tpu.memref_slice %arg4[%mul3A_2207] : memref<64xf32, #tpu.memory_space<hbm>> -> memref<16xf32, #tpu.memory_space<hbm>>
        %dma_wait3A_2209 = tpu.memref_slice %arg4[%mul3A_2207] : memref<64xf32, #tpu.memory_space<hbm>> -> memref<16xf32, #tpu.memory_space<hbm>>
        tpu.wait_dma2 semaphore(%run_scoped3A : memref<!tpu.dma_semaphore, #tpu.memory_space<semaphore_mem>>) src(%arg18 : memref<16xf32, #tpu.memory_space<vmem>>) dst(%dma_wait3A_2209 : memref<16xf32, #tpu.memory_space<hbm>>)
        tpu.yield
      }) : () -> ()
    } else {
    }
    return
  }
}

module attributes {stable_mosaic.version = 14 : i64} {
  func.func @_tc_softplus_body(%arg0: i32, %arg1: memref<1x160x128xf32, #tpu.memory_space<vmem>>, %arg2: memref<1x8x128xf32, #tpu.memory_space<vmem>>) attributes {dimension_semantics = [#tpu.dimension_semantics<arbitrary>], iteration_bounds = array<i64: 4>, scalar_prefetch = 0 : i64, scratch_operands = 0 : i64, tpu.core_type = #tpu.core_type<tc>, window_params = [{transform_indices = @transform_0, window_bounds = array<i64: 1, 160, 128>}, {transform_indices = @transform_1, window_bounds = array<i64: 1, 8, 128>}]} {
    %get3A = arith.constant 0 : index
    %get3A_0 = arith.constant 0 : index
    %get3A_1 = arith.constant 0 : index
    %get3A_2 = vector.load %arg1[%get3A, %get3A_0, %get3A_1] : memref<1x160x128xf32, #tpu.memory_space<vmem>>, vector<1x160x128xf32>
    %get3A_3 = vector.shape_cast %get3A_2 : vector<1x160x128xf32> to vector<160x128xf32>
    %max3A = arith.constant 0.000000e+00 : f32
    %max3A_4 = vector.broadcast %max3A : f32 to vector<160x128xf32>
    %max3A_5 = arith.maximumf %get3A_3, %max3A_4 : vector<160x128xf32>
    %abs3A = math.absf %get3A_3 : vector<160x128xf32>
    %neg3A = arith.constant 0.000000e+00 : f32
    %neg3A_6 = vector.broadcast %neg3A : f32 to vector<160x128xf32>
    %neg3A_7 = arith.subf %neg3A_6, %abs3A : vector<160x128xf32>
    %exp3A = math.exp %neg3A_7 : vector<160x128xf32>
    %log1p3A = math.log1p %exp3A : vector<160x128xf32>
    %add3A = arith.addf %max3A_5, %log1p3A : vector<160x128xf32>
    %reduce_sum3A = vector.shape_cast %add3A : vector<160x128xf32> to vector<1x160x128xf32>
    %reduce_sum3A_8 = arith.constant dense<0.000000e+00> : vector<1xf32>
    %reduce_sum3A_9 = vector.multi_reduction <add>, %reduce_sum3A, %reduce_sum3A_8 [1, 2] : vector<1x160x128xf32> to vector<1xf32>
    %reduce_sum3A_10 = vector.shape_cast %reduce_sum3A_9 : vector<1xf32> to vector<1x1x1xf32>
    %reduce_sum3A_11 = vector.extract %reduce_sum3A_10[0, 0, 0] : f32 from vector<1x1x1xf32>
    %broadcast_in_dim3A = vector.broadcast %reduce_sum3A_11 : f32 to vector<8x128xf32>
    %swap3A = arith.constant 0 : index
    %swap3A_12 = arith.constant 0 : index
    %swap3A_13 = arith.constant 0 : index
    %swap3A_14 = vector.load %arg2[%swap3A, %swap3A_12, %swap3A_13] : memref<1x8x128xf32, #tpu.memory_space<vmem>>, vector<1x8x128xf32>
    %swap3A_15 = vector.shape_cast %swap3A_14 : vector<1x8x128xf32> to vector<8x128xf32>
    %swap3A_16 = vector.shape_cast %broadcast_in_dim3A : vector<8x128xf32> to vector<1x8x128xf32>
    tpu.vector_store %arg2[%swap3A, %swap3A_12, %swap3A_13], %swap3A_16 {strides = array<i32>} : memref<1x8x128xf32, #tpu.memory_space<vmem>>, vector<1x8x128xf32>,
    return
  }
  func.func @transform_0(%arg0: i32) -> (i32, i32, i32) {
    %c0_i32 = arith.constant 0 : i32
    %c0_i32_0 = arith.constant 0 : i32
    %c0_i32_1 = arith.constant 0 : i32
    return %arg0, %c0_i32, %c0_i32_0 : i32, i32, i32
  }
  func.func @transform_1(%arg0: i32) -> (i32, i32, i32) {
    %c0_i32 = arith.constant 0 : i32
    %c0_i32_0 = arith.constant 0 : i32
    %c0_i32_1 = arith.constant 0 : i32
    return %arg0, %c0_i32, %c0_i32_0 : i32, i32, i32
  }
}

</mosaic_0001>

<sc_bundles>
// kernel: kernel.4.cloned.1.call-start
scs
__scs_entry_jumppad:
0x0: {  	(pc) =	sbr.rel $0x88, $3  }
0x1: {  	(tag) =	ssettag $0x0;
	lr =	simm.s32 $0x1  }
0x2: {  	[smem:$0x3F9F] =	sst lr;
	_ =	strace $0xD0000000  }
0x3: {  	_ = 	snop  }
0x4: {  	_ = 	snop  }
0x5: {  	_ = 	snop  }
0x6: {  	_ = 	snop  }
0x7: {  	_ = 	snop  }
__scs_overlays_trampoline_lowered:
0x8: {  	[smem:$0x3FAE] =	sst s0  }
0x9: {  	[smem:$0x3FAF] =	sst s1  }
0xa: {  	[smem:$0x3FB0] =	sst s2  }
0xb: {  	[smem:$0x3FB1] =	sst s3  }
0xc: {  	[smem:$0x3FB2] =	sst s4  }
0xd: {  	[smem:$0x3FB3] =	sst s5  }
0xe: {  	[smem:$0x3FB4] =	sst s6  }
0xf: {  	[smem:$0x3FB5] =	sst s7  }
0x10: {  	[smem:$0x3FB6] =	sst s8  }
0x11: {  	[smem:$0x3FB7] =	sst s9;
	s0 =	simm.s32 @!p0 $0x0  }
0x12: {  	s1 =	sld [smem:$0x3F9D];
	s0 =	simm.s32 @p0 $0x1  }
0x13: {  	[smem:$0x3FB8] =	sst s0;
	s0 =	simm.s32 @!p1 $0x0  }
0x14: {  	s2 =	sld [smem:$0x3F9C];
	s0 =	simm.s32 @p1 $0x1  }
0x15: {  	[smem:$0x3FB9] =	sst s0;
	s0 =	simm.s32 @!p2 $0x0  }
0x16: {  	s3 =	sld [smem:$0x3FDB];
	s0 =	simm.s32 @p2 $0x1  }
0x17: {  	s4 =	simm.s32 $0x1BF5;
	[smem:$0x3FBB] =	sst s0  }
0x18: {  	s0 =	sld [smem:$0x3F9E];
	_ =	swait.ge [sflag:s4], $0x0  }
0x19: {  	s7 =	sld [smem:$0x3F9F]  }
0x1a: {  	s8 =	sadd.s32 $0xFFFFE003, lr  }
0x1b: {  	s9 =	sadd.s32 $0xFFFFFEF7, lr;
	s5 =	simm.s32 $0xFFFFFFFF;
	p2 =	slt.u32 s8, $0xFFFFF086  }
0x1c: {  	p1 =	slt.u32 s9, $0xF7A;
	s5 =	simm.s32 @!p2 $0x0  }
0x1d: {  	s5 =	simm.s32 @p1 $0x1;
	p0 =	seq.s32 s7, s2  }
0x1e: {  	s7 =	smul.u32 @!p0 $0xF7A, s2;
	p2 =	seq.s32 @!p0 s5, $0x0  }
0x1f: {  	s9 =	smul.u32 $0xF7A, s1;
	s8 =	simm.s32 @!p0 $0x1BF5;
	p2 =	por !p2, p0  }
0x20: {  	[sflag:s8] =	ssyncset.s32 @!p0 $0xFFFFF086;
	s6 =	sadd.s32 @!p0 s3, s7;
	s7 =	simm.s32 @!p0 $0x108  }
0x21: {  	s3 =	sadd.s32 s3, s9;
	s6 =	sadd.s32 @!p0 $0x88, s6;
	s7 =	simm.s32 @p2 $0x1082  }
0x22: {  	[simem:s7], [sflag:s8] =	dma.local @!p0 [hbm:s6], $0xF7A  }
0x23: {  	s9 =	sor.u32 $0xD0000000, s2;
	s6 =	simm.s32 $0x108;
	_ =	swait.ge @!p0 [sflag:s8], $0x0  }
0x24: {  	s3 =	sadd.s32 $0x88, s3;
	s6 =	simm.s32 @!p1 $0x1082;
	[sflag:s4] =	ssyncset.s32 $0xFFFFF086  }
0x25: {  	[simem:s6], [sflag:s4] =	dma.local [hbm:s3], $0xF7A  }
0x26: {  	[smem:$0x3F9F] =	sst s1;
	(tag) =	ssettag s2;
	_ =	strace s9  }
0x27: {  	s1 =	sld [smem:$0x3FAF]  }
0x28: {  	s2 =	sld [smem:$0x3FB0]  }
0x29: {  	s4 =	sld [smem:$0x3FB2]  }
0x2a: {  	p0 =	seq.s32 s5, $0x0;
	s5 =	sld [smem:$0x3FB3]  }
0x2b: {  	s6 =	sld [smem:$0x3FB4]  }
0x2c: {  	s7 =	sld [smem:$0x3FB5]  }
0x2d: {  	s3 =	simm.s32 $0x108;
	s8 =	sld [smem:$0x3FB6]  }
0x2e: {  	s3 =	simm.s32 @!p0 $0x1082;
	s9 =	sld [smem:$0x3FB7]  }
0x2f: {  	lr =	sadd.s32 s0, s3;
	s0 =	sld [smem:$0x3FAE]  }
0x30: {  	s3 =	sld [smem:$0x3FB1]  }
0x31: {  	[smem:$0x3FBA] =	sst s10  }
0x32: {  	s10 =	sld [smem:$0x3FB8];
	_ =	sdelay $0x3  }
0x33: {  	p0 =	seq.s32 s10, $0x1;
	s10 =	sld [smem:$0x3FBA];
	_ =	sdelay $0x3  }
0x34: {  	[smem:$0x3FBA] =	sst s10  }
0x35: {  	s10 =	sld [smem:$0x3FB9];
	_ =	sdelay $0x3  }
0x36: {  	p1 =	seq.s32 s10, $0x1;
	s10 =	sld [smem:$0x3FBA];
	_ =	sdelay $0x3  }
0x37: {  	[smem:$0x3FBA] =	sst s10  }
0x38: {  	s10 =	sld [smem:$0x3FBB]  }
0x39: {  	_ = 	snop;
	(pc) =	sbr.ind lr, $3  }
0x3a: {  	_ = 	snop  }
0x3b: {  	_ = 	snop  }
0x3c: {  	p2 =	seq.s32 s10, $0x1;
	s10 =	sld [smem:$0x3FBA]  }
0x3d: {  	_ =	shalt  }
0x3e: {  	_ =	shalt  }
0x3f: {  	_ =	shalt  }
0x40: {  	_ =	shalt  }
0x41: {  	_ =	shalt  }
0x42: {  	_ =	shalt  }
0x43: {  	_ =	shalt  }
0x44: {  	_ =	shalt  }
0x45: {  	_ =	shalt  }
0x46: {  	_ =	shalt  }
0x47: {  	_ =	shalt  }
0x48: {  	_ =	shalt  }
0x49: {  	_ =	shalt  }
0x4a: {  	_ =	shalt  }
0x4b: {  	_ =	shalt  }
0x4c: {  	_ =	shalt  }
0x4d: {  	_ =	shalt  }
0x4e: {  	_ =	shalt  }
0x4f: {  	_ =	shalt  }
0x50: {  	_ =	shalt  }
0x51: {  	_ =	shalt  }
0x52: {  	_ =	shalt  }
0x53: {  	_ =	shalt  }
0x54: {  	_ =	shalt  }
0x55: {  	_ =	shalt  }
0x56: {  	_ =	shalt  }
0x57: {  	_ =	shalt  }
0x58: {  	_ =	shalt  }
0x59: {  	_ =	shalt  }
0x5a: {  	_ =	shalt  }
0x5b: {  	_ =	shalt  }
0x5c: {  	_ =	shalt  }
0x5d: {  	_ =	shalt  }
0x5e: {  	_ =	shalt  }
0x5f: {  	_ =	shalt  }
0x60: {  	_ =	shalt  }
0x61: {  	_ =	shalt  }
0x62: {  	_ =	shalt  }
0x63: {  	_ =	shalt  }
0x64: {  	_ =	shalt  }
0x65: {  	_ =	shalt  }
0x66: {  	_ =	shalt  }
0x67: {  	_ =	shalt  }
0x68: {  	_ =	shalt  }
0x69: {  	_ =	shalt  }
0x6a: {  	_ =	shalt  }
0x6b: {  	_ =	shalt  }
0x6c: {  	_ =	shalt  }
0x6d: {  	_ =	shalt  }
0x6e: {  	_ =	shalt  }
0x6f: {  	_ =	shalt  }
0x70: {  	_ =	shalt  }
0x71: {  	_ =	shalt  }
0x72: {  	_ =	shalt  }
0x73: {  	_ =	shalt  }
0x74: {  	_ =	shalt  }
0x75: {  	_ =	shalt  }
0x76: {  	_ =	shalt  }
0x77: {  	_ =	shalt  }
0x78: {  	_ =	shalt  }
0x79: {  	_ =	shalt  }
0x7a: {  	_ =	shalt  }
0x7b: {  	_ =	shalt  }
0x7c: {  	_ =	shalt  }
0x7d: {  	_ =	shalt  }
0x7e: {  	_ =	shalt  }
0x7f: {  	_ =	shalt  }
0x80: {  	_ =	shalt  }
0x81: {  	_ =	shalt  }
0x82: {  	_ =	shalt  }
0x83: {  	_ =	shalt  }
0x84: {  	_ =	shalt  }
0x85: {  	_ =	shalt  }
0x86: {  	_ =	shalt  }
0x87: {  	_ =	shalt  }
.Lfunc_end0:
.L_simem_size_0:
called_computation_lowered:
.L_overlay_start_0:
0x88: {  	s2 =	sld [smem:$0x3FD9]  }
0x89: {  	s3 =	sld [smem:$0x3FFE];
	_ =	sdelay $0x1  }
0x8a: {  	s1 =	srdreg.scid  }
0x8b: {  	s0 =	sand.u32 $0x1, s1  }
0x8c: {  	s17 =	sshll.u32 s0, $0xA;
	s2 =	sadd.s32 s3, s2  }
0x8d: {  	s2 =	sadd.s32 s2, s17  }
0x8e: {  	[smem:$0x3FC6] =	sst s2  }
0x8f: {  	_ = 	snop  }
0x90: {  	s2 =	sld [smem:$0x3FD0];
	(tm) =	ssettm $0x1  }
0x91: {  	s18 =	sld [smem:$0x3FFB];
	_ =	sdelay $0x3  }
0x92: {  	_ =	strace s18  }
0x93: {  	s3 =	sld [smem:$0x3FFC];
	_ =	sdelay $0x3  }
0x94: {  	_ =	strace s3  }
0x95: {  	s3 =	sld [smem:$0x3FFD];
	_ =	sdelay $0x3  }
0x96: {  	_ =	strace s3  }
0x97: {  	_ =	strace $0x8FFFFFFF  }
0x98: {  	s19 =	sld [smem:$0x3FDB];
	_ =	sdelay $0x1  }
0x99: {  	s4 =	simm.s32 $_scs_section_size  }
0x9a: {  	s5 =	simm.s32 $_size__tile_overlayer_lowered;
	s6 =	simm.s32 $_tile_overlayer_lowered  }
0x9b: {  	s22 =	simm.s32 $0x1BFF;
	s21 =	sshll.u32 s6, $0x1;
	s3 =	sadd.s32 s4, s19  }
0x9c: {  	s7 =	simm.s32 $0x0;
	s20 =	sshll.u32 s5, $0x1;
	s5 =	sadd.s32 s21, s3  }
0x9d: {  	[timem:s7], [sflag:s22] =	dma.local [hbm:s5], s20  }
0x9e: {  	_ =	swait.ge [sflag:s22], s20  }
0x9f: {  	s4 =	ssub.s32 $0x0, s20;
	[sflag:s22] =	ssyncset.done $0x0  }
0xa0: {  	[sflag:s22] =	ssyncadd.s32 s4;
	_ =	sdelay $0x1  }
0xa1: {  	s23 =	simm.s32 $0x1B8B  }
0xa2: {  	_ =	swait.ge [sflag:s23], $0x1  }
0xa3: {  	[sflag:s23] =	ssyncset.done $0x0  }
0xa4: {  	s25 =	simm.s32 $0x1B8E;
	s24 =	sld [smem:$0x3FFE];
	[sflag:s23] =	ssyncadd.s32 $0xFFFFFFFF  }
0xa5: {  	s26 =	simm.s32 $execute0_lowered;
	[smem:$0x3FD2] =	sst s25  }
0xa6: {  	s5 =	sshll.u32 s26, $0x1;
	_ =	strace $0x80000046;
	[dreg:$0x1] =	wrdreg $0xFFFFFFFF  }
0xa7: {  	s28 =	simm.s32 $_size_execute0_lowered;
	s3 =	sadd.s32 s3, s5;
	[dreg:$0x0] =	wrdreg $0x0  }
0xa8: {  	s5 =	sshll.u32 s28, $0x1;
	[dreg:$0x2] =	wrdreg s3  }
0xa9: {  	[dreg:$0x3] =	wrdreg s5  }
0xaa: {  	[dreg:$0x4] =	wrdreg $0xC0  }
0xab: {  	_ =	task [dreg:s7], $0x5FFFF  }
0xac: {  	[dreg:$0x1] =	wrdreg $0xFFFFFFFF  }
0xad: {  	[dreg:$0x0] =	wrdreg $0x60  }
0xae: {  	[dreg:$0x2] =	wrdreg s24  }
0xaf: {  	[dreg:$0x3] =	wrdreg s2  }
0xb0: {  	[dreg:$0x4] =	wrdreg $0x60000  }
0xb1: {  	[dreg:$0x5] =	wrdreg $0x61800  }
0xb2: {  	[dreg:$0x6] =	wrdreg $0x9  }
0xb3: {  	_ =	task.clear_ibuf [dreg:s7], $0x7FFFF;
	_ =	strace $0x90000046  }
0xb4: {  	s29 =	simm.s32 $0x9;
	_ =	strace $0x80000048  }
0xb5: {  	_ =	swait.ge [sflag:s29], $0x1  }
0xb6: {  	[sflag:s29] =	ssyncadd.s32 $0xFFFFFFFF  }
0xb7: {  	_ =	strace $0x90000048  }
0xb8: {  	_ =	sfence  }
0xb9: {  	s30 =	sld [smem:$0x0];
	_ =	sdelay $0x2  }
0xba: {  	s31 =	sshll.u32 s1, $0xD;
	s1 =	sshrl.u32 s1, $0x2  }
0xbb: {  	s3 =	sand.u32 $0x4000, s31;
	s1 =	sadd.s32 s1, s30  }
0xbc: {  	s0 =	sor.u32 s3, s0;
	s1 =	sshll.u32 s1, $0x11  }
0xbd: {  	s0 =	sor.u32 s1, s0  }
0xbe: {  	s0 =	sadd.s32 $0x8F2B, s0  }
0xbf: {  	[sflag:s0] =	ssyncadd.remote.s32 $0x1  }
0xc0: {  	_ =	sfence.sel $0xFFFF  }
0xc1: {  	[dreg:$0x0] =	wrdreg $0xFFFFFFFF;
	(pc) =	sbr.abs _section_cstart, $3  }
0xc2: {  	[dreg:$0x1] =	wrdreg $0xFFFFFFFF  }
0xc3: {  	_ =	task.clear_ibuf [dreg:s7], $0x2FFFF;
	_ =	strace $0x9FFFFFFF  }
0xc4: {  	(tm) =	ssettm $0x7FFFFFFF  }
0xc5: {  	_ =	shalt  }
tec
execute0_lowered:
.L_overlay_start_1:
0x0: {  	(tag) =	ssettag $0x1  }
0x1: {  	s1 =	rddreg [dreg:$0x0]  }
0x2: {  	s12 =	rddreg [dreg:$0x1];
	s0 =	srdreg.scid  }
0x3: {  	s10 =	rddreg [dreg:$0x2];
	s15 =	stileid.u32  }
0x4: {  	s11 =	rddreg [dreg:$0x3];
	s16 =	simm.s32 $0x1400;
	s17 =	simm.s32 $0x1E00  }
0x5: {  	s18 =	simm.s32 $0x2800;
	s19 =	simm.s32 $0x5000;
	s4 =	sand.u32 $0x1, s0  }
0x6: {  	s3 =	sshrl.u32 s15, $0x3;
	s23 =	sand.u32 $0x7, s15;
	s14 =	smul.u32 $0x600, s15  }
0x7: {  	s15 =	sshll.u32 s15, $0x5;
	s2 =	sshll.u32 s4, $0x1;
	s7 =	ssub.s32 $0x2, s4  }
0x8: {  	s11 =	sadd.s32 s15, s11;
	s15 =	simm.s32 $0xA00;
	p0 =	sne.s32 s23, $0x0  }
0x9: {  	s13 =	sor.u32 s3, s2;
	s2 =	smul.u32 $0xA00, s23;
	s3 =	simm.s32 $0x0  }
0xa: {  	s25 =	sshrl.u32 s7, $0x1;
	s14 =	sshrl.u32 s14, $0x2;
	s5 =	smul.u32 $0x5000, s13  }
0xb: {  	[smem:$0x7FF] =	sst s3;
	s6 =	sshll.u32 s13, $0x4;
	s26 =	ssub.s32 s7, s25  }
0xc: {  	s10 =	sadd.s32 s14, s10;
	s13 =	sshll.u32 s13, $0x1;
	s5 =	sadd.s32 s2, s5  }
0xd: {  	s14 =	simm.s32 $0x1;
	s25 =	simm.s32 $0x0;
	v0 =	vmov s2;
	s24 =	sshrl.u32 s5, $0x3  }
.Ltmp0:
0xe: {  	s31 =	sadd.s32 s12, s13;
	[tilespmem:$0x1FFF0] =	vst v0;
	s4 =	sadd.s32 s1, s24;
	(pc) =	sbr.rel .LBB2_1-.Ltmp0, $4  }
0xf: {  	_ =	strace $0x80000047;
	[dreg:$0x8] =	wrdreg s31;
	s28 =	sadd.s32 $0x2800, s4  }
0x10: {  	v19 =	vlaneseq.u32;
	vm0 =	vcmask $0x300;
	vm1 =	vcmask $0x704;
	s9 =	sadd.s32 s6, s1;
	s29 =	sadd.s32 $0x5000, s4;
	[dreg:$0x5] =	wrdreg s28  }
0x11: {  	vm2 =	vcmask $0xB08;
	vm11 =	vcmask $0xF0C;
	vm12 =	vcmask $0x1310;
	s13 =	smax.u32 s26, $0x1;
	s30 =	sadd.s32 $0x7800, s4;
	[dreg:$0x6] =	wrdreg s29  }
0x12: {  	vm13 =	vcmask $0x1714;
	vm14 =	vcmask $0x1B18;
	vm15 =	vcmask $0x1F1C;
	s9 =	sadd.s32 $0xC800, s9;
	s8 =	sadd.s32 $0xA000, s4;
	[dreg:$0x7] =	wrdreg s30  }
.LBB2_15:
0x13: {  	s25 =	sadd.s32 $0x1, s25  }
0x14: {  	p1 =	sne.s32 s25, s13  }
.Ltmp1:
0x15: {  	_ = 	snop;
	(pc) =	sbr.rel @!p1 .LBB2_16-.Ltmp1, $1  }
0x16: {  	_ =	sdelay $0x3  }
.LBB2_1:
0x17: {  	[tilespmem:s3], [sflag:$0x1] =	stream.linear.gather [hbm4b:s4+s3], $0xA00, $0x38;
	[tilespmem:$0x61A0] =	vst v63  }
0x18: {  	_ =	swait.ge [sflag:s14], $0xA00  }
0x19: {  	[sflag:s14] =	ssyncset.done $0x0  }
0x1a: {  	s0 =	rddreg [dreg:$0x5];
	[sflag:s14] =	ssyncadd.s32 $0xFFFFF600  }
0x1b: {  	[tilespmem:s15], [sflag:$0x1] =	stream.linear.gather [hbm4b:s0+s3], $0xA00, $0x38;
	[tilespmem:$0x61A0] =	vst v63  }
0x1c: {  	_ =	swait.ge [sflag:s14], $0xA00  }
0x1d: {  	[sflag:s14] =	ssyncset.done $0x0  }
0x1e: {  	s22 =	rddreg [dreg:$0x6];
	[sflag:s14] =	ssyncadd.s32 $0xFFFFF600  }
0x1f: {  	[tilespmem:s16], [sflag:$0x1] =	stream.linear.gather [hbm4b:s22+s3], $0xA00, $0x38;
	[tilespmem:$0x61A0] =	vst v63  }
0x20: {  	_ =	swait.ge [sflag:s14], $0xA00  }
0x21: {  	[sflag:s14] =	ssyncset.done $0x0  }
0x22: {  	s23 =	rddreg [dreg:$0x7];
	[sflag:s14] =	ssyncadd.s32 $0xFFFFF600  }
0x23: {  	[tilespmem:s17], [sflag:$0x1] =	stream.linear.gather [hbm4b:s23+s3], $0xA00, $0x38;
	[tilespmem:$0x61A0] =	vst v63  }
0x24: {  	_ =	swait.ge [sflag:s14], $0xA00  }
0x25: {  	[sflag:s14] =	ssyncset.done $0x0  }
0x26: {  	[sflag:s14] =	ssyncadd.s32 $0xFFFFF600  }
0x27: {  	[tilespmem:s18], [sflag:$0x1] =	stream.linear.gather [hbm4b:s8+s3], $0xA00, $0x38;
	[tilespmem:$0x61A0] =	vst v63  }
0x28: {  	_ =	swait.ge [sflag:s14], $0xA00  }
0x29: {  	[sflag:s14] =	ssyncset.done $0x0  }
0x2a: {  	[sflag:s14] =	ssyncadd.s32 $0xFFFFF600  }
0x2b: {  	[tilespmem:s19], [sflag:$0x1] =	stream.linear.gather [hbm4b:s9+s3], $0x80, $0x38;
	[tilespmem:$0x61A0] =	vst v63  }
0x2c: {  	_ =	swait.ge [sflag:s14], $0x80  }
0x2d: {  	[sflag:s14] =	ssyncset.done $0x0  }
0x2e: {  	s24 =	simm.s32 $0x20;
	[sflag:s14] =	ssyncadd.s32 $0xFFFFFF80  }
0x2f: {  	s26 =	simm.s32 $0x1420;
	v2 =	vld [tilespmem:s24+$0xFFFFFFE0]  }
0x30: {  	v3 =	vld [tilespmem:s26+$0xFFFFFFE0];
	_ =	sdelay $0x4  }
0x31: {  	v2 =	vadd.f32 v3, v2  }
0x32: {  	s1 =	simm.s32 $0x3220  }
0x33: {  	s28 =	simm.s32 $0x1E20;
	[tilespmem:s1+$0xFFFFFFE0] =	vst v2  }
0x34: {  	s12 =	simm.s32 $0xA20;
	v2 =	vld [tilespmem:s28+$0xFFFFFFE0]  }
0x35: {  	v3 =	vld [tilespmem:s12+$0xFFFFFFE0];
	_ =	sdelay $0x4  }
0x36: {  	v2 =	vadd.f32 v2, v3  }
0x37: {  	s29 =	simm.s32 $0x3C20  }
0x38: {  	[tilespmem:s29+$0xFFFFFFE0] =	vst v2  }
0x39: {  	v2 =	vld [tilespmem:s26+$0xFFFFFFE0]  }
0x3a: {  	v3 =	vld [tilespmem:s28+$0xFFFFFFE0];
	_ =	sdelay $0x4  }
0x3b: {  	v2 =	vmul.f32 v3, v2  }
0x3c: {  	s30 =	simm.s32 $0x4620  }
0x3d: {  	[tilespmem:s30+$0xFFFFFFE0] =	vst v2  }
0x3e: {  	v2 =	vld [tilespmem:s24+$0xFFFFFFF0]  }
0x3f: {  	v3 =	vld [tilespmem:s26+$0xFFFFFFF0];
	_ =	sdelay $0x4  }
0x40: {  	v2 =	vadd.f32 v3, v2;
	_ =	sdelay $0x1  }
0x41: {  	[tilespmem:s1+$0xFFFFFFF0] =	vst v2  }
0x42: {  	v2 =	vld [tilespmem:s12+$0xFFFFFFF0]  }
0x43: {  	v3 =	vld [tilespmem:s28+$0xFFFFFFF0];
	_ =	sdelay $0x4  }
0x44: {  	v2 =	vadd.f32 v3, v2;
	_ =	sdelay $0x1  }
0x45: {  	[tilespmem:s29+$0xFFFFFFF0] =	vst v2  }
0x46: {  	v2 =	vld [tilespmem:s26+$0xFFFFFFF0]  }
0x47: {  	v3 =	vld [tilespmem:s28+$0xFFFFFFF0];
	_ =	sdelay $0x4  }
0x48: {  	v2 =	vmul.f32 v3, v2;
	_ =	sdelay $0x1  }
0x49: {  	[tilespmem:s30+$0xFFFFFFF0] =	vst v2  }
0x4a: {  	v2 =	vld [tilespmem:s24+$0x0]  }
0x4b: {  	v3 =	vld [tilespmem:s26+$0x0];
	_ =	sdelay $0x4  }
0x4c: {  	v2 =	vadd.f32 v3, v2;
	_ =	sdelay $0x1  }
0x4d: {  	[tilespmem:s1+$0x0] =	vst v2  }
0x4e: {  	v2 =	vld [tilespmem:s12+$0x0]  }
0x4f: {  	v3 =	vld [tilespmem:s28+$0x0];
	_ =	sdelay $0x4  }
0x50: {  	v2 =	vadd.f32 v3, v2;
	_ =	sdelay $0x1  }
0x51: {  	[tilespmem:s29+$0x0] =	vst v2  }
0x52: {  	v2 =	vld [tilespmem:s26+$0x0]  }
0x53: {  	v3 =	vld [tilespmem:s28+$0x0];
	_ =	sdelay $0x4  }
0x54: {  	v2 =	vmul.f32 v3, v2;
	_ =	sdelay $0x1  }
0x55: {  	[tilespmem:s30+$0x0] =	vst v2  }
0x56: {  	v2 =	vld [tilespmem:s24+$0x10]  }
0x57: {  	v3 =	vld [tilespmem:s26+$0x10];
	_ =	sdelay $0x4  }
0x58: {  	v2 =	vadd.f32 v3, v2;
	_ =	sdelay $0x1  }
0x59: {  	[tilespmem:s1+$0x10] =	vst v2  }
0x5a: {  	v2 =	vld [tilespmem:s12+$0x10]  }
0x5b: {  	v3 =	vld [tilespmem:s28+$0x10];
	_ =	sdelay $0x1  }
0x5c: {  	s31 =	simm.s32 $0x60;
	s20 =	simm.s32 $0x3260  }
0x5d: {  	s0 =	simm.s32 $0x0;
	s22 =	simm.s32 $0x4620;
	s23 =	simm.s32 $0x1E60  }
0x5e: {  	s24 =	simm.s32 $0xA60;
	s1 =	simm.s32 $0x1460;
	s12 =	simm.s32 $0x3C20  }
.LBB2_2:
0x5f: {  	s0 =	sadd.s32 $0x4, s0;
	v2 =	vadd.f32 v3, v2;
	s30 =	sadd.s32 $0x40, s30;
	s29 =	sadd.s32 $0x40, s29  }
0x60: {  	p1 =	slt.u32 s0, $0x9C  }
0x61: {  	[tilespmem:s12+$0x10] =	vst v2;
	s12 =	smov.u32 s29  }
0x62: {  	v2 =	vld [tilespmem:s26+$0x10];
	s26 =	smov.u32 s1  }
0x63: {  	v3 =	vld [tilespmem:s28+$0x10];
	s28 =	smov.u32 s23;
	_ =	sdelay $0x4  }
0x64: {  	v2 =	vmul.f32 v3, v2;
	_ =	sdelay $0x1  }
0x65: {  	[tilespmem:s22+$0x10] =	vst v2;
	s22 =	smov.u32 s30  }
0x66: {  	v2 =	vld [tilespmem:s31+$0xFFFFFFE0]  }
0x67: {  	v3 =	vld [tilespmem:s1+$0xFFFFFFE0];
	_ =	sdelay $0x4  }
0x68: {  	v2 =	vadd.f32 v3, v2;
	_ =	sdelay $0x1  }
0x69: {  	[tilespmem:s20+$0xFFFFFFE0] =	vst v2  }
0x6a: {  	v2 =	vld [tilespmem:s23+$0xFFFFFFE0]  }
0x6b: {  	v3 =	vld [tilespmem:s24+$0xFFFFFFE0];
	_ =	sdelay $0x4  }
0x6c: {  	v2 =	vadd.f32 v2, v3;
	_ =	sdelay $0x1  }
0x6d: {  	[tilespmem:s29+$0xFFFFFFE0] =	vst v2  }
0x6e: {  	v2 =	vld [tilespmem:s1+$0xFFFFFFE0]  }
0x6f: {  	v3 =	vld [tilespmem:s23+$0xFFFFFFE0];
	_ =	sdelay $0x4  }
0x70: {  	v2 =	vmul.f32 v3, v2;
	_ =	sdelay $0x1  }
0x71: {  	[tilespmem:s30+$0xFFFFFFE0] =	vst v2  }
0x72: {  	v2 =	vld [tilespmem:s31+$0xFFFFFFF0]  }
0x73: {  	v3 =	vld [tilespmem:s1+$0xFFFFFFF0];
	_ =	sdelay $0x4  }
0x74: {  	v2 =	vadd.f32 v3, v2;
	_ =	sdelay $0x1  }
0x75: {  	[tilespmem:s20+$0xFFFFFFF0] =	vst v2  }
0x76: {  	v2 =	vld [tilespmem:s24+$0xFFFFFFF0]  }
0x77: {  	v3 =	vld [tilespmem:s23+$0xFFFFFFF0];
	_ =	sdelay $0x4  }
0x78: {  	v2 =	vadd.f32 v3, v2;
	_ =	sdelay $0x1  }
0x79: {  	[tilespmem:s29+$0xFFFFFFF0] =	vst v2  }
0x7a: {  	v2 =	vld [tilespmem:s1+$0xFFFFFFF0]  }
0x7b: {  	v3 =	vld [tilespmem:s23+$0xFFFFFFF0];
	_ =	sdelay $0x4  }
0x7c: {  	v2 =	vmul.f32 v3, v2;
	_ =	sdelay $0x1  }
0x7d: {  	[tilespmem:s30+$0xFFFFFFF0] =	vst v2  }
0x7e: {  	v2 =	vld [tilespmem:s31+$0x0]  }
0x7f: {  	v3 =	vld [tilespmem:s1+$0x0];
	_ =	sdelay $0x4  }
0x80: {  	v2 =	vadd.f32 v3, v2;
	_ =	sdelay $0x1  }
0x81: {  	[tilespmem:s20+$0x0] =	vst v2  }
0x82: {  	v2 =	vld [tilespmem:s24+$0x0]  }
0x83: {  	v3 =	vld [tilespmem:s23+$0x0];
	_ =	sdelay $0x4  }
0x84: {  	v2 =	vadd.f32 v3, v2;
	_ =	sdelay $0x1  }
0x85: {  	[tilespmem:s29+$0x0] =	vst v2  }
0x86: {  	v2 =	vld [tilespmem:s1+$0x0]  }
0x87: {  	v3 =	vld [tilespmem:s23+$0x0];
	_ =	sdelay $0x4  }
0x88: {  	v2 =	vmul.f32 v3, v2;
	_ =	sdelay $0x1  }
0x89: {  	[tilespmem:s30+$0x0] =	vst v2  }
0x8a: {  	v2 =	vld [tilespmem:s31+$0x10]  }
0x8b: {  	v3 =	vld [tilespmem:s1+$0x10];
	_ =	sdelay $0x4  }
0x8c: {  	v2 =	vadd.f32 v3, v2;
	_ =	sdelay $0x1  }
0x8d: {  	[tilespmem:s20+$0x10] =	vst v2  }
0x8e: {  	v2 =	vld [tilespmem:s24+$0x10]  }
.Ltmp2:
0x8f: {  	v3 =	vld [tilespmem:s23+$0x10];
	(pc) =	sbr.rel @p1 .LBB2_2-.Ltmp2, $3  }
0x90: {  	_ =	sdelay $0x1  }
0x91: {  	s31 =	sadd.s32 $0x40, s31;
	s1 =	sadd.s32 $0x40, s1  }
0x92: {  	s20 =	sadd.s32 $0x40, s20;
	s24 =	sadd.s32 $0x40, s24;
	s23 =	sadd.s32 $0x40, s23  }
0x93: {  	v2 =	vadd.f32 v3, v2;
	_ =	sdelay $0x1  }
0x94: {  	[tilespmem:s12+$0x10] =	vst v2  }
0x95: {  	v2 =	vld [tilespmem:s26+$0x10]  }
0x96: {  	v3 =	vld [tilespmem:s28+$0x10];
	_ =	sdelay $0x4  }
0x97: {  	v2 =	vmul.f32 v3, v2;
	_ =	sdelay $0x1  }
0x98: {  	[tilespmem:s22+$0x10] =	vst v2  }
0x99: {  	v0 =	vld [tilespmem:$0x5000]  }
0x9a: {  	v1 =	vld [tilespmem:$0x5020]  }
0x9b: {  	v3 =	vld [tilespmem:$0x5040]  }
0x9c: {  	v2 =	vld [tilespmem:$0x5060];
	_ =	sdelay $0x1  }
0x9d: {  	(v2sf) =	vpush v0, $0x0  }
0x9e: {  	(v2sf) =	vpush v1, $0x0  }
0x9f: {  	(v2sf) =	vpush v3, $0x0  }
0xa0: {  	(v2sf) =	vpush v2, $0x0  }
0xa1: {  	(v2sf) =	vpush v0, $0x1  }
0xa2: {  	(v2sf) =	vpush v1, $0x1  }
0xa3: {  	(v2sf) =	vpush v3, $0x1  }
0xa4: {  	(v2sf) =	vpush v2, $0x1;
	_ =	sdelay $0x3  }
0xa5: {  	(v2sf) =	vpush v0, $0x2  }
0xa6: {  	(v2sf) =	vpush v1, $0x2  }
0xa7: {  	(v2sf) =	vpush v3, $0x2  }
0xa8: {  	(v2sf) =	vpush v2, $0x2  }
0xa9: {  	s0 =	spop (v2sf)  }
0xaa: {  	s1 =	spop (v2sf)  }
0xab: {  	(v2sf) =	vpush v0, $0x3;
	s5 =	spop (v2sf)  }
0xac: {  	(v2sf) =	vpush v1, $0x3;
	s20 =	spop (v2sf);
	s0 =	sadd.f32 s5, s0  }
0xad: {  	(v2sf) =	vpush v3, $0x3;
	s6 =	spop (v2sf);
	s1 =	sadd.f32 s20, s1  }
0xae: {  	v5 =	vbroadcast v0, $0x0;
	(v2sf) =	vpush v2, $0x3;
	s12 =	smul.f32 s20, s5;
	s20 =	simm.s32 $0xA10;
	s23 =	spop (v2sf)  }
0xaf: {  	v6 =	vbroadcast v1, $0x0;
	v10 =	vbroadcast v0, $0x1;
	v13 =	vld [tilespmem:s20+$0x0];
	s24 =	spop (v2sf)  }
0xb0: {  	v11 =	vbroadcast v1, $0x1;
	v23 =	vbroadcast v0, $0x2;
	v7 =	vmov s0;
	s0 =	simm.s32 $0x10;
	v40 =	vld [tilespmem:s20+$0xFFFFFFF0];
	s7 =	spop (v2sf);
	s5 =	sadd.f32 s24, s6  }
0xb1: {  	v24 =	vbroadcast v1, $0x2;
	v28 =	vbroadcast v0, $0x3;
	v4 =	vld [tilespmem:s0+$0x0];
	s23 =	sadd.f32 s7, s23;
	s24 =	smul.f32 s7, s24  }
0xb2: {  	v29 =	vbroadcast v1, $0x3;
	v8 =	vmov s1;
	v9 =	vmov s12  }
0xb3: {  	v37 =	vld [tilespmem:s0+$0xFFFFFFF0];
	s6 =	simm.s32 $0x4610;
	v12 =	vmov s5;
	v21 =	vmov s23;
	v22 =	vmov s24  }
0xb4: {  	[tilespmem:$0x1FF40] =	vst v2;
	s28 =	spop (v2sf);
	v2 =	vld [tilespmem:s6+$0x0];
	v41 =	vmax.f32 v13, v6;
	v46 =	vmax.f32 v13, v11;
	v51 =	vmax.f32 v13, v24  }
0xb5: {  	[tilespmem:$0x1FF30] =	vst v3;
	v3 =	vld [tilespmem:s6+$0xFFFFFFF0];
	s29 =	spop (v2sf);
	s5 =	simm.s32 $0x3210;
	v13 =	vmax.f32 v13, v29;
	v55 =	vmax.f32 v40, v6;
	v62 =	vmax.f32 v40, v11  }
0xb6: {  	s30 =	spop (v2sf);
	v14 =	vld [tilespmem:s5+$0x0];
	v60 =	vmax.f32 v40, v24;
	v40 =	vmax.f32 v40, v29;
	v39 =	vmax.f32 v4, v5  }
0xb7: {  	v44 =	vld [tilespmem:s5+$0xFFFFFFF0];
	s31 =	spop (v2sf);
	s28 =	sadd.f32 s30, s28;
	v45 =	vmax.f32 v4, v10;
	v50 =	vmax.f32 v4, v23;
	v4 =	vmax.f32 v4, v28  }
0xb8: {  	v54 =	vmax.f32 v37, v5;
	v61 =	vmax.f32 v37, v10;
	v59 =	vmax.f32 v37, v23;
	s22 =	smul.f32 s31, s30  }
0xb9: {  	v37 =	vmax.f32 v37, v28;
	s7 =	sadd.f32 s31, s29;
	v25 =	vmov s28;
	v16 =	vadd.f32 v2, v9  }
0xba: {  	s21 =	spop (v2sf);
	v33 =	vadd.f32 v2, v22;
	v35 =	vadd.f32 v3, v9;
	v27 =	vmov s22  }
0xbb: {  	v36 =	vadd.f32 v3, v22;
	v26 =	vmov s7;
	s26 =	spop (v2sf);
	v34 =	vadd.f32 v2, v27  }
0xbc: {  	s7 =	simm.s32 $0x3C10;
	v42 =	vmin.f32 v14, v7;
	v52 =	vmin.f32 v14, v25;
	v56 =	vmin.f32 v44, v7;
	s1 =	spop (v2sf)  }
0xbd: {  	v15 =	vld [tilespmem:s7+$0x0];
	v63 =	vmin.f32 v44, v12;
	v39 =	vsub.f32 v42, v39;
	v50 =	vsub.f32 v52, v50;
	s29 =	spop (v2sf)  }
0xbe: {  	v47 =	vmin.f32 v14, v12;
	v48 =	vld [tilespmem:s7+$0xFFFFFFF0];
	v54 =	vsub.f32 v56, v54;
	v42 =	vsub.f32 v63, v61;
	s6 =	smul.f32 s29, s1;
	s1 =	sadd.f32 s1, s21  }
0xbf: {  	v38 =	vadd.f32 v3, v27;
	v45 =	vsub.f32 v47, v45;
	s22 =	sadd.f32 s29, s26;
	v39 =	vmax.f32 v39, $0.0e+00  }
0xc0: {  	v52 =	vmax.f32 v50, $0.0e+00;
	v54 =	vmax.f32 v54, $0.0e+00;
	v56 =	vmax.f32 v42, $0.0e+00  }
0xc1: {  	v30 =	vmov s6;
	v31 =	vmov s1;
	v32 =	vmov s22  }
0xc2: {  	v43 =	vmin.f32 v15, v8;
	v49 =	vmin.f32 v15, v21;
	v53 =	vmin.f32 v15, v26  }
0xc3: {  	v57 =	vmin.f32 v48, v8;
	v58 =	vmin.f32 v48, v21;
	v2 =	vadd.f32 v2, v30  }
0xc4: {  	v3 =	vadd.f32 v3, v30;
	v14 =	vmin.f32 v14, v31;
	v41 =	vsub.f32 v43, v41  }
0xc5: {  	v15 =	vmin.f32 v15, v32;
	v46 =	vsub.f32 v49, v46;
	v51 =	vsub.f32 v53, v51  }
0xc6: {  	v55 =	vsub.f32 v57, v55;
	v43 =	vsub.f32 v58, v62;
	v61 =	vmin.f32 v48, v32  }
0xc7: {  	v62 =	vmax.f32 v45, $0.0e+00;
	v4 =	vsub.f32 v14, v4;
	v14 =	vmin.f32 v44, v25  }
0xc8: {  	v13 =	vsub.f32 v15, v13;
	v15 =	vmin.f32 v48, v26;
	v40 =	vsub.f32 v61, v40  }
0xc9: {  	v44 =	vmin.f32 v44, v31;
	v14 =	vsub.f32 v14, v59;
	v15 =	vsub.f32 v15, v60  }
0xca: {  	v37 =	vsub.f32 v44, v37;
	v41 =	vmax.f32 v41, $0.0e+00;
	v63 =	vmax.f32 v46, $0.0e+00  }
0xcb: {  	v53 =	vmax.f32 v51, $0.0e+00;
	v55 =	vmax.f32 v55, $0.0e+00;
	v57 =	vmax.f32 v43, $0.0e+00  }
0xcc: {  	v4 =	vmax.f32 v4, $0.0e+00;
	v39 =	vmul.f32 v41, v39;
	v43 =	vmul.f32 v63, v62  }
0xcd: {  	v58 =	vmul.f32 v55, v54;
	v45 =	vmul.f32 v53, v52;
	v13 =	vmax.f32 v13, $0.0e+00  }
0xce: {  	s30 =	simm.s32 $0x3C30;
	v14 =	vmax.f32 v14, $0.0e+00;
	v15 =	vmax.f32 v15, $0.0e+00;
	v16 =	vsub.f32 v16, v39  }
0xcf: {  	v42 =	vld [tilespmem:s30+$0x0];
	v37 =	vmax.f32 v37, $0.0e+00;
	v33 =	vsub.f32 v33, v43;
	v35 =	vsub.f32 v35, v58  }
0xd0: {  	s23 =	simm.s32 $0x4630;
	(erf) = vrcp.f32 v16;
	v16 =	vmax.f32 v40, $0.0e+00;
	v40 =	vmul.f32 v57, v56  }
0xd1: {  	s29 =	simm.s32 $0x3230;
	v59 =	vld [tilespmem:s23+$0x0];
	v14 =	vmul.f32 v15, v14;
	v15 =	vsub.f32 v34, v45;
	(erf) = vrcp.f32 v33  }
0xd2: {  	s26 =	simm.s32 $0x30;
	v34 =	vld [tilespmem:s29+$0x0];
	v16 =	vmul.f32 v16, v37;
	(erf) = vrcp.f32 v35;
	v60 =	vsub.f32 v36, v40  }
0xd3: {  	s28 =	simm.s32 $0xA30;
	v13 =	vmul.f32 v13, v4;
	v61 =	vsub.f32 v38, v14;
	v35 =	vld [tilespmem:s26+$0x0];
	(erf) = vrcp.f32 v15  }
0xd4: {  	v50 =	vmin.f32 v42, v8;
	v15 =	vld [tilespmem:s28+$0x0];
	v3 =	vsub.f32 v3, v16;
	(erf) = vrcp.f32 v60  }
0xd5: {  	v54 =	vmin.f32 v42, v21;
	v4 =	vsub.f32 v2, v13;
	(erf) = vrcp.f32 v61  }
0xd6: {  	v48 =	vadd.f32 v59, v9;
	v2 =	vadd.f32 v59, v22;
	(erf) = vrcp.f32 v3  }
0xd7: {  	v41 =	vadd.f32 v59, v27;
	v38 =	vadd.f32 v59, v30;
	v36 =	vimm.f32 $-1.000000000e+00  }
0xd8: {  	v49 =	vmin.f32 v34, v7;
	v3 =	vor.u32 s2, v19;
	(erf) = vrcp.f32 v4  }
0xd9: {  	v46 =	vmax.f32 v35, v5;
	v56 =	vmax.f32 v35, v23;
	v47 =	vmax.f32 v15, v6;
	v62 =	vpop (erf)  }
0xda: {  	v53 =	vmax.f32 v15, v11;
	v57 =	vmax.f32 v15, v24;
	v15 =	vmax.f32 v15, v29;
	v63 =	vpop (erf)  }
0xdb: {  	v46 =	vsub.f32 v49, v46;
	v47 =	vsub.f32 v50, v47;
	v33 =	vmul.f32 v62, v39;
	v60 =	vpop (erf)  }
0xdc: {  	v53 =	vsub.f32 v54, v53;
	v37 =	vmul.f32 v63, v43;
	v44 =	vmul.f32 v60, v58;
	v61 =	vpop (erf)  }
0xdd: {  	v60 =	vmin.f32 v34, v25;
	v62 =	vpop (erf);
	v63 =	vmul.f32 v61, v45;
	v61 =	vmin.f32 v42, v26  }
0xde: {  	v42 =	vmin.f32 v42, v32;
	v56 =	vsub.f32 v60, v56;
	vm3 =	vgt.f32 v44, v36;
	v55 =	vpop (erf)  }
0xdf: {  	[tilespmem:$0x1FF50] =	vst v0;
	v0 =	vld [tilespmem:$0x1FFF0];
	v40 =	vmul.f32 v62, v40;
	v44 =	vsel vm3, v44, v36;
	v58 =	vpop (erf);
	v14 =	vmul.f32 v55, v14  }
0xe0: {  	v57 =	vsub.f32 v61, v57;
	v55 =	vld [tilespmem:s28+$0xFFFFFFF0];
	vm9 =	vgt.f32 v33, v44;
	v16 =	vmul.f32 v58, v16  }
0xe1: {  	vm6 =	vgt.f32 v40, v36;
	v39 =	vsel vm9, v33, v44;
	vm5 =	vgt.f32 v14, v36;
	v33 =	vld [tilespmem:s26+$0xFFFFFFF0]  }
0xe2: {  	v15 =	vsub.f32 v42, v15;
	v40 =	vsel vm6, v40, v36;
	v44 =	vld [tilespmem:s29+$0xFFFFFFF0];
	v14 =	vsel vm5, v14, v36  }
0xe3: {  	vm4 =	vgt.f32 v16, v36;
	vm7 =	vgt.f32 v37, v40;
	vm8 =	vgt.f32 v63, v14  }
0xe4: {  	v59 =	vpop (erf);
	v16 =	vsel vm4, v16, v36;
	v36 =	vsel vm7, v37, v40;
	v37 =	vsel vm8, v63, v14;
	v14 =	vld [tilespmem:s30+$0xFFFFFFF0]  }
0xe5: {  	v45 =	vsel vm3, v3, v0;
	v13 =	vmul.f32 v59, v13;
	v50 =	vmax.f32 v55, v6  }
0xe6: {  	v60 =	vmax.f32 v55, v11;
	v42 =	vmax.f32 v55, v24;
	v49 =	vmax.f32 v33, v5  }
0xe7: {  	v62 =	vmin.f32 v44, v7;
	v40 =	vmax.f32 v33, v10;
	v61 =	vmin.f32 v44, v12  }
0xe8: {  	vm3 =	vgt.f32 v13, v16;
	v49 =	vsub.f32 v62, v49;
	v54 =	vsub.f32 v61, v40  }
0xe9: {  	v40 =	vmin.f32 v44, v25;
	v63 =	vmin.f32 v14, v8;
	v62 =	vmin.f32 v14, v21  }
0xea: {  	v50 =	vsub.f32 v63, v50;
	v63 =	vmax.f32 v33, v23;
	v59 =	vsub.f32 v62, v60  }
0xeb: {  	v62 =	vmin.f32 v14, v26;
	v33 =	vmax.f32 v33, v28;
	v14 =	vmin.f32 v14, v32  }
0xec: {  	v60 =	vsub.f32 v40, v63;
	v63 =	vmin.f32 v44, v31;
	v40 =	vsel vm3, v13, v16  }
0xed: {  	v13 =	vmax.f32 v55, v29;
	v55 =	vsel vm4, v3, v0;
	v16 =	vsub.f32 v63, v33  }
0xee: {  	v63 =	vsub.f32 v14, v13;
	v13 =	vsel vm6, v3, v0;
	v14 =	vsel vm5, v3, v0;
	v0 =	vld [tilespmem:$0x5010];
	_ =	sdelay $0x4  }
0xef: {  	v51 =	vmin.f32 v34, v12;
	v52 =	vmax.f32 v35, v10;
	[tilespmem:$0x1FFB0] =	vst v0;
	v0 =	vld [tilespmem:$0x5030]  }
0xf0: {  	v51 =	vsub.f32 v51, v52  }
0xf1: {  	v35 =	vmax.f32 v35, v28  }
0xf2: {  	v46 =	vmax.f32 v46, $0.0e+00;
	v52 =	vmax.f32 v51, $0.0e+00;
	v43 =	vld [tilespmem:s23+$0xFFFFFFF0];
	v47 =	vmax.f32 v47, $0.0e+00  }
0xf3: {  	v53 =	vmax.f32 v53, $0.0e+00;
	v34 =	vmin.f32 v34, v31;
	v46 =	vmul.f32 v47, v46  }
0xf4: {  	s24 =	sadd.s32 $0x10, s2;
	v47 =	vmul.f32 v53, v52;
	v58 =	vsub.f32 v34, v35;
	[tilespmem:$0x1FFC0] =	vst v0;
	v0 =	vld [tilespmem:$0x5050]  }
0xf5: {  	[tilespmem:$0x1FF60] =	vst v1;
	v1 =	vor.u32 s24, v19;
	v48 =	vsub.f32 v48, v46  }
0xf6: {  	v53 =	vmax.f32 v58, $0.0e+00;
	v58 =	vsub.f32 v2, v47;
	v61 =	vsub.f32 v62, v42  }
0xf7: {  	v62 =	vadd.f32 v43, v9;
	v42 =	vsel vm9, v1, v45;
	v45 =	vadd.f32 v43, v22  }
0xf8: {  	(erf) = vrcp.f32 v48;
	v44 =	vadd.f32 v43, v27;
	v43 =	vadd.f32 v43, v30  }
0xf9: {  	v35 =	vsel vm3, v1, v55;
	v33 =	vsel vm7, v1, v13;
	v34 =	vsel vm8, v1, v14;
	[tilespmem:$0x1FFD0] =	vst v0;
	v0 =	vld [tilespmem:$0x5070]  }
0xfa: {  	[tilespmem:$0x1FF70] =	vst v5;
	v14 =	vmax.f32 v56, $0.0e+00;
	v56 =	vmax.f32 v57, $0.0e+00;
	v13 =	vmax.f32 v49, $0.0e+00  }
0xfb: {  	[tilespmem:$0x1FF80] =	vst v6;
	v57 =	vmax.f32 v50, $0.0e+00;
	v50 =	vmax.f32 v54, $0.0e+00;
	v49 =	vmax.f32 v59, $0.0e+00  }
0xfc: {  	[tilespmem:$0x1FFA0] =	vst v1;
	v54 =	vmax.f32 v15, $0.0e+00;
	v52 =	vmul.f32 v57, v13;
	v51 =	vmul.f32 v56, v14  }
0xfd: {  	[tilespmem:$0x1FF90] =	vst v3;
	v56 =	vmax.f32 v60, $0.0e+00;
	v50 =	vmul.f32 v49, v50;
	v57 =	vmax.f32 v61, $0.0e+00  }
0xfe: {  	s0 =	simm.s32 $0x4650;
	s31 =	smov.u32 s2;
	s1 =	simm.s32 $0x2;
	v55 =	vmax.f32 v16, $0.0e+00;
	v48 =	vmax.f32 v63, $0.0e+00;
	v2 =	vsub.f32 v62, v52;
	[tilespmem:$0x1FFE0] =	vst v0  }
.LBB2_4:
0xff: {  	v49 =	vld [tilespmem:s0+$0x0]  }
0x100: {  	v56 =	vmul.f32 v57, v56;
	v57 =	vld [tilespmem:s0+$0xFFFFFFF0]  }
0x101: {  	v1 =	vld [tilespmem:$0x1FF70]  }
0x102: {  	s26 =	sadd.s32 $0x20, s26;
	v5 =	vld [tilespmem:$0x1FF80]  }
0x103: {  	s28 =	sadd.s32 $0x20, s28;
	(erf) = vrcp.f32 v58;
	v58 =	vld [tilespmem:s26+$0x0]  }
0x104: {  	v55 =	vmul.f32 v48, v55;
	v53 =	vmul.f32 v54, v53;
	s29 =	sadd.s32 $0x20, s29;
	s31 =	sadd.s32 $0x20, s31;
	v41 =	vsub.f32 v41, v51;
	v54 =	vld [tilespmem:s28+$0x0]  }
0x105: {  	s30 =	sadd.s32 $0x20, s30;
	v45 =	vsub.f32 v45, v50;
	v59 =	vld [tilespmem:s29+$0x0];
	v61 =	vor.u32 s31, v19;
	(erf) = vrcp.f32 v2  }
0x106: {  	v60 =	vld [tilespmem:s30+$0x0];
	v2 =	vsub.f32 v44, v56;
	(erf) = vrcp.f32 v41;
	v41 =	vsub.f32 v43, v55  }
0x107: {  	(erf) = vrcp.f32 v45;
	v45 =	vsub.f32 v38, v53;
	v48 =	vadd.f32 v49, v9  }
0x108: {  	(erf) = vrcp.f32 v2;
	v2 =	vadd.f32 v49, v22;
	v38 =	vadd.f32 v49, v30  }
0x109: {  	v44 =	vadd.f32 v57, v27;
	v43 =	vadd.f32 v57, v30;
	(erf) = vrcp.f32 v41  }
0x10a: {  	v41 =	vadd.f32 v49, v27;
	v49 =	vadd.f32 v57, v9;
	v63 =	vmax.f32 v58, v1  }
0x10b: {  	v15 =	vmax.f32 v54, v5;
	v16 =	vmin.f32 v59, v7;
	v14 =	vmin.f32 v60, v8  }
0x10c: {  	v0 =	vmax.f32 v58, v10;
	v3 =	vmax.f32 v54, v11;
	(erf) = vrcp.f32 v45  }
0x10d: {  	s12 =	sadd.s32 $0x10, s31;
	v20 =	vmin.f32 v60, v21;
	v17 =	vmax.f32 v58, v23;
	v18 =	vmax.f32 v54, v24;
	v62 =	vpop (erf)  }
0x10e: {  	v45 =	vadd.f32 v57, v22;
	v57 =	vor.u32 s12, v19;
	v16 =	vsub.f32 v16, v63;
	v13 =	vpop (erf)  }
0x10f: {  	v19 =	vmin.f32 v59, v12;
	v14 =	vsub.f32 v14, v15;
	v3 =	vsub.f32 v20, v3;
	v4 =	vpop (erf)  }
0x110: {  	v0 =	vsub.f32 v19, v0;
	v46 =	vmul.f32 v62, v46;
	v4 =	vmul.f32 v4, v52  }
0x111: {  	v16 =	vmax.f32 v16, $0.0e+00;
	v14 =	vmax.f32 v14, $0.0e+00;
	v3 =	vmax.f32 v3, $0.0e+00;
	v52 =	vpop (erf)  }
0x112: {  	v0 =	vmax.f32 v0, $0.0e+00;
	v13 =	vmul.f32 v13, v47;
	v62 =	vpop (erf);
	vm3 =	vgt.f32 v4, v39  }
0x113: {  	v47 =	vmul.f32 v52, v51;
	v51 =	vpop (erf);
	v50 =	vmul.f32 v62, v50;
	v4 =	vsel vm3, v4, v39  }
0x114: {  	v42 =	vsel vm3, v61, v42;
	v62 =	vpop (erf);
	v51 =	vmul.f32 v51, v56;
	vm3 =	vgt.f32 v46, v4  }
0x115: {  	v52 =	vmul.f32 v62, v55;
	v62 =	vpop (erf);
	v55 =	vmin.f32 v60, v32;
	v39 =	vsel vm3, v46, v4  }
0x116: {  	v42 =	vsel vm3, v57, v42;
	v4 =	vmul.f32 v62, v53;
	vm3 =	vgt.f32 v50, v36  }
0x117: {  	vm4 =	vgt.f32 v51, v37;
	v53 =	vmax.f32 v54, v29;
	v54 =	vmin.f32 v59, v31  }
0x118: {  	vm5 =	vgt.f32 v52, v40;
	v36 =	vsel vm3, v50, v36;
	v37 =	vsel vm4, v51, v37  }
0x119: {  	v46 =	vld [tilespmem:s26+$0xFFFFFFF0];
	v34 =	vsel vm4, v61, v34;
	v40 =	vsel vm5, v52, v40;
	vm6 =	vgt.f32 v13, v36  }
0x11a: {  	vm7 =	vgt.f32 v47, v37;
	v35 =	vsel vm5, v61, v35;
	v52 =	vmax.f32 v58, v28  }
0x11b: {  	v50 =	vld [tilespmem:s28+$0xFFFFFFF0];
	vm8 =	vgt.f32 v4, v40;
	v36 =	vsel vm6, v13, v36;
	v37 =	vsel vm7, v47, v37  }
0x11c: {  	v51 =	vld [tilespmem:s29+$0xFFFFFFF0];
	v13 =	vsel vm3, v61, v33;
	v34 =	vsel vm7, v57, v34;
	v47 =	vmin.f32 v60, v26  }
0x11d: {  	v20 =	vsub.f32 v54, v52;
	v40 =	vsel vm8, v4, v40;
	v33 =	vsel vm6, v57, v13  }
0x11e: {  	v35 =	vsel vm8, v57, v35;
	v13 =	vmin.f32 v59, v25;
	v56 =	vmax.f32 v46, v1  }
0x11f: {  	v60 =	vmax.f32 v46, v10;
	v13 =	vsub.f32 v13, v17;
	v17 =	vsub.f32 v47, v18  }
0x120: {  	v18 =	vmax.f32 v46, v28;
	v47 =	vmul.f32 v3, v0;
	v57 =	vmax.f32 v50, v5  }
0x121: {  	v58 =	vmin.f32 v51, v7;
	v61 =	vmax.f32 v50, v11;
	v62 =	vmin.f32 v51, v12  }
0x122: {  	v4 =	vld [tilespmem:s30+$0xFFFFFFF0];
	v5 =	vmax.f32 v46, v23;
	v6 =	vmax.f32 v50, v24;
	v15 =	vmin.f32 v51, v25  }
0x123: {  	v46 =	vsub.f32 v55, v53;
	v50 =	vmax.f32 v50, v29;
	v51 =	vmin.f32 v51, v31  }
0x124: {  	v53 =	vmax.f32 v20, $0.0e+00;
	v58 =	vsub.f32 v58, v56;
	v63 =	vsub.f32 v62, v60  }
0x125: {  	v5 =	vsub.f32 v15, v5;
	v15 =	vsub.f32 v51, v18;
	v13 =	vmax.f32 v13, $0.0e+00  }
0x126: {  	v17 =	vmax.f32 v17, $0.0e+00;
	v54 =	vmax.f32 v46, $0.0e+00;
	v46 =	vmul.f32 v14, v16  }
0x127: {  	v51 =	vmul.f32 v17, v13;
	v59 =	vmin.f32 v4, v8;
	v1 =	vmin.f32 v4, v21  }
0x128: {  	s1 =	sadd.s32 $0x2, s1;
	v19 =	vmin.f32 v4, v26;
	v4 =	vmin.f32 v4, v32;
	v18 =	vmax.f32 v58, $0.0e+00  }
0x129: {  	p1 =	slt.u32 s1, $0x9E;
	v20 =	vmax.f32 v63, $0.0e+00;
	v56 =	vmax.f32 v5, $0.0e+00;
	v59 =	vsub.f32 v59, v57  }
.Ltmp3:
0x12a: {  	v55 =	vmax.f32 v15, $0.0e+00;
	v1 =	vsub.f32 v1, v61;
	v6 =	vsub.f32 v19, v6;
	(pc) =	sbr.rel @p1 .LBB2_4-.Ltmp3, $4  }
0x12b: {  	v4 =	vsub.f32 v4, v50;
	v0 =	vsub.f32 v48, v46;
	v19 =	vmax.f32 v59, $0.0e+00  }
0x12c: {  	v58 =	vsub.f32 v2, v47;
	v1 =	vmax.f32 v1, $0.0e+00;
	v52 =	vmul.f32 v19, v18  }
0x12d: {  	v57 =	vmax.f32 v6, $0.0e+00;
	v48 =	vmax.f32 v4, $0.0e+00;
	(erf) = vrcp.f32 v0  }
0x12e: {  	s0 =	sadd.s32 $0x20, s0;
	v19 =	vlaneseq.u32;
	v50 =	vmul.f32 v1, v20;
	v2 =	vsub.f32 v49, v52  }
0x12f: {  	v13 =	vld [tilespmem:$0x1FF50]  }
0x130: {  	v14 =	vld [tilespmem:$0x1FF60]  }
0x131: {  	v7 =	vld [tilespmem:$0x1FF30];
	_ =	sdelay $0x1  }
0x132: {  	v6 =	vld [tilespmem:$0x1FF40]  }
0x133: {  	(v2sf) =	vpush v13, $0x4  }
0x134: {  	(v2sf) =	vpush v14, $0x4  }
0x135: {  	(v2sf) =	vpush v7, $0x4  }
0x136: {  	v0 =	vmul.f32 v57, v56;
	(erf) = vrcp.f32 v58  }
0x137: {  	v1 =	vsub.f32 v41, v51;
	(erf) = vrcp.f32 v2;
	(v2sf) =	vpush v6, $0x4  }
0x138: {  	v3 =	vmul.f32 v48, v55;
	v2 =	vsub.f32 v45, v50;
	(v2sf) =	vpush v13, $0x5  }
0x139: {  	v5 =	vmul.f32 v54, v53;
	v4 =	vsub.f32 v44, v0;
	(v2sf) =	vpush v14, $0x5  }
0x13a: {  	(erf) = vrcp.f32 v1;
	v1 =	vsub.f32 v43, v3;
	(v2sf) =	vpush v7, $0x5  }
0x13b: {  	(erf) = vrcp.f32 v2;
	(v2sf) =	vpush v6, $0x5  }
0x13c: {  	v2 =	vsub.f32 v38, v5;
	(erf) = vrcp.f32 v4;
	(v2sf) =	vpush v13, $0x6  }
0x13d: {  	(v2sf) =	vpush v14, $0x6  }
0x13e: {  	(erf) = vrcp.f32 v1;
	v23 =	vbroadcast v13, $0x4;
	v1 =	vpop (erf);
	(v2sf) =	vpush v7, $0x6  }
0x13f: {  	v25 =	vbroadcast v14, $0x4;
	v28 =	vbroadcast v13, $0x5;
	v4 =	vpop (erf)  }
0x140: {  	v29 =	vbroadcast v14, $0x5;
	(erf) = vrcp.f32 v2;
	v2 =	vpop (erf);
	(v2sf) =	vpush v6, $0x6  }
0x141: {  	v31 =	vbroadcast v13, $0x6;
	v9 =	vmul.f32 v2, v52;
	(v2sf) =	vpush v13, $0x7  }
0x142: {  	s23 =	sadd.s32 $0x20, s31;
	v32 =	vbroadcast v14, $0x6;
	v1 =	vmul.f32 v1, v46;
	s0 =	spop (v2sf);
	(v2sf) =	vpush v14, $0x7  }
0x143: {  	s26 =	sadd.s32 $0x10, s23;
	v8 =	vmul.f32 v4, v47;
	vm3 =	vgt.f32 v9, v39;
	s1 =	spop (v2sf);
	(v2sf) =	vpush v7, $0x7;
	v7 =	vpop (erf)  }
0x144: {  	v2 =	vor.u32 s26, v19;
	v9 =	vsel vm3, v9, v39;
	v39 =	vbroadcast v13, $0x7;
	s12 =	spop (v2sf);
	v10 =	vpop (erf)  }
0x145: {  	(v2sf) =	vpush v6, $0x7;
	v6 =	vor.u32 s23, v19;
	v7 =	vmul.f32 v7, v51;
	v4 =	vpop (erf);
	s30 =	sadd.f32 s12, s0  }
0x146: {  	s20 =	spop (v2sf);
	v11 =	vsel vm3, v6, v42;
	vm3 =	vgt.f32 v1, v9;
	v0 =	vmul.f32 v4, v0  }
0x147: {  	v10 =	vmul.f32 v10, v50;
	s21 =	spop (v2sf);
	v12 =	vpop (erf);
	v1 =	vsel vm3, v1, v9;
	s12 =	smul.f32 s20, s12;
	v21 =	vmov s30;
	s30 =	simm.s32 $0xA10  }
0x148: {  	s0 =	simm.s32 $0x4610;
	s22 =	spop (v2sf);
	v3 =	vmul.f32 v12, v3;
	[tilespmem:$0x1FE90] =	vst v1;
	v1 =	vsel vm3, v2, v11;
	vm5 =	vgt.f32 v0, v37;
	v20 =	vld [tilespmem:s30+$0xFFFFFFF0]  }
0x149: {  	s1 =	sadd.f32 s20, s1;
	v4 =	vpop (erf);
	vm4 =	vgt.f32 v10, v36;
	s24 =	spop (v2sf);
	v24 =	vmov s12;
	s12 =	simm.s32 $0x3210;
	v9 =	vsel vm5, v0, v37;
	v0 =	vld [tilespmem:s0+$0x0]  }
0x14a: {  	v5 =	vmul.f32 v4, v5;
	v10 =	vsel vm4, v10, v36;
	s28 =	spop (v2sf);
	s6 =	sadd.f32 s24, s21;
	vm6 =	vgt.f32 v3, v40;
	v4 =	vld [tilespmem:s12+$0x0]  }
0x14b: {  	v22 =	vmov s1;
	vm7 =	vgt.f32 v8, v10;
	s5 =	spop (v2sf);
	s7 =	sadd.f32 s28, s22;
	v11 =	vsel vm6, v3, v40;
	v3 =	vld [tilespmem:s30+$0x0]  }
0x14c: {  	s22 =	smul.f32 s28, s24;
	s24 =	simm.s32 $0x10;
	v40 =	vbroadcast v14, $0x7;
	vm3 =	vgt.f32 v7, v9;
	v8 =	vsel vm7, v8, v10;
	s26 =	spop (v2sf)  }
0x14d: {  	[tilespmem:$0x1FEA0] =	vst v1;
	v1 =	vld [tilespmem:s24+$0x0];
	v26 =	vmov s6;
	vm8 =	vgt.f32 v5, v11;
	v7 =	vsel vm3, v7, v9;
	s29 =	spop (v2sf)  }
0x14e: {  	s6 =	simm.s32 $0x3C10;
	v16 =	vld [tilespmem:s24+$0xFFFFFFF0];
	v27 =	vmov s7;
	v30 =	vmov s22;
	v5 =	vsel vm8, v5, v11;
	s23 =	sadd.f32 s29, s5  }
0x14f: {  	v12 =	vld [tilespmem:s6+$0x0];
	s31 =	spop (v2sf);
	v60 =	vmax.f32 v20, v25;
	v13 =	vadd.f32 v0, v24;
	v17 =	vmin.f32 v4, v21  }
0x150: {  	s26 =	sadd.f32 s31, s26;
	s29 =	smul.f32 s31, s29;
	v63 =	vmin.f32 v4, v26;
	v36 =	vmov s23;
	v15 =	vmax.f32 v3, v25  }
0x151: {  	v46 =	vld [tilespmem:s12+$0xFFFFFFF0];
	v62 =	vmax.f32 v3, v29;
	v56 =	vmax.f32 v3, v32;
	v3 =	vmax.f32 v3, v40  }
0x152: {  	v37 =	vmov s26;
	v38 =	vmov s29;
	v14 =	vmax.f32 v1, v23  }
0x153: {  	v61 =	vmax.f32 v1, v28;
	v55 =	vmax.f32 v1, v31;
	v57 =	vmin.f32 v4, v36  }
0x154: {  	v49 =	vld [tilespmem:s6+$0xFFFFFFF0];
	v1 =	vmax.f32 v1, v39;
	v59 =	vmax.f32 v16, v23;
	v18 =	vmin.f32 v12, v22  }
0x155: {  	v54 =	vmin.f32 v12, v27;
	v58 =	vmin.f32 v12, v37;
	v14 =	vsub.f32 v17, v14  }
0x156: {  	v19 =	vsub.f32 v63, v61;
	v61 =	vmin.f32 v46, v21;
	v47 =	vsub.f32 v57, v55  }
0x157: {  	v63 =	vmax.f32 v16, v28;
	v55 =	vmax.f32 v16, v31;
	v57 =	vmin.f32 v46, v36  }
0x158: {  	v16 =	vmax.f32 v16, v39;
	v15 =	vsub.f32 v18, v15;
	v45 =	vsub.f32 v54, v62  }
0x159: {  	v62 =	vmin.f32 v49, v22;
	v48 =	vsub.f32 v58, v56;
	v54 =	vmax.f32 v20, v29  }
0x15a: {  	s28 =	spop (v2sf);
	v17 =	vsub.f32 v61, v59;
	v56 =	vmax.f32 v20, v32;
	v44 =	vsub.f32 v57, v55  }
0x15b: {  	s5 =	spop (v2sf);
	v58 =	vmin.f32 v49, v37;
	v61 =	vadd.f32 v0, v38;
	v18 =	vsub.f32 v62, v60  }
0x15c: {  	s1 =	spop (v2sf);
	v20 =	vmax.f32 v20, v40;
	v51 =	vsub.f32 v58, v56;
	v60 =	vadd.f32 v0, v30  }
0x15d: {  	s28 =	sadd.f32 s1, s28;
	v14 =	vmax.f32 v14, $0.0e+00;
	v19 =	vmax.f32 v19, $0.0e+00;
	v47 =	vmax.f32 v47, $0.0e+00  }
0x15e: {  	v59 =	vld [tilespmem:s0+$0xFFFFFFF0];
	s7 =	spop (v2sf);
	v15 =	vmax.f32 v15, $0.0e+00;
	v45 =	vmax.f32 v45, $0.0e+00;
	v17 =	vmax.f32 v17, $0.0e+00  }
0x15f: {  	s5 =	sadd.f32 s7, s5;
	v48 =	vmax.f32 v48, $0.0e+00;
	v44 =	vmax.f32 v44, $0.0e+00;
	v41 =	vmov s28  }
0x160: {  	s1 =	smul.f32 s7, s1;
	v14 =	vmul.f32 v15, v14;
	v19 =	vmul.f32 v45, v19;
	v18 =	vmax.f32 v18, $0.0e+00  }
0x161: {  	v51 =	vmax.f32 v51, $0.0e+00;
	v42 =	vmov s5;
	v4 =	vmin.f32 v4, v41  }
0x162: {  	v43 =	vmov s1;
	v17 =	vmul.f32 v18, v17;
	v1 =	vsub.f32 v4, v1  }
0x163: {  	v12 =	vmin.f32 v12, v42;
	v0 =	vadd.f32 v0, v43;
	v15 =	vadd.f32 v59, v24  }
0x164: {  	v4 =	vmin.f32 v46, v26;
	v62 =	vadd.f32 v59, v30;
	v50 =	vadd.f32 v59, v43  }
0x165: {  	v46 =	vmin.f32 v46, v41;
	v13 =	vsub.f32 v13, v14;
	v3 =	vsub.f32 v12, v3  }
0x166: {  	v12 =	vmin.f32 v49, v27;
	v4 =	vsub.f32 v4, v63;
	v16 =	vsub.f32 v46, v16  }
0x167: {  	v49 =	vmin.f32 v49, v42;
	v63 =	vadd.f32 v59, v38;
	v46 =	vsub.f32 v60, v19  }
0x168: {  	v47 =	vmul.f32 v48, v47;
	v12 =	vsub.f32 v12, v54;
	v20 =	vsub.f32 v49, v20  }
0x169: {  	v1 =	vmax.f32 v1, $0.0e+00;
	v15 =	vsub.f32 v15, v17;
	(erf) = vrcp.f32 v13  }
0x16a: {  	v13 =	vsub.f32 v61, v47;
	v4 =	vmax.f32 v4, $0.0e+00;
	v12 =	vmax.f32 v12, $0.0e+00  }
0x16b: {  	s30 =	simm.s32 $0x3C30;
	v16 =	vmax.f32 v16, $0.0e+00;
	(erf) = vrcp.f32 v46;
	v4 =	vmul.f32 v12, v4  }
0x16c: {  	[tilespmem:$0x1FEB0] =	vst v8;
	v8 =	vld [tilespmem:s30+$0x0];
	s26 =	simm.s32 $0x30;
	v3 =	vmax.f32 v3, $0.0e+00;
	v20 =	vmax.f32 v20, $0.0e+00;
	v12 =	vmul.f32 v51, v44  }
0x16d: {  	s28 =	simm.s32 $0xA30;
	(erf) = vrcp.f32 v15;
	v15 =	vld [tilespmem:s26+$0x0];
	v16 =	vmul.f32 v20, v16;
	v51 =	vsub.f32 v62, v4  }
0x16e: {  	s29 =	simm.s32 $0x3230;
	v1 =	vmul.f32 v3, v1;
	v3 =	vld [tilespmem:s28+$0x0];
	(erf) = vrcp.f32 v13;
	v18 =	vsub.f32 v63, v12  }
0x16f: {  	[tilespmem:$0x1FEC0] =	vst v7;
	v7 =	vsel vm5, v6, v34;
	v20 =	vld [tilespmem:s29+$0x0];
	v13 =	vsub.f32 v50, v16;
	(erf) = vrcp.f32 v51  }
0x170: {  	[tilespmem:$0x1FED0] =	vst v5;
	v5 =	vsel vm4, v6, v33;
	v0 =	vsub.f32 v0, v1;
	(erf) = vrcp.f32 v18  }
0x171: {  	v6 =	vsel vm6, v6, v35;
	v58 =	vmin.f32 v8, v27;
	(erf) = vrcp.f32 v13  }
0x172: {  	v63 =	vld [tilespmem:s29+$0xFFFFFFF0];
	v52 =	vmax.f32 v15, v28;
	(erf) = vrcp.f32 v0;
	v0 =	vsel vm7, v2, v5  }
0x173: {  	v55 =	vmax.f32 v3, v29;
	v59 =	vmax.f32 v15, v31;
	[tilespmem:$0x1FEE0] =	vst v0;
	v0 =	vsel vm3, v2, v7  }
0x174: {  	v60 =	vmax.f32 v3, v32;
	v11 =	vmin.f32 v20, v21;
	[tilespmem:$0x1FEF0] =	vst v0;
	v0 =	vsel vm8, v2, v6  }
0x175: {  	v56 =	vmin.f32 v20, v26;
	v53 =	vmin.f32 v20, v41;
	v45 =	vsub.f32 v58, v55  }
0x176: {  	v13 =	vmin.f32 v8, v22;
	v18 =	vsub.f32 v56, v52;
	v5 =	vmax.f32 v15, v23  }
0x177: {  	v15 =	vmax.f32 v15, v39;
	v56 =	vmin.f32 v63, v26;
	v7 =	vmax.f32 v3, v25;
	[tilespmem:$0x1FF00] =	vst v0;
	v0 =	vpop (erf)  }
0x178: {  	v3 =	vmax.f32 v3, v40;
	v5 =	vsub.f32 v11, v5;
	v15 =	vsub.f32 v53, v15;
	v6 =	vpop (erf)  }
0x179: {  	v2 =	vimm.f32 $-1.000000000e+00;
	v7 =	vsub.f32 v13, v7;
	v13 =	vmin.f32 v63, v21;
	v54 =	vpop (erf)  }
0x17a: {  	v5 =	vmax.f32 v5, $0.0e+00;
	v0 =	vmul.f32 v0, v14;
	v17 =	vmul.f32 v54, v17;
	v57 =	vpop (erf)  }
0x17b: {  	v7 =	vmax.f32 v7, $0.0e+00;
	v19 =	vmul.f32 v6, v19;
	v61 =	vmul.f32 v57, v47  }
0x17c: {  	s24 =	simm.s32 $0x4630;
	v14 =	vpop (erf);
	v47 =	vmul.f32 v7, v5;
	v5 =	vmax.f32 v18, $0.0e+00;
	vm10 =	vgt.f32 v17, v2  }
0x17d: {  	v57 =	vld [tilespmem:s24+$0x0];
	v7 =	vmax.f32 v45, $0.0e+00;
	v6 =	vpop (erf);
	v4 =	vmul.f32 v14, v4;
	v17 =	vsel vm10, v17, v2  }
0x17e: {  	v51 =	vmul.f32 v7, v5;
	v14 =	vpop (erf);
	v12 =	vmul.f32 v6, v12;
	vm9 =	vgt.f32 v0, v17  }
0x17f: {  	v14 =	vmul.f32 v14, v16;
	v62 =	vpop (erf);
	vm5 =	vgt.f32 v4, v2;
	v6 =	vsel vm9, v0, v17  }
0x180: {  	v16 =	vld [tilespmem:s28+$0xFFFFFFF0];
	vm4 =	vgt.f32 v12, v2;
	v1 =	vmul.f32 v62, v1;
	v4 =	vsel vm5, v4, v2  }
0x181: {  	v0 =	vld [tilespmem:s26+$0xFFFFFFF0];
	v12 =	vsel vm4, v12, v2;
	vm6 =	vgt.f32 v14, v2;
	vm7 =	vgt.f32 v19, v4  }
0x182: {  	v62 =	vld [tilespmem:s24+$0xFFFFFFF0];
	v35 =	vadd.f32 v57, v38;
	vm8 =	vgt.f32 v61, v12;
	v2 =	vsel vm6, v14, v2  }
0x183: {  	v33 =	vsel vm7, v19, v4;
	v14 =	vmin.f32 v8, v37;
	v8 =	vmin.f32 v8, v42  }
0x184: {  	v34 =	vsel vm8, v61, v12;
	v12 =	vmin.f32 v20, v36;
	v14 =	vsub.f32 v14, v60  }
0x185: {  	v4 =	vld [tilespmem:s30+$0xFFFFFFF0];
	v3 =	vsub.f32 v8, v3;
	v11 =	vmax.f32 v16, v25;
	v49 =	vsub.f32 v12, v59  }
0x186: {  	v9 =	vld [tilespmem:$0x1FFF0];
	v12 =	vmax.f32 v16, v29;
	v59 =	vmin.f32 v63, v36;
	v20 =	vmax.f32 v0, v23  }
0x187: {  	[tilespmem:$0x1FF10] =	vst v21;
	v21 =	vld [tilespmem:$0x1FF90];
	v55 =	vmax.f32 v0, v28;
	v46 =	vadd.f32 v62, v30;
	v45 =	vadd.f32 v62, v38  }
0x188: {  	v7 =	vmax.f32 v14, $0.0e+00;
	v13 =	vsub.f32 v13, v20;
	v20 =	vmax.f32 v0, v31  }
0x189: {  	v58 =	vsub.f32 v56, v55;
	v0 =	vmax.f32 v0, v39;
	v5 =	vmax.f32 v49, $0.0e+00  }
0x18a: {  	v10 =	vld [tilespmem:$0x1FFA0];
	v55 =	vmax.f32 v15, $0.0e+00;
	v56 =	vmax.f32 v3, $0.0e+00;
	v54 =	vmin.f32 v4, v22  }
0x18b: {  	v8 =	vmin.f32 v4, v27;
	v20 =	vsub.f32 v59, v20;
	v53 =	vmul.f32 v7, v5  }
0x18c: {  	v5 =	vsel vm5, v21, v9;
	v44 =	vsub.f32 v54, v11;
	v11 =	vmax.f32 v16, v32  }
0x18d: {  	v60 =	vsub.f32 v8, v12;
	v8 =	vmin.f32 v4, v37;
	v12 =	vsel vm10, v21, v9  }
0x18e: {  	vm10 =	vgt.f32 v1, v2;
	v16 =	vmax.f32 v16, v40;
	v4 =	vmin.f32 v4, v42  }
0x18f: {  	v13 =	vmax.f32 v13, $0.0e+00;
	v7 =	vmax.f32 v58, $0.0e+00;
	v48 =	vsel vm7, v10, v5  }
0x190: {  	v61 =	vsub.f32 v8, v11;
	v8 =	vsel vm10, v1, v2;
	v1 =	vadd.f32 v57, v24  }
0x191: {  	v11 =	vmin.f32 v63, v41;
	v2 =	vadd.f32 v57, v30;
	v4 =	vsub.f32 v4, v16  }
0x192: {  	v16 =	vadd.f32 v62, v24;
	v58 =	vmax.f32 v20, $0.0e+00;
	v0 =	vsub.f32 v11, v0  }
0x193: {  	v11 =	vsel vm9, v10, v12;
	v12 =	vadd.f32 v57, v43;
	v63 =	vmax.f32 v44, $0.0e+00  }
0x194: {  	v44 =	vadd.f32 v62, v43;
	v54 =	vmul.f32 v63, v13;
	v1 =	vsub.f32 v1, v47  }
0x195: {  	v13 =	vmax.f32 v60, $0.0e+00;
	v59 =	vmax.f32 v61, $0.0e+00;
	v5 =	vmax.f32 v4, $0.0e+00  }
0x196: {  	v60 =	vsub.f32 v2, v51;
	v7 =	vmul.f32 v13, v7;
	v13 =	vsel vm4, v21, v9  }
0x197: {  	v57 =	vmax.f32 v0, $0.0e+00;
	(erf) = vrcp.f32 v1;
	v1 =	vsel vm6, v21, v9  }
0x198: {  	[tilespmem:$0x1FF20] =	vst v22;
	s31 =	smov.u32 s2;
	s0 =	simm.s32 $0x4650;
	s1 =	simm.s32 $0x2;
	v49 =	vsel vm8, v10, v13;
	v2 =	vsub.f32 v16, v54;
	v50 =	vsel vm10, v10, v1  }
.LBB2_6:
0x199: {  	v0 =	vld [tilespmem:s0+$0x0];
	v1 =	vmul.f32 v59, v58  }
0x19a: {  	v14 =	vmul.f32 v5, v57;
	v3 =	vsub.f32 v35, v53;
	(erf) = vrcp.f32 v60  }
0x19b: {  	v4 =	vld [tilespmem:s0+$0xFFFFFFF0];
	v16 =	vmul.f32 v56, v55;
	v13 =	vsub.f32 v46, v7;
	(erf) = vrcp.f32 v2  }
0x19c: {  	s30 =	sadd.s32 $0x20, s30;
	v21 =	vld [tilespmem:$0x1FF20];
	v2 =	vsub.f32 v45, v1;
	(erf) = vrcp.f32 v3  }
0x19d: {  	s26 =	sadd.s32 $0x20, s26;
	v19 =	vld [tilespmem:s30+$0x0];
	v17 =	vsub.f32 v44, v14;
	v18 =	vsub.f32 v12, v16;
	(erf) = vrcp.f32 v13  }
0x19e: {  	s28 =	sadd.s32 $0x20, s28;
	v15 =	vld [tilespmem:s26+$0x0];
	(erf) = vrcp.f32 v2;
	v5 =	vadd.f32 v0, v24;
	v2 =	vadd.f32 v0, v30  }
0x19f: {  	v3 =	vld [tilespmem:s28+$0x0];
	v35 =	vadd.f32 v0, v38;
	v12 =	vadd.f32 v0, v43  }
0x1a0: {  	s29 =	sadd.s32 $0x20, s29;
	s31 =	sadd.s32 $0x20, s31;
	v9 =	vlaneseq.u32;
	v10 =	vld [tilespmem:$0x1FF10];
	v52 =	vadd.f32 v4, v24;
	v46 =	vadd.f32 v4, v30  }
0x1a1: {  	s5 =	sadd.s32 $0x10, s31;
	v13 =	vld [tilespmem:s29+$0x0];
	v0 =	vor.u32 s31, v9;
	v45 =	vadd.f32 v4, v38;
	(erf) = vrcp.f32 v17  }
0x1a2: {  	v44 =	vadd.f32 v4, v43;
	v4 =	vor.u32 s5, v9;
	v57 =	vmin.f32 v19, v21  }
0x1a3: {  	v58 =	vmax.f32 v15, v28;
	v62 =	vmin.f32 v19, v27;
	(erf) = vrcp.f32 v18;
	v17 =	vpop (erf)  }
0x1a4: {  	v63 =	vmax.f32 v15, v31;
	v18 =	vmax.f32 v15, v23;
	v20 =	vmax.f32 v3, v25;
	v56 =	vpop (erf)  }
0x1a5: {  	v59 =	vmax.f32 v3, v29;
	v9 =	vmax.f32 v3, v32;
	v3 =	vmax.f32 v3, v40;
	v60 =	vpop (erf)  }
0x1a6: {  	v55 =	vmin.f32 v13, v10;
	v61 =	vmin.f32 v13, v26;
	v54 =	vmul.f32 v60, v54  }
0x1a7: {  	v17 =	vmul.f32 v17, v47;
	v20 =	vsub.f32 v57, v20;
	v18 =	vsub.f32 v55, v18;
	v60 =	vpop (erf)  }
0x1a8: {  	v57 =	vsub.f32 v61, v58;
	v58 =	vsub.f32 v62, v59;
	v47 =	vpop (erf);
	vm3 =	vgt.f32 v54, v6  }
0x1a9: {  	v53 =	vmul.f32 v60, v53;
	v60 =	vpop (erf);
	v7 =	vmul.f32 v47, v7;
	v6 =	vsel vm3, v54, v6  }
0x1aa: {  	v47 =	vld [tilespmem:s29+$0xFFFFFFF0];
	v11 =	vsel vm3, v0, v11;
	v1 =	vmul.f32 v60, v1;
	v54 =	vpop (erf);
	vm3 =	vgt.f32 v17, v6  }
0x1ab: {  	v51 =	vmul.f32 v56, v51;
	v14 =	vmul.f32 v54, v14;
	v6 =	vsel vm3, v17, v6  }
0x1ac: {  	v56 =	vpop (erf);
	v11 =	vsel vm3, v4, v11;
	vm3 =	vgt.f32 v7, v33;
	vm4 =	vgt.f32 v1, v34  }
0x1ad: {  	v16 =	vmul.f32 v56, v16;
	v7 =	vsel vm3, v7, v33;
	v1 =	vsel vm4, v1, v34  }
0x1ae: {  	v60 =	vsel vm4, v0, v49;
	vm5 =	vgt.f32 v14, v8;
	vm6 =	vgt.f32 v51, v7  }
0x1af: {  	vm7 =	vgt.f32 v53, v1;
	v55 =	vmin.f32 v47, v36;
	v8 =	vsel vm5, v14, v8  }
0x1b0: {  	v17 =	vld [tilespmem:s26+$0xFFFFFFF0];
	v33 =	vsel vm6, v51, v7;
	v34 =	vsel vm7, v53, v1;
	v7 =	vsel vm3, v0, v48  }
0x1b1: {  	v0 =	vsel vm5, v0, v50;
	v49 =	vsel vm7, v4, v60;
	v51 =	vmin.f32 v47, v10  }
0x1b2: {  	v60 =	vmin.f32 v47, v26;
	vm8 =	vgt.f32 v16, v8;
	v48 =	vsel vm6, v4, v7  }
0x1b3: {  	v14 =	vld [tilespmem:s28+$0xFFFFFFF0];
	v7 =	vmax.f32 v15, v39;
	v15 =	vmin.f32 v19, v42;
	v8 =	vsel vm8, v16, v8  }
0x1b4: {  	v1 =	vld [tilespmem:s30+$0xFFFFFFF0];
	v50 =	vsel vm8, v4, v0;
	v0 =	vmin.f32 v13, v36;
	v4 =	vmin.f32 v19, v37  }
0x1b5: {  	v13 =	vmin.f32 v13, v41;
	v16 =	vmax.f32 v17, v23;
	v3 =	vsub.f32 v15, v3  }
0x1b6: {  	v54 =	vmax.f32 v17, v28;
	v0 =	vsub.f32 v0, v63;
	v4 =	vsub.f32 v4, v9  }
0x1b7: {  	v9 =	vmax.f32 v17, v39;
	v7 =	vsub.f32 v13, v7;
	v13 =	vsub.f32 v51, v16  }
0x1b8: {  	v51 =	vsub.f32 v60, v54;
	v60 =	vmin.f32 v47, v41;
	v63 =	vmax.f32 v57, $0.0e+00  }
0x1b9: {  	v9 =	vsub.f32 v60, v9;
	v19 =	vmax.f32 v14, v25;
	v53 =	vmin.f32 v1, v21  }
0x1ba: {  	v56 =	vmax.f32 v14, v29;
	v10 =	vmin.f32 v1, v27;
	v21 =	vmax.f32 v17, v31  }
0x1bb: {  	v22 =	vmax.f32 v14, v32;
	v62 =	vmin.f32 v1, v37;
	v14 =	vmax.f32 v14, v40  }
0x1bc: {  	v1 =	vmin.f32 v1, v42;
	v0 =	vmax.f32 v0, $0.0e+00;
	v15 =	vsub.f32 v53, v19  }
0x1bd: {  	v4 =	vmax.f32 v4, $0.0e+00;
	v10 =	vsub.f32 v10, v56;
	v61 =	vsub.f32 v55, v21  }
0x1be: {  	v21 =	vsub.f32 v62, v22;
	v1 =	vsub.f32 v1, v14;
	v14 =	vmax.f32 v18, $0.0e+00  }
0x1bf: {  	s1 =	sadd.s32 $0x2, s1;
	v62 =	vmax.f32 v20, $0.0e+00;
	v20 =	vmax.f32 v58, $0.0e+00;
	v55 =	vmax.f32 v7, $0.0e+00  }
0x1c0: {  	p1 =	slt.u32 s1, $0x9E;
	v7 =	vmax.f32 v13, $0.0e+00;
	v56 =	vmax.f32 v3, $0.0e+00;
	v3 =	vmax.f32 v51, $0.0e+00  }
.Ltmp4:
0x1c1: {  	v57 =	vmax.f32 v9, $0.0e+00;
	v53 =	vmul.f32 v4, v0;
	v47 =	vmul.f32 v62, v14;
	(pc) =	sbr.rel @p1 .LBB2_6-.Ltmp4, $4  }
0x1c2: {  	v51 =	vmul.f32 v20, v63;
	v13 =	vmax.f32 v15, $0.0e+00;
	v10 =	vmax.f32 v10, $0.0e+00  }
0x1c3: {  	v58 =	vmax.f32 v61, $0.0e+00;
	v54 =	vmul.f32 v13, v7;
	v9 =	vsub.f32 v5, v47  }
0x1c4: {  	v59 =	vmax.f32 v21, $0.0e+00;
	v5 =	vmax.f32 v1, $0.0e+00;
	v60 =	vsub.f32 v2, v51  }
0x1c5: {  	s0 =	sadd.s32 $0x20, s0;
	v7 =	vmul.f32 v10, v3;
	v2 =	vsub.f32 v52, v54;
	(erf) = vrcp.f32 v9  }
0x1c6: {  	v14 =	vld [tilespmem:$0x1FF50]  }
0x1c7: {  	v15 =	vld [tilespmem:$0x1FF60]  }
0x1c8: {  	v10 =	vld [tilespmem:$0x1FF30];
	_ =	sdelay $0x1  }
0x1c9: {  	v9 =	vld [tilespmem:$0x1FF40]  }
0x1ca: {  	(v2sf) =	vpush v14, $0x8  }
0x1cb: {  	(v2sf) =	vpush v15, $0x8  }
0x1cc: {  	(v2sf) =	vpush v10, $0x8;
	_ =	sdelay $0x1  }
0x1cd: {  	v0 =	vmul.f32 v59, v58;
	(v2sf) =	vpush v9, $0x8  }
0x1ce: {  	(erf) = vrcp.f32 v60;
	v1 =	vsub.f32 v35, v53;
	(v2sf) =	vpush v14, $0x9  }
0x1cf: {  	v3 =	vmul.f32 v5, v57;
	v5 =	vmul.f32 v56, v55;
	(v2sf) =	vpush v15, $0x9  }
0x1d0: {  	(erf) = vrcp.f32 v2;
	v2 =	vsub.f32 v46, v7;
	(v2sf) =	vpush v10, $0x9  }
0x1d1: {  	v4 =	vsub.f32 v45, v0;
	(erf) = vrcp.f32 v1;
	(v2sf) =	vpush v9, $0x9  }
0x1d2: {  	v1 =	vsub.f32 v44, v3;
	(erf) = vrcp.f32 v2;
	(v2sf) =	vpush v14, $0xA  }
0x1d3: {  	v2 =	vsub.f32 v12, v5;
	(erf) = vrcp.f32 v4  }
0x1d4: {  	(erf) = vrcp.f32 v1;
	(v2sf) =	vpush v15, $0xA  }
0x1d5: {  	(erf) = vrcp.f32 v2;
	(v2sf) =	vpush v10, $0xA  }
0x1d6: {  	v31 =	vbroadcast v14, $0x8;
	v36 =	vbroadcast v14, $0x9;
	(v2sf) =	vpush v9, $0xA  }
0x1d7: {  	v37 =	vbroadcast v15, $0x9;
	v39 =	vbroadcast v14, $0xA;
	v1 =	vpop (erf);
	(v2sf) =	vpush v14, $0xB  }
0x1d8: {  	v40 =	vbroadcast v15, $0xA;
	v44 =	vbroadcast v14, $0xB;
	v4 =	vpop (erf);
	s0 =	spop (v2sf);
	(v2sf) =	vpush v15, $0xB  }
0x1d9: {  	v45 =	vbroadcast v15, $0xB;
	v1 =	vmul.f32 v1, v47;
	v2 =	vpop (erf);
	s1 =	spop (v2sf);
	(v2sf) =	vpush v10, $0xB  }
0x1da: {  	s22 =	sadd.s32 $0x20, s31;
	v10 =	vpop (erf);
	s5 =	spop (v2sf);
	(v2sf) =	vpush v9, $0xB;
	v9 =	vmul.f32 v2, v54;
	v2 =	vlaneseq.u32  }
0x1db: {  	s24 =	sadd.s32 $0x10, s22;
	v23 =	vmul.f32 v4, v51;
	v13 =	vpop (erf);
	v22 =	vmul.f32 v10, v53;
	v12 =	vor.u32 s22, v2  }
0x1dc: {  	s12 =	spop (v2sf);
	v2 =	vor.u32 s24, v2;
	v4 =	vpop (erf);
	v7 =	vmul.f32 v13, v7;
	s29 =	sadd.f32 s5, s0;
	vm3 =	vgt.f32 v9, v6  }
0x1dd: {  	s0 =	simm.s32 $0x4610;
	s20 =	spop (v2sf);
	v10 =	vpop (erf);
	v0 =	vmul.f32 v4, v0;
	v6 =	vsel vm3, v9, v6;
	v9 =	vsel vm3, v12, v11  }
0x1de: {  	s5 =	smul.f32 s12, s5;
	v60 =	vld [tilespmem:s0+$0xFFFFFFF0];
	s21 =	spop (v2sf);
	v3 =	vmul.f32 v10, v3;
	v4 =	vpop (erf);
	vm4 =	vgt.f32 v7, v33;
	v21 =	vmov s29;
	s29 =	simm.s32 $0xA10  }
0x1df: {  	s1 =	sadd.f32 s12, s1;
	s23 =	spop (v2sf);
	vm3 =	vgt.f32 v1, v6;
	v5 =	vmul.f32 v4, v5;
	vm5 =	vgt.f32 v0, v34;
	v18 =	vld [tilespmem:s29+$0xFFFFFFF0]  }
0x1e0: {  	v32 =	vmov s5;
	s5 =	simm.s32 $0x3210;
	s26 =	spop (v2sf);
	v1 =	vsel vm3, v1, v6;
	v6 =	vsel vm5, v0, v34;
	v0 =	vld [tilespmem:s0+$0x0]  }
0x1e1: {  	v7 =	vsel vm4, v7, v33;
	v29 =	vmov s1;
	s20 =	sadd.f32 s23, s20;
	vm6 =	vgt.f32 v3, v8;
	v4 =	vld [tilespmem:s5+$0x0];
	s22 =	spop (v2sf)  }
0x1e2: {  	v33 =	vbroadcast v15, $0x8;
	vm7 =	vgt.f32 v23, v7;
	s6 =	sadd.f32 s26, s21;
	s21 =	smul.f32 s26, s23;
	v8 =	vsel vm6, v3, v8;
	v3 =	vld [tilespmem:s29+$0x0]  }
0x1e3: {  	v25 =	vld [tilespmem:s5+$0xFFFFFFF0];
	[tilespmem:$0x1FDF0] =	vst v1;
	v1 =	vsel vm3, v2, v9;
	s23 =	simm.s32 $0x10;
	vm3 =	vgt.f32 v22, v6;
	v7 =	vsel vm7, v23, v7;
	s24 =	spop (v2sf)  }
0x1e4: {  	[tilespmem:$0x1FE00] =	vst v1;
	v1 =	vld [tilespmem:s23+$0x0];
	v34 =	vmov s20;
	s28 =	spop (v2sf);
	v35 =	vmov s6;
	v38 =	vmov s21  }
0x1e5: {  	s20 =	simm.s32 $0x3C10;
	v14 =	vld [tilespmem:s23+$0xFFFFFFF0];
	s30 =	spop (v2sf);
	s22 =	sadd.f32 s28, s22;
	v63 =	vmax.f32 v18, v33;
	v57 =	vmax.f32 v18, v37;
	v61 =	vadd.f32 v60, v38  }
0x1e6: {  	v9 =	vld [tilespmem:s20+$0x0];
	s24 =	sadd.f32 s30, s24;
	v10 =	vadd.f32 v0, v32;
	v15 =	vmin.f32 v4, v21;
	v20 =	vmin.f32 v4, v34  }
0x1e7: {  	s28 =	smul.f32 s30, s28;
	v41 =	vmov s22;
	v13 =	vmax.f32 v3, v33;
	v19 =	vmax.f32 v3, v37  }
0x1e8: {  	v27 =	vmax.f32 v3, v40;
	v3 =	vmax.f32 v3, v45;
	v42 =	vmov s24  }
0x1e9: {  	v28 =	vld [tilespmem:s20+$0xFFFFFFF0];
	v43 =	vmov s28;
	v11 =	vmax.f32 v1, v31;
	v17 =	vmax.f32 v1, v36  }
0x1ea: {  	v26 =	vmax.f32 v1, v39;
	v62 =	vmin.f32 v4, v41;
	v1 =	vmax.f32 v1, v44  }
0x1eb: {  	v56 =	vmax.f32 v14, v36;
	v58 =	vmin.f32 v25, v41;
	v16 =	vmin.f32 v9, v29  }
0x1ec: {  	v24 =	vmin.f32 v9, v35;
	v52 =	vmin.f32 v9, v42;
	v11 =	vsub.f32 v15, v11  }
0x1ed: {  	v15 =	vmax.f32 v14, v31;
	v17 =	vsub.f32 v20, v17;
	v20 =	vmin.f32 v25, v21  }
0x1ee: {  	v26 =	vsub.f32 v62, v26;
	v59 =	vmin.f32 v28, v42;
	v62 =	vadd.f32 v60, v43  }
0x1ef: {  	v13 =	vsub.f32 v16, v13;
	v19 =	vsub.f32 v24, v19;
	v24 =	vmin.f32 v28, v29  }
0x1f0: {  	s7 =	spop (v2sf);
	v27 =	vsub.f32 v52, v27;
	v15 =	vsub.f32 v20, v15;
	v20 =	vmax.f32 v14, v39  }
0x1f1: {  	s31 =	spop (v2sf);
	v14 =	vmax.f32 v14, v44;
	v16 =	vsub.f32 v24, v63;
	v24 =	vmax.f32 v18, v40  }
0x1f2: {  	s1 =	spop (v2sf);
	v20 =	vsub.f32 v58, v20;
	v18 =	vmax.f32 v18, v45;
	v11 =	vmax.f32 v11, $0.0e+00  }
0x1f3: {  	s26 =	sadd.f32 s1, s7;
	v17 =	vmax.f32 v17, $0.0e+00;
	v26 =	vmax.f32 v26, $0.0e+00;
	v24 =	vsub.f32 v59, v24  }
0x1f4: {  	s6 =	spop (v2sf);
	v13 =	vmax.f32 v13, $0.0e+00;
	v19 =	vmax.f32 v19, $0.0e+00;
	v15 =	vmax.f32 v15, $0.0e+00  }
0x1f5: {  	s7 =	sadd.f32 s6, s31;
	v27 =	vmax.f32 v27, $0.0e+00;
	v46 =	vmov s26;
	v11 =	vmul.f32 v13, v11  }
0x1f6: {  	s1 =	smul.f32 s6, s1;
	v13 =	vadd.f32 v60, v32;
	v17 =	vmul.f32 v19, v17;
	v16 =	vmax.f32 v16, $0.0e+00  }
0x1f7: {  	v20 =	vmax.f32 v20, $0.0e+00;
	v47 =	vmov s7;
	v4 =	vmin.f32 v4, v46  }
0x1f8: {  	v51 =	vmov s1;
	v15 =	vmul.f32 v16, v15;
	v9 =	vmin.f32 v9, v47  }
0x1f9: {  	v1 =	vsub.f32 v4, v1;
	v4 =	vmin.f32 v25, v34;
	v63 =	vadd.f32 v60, v51  }
0x1fa: {  	v25 =	vmin.f32 v25, v46;
	v10 =	vsub.f32 v10, v11;
	v3 =	vsub.f32 v9, v3  }
0x1fb: {  	v9 =	vmin.f32 v28, v35;
	v4 =	vsub.f32 v4, v56;
	v14 =	vsub.f32 v25, v14  }
0x1fc: {  	v28 =	vmin.f32 v28, v47;
	v25 =	vadd.f32 v0, v38;
	v13 =	vsub.f32 v13, v15  }
0x1fd: {  	v27 =	vmul.f32 v27, v26;
	v9 =	vsub.f32 v9, v57;
	v18 =	vsub.f32 v28, v18  }
0x1fe: {  	v24 =	vmax.f32 v24, $0.0e+00;
	v28 =	vadd.f32 v0, v43;
	v0 =	vadd.f32 v0, v51  }
0x1ff: {  	v1 =	vmax.f32 v1, $0.0e+00;
	(erf) = vrcp.f32 v10;
	v4 =	vmax.f32 v4, $0.0e+00  }
0x200: {  	v14 =	vmax.f32 v14, $0.0e+00;
	v25 =	vsub.f32 v25, v17;
	v9 =	vmax.f32 v9, $0.0e+00  }
0x201: {  	v3 =	vmax.f32 v3, $0.0e+00;
	v18 =	vmax.f32 v18, $0.0e+00;
	v4 =	vmul.f32 v9, v4  }
0x202: {  	v10 =	vsub.f32 v28, v27;
	v9 =	vmul.f32 v24, v20;
	(erf) = vrcp.f32 v25  }
0x203: {  	s29 =	simm.s32 $0x3230;
	v14 =	vmul.f32 v18, v14;
	(erf) = vrcp.f32 v13;
	v19 =	vsub.f32 v61, v4  }
0x204: {  	v53 =	vld [tilespmem:s29+$0x0];
	s30 =	simm.s32 $0x3C30;
	v1 =	vmul.f32 v3, v1;
	v16 =	vsub.f32 v62, v9;
	(erf) = vrcp.f32 v10  }
0x205: {  	vm8 =	vgt.f32 v5, v8;
	[tilespmem:$0x1FE10] =	vst v7;
	v7 =	vld [tilespmem:s30+$0x0];
	s28 =	simm.s32 $0xA30;
	v10 =	vsub.f32 v63, v14;
	(erf) = vrcp.f32 v19  }
0x206: {  	v5 =	vsel vm8, v5, v8;
	v3 =	vld [tilespmem:s28+$0x0];
	v0 =	vsub.f32 v0, v1;
	(erf) = vrcp.f32 v16  }
0x207: {  	v6 =	vsel vm3, v22, v6;
	[tilespmem:$0x1FE30] =	vst v5;
	v5 =	vsel vm4, v12, v48;
	s26 =	simm.s32 $0x30;
	(erf) = vrcp.f32 v10  }
0x208: {  	[tilespmem:$0x1FE20] =	vst v6;
	v6 =	vsel vm5, v12, v49;
	v13 =	vld [tilespmem:s26+$0x0];
	(erf) = vrcp.f32 v0;
	v0 =	vsel vm7, v2, v5  }
0x209: {  	v8 =	vsel vm6, v12, v50;
	[tilespmem:$0x1FE40] =	vst v0;
	v0 =	vsel vm3, v2, v6  }
0x20a: {  	[tilespmem:$0x1FE50] =	vst v0;
	v0 =	vsel vm8, v2, v8  }
0x20b: {  	v22 =	vmin.f32 v53, v34;
	v23 =	vmin.f32 v7, v35;
	v20 =	vmax.f32 v3, v37  }
0x20c: {  	v12 =	vmin.f32 v7, v29;
	v57 =	vmin.f32 v53, v46;
	v20 =	vsub.f32 v23, v20  }
0x20d: {  	v10 =	vmin.f32 v53, v21;
	v54 =	vmax.f32 v13, v36;
	v24 =	vmax.f32 v13, v39;
	[tilespmem:$0x1FE60] =	vst v0;
	v0 =	vpop (erf)  }
0x20e: {  	s24 =	simm.s32 $0x4630;
	v5 =	vmax.f32 v13, v31;
	v13 =	vmax.f32 v13, v44;
	v16 =	vsub.f32 v22, v54;
	v6 =	vpop (erf)  }
0x20f: {  	v63 =	vld [tilespmem:s24+$0xFFFFFFF0];
	v28 =	vmax.f32 v3, v40;
	v5 =	vsub.f32 v10, v5;
	v13 =	vsub.f32 v57, v13;
	v55 =	vpop (erf)  }
0x210: {  	v2 =	vimm.f32 $-1.000000000e+00;
	v8 =	vmax.f32 v3, v33;
	v15 =	vmul.f32 v55, v15  }
0x211: {  	v3 =	vmax.f32 v3, v45;
	v59 =	vsub.f32 v12, v8;
	v5 =	vmax.f32 v5, $0.0e+00;
	v56 =	vpop (erf)  }
0x212: {  	v0 =	vmul.f32 v0, v11;
	v17 =	vmul.f32 v6, v17;
	v11 =	vpop (erf);
	vm10 =	vgt.f32 v15, v2  }
0x213: {  	v19 =	vmul.f32 v56, v27;
	v6 =	vpop (erf);
	v4 =	vmul.f32 v11, v4;
	v15 =	vsel vm10, v15, v2  }
0x214: {  	v27 =	vadd.f32 v63, v38;
	v11 =	vpop (erf);
	v9 =	vmul.f32 v6, v9;
	vm9 =	vgt.f32 v0, v15  }
0x215: {  	v11 =	vmul.f32 v11, v14;
	v14 =	vpop (erf);
	vm5 =	vgt.f32 v4, v2;
	v6 =	vsel vm9, v0, v15;
	v0 =	vld [tilespmem:s26+$0xFFFFFFF0]  }
0x216: {  	vm4 =	vgt.f32 v9, v2;
	v1 =	vmul.f32 v14, v1;
	v4 =	vsel vm5, v4, v2;
	v14 =	vld [tilespmem:s28+$0xFFFFFFF0]  }
0x217: {  	v15 =	vld [tilespmem:s29+$0xFFFFFFF0];
	v9 =	vsel vm4, v9, v2;
	vm6 =	vgt.f32 v11, v2;
	vm7 =	vgt.f32 v17, v4  }
0x218: {  	vm8 =	vgt.f32 v19, v9;
	v2 =	vsel vm6, v11, v2;
	v11 =	vmin.f32 v7, v42  }
0x219: {  	v7 =	vmin.f32 v7, v47;
	v49 =	vsel vm8, v19, v9;
	v9 =	vmin.f32 v53, v41  }
0x21a: {  	v48 =	vsel vm7, v17, v4;
	v4 =	vld [tilespmem:s30+$0xFFFFFFF0];
	v3 =	vsub.f32 v7, v3;
	v9 =	vsub.f32 v9, v24  }
0x21b: {  	v24 =	vsub.f32 v11, v28;
	v58 =	vmax.f32 v0, v31;
	v10 =	vmax.f32 v14, v33  }
0x21c: {  	v8 =	vmin.f32 v15, v21;
	v22 =	vmax.f32 v0, v36;
	v23 =	vmax.f32 v14, v37  }
0x21d: {  	v26 =	vld [tilespmem:$0x1FF90];
	v11 =	vmin.f32 v15, v34;
	v18 =	vsub.f32 v8, v58;
	v8 =	vmax.f32 v0, v39  }
0x21e: {  	v7 =	vld [tilespmem:s24+$0x0];
	v52 =	vsub.f32 v11, v22;
	v11 =	vmin.f32 v15, v41;
	v0 =	vmax.f32 v0, v44  }
0x21f: {  	[tilespmem:$0x1FE70] =	vst v21;
	v21 =	vld [tilespmem:$0x1FFF0];
	v58 =	vmax.f32 v13, $0.0e+00;
	v12 =	vmin.f32 v4, v29;
	v62 =	vmin.f32 v4, v35  }
0x220: {  	v22 =	vmin.f32 v4, v42;
	v55 =	vsub.f32 v11, v8;
	v4 =	vmin.f32 v4, v47  }
0x221: {  	v10 =	vsub.f32 v12, v10;
	v12 =	vmax.f32 v14, v40;
	v17 =	vsub.f32 v62, v23  }
0x222: {  	v25 =	vld [tilespmem:$0x1FFA0];
	v23 =	vadd.f32 v63, v43;
	v60 =	vsub.f32 v22, v12;
	v12 =	vmin.f32 v15, v46  }
0x223: {  	v22 =	vadd.f32 v7, v43;
	v15 =	vmax.f32 v18, $0.0e+00;
	v61 =	vmax.f32 v55, $0.0e+00  }
0x224: {  	v11 =	vsel vm10, v26, v21;
	vm10 =	vgt.f32 v1, v2;
	v0 =	vsub.f32 v12, v0  }
0x225: {  	v12 =	vmax.f32 v14, v45;
	v14 =	vadd.f32 v63, v32;
	v10 =	vmax.f32 v10, $0.0e+00  }
0x226: {  	v8 =	vsel vm10, v1, v2;
	v1 =	vadd.f32 v7, v32;
	v2 =	vadd.f32 v7, v38  }
0x227: {  	v11 =	vsel vm9, v25, v11;
	v4 =	vsub.f32 v4, v12;
	v12 =	vadd.f32 v7, v51  }
0x228: {  	v7 =	vmax.f32 v59, $0.0e+00;
	v57 =	vmul.f32 v10, v15;
	v59 =	vmax.f32 v3, $0.0e+00  }
0x229: {  	v28 =	vmul.f32 v7, v5;
	v5 =	vmax.f32 v16, $0.0e+00;
	v7 =	vmax.f32 v20, $0.0e+00  }
0x22a: {  	v62 =	vmax.f32 v60, $0.0e+00;
	v60 =	vmax.f32 v0, $0.0e+00;
	v50 =	vmul.f32 v7, v5  }
0x22b: {  	v5 =	vmax.f32 v9, $0.0e+00;
	v7 =	vmax.f32 v24, $0.0e+00;
	v24 =	vadd.f32 v63, v51  }
0x22c: {  	v9 =	vmax.f32 v17, $0.0e+00;
	v56 =	vmul.f32 v7, v5;
	v7 =	vmax.f32 v52, $0.0e+00  }
0x22d: {  	v1 =	vsub.f32 v1, v28;
	v5 =	vsel vm5, v26, v21;
	v7 =	vmul.f32 v9, v7  }
0x22e: {  	v9 =	vsel vm4, v26, v21;
	v52 =	vsel vm7, v25, v5;
	v5 =	vmax.f32 v4, $0.0e+00  }
0x22f: {  	v63 =	vsub.f32 v2, v50;
	(erf) = vrcp.f32 v1;
	v1 =	vsel vm6, v26, v21  }
0x230: {  	[tilespmem:$0x1FE80] =	vst v29;
	s0 =	simm.s32 $0x4650;
	s31 =	smov.u32 s2;
	s1 =	simm.s32 $0x2;
	v2 =	vsub.f32 v14, v57;
	v53 =	vsel vm8, v25, v9;
	v54 =	vsel vm10, v25, v1  }
.LBB2_8:
0x231: {  	v0 =	vld [tilespmem:s0+$0x0];
	v1 =	vmul.f32 v62, v61  }
0x232: {  	v10 =	vmul.f32 v5, v60;
	v3 =	vsub.f32 v22, v56;
	(erf) = vrcp.f32 v63  }
0x233: {  	v4 =	vld [tilespmem:s0+$0xFFFFFFF0];
	v14 =	vmul.f32 v59, v58;
	v9 =	vsub.f32 v27, v7;
	(erf) = vrcp.f32 v2  }
0x234: {  	s26 =	sadd.s32 $0x20, s26;
	v29 =	vld [tilespmem:$0x1FE80];
	v2 =	vsub.f32 v23, v1;
	(erf) = vrcp.f32 v3  }
0x235: {  	s30 =	sadd.s32 $0x20, s30;
	v13 =	vld [tilespmem:s26+$0x0];
	v15 =	vsub.f32 v24, v10;
	v16 =	vsub.f32 v12, v14;
	(erf) = vrcp.f32 v9  }
0x236: {  	s28 =	sadd.s32 $0x20, s28;
	v17 =	vld [tilespmem:s30+$0x0];
	(erf) = vrcp.f32 v2;
	v5 =	vadd.f32 v0, v32;
	v2 =	vadd.f32 v0, v38  }
0x237: {  	v3 =	vld [tilespmem:s28+$0x0];
	v22 =	vadd.f32 v0, v43;
	v12 =	vadd.f32 v0, v51  }
0x238: {  	s29 =	sadd.s32 $0x20, s29;
	s31 =	sadd.s32 $0x20, s31;
	v60 =	vlaneseq.u32;
	v26 =	vld [tilespmem:$0x1FE70];
	v55 =	vadd.f32 v4, v32;
	v27 =	vadd.f32 v4, v38  }
0x239: {  	s5 =	sadd.s32 $0x10, s31;
	v9 =	vld [tilespmem:s29+$0x0];
	v0 =	vor.u32 s31, v60;
	v23 =	vadd.f32 v4, v43;
	(erf) = vrcp.f32 v15  }
0x23a: {  	v24 =	vadd.f32 v4, v51;
	v4 =	vor.u32 s5, v60;
	(erf) = vrcp.f32 v16  }
0x23b: {  	v58 =	vmin.f32 v17, v29;
	v59 =	vmax.f32 v13, v36;
	v63 =	vmin.f32 v17, v35  }
0x23c: {  	v21 =	vmax.f32 v13, v39;
	v16 =	vmax.f32 v13, v31;
	v15 =	vpop (erf);
	v18 =	vmax.f32 v3, v33  }
0x23d: {  	v60 =	vmax.f32 v3, v37;
	v25 =	vmax.f32 v3, v40;
	v3 =	vmax.f32 v3, v45;
	v20 =	vpop (erf)  }
0x23e: {  	v19 =	vmin.f32 v9, v26;
	v62 =	vmin.f32 v9, v34;
	v15 =	vmul.f32 v15, v28;
	v61 =	vpop (erf)  }
0x23f: {  	v18 =	vsub.f32 v58, v18;
	v16 =	vsub.f32 v19, v16;
	v57 =	vmul.f32 v61, v57;
	v61 =	vpop (erf)  }
0x240: {  	v58 =	vsub.f32 v62, v59;
	v59 =	vsub.f32 v63, v60;
	v20 =	vmul.f32 v20, v50;
	v28 =	vpop (erf)  }
0x241: {  	v63 =	vmax.f32 v18, $0.0e+00;
	v50 =	vmul.f32 v61, v56;
	vm3 =	vgt.f32 v57, v6;
	v61 =	vpop (erf)  }
0x242: {  	v7 =	vmul.f32 v28, v7;
	v6 =	vsel vm3, v57, v6;
	v11 =	vsel vm3, v0, v11;
	v28 =	vpop (erf)  }
0x243: {  	v1 =	vmul.f32 v61, v1;
	v10 =	vmul.f32 v28, v10;
	vm3 =	vgt.f32 v15, v6;
	v28 =	vpop (erf)  }
0x244: {  	v6 =	vsel vm3, v15, v6;
	v11 =	vsel vm3, v4, v11;
	v14 =	vmul.f32 v28, v14  }
0x245: {  	vm3 =	vgt.f32 v7, v48;
	vm4 =	vgt.f32 v1, v49;
	vm5 =	vgt.f32 v10, v8  }
0x246: {  	v7 =	vsel vm3, v7, v48;
	v1 =	vsel vm4, v1, v49;
	v8 =	vsel vm5, v10, v8  }
0x247: {  	v15 =	vld [tilespmem:s26+$0xFFFFFFF0];
	vm6 =	vgt.f32 v20, v7;
	vm7 =	vgt.f32 v50, v1;
	vm8 =	vgt.f32 v14, v8  }
0x248: {  	v28 =	vld [tilespmem:s29+$0xFFFFFFF0];
	v48 =	vsel vm6, v20, v7;
	v49 =	vsel vm7, v50, v1;
	v7 =	vsel vm3, v0, v52  }
0x249: {  	v8 =	vsel vm8, v14, v8;
	v14 =	vsel vm4, v0, v53;
	v0 =	vsel vm5, v0, v54  }
0x24a: {  	v52 =	vsel vm6, v4, v7;
	v7 =	vmax.f32 v13, v44;
	v13 =	vmin.f32 v17, v47  }
0x24b: {  	v10 =	vld [tilespmem:s28+$0xFFFFFFF0];
	v53 =	vsel vm7, v4, v14;
	v54 =	vsel vm8, v4, v0;
	v0 =	vmin.f32 v9, v41  }
0x24c: {  	v4 =	vmin.f32 v17, v42;
	v9 =	vmin.f32 v9, v46;
	v14 =	vmax.f32 v15, v31  }
0x24d: {  	v1 =	vld [tilespmem:s30+$0xFFFFFFF0];
	v20 =	vmin.f32 v28, v26;
	v56 =	vmax.f32 v15, v36;
	v3 =	vsub.f32 v13, v3  }
0x24e: {  	v61 =	vmin.f32 v28, v34;
	v0 =	vsub.f32 v0, v21;
	v4 =	vsub.f32 v4, v25  }
0x24f: {  	v19 =	vmin.f32 v28, v41;
	v7 =	vsub.f32 v9, v7;
	v9 =	vsub.f32 v20, v14  }
0x250: {  	v14 =	vsub.f32 v61, v56;
	v20 =	vmin.f32 v28, v46;
	v17 =	vmax.f32 v10, v33  }
0x251: {  	v57 =	vmax.f32 v10, v37;
	v30 =	vmax.f32 v10, v40;
	v10 =	vmax.f32 v10, v45  }
0x252: {  	v50 =	vmin.f32 v1, v29;
	v26 =	vmin.f32 v1, v35;
	v29 =	vmax.f32 v15, v39  }
0x253: {  	v60 =	vmin.f32 v1, v42;
	v15 =	vmax.f32 v15, v44;
	v1 =	vmin.f32 v1, v47  }
0x254: {  	v0 =	vmax.f32 v0, $0.0e+00;
	v13 =	vsub.f32 v50, v17;
	v62 =	vsub.f32 v26, v57  }
0x255: {  	v4 =	vmax.f32 v4, $0.0e+00;
	v19 =	vsub.f32 v19, v29;
	v21 =	vsub.f32 v60, v30  }
0x256: {  	v15 =	vsub.f32 v20, v15;
	v1 =	vsub.f32 v1, v10;
	v10 =	vmax.f32 v16, $0.0e+00  }
0x257: {  	s1 =	sadd.s32 $0x2, s1;
	v50 =	vmax.f32 v58, $0.0e+00;
	v20 =	vmax.f32 v59, $0.0e+00;
	v58 =	vmax.f32 v7, $0.0e+00  }
0x258: {  	p1 =	slt.u32 s1, $0x9E;
	v7 =	vmax.f32 v9, $0.0e+00;
	v59 =	vmax.f32 v3, $0.0e+00;
	v56 =	vmul.f32 v4, v0  }
.Ltmp5:
0x259: {  	v3 =	vmax.f32 v14, $0.0e+00;
	v28 =	vmul.f32 v63, v10;
	v50 =	vmul.f32 v20, v50;
	(pc) =	sbr.rel @p1 .LBB2_8-.Ltmp5, $4  }
0x25a: {  	v9 =	vmax.f32 v13, $0.0e+00;
	v13 =	vmax.f32 v62, $0.0e+00;
	v61 =	vmax.f32 v19, $0.0e+00  }
0x25b: {  	v62 =	vmax.f32 v21, $0.0e+00;
	v57 =	vmul.f32 v9, v7;
	v9 =	vsub.f32 v5, v28  }
0x25c: {  	v60 =	vmax.f32 v15, $0.0e+00;
	v5 =	vmax.f32 v1, $0.0e+00;
	v63 =	vsub.f32 v2, v50  }
0x25d: {  	s0 =	sadd.s32 $0x20, s0;
	v7 =	vmul.f32 v13, v3;
	v2 =	vsub.f32 v55, v57;
	(erf) = vrcp.f32 v9  }
0x25e: {  	v14 =	vld [tilespmem:$0x1FF50]  }
0x25f: {  	v15 =	vld [tilespmem:$0x1FF60]  }
0x260: {  	v10 =	vld [tilespmem:$0x1FF30];
	_ =	sdelay $0x1  }
0x261: {  	v9 =	vld [tilespmem:$0x1FF40]  }
0x262: {  	(v2sf) =	vpush v14, $0xC  }
0x263: {  	(v2sf) =	vpush v15, $0xC  }
0x264: {  	(v2sf) =	vpush v10, $0xC;
	_ =	sdelay $0x1  }
0x265: {  	v0 =	vmul.f32 v62, v61;
	(erf) = vrcp.f32 v63;
	(v2sf) =	vpush v9, $0xC  }
0x266: {  	v1 =	vsub.f32 v22, v56;
	v3 =	vmul.f32 v5, v60;
	(v2sf) =	vpush v14, $0xD  }
0x267: {  	(erf) = vrcp.f32 v2;
	v2 =	vsub.f32 v27, v7;
	(v2sf) =	vpush v15, $0xD  }
0x268: {  	v4 =	vsub.f32 v23, v0;
	(erf) = vrcp.f32 v1;
	(v2sf) =	vpush v10, $0xD  }
0x269: {  	v1 =	vsub.f32 v24, v3;
	(erf) = vrcp.f32 v2;
	(v2sf) =	vpush v9, $0xD  }
0x26a: {  	v5 =	vmul.f32 v59, v58;
	(erf) = vrcp.f32 v4;
	(v2sf) =	vpush v14, $0xE  }
0x26b: {  	(erf) = vrcp.f32 v1;
	(v2sf) =	vpush v15, $0xE  }
0x26c: {  	v2 =	vsub.f32 v12, v5;
	(v2sf) =	vpush v10, $0xE  }
0x26d: {  	v35 =	vbroadcast v14, $0xC;
	(v2sf) =	vpush v9, $0xE  }
0x26e: {  	v37 =	vbroadcast v15, $0xC;
	(erf) = vrcp.f32 v2;
	v1 =	vpop (erf)  }
0x26f: {  	v40 =	vbroadcast v14, $0xD;
	v41 =	vbroadcast v15, $0xD;
	v4 =	vpop (erf);
	(v2sf) =	vpush v14, $0xF  }
0x270: {  	v43 =	vbroadcast v14, $0xE;
	v44 =	vbroadcast v15, $0xE;
	v2 =	vpop (erf);
	s0 =	spop (v2sf);
	(v2sf) =	vpush v15, $0xF  }
0x271: {  	s22 =	sadd.s32 $0x20, s31;
	v1 =	vmul.f32 v1, v28;
	v22 =	vmul.f32 v4, v50;
	s1 =	spop (v2sf);
	(v2sf) =	vpush v10, $0xF;
	v10 =	vpop (erf)  }
0x272: {  	s24 =	sadd.s32 $0x10, s22;
	s5 =	spop (v2sf);
	(v2sf) =	vpush v9, $0xF;
	v9 =	vmul.f32 v2, v57;
	v2 =	vlaneseq.u32;
	v13 =	vpop (erf)  }
0x273: {  	v20 =	vmul.f32 v10, v56;
	v12 =	vor.u32 s22, v2;
	v2 =	vor.u32 s24, v2;
	v4 =	vpop (erf)  }
0x274: {  	s12 =	spop (v2sf);
	v7 =	vmul.f32 v13, v7;
	s29 =	sadd.f32 s5, s0;
	vm3 =	vgt.f32 v9, v6;
	v10 =	vpop (erf);
	v0 =	vmul.f32 v4, v0  }
0x275: {  	s20 =	spop (v2sf);
	s5 =	smul.f32 s12, s5;
	v6 =	vsel vm3, v9, v6;
	v9 =	vsel vm3, v12, v11;
	v3 =	vmul.f32 v10, v3  }
0x276: {  	s0 =	simm.s32 $0x4610;
	s21 =	spop (v2sf);
	vm4 =	vgt.f32 v7, v48;
	vm3 =	vgt.f32 v1, v6;
	vm5 =	vgt.f32 v0, v49  }
0x277: {  	s1 =	sadd.f32 s12, s1;
	v4 =	vpop (erf);
	s23 =	spop (v2sf);
	v36 =	vmov s5;
	s5 =	simm.s32 $0x3210;
	v1 =	vsel vm3, v1, v6;
	v6 =	vsel vm5, v0, v49;
	v0 =	vld [tilespmem:s0+$0x0]  }
0x278: {  	v19 =	vmov s29;
	s29 =	simm.s32 $0xA10;
	v5 =	vmul.f32 v4, v5;
	s26 =	spop (v2sf);
	s20 =	sadd.f32 s23, s20;
	vm6 =	vgt.f32 v3, v8;
	v4 =	vld [tilespmem:s5+$0x0]  }
0x279: {  	v7 =	vsel vm4, v7, v48;
	v31 =	vmov s1;
	s22 =	spop (v2sf);
	s6 =	sadd.f32 s26, s21;
	v8 =	vsel vm6, v3, v8;
	v3 =	vld [tilespmem:s29+$0x0]  }
0x27a: {  	v48 =	vbroadcast v14, $0xF;
	vm7 =	vgt.f32 v22, v7;
	[tilespmem:$0x1FD50] =	vst v1;
	v1 =	vsel vm3, v2, v9;
	s21 =	smul.f32 s26, s23;
	s23 =	simm.s32 $0x10;
	s24 =	spop (v2sf)  }
0x27b: {  	v49 =	vbroadcast v15, $0xF;
	vm3 =	vgt.f32 v20, v6;
	v7 =	vsel vm7, v22, v7;
	[tilespmem:$0x1FD60] =	vst v1;
	v1 =	vld [tilespmem:s23+$0x0];
	s28 =	spop (v2sf)  }
0x27c: {  	v38 =	vmov s20;
	s20 =	simm.s32 $0x3C10;
	v39 =	vmov s6;
	v42 =	vmov s21;
	s30 =	spop (v2sf);
	s22 =	sadd.f32 s28, s22  }
0x27d: {  	v9 =	vld [tilespmem:s20+$0x0];
	s24 =	sadd.f32 s30, s24;
	v10 =	vadd.f32 v0, v36;
	v15 =	vmin.f32 v4, v19;
	v23 =	vmin.f32 v4, v38  }
0x27e: {  	v14 =	vld [tilespmem:s23+$0xFFFFFFF0];
	s28 =	smul.f32 s30, s28;
	v45 =	vmov s22;
	v13 =	vmax.f32 v3, v37;
	v21 =	vmax.f32 v3, v41  }
0x27f: {  	v25 =	vld [tilespmem:s5+$0xFFFFFFF0];
	v27 =	vmax.f32 v3, v44;
	v3 =	vmax.f32 v3, v49;
	v46 =	vmov s24  }
0x280: {  	v18 =	vld [tilespmem:s29+$0xFFFFFFF0];
	v47 =	vmov s28;
	v11 =	vmax.f32 v1, v35;
	v17 =	vmax.f32 v1, v40  }
0x281: {  	v28 =	vld [tilespmem:s20+$0xFFFFFFF0];
	v26 =	vmax.f32 v1, v43;
	v29 =	vmin.f32 v4, v45;
	v1 =	vmax.f32 v1, v48  }
0x282: {  	v16 =	vmin.f32 v9, v31;
	v24 =	vmin.f32 v9, v39;
	v30 =	vmin.f32 v9, v46  }
0x283: {  	v11 =	vsub.f32 v15, v11;
	v15 =	vmax.f32 v14, v35;
	v17 =	vsub.f32 v23, v17  }
0x284: {  	v23 =	vmin.f32 v25, v19;
	v26 =	vsub.f32 v29, v26;
	v29 =	vmax.f32 v14, v40  }
0x285: {  	v13 =	vsub.f32 v16, v13;
	v16 =	vmax.f32 v18, v37;
	v21 =	vsub.f32 v24, v21  }
0x286: {  	s7 =	spop (v2sf);
	v24 =	vmin.f32 v28, v31;
	v27 =	vsub.f32 v30, v27;
	v30 =	vmax.f32 v18, v41  }
0x287: {  	s31 =	spop (v2sf);
	v15 =	vsub.f32 v23, v15;
	v23 =	vmax.f32 v14, v43;
	v14 =	vmax.f32 v14, v48  }
0x288: {  	s1 =	spop (v2sf);
	v16 =	vsub.f32 v24, v16;
	v24 =	vmax.f32 v18, v44;
	v18 =	vmax.f32 v18, v49  }
0x289: {  	s26 =	sadd.f32 s1, s7;
	v11 =	vmax.f32 v11, $0.0e+00;
	v17 =	vmax.f32 v17, $0.0e+00;
	v26 =	vmax.f32 v26, $0.0e+00  }
0x28a: {  	s6 =	spop (v2sf);
	v13 =	vmax.f32 v13, $0.0e+00;
	v21 =	vmax.f32 v21, $0.0e+00;
	v15 =	vmax.f32 v15, $0.0e+00  }
0x28b: {  	s7 =	sadd.f32 s6, s31;
	s1 =	smul.f32 s6, s1;
	v27 =	vmax.f32 v27, $0.0e+00;
	v50 =	vmov s26;
	v11 =	vmul.f32 v13, v11  }
0x28c: {  	v21 =	vmul.f32 v21, v17;
	v16 =	vmax.f32 v16, $0.0e+00;
	v26 =	vmul.f32 v27, v26  }
0x28d: {  	v51 =	vmov s7;
	v4 =	vmin.f32 v4, v50;
	v55 =	vmov s1  }
0x28e: {  	v15 =	vmul.f32 v16, v15;
	v9 =	vmin.f32 v9, v51;
	v1 =	vsub.f32 v4, v1  }
0x28f: {  	v4 =	vmin.f32 v25, v38;
	v10 =	vsub.f32 v10, v11;
	v3 =	vsub.f32 v9, v3  }
0x290: {  	v9 =	vmin.f32 v28, v39;
	v4 =	vsub.f32 v4, v29;
	v29 =	vmin.f32 v25, v45  }
0x291: {  	v25 =	vmin.f32 v25, v50;
	v9 =	vsub.f32 v9, v30;
	v30 =	vmin.f32 v28, v46  }
0x292: {  	v23 =	vsub.f32 v29, v23;
	v29 =	vld [tilespmem:s0+$0xFFFFFFF0];
	v28 =	vmin.f32 v28, v51;
	v14 =	vsub.f32 v25, v14  }
0x293: {  	v25 =	vadd.f32 v0, v42;
	v1 =	vmax.f32 v1, $0.0e+00;
	v24 =	vsub.f32 v30, v24  }
0x294: {  	(erf) = vrcp.f32 v10;
	v18 =	vsub.f32 v28, v18;
	v28 =	vadd.f32 v0, v47  }
0x295: {  	v0 =	vadd.f32 v0, v55;
	v4 =	vmax.f32 v4, $0.0e+00;
	v3 =	vmax.f32 v3, $0.0e+00  }
0x296: {  	v9 =	vmax.f32 v9, $0.0e+00;
	v23 =	vmax.f32 v23, $0.0e+00;
	v14 =	vmax.f32 v14, $0.0e+00  }
0x297: {  	v25 =	vsub.f32 v25, v21;
	v24 =	vmax.f32 v24, $0.0e+00;
	v13 =	vadd.f32 v29, v36  }
0x298: {  	v18 =	vmax.f32 v18, $0.0e+00;
	v4 =	vmul.f32 v9, v4;
	v10 =	vsub.f32 v28, v26  }
0x299: {  	v9 =	vmul.f32 v24, v23;
	v17 =	vadd.f32 v29, v42;
	v13 =	vsub.f32 v13, v15  }
0x29a: {  	(erf) = vrcp.f32 v25;
	v14 =	vmul.f32 v18, v14;
	v16 =	vadd.f32 v29, v47  }
0x29b: {  	v29 =	vadd.f32 v29, v55;
	v17 =	vsub.f32 v17, v4;
	(erf) = vrcp.f32 v13  }
0x29c: {  	v1 =	vmul.f32 v3, v1;
	v16 =	vsub.f32 v16, v9;
	(erf) = vrcp.f32 v10  }
0x29d: {  	vm8 =	vgt.f32 v5, v8;
	s30 =	simm.s32 $0x3C30;
	v10 =	vsub.f32 v29, v14;
	(erf) = vrcp.f32 v17  }
0x29e: {  	[tilespmem:$0x1FD70] =	vst v7;
	v5 =	vsel vm8, v5, v8;
	v7 =	vld [tilespmem:s30+$0x0];
	s28 =	simm.s32 $0xA30;
	v0 =	vsub.f32 v0, v1;
	(erf) = vrcp.f32 v16  }
0x29f: {  	s29 =	simm.s32 $0x3230;
	v6 =	vsel vm3, v20, v6;
	[tilespmem:$0x1FD90] =	vst v5;
	v5 =	vsel vm4, v12, v52;
	v3 =	vld [tilespmem:s28+$0x0];
	(erf) = vrcp.f32 v10  }
0x2a0: {  	[tilespmem:$0x1FD80] =	vst v6;
	v6 =	vsel vm5, v12, v53;
	s26 =	simm.s32 $0x30;
	v18 =	vld [tilespmem:s29+$0x0];
	(erf) = vrcp.f32 v0;
	v0 =	vsel vm7, v2, v5  }
0x2a1: {  	v8 =	vsel vm6, v12, v54;
	v13 =	vld [tilespmem:s26+$0x0];
	[tilespmem:$0x1FDA0] =	vst v0;
	v0 =	vsel vm3, v2, v6  }
0x2a2: {  	[tilespmem:$0x1FDB0] =	vst v0;
	v0 =	vsel vm8, v2, v8  }
0x2a3: {  	v12 =	vmin.f32 v7, v31  }
0x2a4: {  	v24 =	vmin.f32 v7, v39;
	v22 =	vmax.f32 v3, v41;
	v27 =	vmax.f32 v3, v44  }
0x2a5: {  	v22 =	vsub.f32 v24, v22;
	v23 =	vmin.f32 v18, v38;
	v10 =	vmin.f32 v18, v19;
	[tilespmem:$0x1FDC0] =	vst v0;
	v0 =	vpop (erf)  }
0x2a6: {  	v5 =	vmax.f32 v13, v35;
	v16 =	vmax.f32 v13, v40;
	v25 =	vmax.f32 v13, v43;
	v6 =	vpop (erf)  }
0x2a7: {  	v13 =	vmax.f32 v13, v48;
	v5 =	vsub.f32 v10, v5;
	v16 =	vsub.f32 v23, v16;
	v20 =	vpop (erf)  }
0x2a8: {  	v2 =	vimm.f32 $-1.000000000e+00;
	v8 =	vmax.f32 v3, v37;
	v15 =	vmul.f32 v20, v15;
	v20 =	vpop (erf)  }
0x2a9: {  	v3 =	vmax.f32 v3, v49;
	v5 =	vmax.f32 v5, $0.0e+00;
	v0 =	vmul.f32 v0, v11;
	v11 =	vpop (erf)  }
0x2aa: {  	v6 =	vmul.f32 v6, v21;
	v20 =	vmul.f32 v20, v26;
	vm10 =	vgt.f32 v15, v2;
	v21 =	vpop (erf)  }
0x2ab: {  	v4 =	vmul.f32 v11, v4;
	v15 =	vsel vm10, v15, v2;
	v11 =	vpop (erf);
	v9 =	vmul.f32 v21, v9  }
0x2ac: {  	v21 =	vsub.f32 v12, v8;
	v11 =	vmul.f32 v11, v14;
	vm9 =	vgt.f32 v0, v15  }
0x2ad: {  	v14 =	vpop (erf);
	vm5 =	vgt.f32 v4, v2;
	v53 =	vsel vm9, v0, v15;
	vm4 =	vgt.f32 v9, v2;
	v0 =	vld [tilespmem:s26+$0xFFFFFFF0]  }
0x2ae: {  	v1 =	vmul.f32 v14, v1;
	v4 =	vsel vm5, v4, v2;
	v14 =	vld [tilespmem:s28+$0xFFFFFFF0];
	v9 =	vsel vm4, v9, v2  }
0x2af: {  	v15 =	vld [tilespmem:s29+$0xFFFFFFF0];
	vm6 =	vgt.f32 v11, v2;
	vm7 =	vgt.f32 v6, v4;
	vm8 =	vgt.f32 v20, v9  }
0x2b0: {  	v2 =	vsel vm6, v11, v2;
	v6 =	vsel vm7, v6, v4;
	v11 =	vmin.f32 v7, v46  }
0x2b1: {  	v7 =	vmin.f32 v7, v51;
	v52 =	vsel vm8, v20, v9;
	v9 =	vmin.f32 v18, v45  }
0x2b2: {  	v29 =	vld [tilespmem:$0x1FF90];
	v18 =	vmin.f32 v18, v50;
	v3 =	vsub.f32 v7, v3;
	v9 =	vsub.f32 v9, v25  }
0x2b3: {  	v4 =	vld [tilespmem:s30+$0xFFFFFFF0];
	v25 =	vsub.f32 v11, v27;
	v13 =	vsub.f32 v18, v13;
	v20 =	vmax.f32 v0, v35  }
0x2b4: {  	v17 =	vld [tilespmem:$0x1FFF0];
	v10 =	vmax.f32 v14, v37;
	v8 =	vmin.f32 v15, v19;
	v23 =	vmax.f32 v0, v40  }
0x2b5: {  	s24 =	simm.s32 $0x4630;
	v24 =	vmax.f32 v14, v41;
	v11 =	vmin.f32 v15, v38;
	v57 =	vmax.f32 v3, $0.0e+00  }
0x2b6: {  	v7 =	vld [tilespmem:s24+$0x0];
	v26 =	vsub.f32 v8, v20;
	v8 =	vmax.f32 v0, v43;
	v28 =	vsub.f32 v11, v23  }
0x2b7: {  	v11 =	vmin.f32 v15, v45;
	v0 =	vmax.f32 v0, v48;
	v54 =	vmax.f32 v13, $0.0e+00  }
0x2b8: {  	v12 =	vmin.f32 v4, v31;
	v18 =	vmin.f32 v4, v39;
	v60 =	vsub.f32 v11, v8  }
0x2b9: {  	[tilespmem:$0x1FDD0] =	vst v19;
	v19 =	vld [tilespmem:$0x1FFA0];
	v11 =	vsel vm10, v29, v17;
	vm10 =	vgt.f32 v1, v2;
	v10 =	vsub.f32 v12, v10  }
0x2ba: {  	v12 =	vmax.f32 v14, v44;
	v59 =	vsub.f32 v18, v24;
	v18 =	vmin.f32 v4, v46  }
0x2bb: {  	v8 =	vsel vm10, v1, v2;
	v1 =	vadd.f32 v7, v36;
	v2 =	vadd.f32 v7, v42  }
0x2bc: {  	[tilespmem:$0x1FDE0] =	vst v31;
	v31 =	vld [tilespmem:s24+$0xFFFFFFF0];
	v4 =	vmin.f32 v4, v51;
	v20 =	vadd.f32 v7, v47;
	v62 =	vsub.f32 v18, v12  }
0x2bd: {  	v12 =	vmin.f32 v15, v50;
	v15 =	vmax.f32 v26, $0.0e+00;
	v61 =	vmax.f32 v60, $0.0e+00  }
0x2be: {  	v0 =	vsub.f32 v12, v0;
	v12 =	vmax.f32 v14, v49;
	v11 =	vsel vm9, v19, v11  }
0x2bf: {  	v10 =	vmax.f32 v10, $0.0e+00;
	v4 =	vsub.f32 v4, v12;
	v12 =	vadd.f32 v7, v55  }
0x2c0: {  	v7 =	vmax.f32 v21, $0.0e+00;
	v32 =	vmul.f32 v10, v15;
	v62 =	vmax.f32 v62, $0.0e+00  }
0x2c1: {  	v24 =	vmul.f32 v7, v5;
	v14 =	vadd.f32 v31, v36;
	v5 =	vmax.f32 v16, $0.0e+00  }
0x2c2: {  	v7 =	vmax.f32 v22, $0.0e+00;
	v18 =	vadd.f32 v31, v42;
	v23 =	vadd.f32 v31, v47  }
0x2c3: {  	v22 =	vadd.f32 v31, v55;
	v60 =	vmax.f32 v0, $0.0e+00;
	v27 =	vmul.f32 v7, v5  }
0x2c4: {  	v5 =	vmax.f32 v9, $0.0e+00;
	v7 =	vmax.f32 v25, $0.0e+00;
	v9 =	vmax.f32 v59, $0.0e+00  }
0x2c5: {  	v1 =	vsub.f32 v1, v24;
	v31 =	vmul.f32 v7, v5;
	v7 =	vmax.f32 v28, $0.0e+00  }
0x2c6: {  	v5 =	vsel vm5, v29, v17;
	v7 =	vmul.f32 v9, v7;
	v9 =	vsel vm4, v29, v17  }
0x2c7: {  	v59 =	vsel vm7, v19, v5;
	v5 =	vmax.f32 v4, $0.0e+00;
	v63 =	vsub.f32 v2, v27  }
0x2c8: {  	v2 =	vsub.f32 v14, v32;
	(erf) = vrcp.f32 v1;
	v1 =	vsel vm6, v29, v17  }
0x2c9: {  	s31 =	smov.u32 s2;
	s1 =	simm.s32 $0x2;
	s0 =	simm.s32 $0x4650;
	v56 =	vsel vm8, v19, v9;
	v17 =	vlaneseq.u32;
	v58 =	vsel vm10, v19, v1  }
.LBB2_10:
0x2ca: {  	v0 =	vld [tilespmem:s0+$0x0];
	v1 =	vmul.f32 v62, v61  }
0x2cb: {  	v4 =	vld [tilespmem:s0+$0xFFFFFFF0];
	v10 =	vmul.f32 v5, v60;
	v3 =	vsub.f32 v20, v31;
	(erf) = vrcp.f32 v63  }
0x2cc: {  	v14 =	vmul.f32 v57, v54;
	v30 =	vld [tilespmem:$0x1FDD0];
	v9 =	vsub.f32 v18, v7;
	(erf) = vrcp.f32 v2  }
0x2cd: {  	s30 =	sadd.s32 $0x20, s30;
	v33 =	vld [tilespmem:$0x1FDE0];
	v2 =	vsub.f32 v23, v1;
	(erf) = vrcp.f32 v3  }
0x2ce: {  	s26 =	sadd.s32 $0x20, s26;
	v21 =	vld [tilespmem:s30+$0x0];
	v15 =	vsub.f32 v22, v10;
	v16 =	vsub.f32 v12, v14;
	(erf) = vrcp.f32 v9  }
0x2cf: {  	s28 =	sadd.s32 $0x20, s28;
	v13 =	vld [tilespmem:s26+$0x0];
	(erf) = vrcp.f32 v2;
	v5 =	vadd.f32 v0, v36;
	v2 =	vadd.f32 v0, v42  }
0x2d0: {  	s29 =	sadd.s32 $0x20, s29;
	s31 =	sadd.s32 $0x20, s31;
	v3 =	vld [tilespmem:s28+$0x0];
	v20 =	vadd.f32 v0, v47;
	v12 =	vadd.f32 v0, v55  }
0x2d1: {  	v9 =	vld [tilespmem:s29+$0x0];
	v28 =	vadd.f32 v4, v36;
	v18 =	vadd.f32 v4, v42;
	v0 =	vor.u32 s31, v17  }
0x2d2: {  	s5 =	sadd.s32 $0x10, s31;
	v23 =	vadd.f32 v4, v47;
	v22 =	vadd.f32 v4, v55;
	(erf) = vrcp.f32 v15  }
0x2d3: {  	v4 =	vor.u32 s5, v17;
	v57 =	vmin.f32 v21, v33;
	(erf) = vrcp.f32 v16  }
0x2d4: {  	v60 =	vmax.f32 v13, v40;
	v19 =	vmin.f32 v21, v39;
	v17 =	vmax.f32 v13, v43;
	v15 =	vpop (erf)  }
0x2d5: {  	v16 =	vmax.f32 v13, v35;
	v25 =	vmax.f32 v3, v37;
	v61 =	vmax.f32 v3, v41;
	v54 =	vpop (erf)  }
0x2d6: {  	v29 =	vmax.f32 v3, v44;
	v3 =	vmax.f32 v3, v49;
	v26 =	vmin.f32 v9, v30;
	v34 =	vpop (erf)  }
0x2d7: {  	v63 =	vmin.f32 v9, v38;
	v25 =	vsub.f32 v57, v25;
	v32 =	vmul.f32 v34, v32  }
0x2d8: {  	v15 =	vmul.f32 v15, v24;
	v19 =	vsub.f32 v19, v61;
	v16 =	vsub.f32 v26, v16;
	v34 =	vpop (erf)  }
0x2d9: {  	v57 =	vsub.f32 v63, v60;
	v27 =	vmul.f32 v54, v27;
	v24 =	vpop (erf);
	vm3 =	vgt.f32 v32, v53  }
0x2da: {  	v19 =	vmax.f32 v19, $0.0e+00;
	v31 =	vmul.f32 v34, v31;
	v62 =	vpop (erf);
	v32 =	vsel vm3, v32, v53  }
0x2db: {  	v7 =	vmul.f32 v24, v7;
	v11 =	vsel vm3, v0, v11;
	v24 =	vpop (erf);
	vm3 =	vgt.f32 v15, v32  }
0x2dc: {  	v1 =	vmul.f32 v62, v1;
	v10 =	vmul.f32 v24, v10;
	v24 =	vpop (erf);
	v53 =	vsel vm3, v15, v32  }
0x2dd: {  	v11 =	vsel vm3, v4, v11;
	v14 =	vmul.f32 v24, v14;
	vm3 =	vgt.f32 v7, v6  }
0x2de: {  	vm4 =	vgt.f32 v1, v52;
	vm5 =	vgt.f32 v10, v8;
	v6 =	vsel vm3, v7, v6  }
0x2df: {  	v15 =	vld [tilespmem:s26+$0xFFFFFFF0];
	v1 =	vsel vm4, v1, v52;
	v7 =	vsel vm5, v10, v8;
	vm6 =	vgt.f32 v27, v6  }
0x2e0: {  	v24 =	vld [tilespmem:s29+$0xFFFFFFF0];
	vm7 =	vgt.f32 v31, v1;
	vm8 =	vgt.f32 v14, v7;
	v6 =	vsel vm6, v27, v6  }
0x2e1: {  	v52 =	vsel vm7, v31, v1;
	v8 =	vsel vm8, v14, v7;
	v7 =	vsel vm3, v0, v59  }
0x2e2: {  	v14 =	vsel vm4, v0, v56;
	v0 =	vsel vm5, v0, v58;
	v59 =	vsel vm6, v4, v7  }
0x2e3: {  	v56 =	vsel vm7, v4, v14;
	v58 =	vsel vm8, v4, v0;
	v0 =	vmin.f32 v9, v45  }
0x2e4: {  	v10 =	vld [tilespmem:s28+$0xFFFFFFF0];
	v4 =	vmin.f32 v21, v46;
	v7 =	vmax.f32 v13, v48;
	v9 =	vmin.f32 v9, v50  }
0x2e5: {  	v1 =	vld [tilespmem:s30+$0xFFFFFFF0];
	v13 =	vmin.f32 v21, v51;
	v14 =	vmax.f32 v15, v35;
	v27 =	vmin.f32 v24, v30  }
0x2e6: {  	v32 =	vmax.f32 v15, v40;
	v0 =	vsub.f32 v0, v17;
	v4 =	vsub.f32 v4, v29  }
0x2e7: {  	v62 =	vmin.f32 v24, v38;
	v7 =	vsub.f32 v9, v7;
	v3 =	vsub.f32 v13, v3  }
0x2e8: {  	v26 =	vmin.f32 v24, v45;
	v9 =	vsub.f32 v27, v14;
	v14 =	vsub.f32 v62, v32  }
0x2e9: {  	v21 =	vmax.f32 v10, v37;
	v54 =	vmax.f32 v10, v41;
	v34 =	vmax.f32 v10, v44  }
0x2ea: {  	v10 =	vmax.f32 v10, v49;
	v31 =	vmin.f32 v1, v33;
	v30 =	vmin.f32 v1, v39  }
0x2eb: {  	v33 =	vmax.f32 v15, v43;
	v60 =	vmin.f32 v1, v46;
	v15 =	vmax.f32 v15, v48  }
0x2ec: {  	v1 =	vmin.f32 v1, v51;
	v0 =	vmax.f32 v0, $0.0e+00;
	v13 =	vsub.f32 v31, v21  }
0x2ed: {  	v4 =	vmax.f32 v4, $0.0e+00;
	v17 =	vsub.f32 v30, v54;
	v26 =	vsub.f32 v26, v33  }
0x2ee: {  	v21 =	vmin.f32 v24, v50;
	v27 =	vsub.f32 v60, v34;
	v1 =	vsub.f32 v1, v10  }
0x2ef: {  	v10 =	vmax.f32 v16, $0.0e+00;
	v16 =	vmax.f32 v25, $0.0e+00;
	v54 =	vmax.f32 v7, $0.0e+00  }
0x2f0: {  	s1 =	sadd.s32 $0x2, s1;
	v7 =	vmax.f32 v9, $0.0e+00;
	v31 =	vmul.f32 v4, v0;
	v15 =	vsub.f32 v21, v15  }
0x2f1: {  	p1 =	slt.u32 s1, $0x9E;
	v21 =	vmax.f32 v57, $0.0e+00;
	v57 =	vmax.f32 v3, $0.0e+00;
	v3 =	vmax.f32 v14, $0.0e+00  }
.Ltmp6:
0x2f2: {  	v24 =	vmul.f32 v16, v10;
	v9 =	vmax.f32 v13, $0.0e+00;
	v13 =	vmax.f32 v17, $0.0e+00;
	(pc) =	sbr.rel @p1 .LBB2_10-.Ltmp6, $4  }
0x2f3: {  	v61 =	vmax.f32 v26, $0.0e+00;
	v62 =	vmax.f32 v27, $0.0e+00;
	v27 =	vmul.f32 v19, v21  }
0x2f4: {  	v17 =	vlaneseq.u32;
	v32 =	vmul.f32 v9, v7;
	v9 =	vsub.f32 v5, v24  }
0x2f5: {  	v60 =	vmax.f32 v15, $0.0e+00;
	v5 =	vmax.f32 v1, $0.0e+00;
	v7 =	vmul.f32 v13, v3  }
0x2f6: {  	s0 =	sadd.s32 $0x20, s0;
	v63 =	vsub.f32 v2, v27;
	v2 =	vsub.f32 v28, v32;
	(erf) = vrcp.f32 v9  }
0x2f7: {  	v14 =	vld [tilespmem:$0x1FFB0]  }
0x2f8: {  	v15 =	vld [tilespmem:$0x1FFC0]  }
0x2f9: {  	v9 =	vld [tilespmem:$0x1FFD0]  }
0x2fa: {  	v10 =	vld [tilespmem:$0x1FFE0];
	_ =	sdelay $0x1  }
0x2fb: {  	(v2sf) =	vpush v14, $0x0  }
0x2fc: {  	(v2sf) =	vpush v15, $0x0  }
0x2fd: {  	(v2sf) =	vpush v9, $0x0  }
0x2fe: {  	(v2sf) =	vpush v10, $0x0  }
0x2ff: {  	v0 =	vmul.f32 v62, v61;
	(v2sf) =	vpush v14, $0x1  }
0x300: {  	v1 =	vsub.f32 v20, v31;
	(erf) = vrcp.f32 v63;
	(v2sf) =	vpush v15, $0x1  }
0x301: {  	v3 =	vmul.f32 v5, v60;
	(erf) = vrcp.f32 v2;
	(v2sf) =	vpush v9, $0x1  }
0x302: {  	v5 =	vmul.f32 v57, v54;
	v2 =	vsub.f32 v18, v7;
	(v2sf) =	vpush v10, $0x1  }
0x303: {  	v4 =	vsub.f32 v23, v0;
	(erf) = vrcp.f32 v1;
	(v2sf) =	vpush v14, $0x2  }
0x304: {  	v1 =	vsub.f32 v22, v3;
	(erf) = vrcp.f32 v2;
	(v2sf) =	vpush v15, $0x2  }
0x305: {  	v2 =	vsub.f32 v12, v5;
	(erf) = vrcp.f32 v4;
	(v2sf) =	vpush v9, $0x2  }
0x306: {  	(erf) = vrcp.f32 v1;
	(v2sf) =	vpush v10, $0x2  }
0x307: {  	s21 =	sadd.s32 $0x20, s31;
	(erf) = vrcp.f32 v2  }
0x308: {  	v12 =	vor.u32 s21, v17;
	v35 =	vbroadcast v14, $0x0;
	v1 =	vpop (erf)  }
0x309: {  	v36 =	vbroadcast v15, $0x0;
	v38 =	vbroadcast v14, $0x1;
	v4 =	vpop (erf);
	(v2sf) =	vpush v14, $0x3  }
0x30a: {  	v42 =	vbroadcast v15, $0x1;
	v45 =	vbroadcast v14, $0x2;
	v2 =	vpop (erf);
	s0 =	spop (v2sf);
	(v2sf) =	vpush v15, $0x3  }
0x30b: {  	v47 =	vbroadcast v15, $0x2;
	s1 =	spop (v2sf);
	(v2sf) =	vpush v9, $0x3;
	v9 =	vmul.f32 v2, v32  }
0x30c: {  	s23 =	sadd.s32 $0x10, s21;
	v54 =	vbroadcast v15, $0x3;
	v1 =	vmul.f32 v1, v24;
	s5 =	spop (v2sf);
	(v2sf) =	vpush v10, $0x3;
	v10 =	vpop (erf)  }
0x30d: {  	v20 =	vmul.f32 v4, v27;
	v2 =	vor.u32 s23, v17;
	s12 =	spop (v2sf);
	v13 =	vpop (erf);
	vm3 =	vgt.f32 v9, v53;
	s29 =	sadd.f32 s5, s0  }
0x30e: {  	v18 =	vmul.f32 v10, v31;
	s20 =	spop (v2sf);
	v4 =	vpop (erf);
	v9 =	vsel vm3, v9, v53;
	v10 =	vsel vm3, v12, v11;
	s5 =	smul.f32 s12, s5  }
0x30f: {  	v7 =	vmul.f32 v13, v7;
	s22 =	spop (v2sf);
	v11 =	vpop (erf);
	v0 =	vmul.f32 v4, v0;
	vm3 =	vgt.f32 v1, v9  }
0x310: {  	s24 =	spop (v2sf);
	v3 =	vmul.f32 v11, v3;
	v4 =	vpop (erf);
	v1 =	vsel vm3, v1, v9;
	v37 =	vmov s5;
	s5 =	simm.s32 $0x3210  }
0x311: {  	s0 =	simm.s32 $0x4610;
	s1 =	sadd.f32 s12, s1;
	vm5 =	vgt.f32 v7, v6;
	s7 =	spop (v2sf);
	v5 =	vmul.f32 v4, v5;
	vm4 =	vgt.f32 v0, v52;
	v4 =	vld [tilespmem:s5+$0x0]  }
0x312: {  	[tilespmem:$0x1FCB0] =	vst v1;
	v1 =	vsel vm3, v2, v10;
	v11 =	vsel vm5, v7, v6;
	s23 =	spop (v2sf);
	v6 =	vsel vm4, v0, v52;
	s6 =	sadd.f32 s7, s22;
	s22 =	simm.s32 $0x10;
	v0 =	vld [tilespmem:s0+$0x0]  }
0x313: {  	v53 =	vbroadcast v14, $0x3;
	v33 =	vmov s29;
	s29 =	simm.s32 $0xA10;
	s20 =	sadd.f32 s24, s20;
	[tilespmem:$0x1FCC0] =	vst v1;
	vm6 =	vgt.f32 v3, v8;
	s26 =	spop (v2sf);
	v1 =	vld [tilespmem:s22+$0x0]  }
0x314: {  	v34 =	vmov s1;
	vm7 =	vgt.f32 v20, v11;
	s21 =	smul.f32 s7, s24;
	v7 =	vsel vm6, v3, v8;
	v3 =	vld [tilespmem:s29+$0x0];
	s28 =	spop (v2sf)  }
0x315: {  	vm8 =	vgt.f32 v18, v6;
	v40 =	vmov s20;
	v11 =	vsel vm7, v20, v11;
	s30 =	spop (v2sf);
	s23 =	sadd.f32 s28, s23  }
0x316: {  	vm9 =	vgt.f32 v5, v7;
	v41 =	vmov s6;
	v43 =	vmov s21;
	s26 =	sadd.f32 s30, s26  }
0x317: {  	s20 =	simm.s32 $0x3C10;
	v10 =	vld [tilespmem:s22+$0xFFFFFFF0];
	s28 =	smul.f32 s30, s28;
	v19 =	vmin.f32 v4, v33;
	v25 =	vmin.f32 v4, v40;
	v48 =	vmov s23  }
0x318: {  	v8 =	vld [tilespmem:s20+$0x0];
	v9 =	vadd.f32 v0, v37;
	v13 =	vadd.f32 v0, v43;
	v51 =	vmov s26  }
0x319: {  	v17 =	vld [tilespmem:s29+$0xFFFFFFF0];
	v52 =	vmov s28;
	v14 =	vmax.f32 v1, v35;
	v16 =	vmax.f32 v3, v36  }
0x31a: {  	v27 =	vld [tilespmem:s20+$0xFFFFFFF0];
	v22 =	vmax.f32 v1, v38;
	v24 =	vmax.f32 v3, v42;
	v28 =	vmax.f32 v1, v45  }
0x31b: {  	v23 =	vld [tilespmem:s5+$0xFFFFFFF0];
	v29 =	vmax.f32 v3, v47;
	v30 =	vmin.f32 v4, v48;
	v1 =	vmax.f32 v1, v53  }
0x31c: {  	v3 =	vmax.f32 v3, v54;
	v62 =	vmax.f32 v10, v35;
	v63 =	vmax.f32 v10, v45  }
0x31d: {  	v21 =	vmin.f32 v8, v34;
	v26 =	vmin.f32 v8, v41;
	v31 =	vmin.f32 v8, v51  }
0x31e: {  	v14 =	vsub.f32 v19, v14;
	v19 =	vmax.f32 v17, v36;
	v22 =	vsub.f32 v25, v22  }
0x31f: {  	v25 =	vmin.f32 v27, v34;
	v28 =	vsub.f32 v30, v28;
	v30 =	vmax.f32 v17, v42  }
0x320: {  	v16 =	vsub.f32 v21, v16;
	v21 =	vmin.f32 v23, v33;
	v24 =	vsub.f32 v26, v24  }
0x321: {  	v26 =	vmax.f32 v10, v38;
	v29 =	vsub.f32 v31, v29;
	v31 =	vmin.f32 v23, v40  }
0x322: {  	s7 =	spop (v2sf);
	v19 =	vsub.f32 v25, v19;
	v25 =	vmax.f32 v17, v47;
	v10 =	vmax.f32 v10, v53  }
0x323: {  	s31 =	spop (v2sf);
	v17 =	vmax.f32 v17, v54;
	v21 =	vsub.f32 v21, v62;
	v26 =	vsub.f32 v31, v26  }
0x324: {  	s1 =	spop (v2sf);
	v31 =	vmin.f32 v23, v48;
	v14 =	vmax.f32 v14, $0.0e+00;
	v22 =	vmax.f32 v22, $0.0e+00  }
0x325: {  	s6 =	spop (v2sf);
	s24 =	sadd.f32 s1, s7;
	v28 =	vmax.f32 v28, $0.0e+00;
	v31 =	vsub.f32 v31, v63;
	v16 =	vmax.f32 v16, $0.0e+00  }
0x326: {  	s7 =	sadd.f32 s6, s31;
	v24 =	vmax.f32 v24, $0.0e+00;
	v29 =	vmax.f32 v29, $0.0e+00;
	v19 =	vmax.f32 v19, $0.0e+00  }
0x327: {  	s23 =	smul.f32 s6, s1;
	v55 =	vmov s24;
	v16 =	vmul.f32 v16, v14;
	v21 =	vmax.f32 v21, $0.0e+00  }
0x328: {  	v26 =	vmax.f32 v26, $0.0e+00;
	v22 =	vmul.f32 v24, v22;
	v57 =	vmov s7  }
0x329: {  	v4 =	vmin.f32 v4, v55;
	v62 =	vmov s23;
	v23 =	vmin.f32 v23, v55  }
0x32a: {  	v24 =	vmax.f32 v31, $0.0e+00;
	v8 =	vmin.f32 v8, v57;
	v1 =	vsub.f32 v4, v1  }
0x32b: {  	v4 =	vmin.f32 v27, v41;
	v10 =	vsub.f32 v23, v10;
	v9 =	vsub.f32 v9, v16  }
0x32c: {  	v3 =	vsub.f32 v8, v3;
	v8 =	vld [tilespmem:s0+$0xFFFFFFF0];
	v4 =	vsub.f32 v4, v30;
	v30 =	vmin.f32 v27, v51  }
0x32d: {  	v19 =	vmul.f32 v19, v21;
	v13 =	vsub.f32 v13, v22;
	v25 =	vsub.f32 v30, v25  }
0x32e: {  	v27 =	vmin.f32 v27, v57;
	v30 =	vadd.f32 v0, v52;
	v0 =	vadd.f32 v0, v62  }
0x32f: {  	v17 =	vsub.f32 v27, v17;
	v1 =	vmax.f32 v1, $0.0e+00;
	(erf) = vrcp.f32 v9  }
0x330: {  	v10 =	vmax.f32 v10, $0.0e+00;
	v4 =	vmax.f32 v4, $0.0e+00;
	(erf) = vrcp.f32 v13  }
0x331: {  	v3 =	vmax.f32 v3, $0.0e+00;
	v21 =	vmax.f32 v25, $0.0e+00;
	v23 =	vadd.f32 v8, v37  }
0x332: {  	v25 =	vmul.f32 v29, v28;
	v9 =	vmax.f32 v17, $0.0e+00;
	v4 =	vmul.f32 v4, v26  }
0x333: {  	v13 =	vmul.f32 v21, v24;
	v27 =	vadd.f32 v8, v43;
	v23 =	vsub.f32 v23, v19  }
0x334: {  	v9 =	vmul.f32 v9, v10;
	v14 =	vadd.f32 v8, v52;
	v17 =	vsub.f32 v30, v25  }
0x335: {  	s29 =	simm.s32 $0x3230;
	v8 =	vadd.f32 v8, v62;
	v21 =	vsub.f32 v27, v4;
	(erf) = vrcp.f32 v23  }
0x336: {  	[tilespmem:$0x1FCD0] =	vst v11;
	v11 =	vld [tilespmem:s29+$0x0];
	s28 =	simm.s32 $0xA30;
	v1 =	vmul.f32 v3, v1;
	v14 =	vsub.f32 v14, v13;
	(erf) = vrcp.f32 v17  }
0x337: {  	v6 =	vsel vm8, v18, v6;
	s26 =	simm.s32 $0x30;
	v3 =	vld [tilespmem:s28+$0x0];
	v8 =	vsub.f32 v8, v9;
	(erf) = vrcp.f32 v21  }
0x338: {  	[tilespmem:$0x1FCE0] =	vst v6;
	v5 =	vsel vm9, v5, v7;
	s31 =	simm.s32 $0x3C30;
	v10 =	vld [tilespmem:s26+$0x0];
	v0 =	vsub.f32 v0, v1;
	(erf) = vrcp.f32 v14  }
0x339: {  	[tilespmem:$0x1FCF0] =	vst v5;
	v5 =	vsel vm5, v12, v59;
	v6 =	vld [tilespmem:s31+$0x0];
	(erf) = vrcp.f32 v8  }
0x33a: {  	v7 =	vsel vm4, v12, v56;
	(erf) = vrcp.f32 v0;
	v0 =	vsel vm7, v2, v5  }
0x33b: {  	v8 =	vsel vm6, v12, v58;
	[tilespmem:$0x1FD00] =	vst v0;
	v0 =	vsel vm8, v2, v7  }
0x33c: {  	[tilespmem:$0x1FD10] =	vst v0;
	v0 =	vsel vm9, v2, v8  }
0x33d: {  	v27 =	vmax.f32 v3, v47;
	v18 =	vmax.f32 v10, v38;
	v23 =	vmin.f32 v11, v40  }
0x33e: {  	v26 =	vmax.f32 v10, v45;
	v17 =	vmin.f32 v6, v34;
	v18 =	vsub.f32 v23, v18  }
0x33f: {  	v28 =	vld [tilespmem:$0x1FF90];
	v12 =	vmin.f32 v11, v33;
	v5 =	vmax.f32 v10, v35;
	v7 =	vmax.f32 v3, v36;
	[tilespmem:$0x1FD20] =	vst v0;
	v0 =	vpop (erf)  }
0x340: {  	v21 =	vmax.f32 v3, v42;
	v14 =	vld [tilespmem:$0x1FFF0];
	v5 =	vsub.f32 v12, v5;
	v7 =	vsub.f32 v17, v7;
	v8 =	vpop (erf)  }
0x341: {  	v10 =	vmax.f32 v10, v53;
	v3 =	vmax.f32 v3, v54;
	v2 =	vimm.f32 $-1.000000000e+00;
	v20 =	vpop (erf)  }
0x342: {  	v15 =	vld [tilespmem:$0x1FFA0];
	v5 =	vmax.f32 v5, $0.0e+00;
	v7 =	vmax.f32 v7, $0.0e+00;
	v19 =	vmul.f32 v20, v19;
	v24 =	vpop (erf)  }
0x343: {  	v0 =	vmul.f32 v0, v16;
	v8 =	vmul.f32 v8, v22;
	v20 =	vmin.f32 v6, v41;
	v16 =	vpop (erf)  }
0x344: {  	v22 =	vmul.f32 v24, v25;
	v20 =	vsub.f32 v20, v21;
	vm3 =	vgt.f32 v19, v2;
	v24 =	vpop (erf)  }
0x345: {  	v4 =	vmul.f32 v16, v4;
	v19 =	vsel vm3, v19, v2;
	v25 =	vsel vm3, v28, v14;
	v16 =	vpop (erf)  }
0x346: {  	v13 =	vmul.f32 v24, v13;
	vm3 =	vgt.f32 v0, v19;
	v9 =	vmul.f32 v16, v9;
	v16 =	vpop (erf)  }
0x347: {  	v61 =	vsel vm3, v0, v19;
	v58 =	vsel vm3, v15, v25;
	v0 =	vmul.f32 v16, v1  }
0x348: {  	vm3 =	vgt.f32 v4, v2;
	vm5 =	vgt.f32 v13, v2;
	vm6 =	vgt.f32 v9, v2  }
0x349: {  	v1 =	vsel vm3, v4, v2;
	v4 =	vsel vm5, v13, v2;
	v2 =	vsel vm6, v9, v2  }
0x34a: {  	v16 =	vld [tilespmem:s26+$0xFFFFFFF0];
	vm7 =	vgt.f32 v8, v1;
	vm8 =	vgt.f32 v22, v4;
	v19 =	vsel vm6, v28, v14  }
0x34b: {  	vm4 =	vgt.f32 v0, v2;
	v60 =	vsel vm7, v8, v1;
	v46 =	vsel vm8, v22, v4  }
0x34c: {  	v9 =	vld [tilespmem:s28+$0xFFFFFFF0];
	v13 =	vsel vm4, v0, v2;
	v0 =	vsel vm3, v28, v14;
	v2 =	vsel vm5, v28, v14  }
0x34d: {  	v1 =	vld [tilespmem:s29+$0xFFFFFFF0];
	v50 =	vsel vm7, v15, v0;
	v4 =	vsel vm8, v15, v2;
	v0 =	vmin.f32 v11, v48  }
0x34e: {  	v8 =	vld [tilespmem:s31+$0xFFFFFFF0];
	v2 =	vmin.f32 v6, v51;
	v11 =	vmin.f32 v11, v55;
	v6 =	vmin.f32 v6, v57  }
0x34f: {  	v22 =	vmax.f32 v16, v35;
	v0 =	vsub.f32 v0, v26;
	v2 =	vsub.f32 v2, v27  }
0x350: {  	v21 =	vmax.f32 v16, v38;
	v10 =	vsub.f32 v11, v10;
	v26 =	vsub.f32 v6, v3  }
0x351: {  	v6 =	vmax.f32 v16, v45;
	v3 =	vsel vm4, v15, v19;
	v27 =	vmul.f32 v7, v5  }
0x352: {  	v7 =	vmax.f32 v18, $0.0e+00;
	v12 =	vmax.f32 v9, v36;
	v24 =	vmax.f32 v9, v42  }
0x353: {  	v17 =	vmin.f32 v1, v33;
	v23 =	vmin.f32 v8, v34;
	v25 =	vmin.f32 v1, v40  }
0x354: {  	v11 =	vmin.f32 v8, v41;
	v0 =	vmax.f32 v0, $0.0e+00;
	v2 =	vmax.f32 v2, $0.0e+00  }
0x355: {  	v18 =	vmax.f32 v26, $0.0e+00;
	v17 =	vsub.f32 v17, v22;
	v22 =	vmax.f32 v9, v47  }
0x356: {  	s24 =	simm.s32 $0x4630;
	v12 =	vsub.f32 v23, v12;
	v21 =	vsub.f32 v25, v21;
	v25 =	vmin.f32 v1, v48  }
0x357: {  	v5 =	vld [tilespmem:s24+$0xFFFFFFF0];
	v28 =	vsub.f32 v11, v24;
	v11 =	vmin.f32 v8, v51;
	v9 =	vmax.f32 v9, v54  }
0x358: {  	v1 =	vmin.f32 v1, v55;
	v8 =	vmin.f32 v8, v57;
	v19 =	vsub.f32 v25, v6  }
0x359: {  	v23 =	vld [tilespmem:s24+$0x0];
	v25 =	vsub.f32 v11, v22;
	v6 =	vmax.f32 v16, v53;
	v9 =	vsub.f32 v8, v9  }
0x35a: {  	v8 =	vmax.f32 v20, $0.0e+00;
	v22 =	vmul.f32 v2, v0;
	v1 =	vsub.f32 v1, v6  }
0x35b: {  	v11 =	vmax.f32 v17, $0.0e+00;
	v12 =	vmax.f32 v12, $0.0e+00;
	v24 =	vmul.f32 v8, v7  }
0x35c: {  	v8 =	vmax.f32 v21, $0.0e+00;
	v0 =	vadd.f32 v5, v37;
	v20 =	vmul.f32 v12, v11  }
0x35d: {  	v12 =	vmax.f32 v28, $0.0e+00;
	v32 =	vmax.f32 v19, $0.0e+00;
	v39 =	vmax.f32 v25, $0.0e+00  }
0x35e: {  	v28 =	vmul.f32 v12, v8;
	v12 =	vadd.f32 v5, v43;
	v6 =	vadd.f32 v23, v37  }
0x35f: {  	v31 =	vmax.f32 v9, $0.0e+00;
	v8 =	vadd.f32 v5, v52;
	v7 =	vadd.f32 v23, v43  }
0x360: {  	v2 =	vmax.f32 v1, $0.0e+00;
	v11 =	vadd.f32 v23, v52;
	v6 =	vsub.f32 v6, v27  }
0x361: {  	[tilespmem:$0x1FD30] =	vst v33;
	v63 =	vadd.f32 v23, v62;
	v23 =	vmax.f32 v10, $0.0e+00;
	v16 =	vsub.f32 v0, v20  }
0x362: {  	[tilespmem:$0x1FD40] =	vst v34;
	s30 =	smov.u32 s2;
	s1 =	simm.s32 $0x2;
	s0 =	simm.s32 $0x4650;
	v56 =	vsub.f32 v7, v24;
	(erf) = vrcp.f32 v6;
	v6 =	vadd.f32 v5, v62  }
.LBB2_12:
0x363: {  	v0 =	vld [tilespmem:s0+$0x0]  }
0x364: {  	v1 =	vmul.f32 v39, v32;
	v9 =	vld [tilespmem:s0+$0xFFFFFFF0];
	v2 =	vmul.f32 v31, v2  }
0x365: {  	s26 =	sadd.s32 $0x20, s26;
	v14 =	vlaneseq.u32;
	v34 =	vld [tilespmem:$0x1FD40];
	v5 =	vsub.f32 v11, v22;
	(erf) = vrcp.f32 v56  }
0x366: {  	s28 =	sadd.s32 $0x20, s28;
	v7 =	vsub.f32 v12, v28;
	v10 =	vld [tilespmem:s26+$0x0];
	(erf) = vrcp.f32 v16;
	v16 =	vmul.f32 v18, v23  }
0x367: {  	s31 =	sadd.s32 $0x20, s31;
	v17 =	vld [tilespmem:s28+$0x0];
	v8 =	vsub.f32 v8, v1;
	v6 =	vsub.f32 v6, v2;
	(erf) = vrcp.f32 v5  }
0x368: {  	v19 =	vld [tilespmem:s31+$0x0];
	(erf) = vrcp.f32 v7;
	v7 =	vsub.f32 v63, v16;
	v31 =	vadd.f32 v0, v37  }
0x369: {  	s29 =	sadd.s32 $0x20, s29;
	s30 =	sadd.s32 $0x20, s30;
	v33 =	vld [tilespmem:$0x1FD30];
	(erf) = vrcp.f32 v8;
	v5 =	vadd.f32 v0, v43;
	v11 =	vadd.f32 v0, v52  }
0x36a: {  	v18 =	vld [tilespmem:s29+$0x0];
	v63 =	vadd.f32 v0, v62;
	v12 =	vadd.f32 v9, v43;
	v0 =	vor.u32 s30, v14  }
0x36b: {  	v8 =	vadd.f32 v9, v52;
	(erf) = vrcp.f32 v6;
	v6 =	vadd.f32 v9, v62  }
0x36c: {  	v23 =	vmax.f32 v10, v35;
	v25 =	vmax.f32 v17, v36;
	(erf) = vrcp.f32 v7  }
0x36d: {  	s5 =	sadd.s32 $0x10, s30;
	v30 =	vmin.f32 v19, v34;
	v32 =	vmax.f32 v10, v38;
	v39 =	vmax.f32 v17, v42  }
0x36e: {  	v15 =	vmin.f32 v19, v41;
	v7 =	vadd.f32 v9, v37;
	v9 =	vor.u32 s5, v14;
	v21 =	vpop (erf)  }
0x36f: {  	v26 =	vmin.f32 v18, v33;
	v59 =	vmin.f32 v18, v40;
	v25 =	vsub.f32 v30, v25;
	v29 =	vpop (erf)  }
0x370: {  	v14 =	vmax.f32 v10, v45;
	v15 =	vsub.f32 v15, v39;
	v23 =	vsub.f32 v26, v23;
	v44 =	vpop (erf)  }
0x371: {  	v30 =	vsub.f32 v59, v32;
	v21 =	vmul.f32 v21, v27;
	v20 =	vmul.f32 v44, v20;
	v49 =	vpop (erf)  }
0x372: {  	v25 =	vmax.f32 v25, $0.0e+00;
	v15 =	vmax.f32 v15, $0.0e+00;
	v24 =	vmul.f32 v29, v24;
	v27 =	vpop (erf)  }
0x373: {  	v44 =	vmax.f32 v17, v47;
	v22 =	vmul.f32 v49, v22;
	vm3 =	vgt.f32 v20, v61;
	v29 =	vpop (erf)  }
0x374: {  	v27 =	vmul.f32 v27, v28;
	v20 =	vsel vm3, v20, v61;
	v49 =	vsel vm3, v0, v58;
	v28 =	vpop (erf)  }
0x375: {  	v1 =	vmul.f32 v29, v1;
	v2 =	vmul.f32 v28, v2;
	vm3 =	vgt.f32 v21, v20;
	v28 =	vpop (erf)  }
0x376: {  	v61 =	vsel vm3, v21, v20;
	v58 =	vsel vm3, v9, v49;
	v16 =	vmul.f32 v28, v16  }
0x377: {  	vm3 =	vgt.f32 v27, v60;
	vm4 =	vgt.f32 v1, v46;
	vm5 =	vgt.f32 v2, v13  }
0x378: {  	v21 =	vsel vm3, v27, v60;
	v1 =	vsel vm4, v1, v46;
	v4 =	vsel vm4, v0, v4  }
0x379: {  	v20 =	vld [tilespmem:s26+$0xFFFFFFF0];
	v2 =	vsel vm5, v2, v13;
	vm6 =	vgt.f32 v24, v21;
	vm7 =	vgt.f32 v22, v1  }
0x37a: {  	v28 =	vld [tilespmem:s29+$0xFFFFFFF0];
	vm8 =	vgt.f32 v16, v2;
	v60 =	vsel vm6, v24, v21;
	v46 =	vsel vm7, v22, v1  }
0x37b: {  	v4 =	vsel vm7, v9, v4;
	v13 =	vsel vm8, v16, v2;
	v2 =	vsel vm3, v0, v50  }
0x37c: {  	v27 =	vld [tilespmem:s28+$0xFFFFFFF0];
	v0 =	vsel vm5, v0, v3;
	v16 =	vmin.f32 v18, v55;
	v50 =	vsel vm6, v9, v2  }
0x37d: {  	v3 =	vsel vm8, v9, v0;
	v0 =	vmin.f32 v18, v48;
	v2 =	vmin.f32 v19, v51  }
0x37e: {  	v9 =	vmax.f32 v10, v53;
	v10 =	vmax.f32 v17, v54;
	v17 =	vmin.f32 v19, v57  }
0x37f: {  	v18 =	vmax.f32 v20, v35;
	v21 =	vmin.f32 v28, v33;
	v24 =	vmax.f32 v20, v38  }
0x380: {  	v1 =	vld [tilespmem:s31+$0xFFFFFFF0];
	v56 =	vmin.f32 v28, v40;
	v33 =	vmax.f32 v20, v45;
	v26 =	vmin.f32 v28, v48  }
0x381: {  	v19 =	vmax.f32 v27, v36;
	v29 =	vmax.f32 v27, v42;
	v0 =	vsub.f32 v0, v14  }
0x382: {  	v2 =	vsub.f32 v2, v44;
	v14 =	vmax.f32 v20, v53;
	v9 =	vsub.f32 v16, v9  }
0x383: {  	v10 =	vsub.f32 v17, v10;
	v16 =	vsub.f32 v21, v18;
	v21 =	vmin.f32 v28, v55  }
0x384: {  	v18 =	vmax.f32 v27, v54;
	v14 =	vsub.f32 v21, v14;
	v21 =	vmax.f32 v23, $0.0e+00  }
0x385: {  	v22 =	vmin.f32 v1, v34;
	v49 =	vmin.f32 v1, v41;
	v34 =	vmax.f32 v27, v47  }
0x386: {  	v59 =	vmin.f32 v1, v51;
	v1 =	vmin.f32 v1, v57;
	v0 =	vmax.f32 v0, $0.0e+00  }
0x387: {  	v28 =	vmax.f32 v2, $0.0e+00;
	v23 =	vmax.f32 v9, $0.0e+00;
	v17 =	vsub.f32 v22, v19  }
0x388: {  	v2 =	vmax.f32 v16, $0.0e+00;
	v19 =	vsub.f32 v56, v24;
	v20 =	vsub.f32 v49, v29  }
0x389: {  	s1 =	sadd.s32 $0x2, s1;
	v27 =	vmul.f32 v25, v21;
	v22 =	vsub.f32 v26, v33;
	v24 =	vsub.f32 v59, v34  }
0x38a: {  	p1 =	slt.u32 s1, $0x9E;
	v1 =	vsub.f32 v1, v18;
	v26 =	vmax.f32 v30, $0.0e+00;
	v18 =	vmax.f32 v10, $0.0e+00  }
.Ltmp7:
0x38b: {  	v9 =	vmax.f32 v17, $0.0e+00;
	v10 =	vmax.f32 v19, $0.0e+00;
	v17 =	vmax.f32 v20, $0.0e+00;
	(pc) =	sbr.rel @p1 .LBB2_12-.Ltmp7, $4  }
0x38c: {  	v32 =	vmax.f32 v22, $0.0e+00;
	v39 =	vmax.f32 v24, $0.0e+00;
	v24 =	vmul.f32 v15, v26  }
0x38d: {  	v22 =	vmul.f32 v28, v0;
	v20 =	vmul.f32 v9, v2;
	v9 =	vsub.f32 v31, v27  }
0x38e: {  	v2 =	vmax.f32 v14, $0.0e+00;
	v31 =	vmax.f32 v1, $0.0e+00;
	v28 =	vmul.f32 v17, v10  }
0x38f: {  	s0 =	sadd.s32 $0x20, s0;
	v56 =	vsub.f32 v5, v24;
	v16 =	vsub.f32 v7, v20;
	(erf) = vrcp.f32 v9  }
0x390: {  	v1 =	vld [tilespmem:$0x1FE90];
	_ =	sdelay $0x4  }
0x391: {  	(xrf0) =	vmax.scan.msk.f32 $0xffff, v1;
	_ =	sdelay $0x3  }
0x392: {  	v35 =	vld [tilespmem:$0x1FEA0];
	_ =	sdelay $0x1  }
0x393: {  	v0, _, _ =	vpop (xrf0)  }
0x394: {  	v36 =	vld [tilespmem:$0x1FEB0];
	v33 =	vbroadcast v0, $0xF;
	_ =	sdelay $0x1  }
0x395: {  	v0 =	vxor.u32 $0x80000000, v35;
	vm3 =	veq.f32 v1, v33  }
0x396: {  	v0 =	vnsel vm3, $0xC0000000, v0  }
0x397: {  	(xrf0) =	vmin.scan.msk.u32 $0xffff, v0  }
0x398: {  	(xrf0) =	vmax.scan.msk.f32 $0xffff, v36;
	_ =	sdelay $0x3  }
0x399: {  	v38 =	vld [tilespmem:$0x1FEE0]  }
0x39a: {  	v35, _, _ =	vpop (xrf0)  }
0x39b: {  	v37, _, _ =	vpop (xrf0)  }
0x39c: {  	v40 =	vld [tilespmem:$0x1FEC0];
	v5 =	vbroadcast v37, $0xF;
	_ =	sdelay $0x1  }
0x39d: {  	v0 =	vxor.u32 $0x80000000, v38;
	vm3 =	veq.f32 v36, v5  }
0x39e: {  	v0 =	vnsel vm3, $0xC0000000, v0  }
0x39f: {  	(xrf0) =	vmin.scan.msk.u32 $0xffff, v0  }
0x3a0: {  	(xrf0) =	vmax.scan.msk.f32 $0xffff, v40;
	_ =	sdelay $0x3  }
0x3a1: {  	v42 =	vld [tilespmem:$0x1FEF0]  }
0x3a2: {  	v36, _, _ =	vpop (xrf0)  }
0x3a3: {  	v41, _, _ =	vpop (xrf0)  }
0x3a4: {  	v43 =	vld [tilespmem:$0x1FED0];
	v10 =	vbroadcast v41, $0xF;
	_ =	sdelay $0x1  }
0x3a5: {  	v0 =	vxor.u32 $0x80000000, v42;
	vm3 =	veq.f32 v40, v10  }
0x3a6: {  	v0 =	vnsel vm3, $0xC0000000, v0  }
0x3a7: {  	(xrf0) =	vmin.scan.msk.u32 $0xffff, v0  }
0x3a8: {  	(xrf0) =	vmax.scan.msk.f32 $0xffff, v43;
	_ =	sdelay $0x3  }
0x3a9: {  	v45 =	vld [tilespmem:$0x1FF00]  }
0x3aa: {  	v37, _, _ =	vpop (xrf0)  }
0x3ab: {  	v44, _, _ =	vpop (xrf0)  }
0x3ac: {  	v47 =	vld [tilespmem:$0x1FDF0];
	v9 =	vbroadcast v44, $0xF;
	_ =	sdelay $0x1  }
0x3ad: {  	v0 =	vxor.u32 $0x80000000, v45;
	vm3 =	veq.f32 v43, v9  }
0x3ae: {  	v0 =	vnsel vm3, $0xC0000000, v0  }
0x3af: {  	(xrf0) =	vmin.scan.msk.u32 $0xffff, v0  }
0x3b0: {  	(xrf0) =	vmax.scan.msk.f32 $0xffff, v47;
	_ =	sdelay $0x3  }
0x3b1: {  	v49 =	vld [tilespmem:$0x1FE00]  }
0x3b2: {  	v38, _, _ =	vpop (xrf0)  }
0x3b3: {  	v48, _, _ =	vpop (xrf0)  }
0x3b4: {  	v51 =	vld [tilespmem:$0x1FE10];
	v7 =	vbroadcast v48, $0xF;
	_ =	sdelay $0x1  }
0x3b5: {  	v0 =	vxor.u32 $0x80000000, v49;
	vm3 =	veq.f32 v47, v7  }
0x3b6: {  	v0 =	vnsel vm3, $0xC0000000, v0  }
0x3b7: {  	(xrf0) =	vmin.scan.msk.u32 $0xffff, v0  }
0x3b8: {  	(xrf0) =	vmax.scan.msk.f32 $0xffff, v51;
	_ =	sdelay $0x3  }
0x3b9: {  	v53 =	vld [tilespmem:$0x1FE40]  }
0x3ba: {  	v40, _, _ =	vpop (xrf0)  }
0x3bb: {  	v52, _, _ =	vpop (xrf0)  }
0x3bc: {  	v54 =	vld [tilespmem:$0x1FE20];
	v21 =	vbroadcast v52, $0xF;
	_ =	sdelay $0x1  }
0x3bd: {  	v0 =	vxor.u32 $0x80000000, v53;
	vm3 =	veq.f32 v51, v21  }
0x3be: {  	v0 =	vnsel vm3, $0xC0000000, v0  }
0x3bf: {  	(xrf0) =	vmin.scan.msk.u32 $0xffff, v0  }
0x3c0: {  	(xrf0) =	vmax.scan.msk.f32 $0xffff, v54;
	_ =	sdelay $0x3  }
0x3c1: {  	v57 =	vld [tilespmem:$0x1FE50]  }
0x3c2: {  	v41, _, _ =	vpop (xrf0)  }
0x3c3: {  	v55, _, _ =	vpop (xrf0)  }
0x3c4: {  	v59 =	vld [tilespmem:$0x1FE30];
	v26 =	vbroadcast v55, $0xF;
	_ =	sdelay $0x1  }
0x3c5: {  	v0 =	vxor.u32 $0x80000000, v57;
	vm3 =	veq.f32 v54, v26  }
0x3c6: {  	v0 =	vnsel vm3, $0xC0000000, v0  }
0x3c7: {  	(xrf0) =	vmin.scan.msk.u32 $0xffff, v0  }
0x3c8: {  	(xrf0) =	vmax.scan.msk.f32 $0xffff, v59;
	_ =	sdelay $0x3  }
0x3c9: {  	v14 =	vld [tilespmem:$0x1FE60]  }
0x3ca: {  	v42, _, _ =	vpop (xrf0)  }
0x3cb: {  	v62, _, _ =	vpop (xrf0)  }
0x3cc: {  	v15 =	vld [tilespmem:$0x1FD50];
	v25 =	vbroadcast v62, $0xF;
	_ =	sdelay $0x1  }
0x3cd: {  	v0 =	vxor.u32 $0x80000000, v14;
	vm3 =	veq.f32 v59, v25  }
0x3ce: {  	v0 =	vnsel vm3, $0xC0000000, v0  }
0x3cf: {  	(xrf0) =	vmin.scan.msk.u32 $0xffff, v0  }
0x3d0: {  	(xrf0) =	vmax.scan.msk.f32 $0xffff, v15;
	_ =	sdelay $0x3  }
0x3d1: {  	v30 =	vld [tilespmem:$0x1FD60]  }
0x3d2: {  	v43, _, _ =	vpop (xrf0)  }
0x3d3: {  	v29, _, _ =	vpop (xrf0)  }
0x3d4: {  	v14 =	vld [tilespmem:$0x1FD70];
	v34 =	vbroadcast v29, $0xF;
	_ =	sdelay $0x1  }
0x3d5: {  	v0 =	vxor.u32 $0x80000000, v30;
	vm3 =	veq.f32 v15, v34  }
0x3d6: {  	v0 =	vnsel vm3, $0xC0000000, v0  }
0x3d7: {  	(xrf0) =	vmin.scan.msk.u32 $0xffff, v0  }
0x3d8: {  	(xrf0) =	vmax.scan.msk.f32 $0xffff, v14;
	_ =	sdelay $0x3  }
0x3d9: {  	v45 =	vld [tilespmem:$0x1FDA0]  }
0x3da: {  	v0, _, _ =	vpop (xrf0)  }
0x3db: {  	v44, _, _ =	vpop (xrf0)  }
0x3dc: {  	v15 =	vld [tilespmem:$0x1FD80];
	v19 =	vbroadcast v44, $0xF;
	_ =	sdelay $0x1  }
0x3dd: {  	v1 =	vxor.u32 $0x80000000, v45;
	vm3 =	veq.f32 v14, v19  }
0x3de: {  	v1 =	vnsel vm3, $0xC0000000, v1  }
0x3df: {  	(xrf0) =	vmin.scan.msk.u32 $0xffff, v1  }
0x3e0: {  	(xrf0) =	vmax.scan.msk.f32 $0xffff, v15;
	_ =	sdelay $0x3  }
0x3e1: {  	v48 =	vld [tilespmem:$0x1FDB0]  }
0x3e2: {  	v1, _, _ =	vpop (xrf0)  }
0x3e3: {  	v47, _, _ =	vpop (xrf0)  }
0x3e4: {  	v17 =	vld [tilespmem:$0x1FD90];
	v30 =	vbroadcast v47, $0xF;
	_ =	sdelay $0x1  }
0x3e5: {  	v14 =	vxor.u32 $0x80000000, v48;
	vm3 =	veq.f32 v15, v30  }
0x3e6: {  	v14 =	vnsel vm3, $0xC0000000, v14  }
0x3e7: {  	(xrf0) =	vmin.scan.msk.u32 $0xffff, v14  }
0x3e8: {  	(xrf0) =	vmax.scan.msk.f32 $0xffff, v17;
	_ =	sdelay $0x3  }
0x3e9: {  	v51 =	vld [tilespmem:$0x1FDC0]  }
0x3ea: {  	v14, _, _ =	vpop (xrf0)  }
0x3eb: {  	v49, _, _ =	vpop (xrf0)  }
0x3ec: {  	v45 =	vld [tilespmem:$0x1FCB0];
	v29 =	vbroadcast v49, $0xF;
	_ =	sdelay $0x1  }
0x3ed: {  	v15 =	vxor.u32 $0x80000000, v51;
	vm3 =	veq.f32 v17, v29  }
0x3ee: {  	v15 =	vnsel vm3, $0xC0000000, v15  }
0x3ef: {  	(xrf0) =	vmin.scan.msk.u32 $0xffff, v15  }
0x3f0: {  	(xrf0) =	vmax.scan.msk.f32 $0xffff, v45;
	_ =	sdelay $0x3  }
0x3f1: {  	v53 =	vld [tilespmem:$0x1FCC0]  }
0x3f2: {  	v44, _, _ =	vpop (xrf0)  }
0x3f3: {  	v52, _, _ =	vpop (xrf0)  }
0x3f4: {  	v47 =	vld [tilespmem:$0x1FCD0];
	v17 =	vbroadcast v52, $0xF;
	_ =	sdelay $0x1  }
0x3f5: {  	v15 =	vxor.u32 $0x80000000, v53;
	vm3 =	veq.f32 v45, v17  }
0x3f6: {  	v15 =	vnsel vm3, $0xC0000000, v15  }
0x3f7: {  	(xrf0) =	vmin.scan.msk.u32 $0xffff, v15  }
0x3f8: {  	(xrf0) =	vmax.scan.msk.f32 $0xffff, v47;
	_ =	sdelay $0x3  }
0x3f9: {  	v55 =	vld [tilespmem:$0x1FD00]  }
0x3fa: {  	v45, _, _ =	vpop (xrf0)  }
0x3fb: {  	v54, _, _ =	vpop (xrf0)  }
0x3fc: {  	v49 =	vld [tilespmem:$0x1FCE0];
	v15 =	vbroadcast v54, $0xF;
	_ =	sdelay $0x1  }
0x3fd: {  	vm3 =	veq.f32 v47, v15;
	v47 =	vxor.u32 $0x80000000, v55  }
0x3fe: {  	v47 =	vnsel vm3, $0xC0000000, v47  }
0x3ff: {  	(xrf0) =	vmin.scan.msk.u32 $0xffff, v47  }
0x400: {  	(xrf0) =	vmax.scan.msk.f32 $0xffff, v49;
	_ =	sdelay $0x1  }
0x401: {  	(erf) = vrcp.f32 v56  }
0x402: {  	(erf) = vrcp.f32 v16  }
0x403: {  	v56 =	vld [tilespmem:$0x1FD10]  }
0x404: {  	v47, _, _ =	vpop (xrf0)  }
0x405: {  	v48, _, _ =	vpop (xrf0)  }
0x406: {  	v53 =	vld [tilespmem:$0x1FCF0];
	v16 =	vbroadcast v48, $0xF;
	_ =	sdelay $0x1  }
0x407: {  	v48 =	vxor.u32 $0x80000000, v56;
	vm3 =	veq.f32 v49, v16  }
0x408: {  	v57 =	vpop (erf);
	v48 =	vnsel vm3, $0xC0000000, v48  }
0x409: {  	v49 =	vpop (erf);
	(xrf0) =	vmin.scan.msk.u32 $0xffff, v48  }
0x40a: {  	v51 =	vpop (erf);
	(xrf0) =	vmax.scan.msk.f32 $0xffff, v53  }
0x40b: {  	v20 =	vmul.f32 v51, v20  }
0x40c: {  	v11 =	vsub.f32 v11, v22  }
0x40d: {  	vm3 =	vgt.f32 v20, v61  }
0x40e: {  	v20 =	vsel vm3, v20, v61;
	v61 =	vld [tilespmem:$0x1FD20]  }
0x40f: {  	v12 =	vsub.f32 v12, v28;
	v52, _, _ =	vpop (xrf0)  }
0x410: {  	(erf) = vrcp.f32 v11;
	v11, _, _ =	vpop (xrf0)  }
0x411: {  	(erf) = vrcp.f32 v12;
	v59 =	vbroadcast v11, $0xF  }
0x412: {  	v27 =	vmul.f32 v57, v27  }
0x413: {  	v12 =	vxor.u32 $0x80000000, v61;
	vm4 =	veq.f32 v53, v59  }
0x414: {  	vm5 =	vgt.f32 v27, v20;
	v12 =	vnsel vm4, $0xC0000000, v12  }
0x415: {  	v20 =	vsel vm5, v27, v20;
	(xrf0) =	vmin.scan.msk.u32 $0xffff, v12  }
0x416: {  	(xrf0) =	vmax.scan.msk.f32 $0xffff, v20;
	_ =	sdelay $0x2  }
0x417: {  	v27 =	vpop (erf);
	v12 =	vmul.f32 v39, v32  }
0x418: {  	s0 =	sadd.s32 $0x20, s30;
	(v2sf) =	vpush v35, $0xF;
	v62 =	vpop (erf);
	v53 =	vlaneseq.u32  }
0x419: {  	(v2sf) =	vpush v36, $0xF;
	v54 =	vor.u32 s0, v53;
	s0 =	sadd.s32 $0x10, s0;
	v8 =	vsub.f32 v8, v12;
	v39, _, _ =	vpop (xrf0)  }
0x41a: {  	(v2sf) =	vpush v37, $0xF;
	v55 =	vmul.f32 v62, v28;
	v57 =	vor.u32 s0, v53;
	v56, _, _ =	vpop (xrf0)  }
0x41b: {  	v58 =	vsel vm3, v54, v58;
	(erf) = vrcp.f32 v8;
	v8 =	vbroadcast v56, $0xF  }
0x41c: {  	v24 =	vmul.f32 v49, v24;
	vm4 =	vgt.f32 v55, v60;
	v59 =	vsel vm5, v57, v58  }
0x41d: {  	v28 =	vsel vm4, v55, v60;
	vm3 =	veq.f32 v20, v8;
	v20 =	vxor.u32 $0x80000000, v59  }
0x41e: {  	(v2sf) =	vpush v38, $0xF;
	vm5 =	vgt.f32 v24, v28;
	v20 =	vnsel vm3, $0xC0000000, v20  }
0x41f: {  	(v2sf) =	vpush v40, $0xF;
	v24 =	vsel vm5, v24, v28;
	(xrf0) =	vmin.scan.msk.u32 $0xffff, v20  }
0x420: {  	(v2sf) =	vpush v41, $0xF;
	(xrf0) =	vmax.scan.msk.f32 $0xffff, v24  }
0x421: {  	(v2sf) =	vpush v42, $0xF  }
0x422: {  	(v2sf) =	vpush v43, $0xF;
	v20 =	vmul.f32 v31, v2  }
0x423: {  	v18 =	vmul.f32 v18, v23;
	(v2sf) =	vpush v0, $0xF  }
0x424: {  	(v2sf) =	vpush v1, $0xF;
	v62 =	vpop (erf);
	v2 =	vsub.f32 v6, v20  }
0x425: {  	(v2sf) =	vpush v14, $0xF;
	v61 =	vsub.f32 v63, v18;
	v63, _, _ =	vpop (xrf0)  }
0x426: {  	(v2sf) =	vpush v44, $0xF;
	v12 =	vmul.f32 v62, v12;
	(erf) = vrcp.f32 v2;
	v31, _, _ =	vpop (xrf0)  }
0x427: {  	v35 =	vsel vm4, v54, v50;
	(erf) = vrcp.f32 v61;
	v2 =	vbroadcast v31, $0xF  }
0x428: {  	v28 =	vmul.f32 v27, v22;
	v23 =	vsel vm5, v57, v35;
	vm3 =	vgt.f32 v12, v46  }
0x429: {  	v23 =	vxor.u32 $0x80000000, v23;
	v12 =	vsel vm3, v12, v46;
	vm4 =	veq.f32 v24, v2  }
0x42a: {  	(v2sf) =	vpush v45, $0xF;
	vm5 =	vgt.f32 v28, v12;
	v23 =	vnsel vm4, $0xC0000000, v23  }
0x42b: {  	(v2sf) =	vpush v47, $0xF;
	v12 =	vsel vm5, v28, v12;
	(xrf0) =	vmin.scan.msk.u32 $0xffff, v23  }
0x42c: {  	(v2sf) =	vpush v52, $0xF;
	(xrf0) =	vmax.scan.msk.f32 $0xffff, v12  }
0x42d: {  	s1 =	spop (v2sf);
	(v2sf) =	vpush v39, $0xF  }
0x42e: {  	s5 =	spop (v2sf)  }
0x42f: {  	s12 =	spop (v2sf);
	v42 =	vpop (erf)  }
0x430: {  	s20 =	spop (v2sf);
	v43 =	vpop (erf)  }
0x431: {  	s21 =	spop (v2sf);
	v44, _, _ =	vpop (xrf0)  }
0x432: {  	s22 =	spop (v2sf);
	v0 =	vmul.f32 v42, v20;
	v1 =	vmul.f32 v43, v18;
	v18, _, _ =	vpop (xrf0)  }
0x433: {  	s23 =	spop (v2sf);
	v4 =	vsel vm3, v54, v4;
	v18 =	vbroadcast v18, $0xF  }
0x434: {  	s24 =	spop (v2sf);
	v4 =	vsel vm5, v57, v4;
	vm4 =	vgt.f32 v0, v13  }
0x435: {  	s26 =	spop (v2sf);
	v4 =	vxor.u32 $0x80000000, v4;
	v0 =	vsel vm4, v0, v13;
	vm3 =	veq.f32 v12, v18  }
0x436: {  	s28 =	spop (v2sf);
	vm5 =	vgt.f32 v1, v0;
	v4 =	vnsel vm3, $0xC0000000, v4  }
0x437: {  	s29 =	spop (v2sf);
	v0 =	vsel vm5, v1, v0;
	(xrf0) =	vmin.scan.msk.u32 $0xffff, v4  }
0x438: {  	s30 =	spop (v2sf);
	(xrf0) =	vmax.scan.msk.f32 $0xffff, v0  }
0x439: {  	s31 =	spop (v2sf)  }
0x43a: {  	s6 =	spop (v2sf)  }
0x43b: {  	s0 =	spop (v2sf)  }
0x43c: {  	s7 =	spop (v2sf)  }
0x43d: {  	s7 =	sxor.u32 $0x80000000, s7;
	v3 =	vsel vm4, v54, v3;
	v46, _, _ =	vpop (xrf0)  }
0x43e: {  	s1 =	sxor.u32 $0x80000000, s1;
	v51 =	vmov s7;
	v3 =	vsel vm5, v57, v3;
	v47, _, _ =	vpop (xrf0)  }
0x43f: {  	s5 =	sxor.u32 $0x80000000, s5;
	v49 =	vxor.u32 $0x80000000, v3;
	v3 =	vsel vm0, s1, v51;
	v4 =	vbroadcast v47, $0xF  }
0x440: {  	s12 =	sxor.u32 $0x80000000, s12;
	v3 =	vsel vm1, s5, v3  }
0x441: {  	s20 =	sxor.u32 $0x80000000, s20;
	v3 =	vsel vm2, s12, v3;
	vm3 =	veq.f32 v0, v4  }
0x442: {  	s21 =	sxor.u32 $0x80000000, s21;
	v3 =	vsel vm11, s20, v3;
	v0 =	vnsel vm3, $0xC0000000, v49  }
0x443: {  	s22 =	sxor.u32 $0x80000000, s22;
	v54 =	vsel vm12, s21, v3;
	(xrf0) =	vmin.scan.msk.u32 $0xffff, v0  }
0x444: {  	s23 =	sxor.u32 $0x80000000, s23;
	vm6 =	veq.s32 v53, $0x1;
	vm4 =	vmmov $0x1;
	v1 =	vsel vm13, s22, v54  }
0x445: {  	s24 =	sxor.u32 $0x80000000, s24;
	(v2sf) =	vpush v63, $0xF;
	v50 =	vsel vm4, v33, v5;
	v1 =	vsel vm14, s23, v1  }
0x446: {  	s26 =	sxor.u32 $0x80000000, s26;
	v55 =	vnsel vm4, $0xBF800000, v8;
	vm5 =	vcmask $0x2320;
	v1 =	vsel vm15, s24, v1  }
0x447: {  	s28 =	sxor.u32 $0x80000000, s28;
	vm4 =	vcmask $0xB10;
	v1 =	vsel vm5, s26, v1;
	vm5 =	vcmask $0x2724  }
0x448: {  	s29 =	sxor.u32 $0x80000000, s29;
	(v2sf) =	vpush v44, $0xF;
	v1 =	vsel vm5, s28, v1;
	vm5 =	vcmask $0x2B28  }
0x449: {  	v1 =	vsel vm5, s29, v1;
	(v2sf) =	vpush v46, $0xF;
	vm3 =	vmmov $0x3;
	v52, _, _ =	vpop (xrf0)  }
0x44a: {  	v0 =	vsel vm3, v50, v10;
	vm3 =	vmmov $0x7;
	(v2sf) =	vpush v52, $0xF  }
0x44b: {  	s7 =	sxor.u32 $0x80000000, s30;
	vm5 =	vcmask $0x2F2C;
	v0 =	vsel vm3, v0, v9;
	vm3 =	vmmov $0xf  }
0x44c: {  	v1 =	vsel vm5, s7, v1;
	v0 =	vsel vm3, v0, v7;
	vm3 =	vmmov $0x1f  }
0x44d: {  	s12 =	sxor.u32 $0x80000000, s31;
	vm5 =	vcmask $0x3330;
	v0 =	vsel vm3, v0, v21;
	vm3 =	vmmov $0x3f  }
0x44e: {  	v1 =	vsel vm5, s12, v1;
	v0 =	vsel vm3, v0, v26;
	vm3 =	vmmov $0x7f  }
0x44f: {  	v56 =	vld [tilespmem:$0x1FFF0];
	s20 =	sxor.u32 $0x80000000, s6;
	vm5 =	vcmask $0x3734;
	v0 =	vsel vm3, v0, v25;
	vm3 =	vmmov $0xff  }
0x450: {  	v1 =	vsel vm5, s20, v1;
	v0 =	vsel vm3, v0, v34;
	vm3 =	vmmov $0x1ff  }
0x451: {  	s0 =	sxor.u32 $0x80000000, s0;
	vm5 =	vcmask $0x3B38;
	v0 =	vsel vm3, v0, v19;
	vm3 =	vmmov $0x3ff  }
0x452: {  	v1 =	vsel vm5, s0, v1;
	v0 =	vsel vm3, v0, v30;
	vm3 =	vmmov $0x7ff  }
0x453: {  	vm5 =	veq.s32 v53, $0x0;
	v0 =	vsel vm3, v0, v29;
	vm3 =	vmmov $0xfff  }
0x454: {  	s21 =	spop (v2sf);
	v57 =	vsub.s32 v1, v56;
	v0 =	vsel vm3, v0, v17;
	vm3 =	vmmov $0x1fff  }
0x455: {  	s0 =	sxor.u32 $0x80000000, s21;
	v59 =	vand.u32 $0x7F, v1;
	v0 =	vsel vm3, v0, v15;
	vm3 =	vmmov $0x3fff  }
0x456: {  	v60 =	vsel vm5, s0, v56;
	v0 =	vsel vm3, v0, v16;
	vm3 =	vmmov $0x7fff  }
0x457: {  	s22 =	spop (v2sf);
	v58 =	vand.u32 $0xFFFFFF80, v57;
	v0 =	vsel vm3, v0, v11;
	vm3 =	vcmask $0x310  }
0x458: {  	s24 =	sxor.u32 $0x80000000, s22;
	v3 =	vor.u32 v59, v58;
	s23 =	spop (v2sf);
	v2 =	vsel vm3, v55, v2;
	vm3 =	vcmask $0x710  }
0x459: {  	[tilespmem:$0x5200] =	vst v1;
	v61 =	vsel vm6, s24, v60;
	s26 =	sxor.u32 $0x80000000, s23;
	v2 =	vsel vm3, v2, v18;
	vm3 =	veq.s32 v53, $0x2;
	s28 =	spop (v2sf)  }
0x45a: {  	[tilespmem:$0x5080] =	vst v0;
	v2 =	vsel vm4, v2, v4;
	v62 =	vsel vm3, s26, v61;
	vm3 =	veq.s32 v53, $0x3;
	s29 =	sxor.u32 $0x80000000, s28  }
0x45b: {  	[tilespmem:$0x5090] =	vst v2;
	v0 =	vsel vm3, s29, v62  }
0x45c: {  	[tilespmem:$0x5210] =	vst v0  }
0x45d: {  	v1 =	vld.idx.msk [tilespmem:v3+s3+$0x0], $0xffff;
	_ =	sdelay $0x4  }
0x45e: {  	[tilespmem:$0x50A0] =	vst v1  }
0x45f: {  	v1 =	vld.idx.msk [tilespmem:v3+s15+$0x0], $0xffff;
	_ =	sdelay $0x4  }
0x460: {  	[tilespmem:$0x50C0] =	vst v1  }
0x461: {  	v1 =	vld.idx.msk [tilespmem:v3+s16+$0x0], $0xffff;
	_ =	sdelay $0x4  }
0x462: {  	[tilespmem:$0x50E0] =	vst v1  }
0x463: {  	v1 =	vld.idx.msk [tilespmem:v3+s17+$0x0], $0xffff;
	_ =	sdelay $0x4  }
0x464: {  	v63 =	vsub.s32 v0, v56;
	[tilespmem:$0x5100] =	vst v1  }
0x465: {  	v0 =	vand.u32 $0x7F, v0;
	v1 =	vand.u32 $0xFFFFFF80, v63;
	v2 =	vld.idx.msk [tilespmem:v3+s18+$0x0], $0xffff  }
0x466: {  	v0 =	vor.u32 v0, v1;
	_ =	sdelay $0x3  }
0x467: {  	[tilespmem:$0x5120] =	vst v2  }
0x468: {  	v1 =	vld.idx.msk [tilespmem:v0+s3+$0x0], $0xffff;
	_ =	sdelay $0x4  }
0x469: {  	[tilespmem:$0x50B0] =	vst v1  }
0x46a: {  	v1 =	vld.idx.msk [tilespmem:v0+s15+$0x0], $0xffff;
	_ =	sdelay $0x4  }
0x46b: {  	[tilespmem:$0x50D0] =	vst v1  }
0x46c: {  	v1 =	vld.idx.msk [tilespmem:v0+s16+$0x0], $0xffff;
	_ =	sdelay $0x4  }
0x46d: {  	[tilespmem:$0x50F0] =	vst v1  }
0x46e: {  	v1 =	vld.idx.msk [tilespmem:v0+s17+$0x0], $0xffff;
	_ =	sdelay $0x4  }
0x46f: {  	[tilespmem:$0x5110] =	vst v1  }
0x470: {  	v0 =	vld.idx.msk [tilespmem:v0+s18+$0x0], $0xffff;
	_ =	sdelay $0x4  }
0x471: {  	s30 =	simm.s32 $0x5080;
	[tilespmem:$0x5130] =	vst v0  }
0x472: {  	[spmem:s10] =	stream.linear.scatter [tilespmem:s30], [sflag:$0x1], $0x180, $0x38;
	[tilespmem:$0x61A0] =	vst v63  }
0x473: {  	_ =	swait.ge [sflag:s14], $0x180  }
0x474: {  	[sflag:s14] =	ssyncset.done $0x0  }
0x475: {  	s31 =	simm.s32 $0x5200;
	[sflag:s14] =	ssyncadd.s32 $0xFFFFFE80  }
0x476: {  	[spmem:s11] =	stream.linear.scatter [tilespmem:s31], [sflag:$0x1], $0x20, $0x38;
	[tilespmem:$0x61A0] =	vst v63  }
.Ltmp8:
0x477: {  	_ =	swait.ge [sflag:s14], $0x20;
	(pc) =	sbr.rel @p0 .LBB2_15-.Ltmp8, $4  }
0x478: {  	[sflag:s14] =	ssyncset.done $0x0  }
0x479: {  	[sflag:s14] =	ssyncadd.s32 $0xFFFFFFE0  }
0x47a: {  	[bflag:$0x0] =	sbarrier.arrive $0xFFFF  }
0x47b: {  	v19 =	vlaneseq.u32  }
0x47c: {  	s0 =	simm.s32 $0x5280  }
0x47d: {  	[tilespmem:s0], [sflag:$0x1] =	stream.linear.gather [spmem:s10], $0xC00, $0x38;
	[tilespmem:$0x61A0] =	vst v63  }
0x47e: {  	_ =	swait.ge [sflag:s14], $0xC00  }
0x47f: {  	[sflag:s14] =	ssyncset.done $0x0  }
0x480: {  	s20 =	simm.s32 $0x5E80;
	[sflag:s14] =	ssyncadd.s32 $0xFFFFF400  }
0x481: {  	[tilespmem:s20], [sflag:$0x1] =	stream.linear.gather [spmem:s11], $0x100, $0x38;
	[tilespmem:$0x61A0] =	vst v63  }
0x482: {  	_ =	swait.ge [sflag:s14], $0x100  }
0x483: {  	[sflag:s14] =	ssyncset.done $0x0  }
0x484: {  	[sflag:s14] =	ssyncadd.s32 $0xFFFFFF00  }
0x485: {  	v0 =	vld [tilespmem:$0x5280]  }
0x486: {  	v1 =	vld [tilespmem:$0x5E80]  }
0x487: {  	v2 =	vld [tilespmem:$0x52A0]  }
0x488: {  	v3 =	vld [tilespmem:$0x52C0]  }
0x489: {  	v4 =	vld [tilespmem:$0x52E0]  }
0x48a: {  	v5 =	vld [tilespmem:$0x5300]  }
0x48b: {  	v6 =	vld [tilespmem:$0x5320]  }
0x48c: {  	v7 =	vld [tilespmem:$0x5290]  }
0x48d: {  	v8 =	vld [tilespmem:$0x5E90]  }
0x48e: {  	v9 =	vld [tilespmem:$0x52B0]  }
0x48f: {  	v10 =	vld [tilespmem:$0x52D0]  }
0x490: {  	v11 =	vld [tilespmem:$0x52F0]  }
0x491: {  	v12 =	vld [tilespmem:$0x5310]  }
0x492: {  	v13 =	vld [tilespmem:$0x5330]  }
0x493: {  	v14 =	vld [tilespmem:$0x5400]  }
0x494: {  	v15 =	vld [tilespmem:$0x5EA0]  }
0x495: {  	v16 =	vld [tilespmem:$0x5420]  }
0x496: {  	v17 =	vld [tilespmem:$0x5440]  }
0x497: {  	v18 =	vld [tilespmem:$0x5460]  }
0x498: {  	v19 =	vld [tilespmem:$0x5480]  }
0x499: {  	v20 =	vld [tilespmem:$0x54A0]  }
0x49a: {  	v21 =	vld [tilespmem:$0x5410]  }
0x49b: {  	v22 =	vld [tilespmem:$0x5EB0]  }
0x49c: {  	v23 =	vld [tilespmem:$0x5430]  }
0x49d: {  	v24 =	vld [tilespmem:$0x5450]  }
0x49e: {  	v25 =	vld [tilespmem:$0x5470]  }
0x49f: {  	v26 =	vld [tilespmem:$0x5490]  }
0x4a0: {  	v27 =	vld [tilespmem:$0x54B0]  }
0x4a1: {  	v28 =	vld [tilespmem:$0x5580]  }
0x4a2: {  	v29 =	vld [tilespmem:$0x5EC0]  }
0x4a3: {  	v30 =	vld [tilespmem:$0x55A0]  }
0x4a4: {  	v31 =	vld [tilespmem:$0x55C0]  }
0x4a5: {  	v32 =	vld [tilespmem:$0x55E0]  }
0x4a6: {  	v33 =	vld [tilespmem:$0x5600]  }
0x4a7: {  	v34 =	vld [tilespmem:$0x5620]  }
0x4a8: {  	v35 =	vld [tilespmem:$0x5590]  }
0x4a9: {  	v36 =	vld [tilespmem:$0x5ED0]  }
0x4aa: {  	v37 =	vld [tilespmem:$0x55B0]  }
0x4ab: {  	v38 =	vld [tilespmem:$0x55D0]  }
0x4ac: {  	v39 =	vld [tilespmem:$0x55F0]  }
0x4ad: {  	v40 =	vld [tilespmem:$0x5610]  }
0x4ae: {  	v41 =	vld [tilespmem:$0x5630]  }
0x4af: {  	v42 =	vld [tilespmem:$0x5700]  }
0x4b0: {  	v43 =	vld [tilespmem:$0x5EE0]  }
0x4b1: {  	v44 =	vld [tilespmem:$0x5720]  }
0x4b2: {  	v45 =	vld [tilespmem:$0x5740]  }
0x4b3: {  	v46 =	vld [tilespmem:$0x5760]  }
0x4b4: {  	v48 =	vimm.s32 $0x0;
	v58 =	vimm.s32 $0x0;
	vm7 =	vmxor vm7, vm7;
	v47 =	vld [tilespmem:$0x5780]  }
0x4b5: {  	vm4 =	vcmask $0x3F10;
	v48 =	vsel vm6, $0xFFFFFFFF, v48;
	v53 =	vld [tilespmem:$0x57A0];
	vm3 =	vgt.f32 v0, $-1.000000000e+00  }
0x4b6: {  	vm15 =	vmmov vm7;
	v54 =	vld [tilespmem:$0x5880];
	v0 =	vnsel vm3, $0xBF800000, v0;
	v1 =	vnsel vm3, $0x0, v1  }
0x4b7: {  	v55 =	vld [tilespmem:$0x5710];
	v2 =	vnsel vm3, $0x0, v2;
	v3 =	vnsel vm3, $0x0, v3;
	v4 =	vnsel vm3, $0x0, v4  }
0x4b8: {  	v56 =	vld [tilespmem:$0x5D00];
	v5 =	vnsel vm3, $0x0, v5;
	v6 =	vnsel vm3, $0x0, v6;
	vm3 =	vgt.f32 v7, $-1.000000000e+00  }
0x4b9: {  	v57 =	vld [tilespmem:$0x5790];
	vm6 =	vgt.f32 v14, v0;
	v7 =	vnsel vm3, $0xBF800000, v7;
	v8 =	vnsel vm3, $0x0, v8  }
0x4ba: {  	v59 =	vld [tilespmem:$0x58A0];
	v9 =	vnsel vm3, $0x0, v9;
	v10 =	vnsel vm3, $0x0, v10;
	v11 =	vnsel vm3, $0x0, v11  }
0x4bb: {  	v60 =	vld [tilespmem:$0x58C0];
	v12 =	vnsel vm3, $0x0, v12;
	v13 =	vnsel vm3, $0x0, v13;
	v0 =	vsel vm6, v14, v0  }
0x4bc: {  	v62 =	vld [tilespmem:$0x58E0];
	v1 =	vsel vm6, v15, v1;
	v2 =	vsel vm6, v16, v2;
	v3 =	vsel vm6, v17, v3  }
0x4bd: {  	v63 =	vld [tilespmem:$0x5900];
	v4 =	vsel vm6, v18, v4;
	v5 =	vsel vm6, v19, v5;
	vm12 =	vgt.f32 v21, v7  }
0x4be: {  	v50 =	vld [tilespmem:$0x5A10];
	v6 =	vsel vm6, v20, v6;
	vm10 =	vgt.f32 v28, v0;
	v7 =	vsel vm12, v21, v7  }
0x4bf: {  	v51 =	vld [tilespmem:$0x5F30];
	v8 =	vsel vm12, v22, v8;
	v9 =	vsel vm12, v23, v9;
	v10 =	vsel vm12, v24, v10  }
0x4c0: {  	[tilespmem:$0x1FCA0] =	vst v48;
	v48 =	vld [tilespmem:$0x5A60];
	v11 =	vsel vm12, v25, v11;
	v12 =	vsel vm12, v26, v12;
	v13 =	vsel vm12, v27, v13  }
0x4c1: {  	v16 =	vld [tilespmem:$0x5A00];
	v0 =	vsel vm10, v28, v0;
	v1 =	vsel vm10, v29, v1;
	v61 =	vsel vm10, v30, v2  }
0x4c2: {  	v17 =	vld [tilespmem:$0x5EF0];
	v3 =	vsel vm10, v31, v3;
	v4 =	vsel vm10, v32, v4;
	vm3 =	vgt.f32 v35, v7  }
0x4c3: {  	v18 =	vld [tilespmem:$0x5B80];
	v5 =	vsel vm10, v33, v5;
	v6 =	vsel vm10, v34, v6;
	vm9 =	vgt.f32 v42, v0  }
0x4c4: {  	v19 =	vld [tilespmem:$0x5730];
	v7 =	vsel vm3, v35, v7;
	v8 =	vsel vm3, v36, v8;
	v9 =	vsel vm3, v37, v9  }
0x4c5: {  	v20 =	vld [tilespmem:$0x5750];
	v10 =	vsel vm3, v38, v10;
	v11 =	vsel vm3, v39, v11;
	v12 =	vsel vm3, v40, v12  }
0x4c6: {  	v22 =	vld [tilespmem:$0x5F00];
	v13 =	vsel vm3, v41, v13;
	v35 =	vimm.s32 $0x0;
	v0 =	vsel vm9, v42, v0  }
0x4c7: {  	v26 =	vld [tilespmem:$0x5920];
	v42 =	vimm.s32 $0x0;
	v1 =	vsel vm9, v43, v1;
	v23 =	vsel vm9, v44, v61  }
0x4c8: {  	v37 =	vld [tilespmem:$0x5890];
	v45 =	vsel vm9, v45, v3;
	v46 =	vsel vm9, v46, v4;
	v49 =	vsel vm9, v47, v5  }
0x4c9: {  	v40 =	vld [tilespmem:$0x5F10];
	v34 =	vsel vm9, v53, v6;
	vm3 =	vgt.f32 v55, v7;
	vm8 =	vgt.f32 v54, v0  }
0x4ca: {  	v44 =	vld [tilespmem:$0x5F20];
	v15 =	vsel vm3, v55, v7;
	v17 =	vsel vm3, v17, v8;
	v0 =	vsel vm8, v54, v0  }
0x4cb: {  	v52 =	vsel vm3, v19, v9;
	v19 =	vld [tilespmem:$0x5F40];
	v53 =	vsel vm3, v20, v10;
	vm11 =	vgt.f32 v16, v0  }
0x4cc: {  	v55 =	vsel vm3, v57, v12;
	v20 =	vld [tilespmem:$0x5A40];
	v1 =	vsel vm8, v22, v1;
	v0 =	vsel vm11, v16, v0  }
0x4cd: {  	v60 =	vsel vm8, v60, v45;
	v62 =	vsel vm8, v62, v46;
	v45 =	vld [tilespmem:$0x58F0];
	vm1 =	vgt.f32 v18, v0  }
0x4ce: {  	v63 =	vsel vm8, v63, v49;
	v49 =	vld [tilespmem:$0x5A80];
	vm13 =	vgt.f32 v37, v15;
	v0 =	vsel vm1, v18, v0  }
0x4cf: {  	v16 =	vld [tilespmem:$0x5770];
	v1 =	vsel vm11, v44, v1;
	v18 =	vimm.s32 $0x0;
	vm0 =	vgt.f32 v56, v0  }
0x4d0: {  	v1 =	vsel vm1, v19, v1;
	v19 =	vld [tilespmem:$0x5A20];
	v18 =	vsel vm1, $0xFFFFFFFF, v18;
	v0 =	vsel vm0, v56, v0  }
0x4d1: {  	v24 =	vsel vm8, v26, v34;
	v21 =	vsel vm13, v37, v15;
	[tilespmem:$0x1FC70] =	vst v18;
	v18 =	vld [tilespmem:$0x57B0];
	vm12 =	vgt.f32 v0, $5.000000000e-01  }
0x4d2: {  	v3 =	vsel vm11, v48, v62;
	vm10 =	vgt.f32 v50, v21;
	v56 =	vld [tilespmem:$0x5B90];
	v2 =	vsel vm12, $0x1, v42  }
0x4d3: {  	v14 =	vsel vm0, $0xFFFFFFFF, v58;
	v58 =	vsel vm8, v59, v23;
	v59 =	vld [tilespmem:$0x5F60];
	(v2sf) =	vpush v2, $0x0  }
0x4d4: {  	v61 =	vld [tilespmem:$0x5F50];
	v5 =	vsel vm11, v20, v60;
	v6 =	vsel vm11, v49, v63;
	v54 =	vsel vm3, v16, v11  }
0x4d5: {  	[tilespmem:$0x1FC80] =	vst v14;
	v16 =	vsel vm13, v40, v17;
	v14 =	vsel vm10, v50, v21;
	(v2sf) =	vpush v2, $0x1  }
0x4d6: {  	v16 =	vsel vm10, v51, v16;
	v7 =	vsel vm13, v45, v54;
	(v2sf) =	vpush v2, $0x2  }
0x4d7: {  	v9 =	vsel vm11, v19, v58;
	v57 =	vsel vm3, v18, v13;
	vm9 =	vgt.f32 v56, v14  }
0x4d8: {  	v22 =	vld [tilespmem:$0x5D10];
	v13 =	vsel vm0, v59, v1;
	vm3 =	vmmov vm7;
	(v2sf) =	vpush v2, $0x3  }
0x4d9: {  	v17 =	vld [tilespmem:$0x5F70];
	v18 =	vbroadcast v13, $0x0;
	v0 =	vsel vm9, v61, v16;
	v16 =	vbroadcast v13, $0x1  }
0x4da: {  	v23 =	vsel vm9, v56, v14;
	v26 =	vbroadcast v13, $0x2;
	v27 =	vbroadcast v13, $0x3  }
0x4db: {  	v47 =	vld [tilespmem:$0x5930];
	v28 =	vbroadcast v13, $0x4;
	v29 =	vbroadcast v13, $0x5;
	(v2sf) =	vpush v2, $0x4  }
0x4dc: {  	v50 =	vld [tilespmem:$0x5AA0];
	v30 =	vbroadcast v13, $0x6;
	v31 =	vbroadcast v13, $0x7;
	(v2sf) =	vpush v2, $0x5  }
0x4dd: {  	v32 =	vbroadcast v13, $0x8;
	v33 =	vbroadcast v13, $0x9;
	vm8 =	vgt.f32 v22, v23  }
0x4de: {  	v34 =	vbroadcast v13, $0xA;
	v36 =	vbroadcast v13, $0xB;
	v25 =	vsel vm8, v17, v0;
	v17 =	vld [tilespmem:$0x58D0]  }
0x4df: {  	v19 =	vld [tilespmem:$0x5A50];
	vm0 =	vcmask $0x3F04;
	v37 =	vbroadcast v13, $0xC;
	v38 =	vbroadcast v13, $0xD  }
0x4e0: {  	v48 =	vld [tilespmem:$0x5BD0];
	v39 =	vbroadcast v13, $0xE;
	v40 =	vbroadcast v13, $0xF;
	v8 =	vsel vm13, v47, v57  }
0x4e1: {  	v4 =	vsel vm11, v50, v24;
	vm14 =	veq.s32 v13, v18;
	v1 =	vsel vm8, v22, v23  }
0x4e2: {  	vm1 =	veq.s32 v13, v16;
	vm2 =	veq.s32 v25, v18;
	v41 =	vbroadcast v25, $0x0;
	s21 =	spop (v2sf)  }
0x4e3: {  	v43 =	vbroadcast v25, $0x1;
	v46 =	vbroadcast v25, $0x2;
	v15 =	vsel vm13, v17, v53;
	p1 =	sne.s32 s21, $0x0  }
0x4e4: {  	v15 =	vsel vm10, v19, v15;
	s22 =	spop (v2sf);
	(v2sf) =	vpush v2, $0x6;
	vm3 =	vmneg @p1 vm3  }
0x4e5: {  	v15 =	vsel vm9, v48, v15;
	p1 =	sne.s32 s22, $0x0;
	s23 =	spop (v2sf);
	(v2sf) =	vpush v2, $0x7;
	vm14 =	vmand vm14, vm3  }
0x4e6: {  	vm15 =	vmneg @p1 vm15;
	vm2 =	vmand vm3, vm2;
	vm3 =	veq.s32 v25, v16  }
0x4e7: {  	vm14 =	vmand vm14, vm0;
	vm1 =	vmand vm1, vm15;
	vm0 =	vcmask $0x3F08  }
0x4e8: {  	s24 =	spop (v2sf);
	(v2sf) =	vpush v2, $0x8;
	vm3 =	vmand vm15, vm3;
	vm1 =	vmand vm1, vm0  }
0x4e9: {  	p1 =	sne.s32 s23, $0x0;
	vm15 =	veq.s32 v13, v26;
	vm1 =	vmor vm14, vm1;
	vm14 =	vmmov vm7  }
0x4ea: {  	s26 =	spop (v2sf);
	(v2sf) =	vpush v2, $0x9;
	vm2 =	vmor vm2, vm3;
	vm14 =	vmneg @p1 vm14  }
0x4eb: {  	vm0 =	vcmask $0x3F0C;
	s28 =	spop (v2sf);
	(v2sf) =	vpush v2, $0xA;
	vm3 =	vmand vm15, vm14  }
0x4ec: {  	vm15 =	veq.s32 v25, v26;
	vm3 =	vmand vm3, vm0;
	vm0 =	veq.s32 v25, v27  }
0x4ed: {  	p1 =	sne.s32 s24, $0x0;
	vm1 =	vmor vm3, vm1;
	vm3 =	vmand vm14, vm15;
	vm15 =	vmmov vm7  }
0x4ee: {  	vm14 =	veq.s32 v13, v27;
	vm15 =	vmneg @p1 vm15;
	vm2 =	vmor vm3, vm2  }
0x4ef: {  	p1 =	sne.s32 s26, $0x0;
	vm3 =	vmand vm14, vm15;
	vm0 =	vmand vm15, vm0;
	vm14 =	vmmov vm7  }
0x4f0: {  	vm15 =	veq.s32 v13, v28;
	vm14 =	vmneg @p1 vm14;
	vm3 =	vmand vm3, vm4  }
0x4f1: {  	vm0 =	vmor vm0, vm2;
	vm2 =	vcmask $0x3F14;
	vm4 =	vcmask $0x3F18  }
0x4f2: {  	p1 =	sne.s32 s28, $0x0;
	vm15 =	vmand vm15, vm14;
	vm1 =	vmor vm3, vm1;
	vm3 =	vmmov vm7  }
0x4f3: {  	vm2 =	vmand vm15, vm2;
	vm3 =	vmneg @p1 vm3;
	vm15 =	veq.s32 v25, v28  }
0x4f4: {  	vm1 =	vmor vm2, vm1;
	vm2 =	veq.s32 v13, v29;
	vm14 =	vmand vm14, vm15  }
0x4f5: {  	s29 =	spop (v2sf);
	(v2sf) =	vpush v2, $0xB;
	vm15 =	vmmov vm7;
	vm2 =	vmand vm2, vm3  }
0x4f6: {  	vm0 =	vmor vm14, vm0;
	p1 =	sne.s32 s29, $0x0;
	vm14 =	vmmov vm7;
	s30 =	spop (v2sf);
	(v2sf) =	vpush v2, $0xC  }
0x4f7: {  	vm2 =	vmand vm2, vm4;
	vm14 =	vmneg @p1 vm14;
	s31 =	spop (v2sf);
	(v2sf) =	vpush v2, $0xD  }
0x4f8: {  	p1 =	sne.s32 s30, $0x0;
	vm4 =	vcmask $0x3F24;
	vm1 =	vmor vm2, vm1;
	vm2 =	veq.s32 v25, v29  }
0x4f9: {  	vm15 =	vmneg @p1 vm15;
	vm2 =	vmand vm3, vm2;
	vm3 =	veq.s32 v13, v30  }
0x4fa: {  	vm3 =	vmand vm3, vm14;
	vm0 =	vmor vm2, vm0;
	vm2 =	vcmask $0x3F1C  }
0x4fb: {  	(v2sf) =	vpush v2, $0xE;
	vm2 =	vmand vm3, vm2;
	vm3 =	veq.s32 v25, v30  }
0x4fc: {  	(v2sf) =	vpush v2, $0xF;
	v2 =	vsel vm5, $0xFFFFFFFF, v35;
	vm3 =	vmand vm14, vm3  }
0x4fd: {  	vm14 =	veq.s32 v13, v31;
	vm1 =	vmor vm2, vm1;
	vm2 =	vcmask $0x3F20  }
0x4fe: {  	p1 =	sne.s32 s31, $0x0;
	vm14 =	vmand vm14, vm15;
	vm0 =	vmor vm3, vm0;
	vm3 =	vmmov vm7  }
0x4ff: {  	vm5 =	vcmask $0x3F2C;
	vm2 =	vmand vm14, vm2;
	vm3 =	vmneg @p1 vm3  }
0x500: {  	s1 =	spop (v2sf);
	vm14 =	veq.s32 v25, v31;
	vm1 =	vmor vm2, vm1;
	vm2 =	veq.s32 v13, v32  }
0x501: {  	p1 =	sne.s32 s1, $0x0;
	vm14 =	vmand vm15, vm14;
	vm15 =	vmmov vm7;
	vm2 =	vmand vm2, vm3  }
0x502: {  	vm0 =	vmor vm14, vm0;
	vm15 =	vmneg @p1 vm15;
	vm14 =	vgt.f32 v1, $5.000000000e-01  }
0x503: {  	vm2 =	vmand vm2, vm4;
	vm4 =	vcmask $0x3F28;
	v1 =	vsel vm14, $0x1, v42  }
0x504: {  	vm1 =	vmor vm2, vm1;
	vm2 =	veq.s32 v25, v32;
	(v2sf) =	vpush v1, $0x0  }
0x505: {  	s5 =	spop (v2sf);
	vm2 =	vmand vm3, vm2;
	vm3 =	veq.s32 v13, v33;
	(v2sf) =	vpush v1, $0x1  }
0x506: {  	p1 =	sne.s32 s5, $0x0;
	vm3 =	vmand vm3, vm15;
	vm0 =	vmor vm2, vm0;
	vm2 =	vmmov vm7  }
0x507: {  	s6 =	spop (v2sf);
	(v2sf) =	vpush v1, $0x2;
	vm3 =	vmand vm3, vm4;
	vm2 =	vmneg @p1 vm2  }
0x508: {  	vm4 =	veq.s32 v25, v33;
	vm1 =	vmor vm3, vm1;
	vm3 =	veq.s32 v13, v34  }
0x509: {  	s7 =	spop (v2sf);
	(v2sf) =	vpush v1, $0x3;
	vm4 =	vmand vm15, vm4;
	vm3 =	vmand vm3, vm2  }
0x50a: {  	vm15 =	veq.s32 v25, v36;
	vm0 =	vmor vm4, vm0;
	vm3 =	vmand vm3, vm5  }
0x50b: {  	p1 =	sne.s32 s6, $0x0;
	vm4 =	vmmov vm7;
	vm1 =	vmor vm3, vm1;
	vm3 =	veq.s32 v25, v34  }
0x50c: {  	vm4 =	vmneg @p1 vm4;
	vm2 =	vmand vm2, vm3;
	vm3 =	veq.s32 v13, v36  }
0x50d: {  	vm5 =	vcmask $0x3F30;
	vm0 =	vmor vm2, vm0;
	vm2 =	vmand vm3, vm4  }
0x50e: {  	p1 =	sne.s32 s7, $0x0;
	vm3 =	vmand vm4, vm15;
	vm4 =	vmmov vm7;
	vm15 =	veq.s32 v13, v37  }
0x50f: {  	vm4 =	vmneg @p1 vm4;
	vm2 =	vmand vm2, vm5;
	vm0 =	vmor vm3, vm0  }
0x510: {  	s12 =	spop (v2sf);
	vm15 =	vmand vm15, vm4;
	vm1 =	vmor vm2, vm1;
	vm2 =	vcmask $0x3F34  }
0x511: {  	p1 =	sne.s32 s12, $0x0;
	vm3 =	vmmov vm7;
	vm5 =	veq.s32 v13, v38;
	vm2 =	vmand vm15, vm2  }
0x512: {  	vm3 =	vmneg @p1 vm3;
	vm15 =	veq.s32 v25, v37;
	vm1 =	vmor vm2, vm1  }
0x513: {  	vm2 =	vmand vm4, vm15;
	vm4 =	vmand vm5, vm3;
	vm5 =	vcmask $0x3F38  }
0x514: {  	s20 =	spop (v2sf);
	vm4 =	vmand vm4, vm5;
	vm5 =	veq.s32 v25, v38;
	vm0 =	vmor vm2, vm0  }
0x515: {  	p1 =	sne.s32 s20, $0x0;
	vm15 =	vmor vm4, vm1;
	vm1 =	vmand vm3, vm5;
	vm3 =	vmmov vm7  }
0x516: {  	s1 =	spop (v2sf);
	vm2 =	veq.s32 v25, v39;
	vm4 =	vmmov vm7;
	vm3 =	vmneg @p1 vm3  }
0x517: {  	s21 =	spop (v2sf);
	vm5 =	vmmov vm7;
	p1 =	sne.s32 s1, $0x0;
	vm0 =	vmor vm1, vm0;
	vm1 =	vmand vm3, vm2  }
0x518: {  	s22 =	spop (v2sf);
	vm4 =	vmneg @p1 vm4;
	p1 =	sne.s32 s21, $0x0;
	vm2 =	veq.s32 v25, v40;
	vm6 =	vmor vm1, vm0  }
0x519: {  	v18 =	vld [tilespmem:$0x5910];
	vm1 =	vmand vm4, vm2;
	vm5 =	vmneg @p1 vm5;
	p1 =	sne.s32 s22, $0x0;
	vm2 =	vmmov vm7  }
0x51a: {  	vm4 =	veq.s32 v25, v41;
	vm0 =	veq.s32 v25, v43;
	vm2 =	vmneg @p1 vm2  }
0x51b: {  	vm4 =	vmand vm4, vm5;
	vm0 =	vmand vm0, vm2;
	vm2 =	vcmask $0x3F04  }
0x51c: {  	v20 =	vld [tilespmem:$0x5A90];
	v16 =	vbroadcast v25, $0x3;
	vm1 =	vmor vm1, vm6;
	vm2 =	vmand vm4, vm2  }
0x51d: {  	vm4 =	veq.s32 v13, v39;
	vm1 =	vmor vm2, vm1;
	vm2 =	vcmask $0x3F08  }
0x51e: {  	[tilespmem:$0x1FC90] =	vst v2;
	v2 =	vsel vm13, v18, v55;
	s23 =	spop (v2sf);
	vm3 =	vmand vm4, vm3;
	vm0 =	vmand vm0, vm2  }
0x51f: {  	v44 =	vld [tilespmem:$0x58B0];
	p1 =	sne.s32 s23, $0x0;
	vm2 =	vmmov vm7;
	vm0 =	vmor vm0, vm1;
	vm1 =	vcmask $0x3F3C  }
0x520: {  	s24 =	spop (v2sf);
	vm4 =	veq.s32 v25, v46;
	vm2 =	vmneg @p1 vm2;
	vm1 =	vmand vm3, vm1  }
0x521: {  	v2 =	vsel vm10, v20, v2;
	p1 =	sne.s32 s24, $0x0;
	vm2 =	vmand vm4, vm2;
	vm1 =	vmor vm1, vm15  }
0x522: {  	vm4 =	vcmask $0x3F0C;
	vm7 =	vmneg @p1 vm7;
	vm1 =	vmneg vm1  }
0x523: {  	vm3 =	vcmask $0x3F10;
	vm2 =	vmand vm2, vm4;
	vm12 =	vmand vm12, vm1  }
0x524: {  	vm4 =	veq.s32 v25, v16;
	v16 =	vsel vm13, v44, v52;
	v10 =	vnsel vm12, $0x40000000, v13  }
0x525: {  	vm0 =	vmor vm2, vm0;
	v51 =	vbroadcast v10, $0x0;
	v52 =	vbroadcast v10, $0x1  }
0x526: {  	vm2 =	vmand vm4, vm7;
	v54 =	vbroadcast v10, $0x2;
	v17 =	vbroadcast v10, $0x3  }
0x527: {  	vm2 =	vmand vm2, vm3;
	v59 =	vbroadcast v10, $0x4;
	v21 =	vbroadcast v10, $0x6  }
0x528: {  	vm0 =	vmor vm2, vm0;
	v23 =	vbroadcast v10, $0x7;
	v27 =	vbroadcast v10, $0x9  }
0x529: {  	vm0 =	vmneg vm0;
	v29 =	vbroadcast v10, $0xA;
	v18 =	vbroadcast v10, $0xC  }
0x52a: {  	v36 =	vbroadcast v10, $0xE;
	vm11 =	vmand vm14, vm0;
	vm0 =	vgt.s32 v10, v51  }
0x52b: {  	v39 =	vbroadcast v10, $0xF;
	v11 =	vnsel vm11, $0x40000000, v25;
	v53 =	vsel vm0, $0x1, v42  }
0x52c: {  	vm0 =	vgt.s32 v11, v51;
	vm1 =	vgt.s32 v11, v52;
	v43 =	vbroadcast v11, $0x0  }
0x52d: {  	v47 =	vbroadcast v11, $0x1;
	v55 =	vsel vm0, $0x1, v42;
	vm0 =	vgt.s32 v10, v52  }
0x52e: {  	v57 =	vsel vm1, $0x1, v42;
	v52 =	vbroadcast v11, $0x2;
	v56 =	vsel vm0, $0x1, v42  }
0x52f: {  	vm0 =	vgt.s32 v10, v54;
	v13 =	vadd.s32 v57, v55;
	v57 =	vbroadcast v11, $0x3  }
0x530: {  	v1 =	vadd.s32 v56, v53;
	v58 =	vsel vm0, $0x1, v42;
	vm0 =	vgt.s32 v11, v54  }
0x531: {  	v1 =	vadd.s32 v58, v1;
	v0 =	vsel vm0, $0x1, v42;
	vm0 =	vgt.s32 v10, v17  }
0x532: {  	v0 =	vadd.s32 v0, v13;
	v60 =	vsel vm0, $0x1, v42;
	vm0 =	vgt.s32 v11, v17  }
0x533: {  	v17 =	vbroadcast v10, $0x5;
	v61 =	vsel vm0, $0x1, v42;
	vm0 =	vgt.s32 v10, v59  }
0x534: {  	v1 =	vadd.s32 v60, v1;
	v62 =	vsel vm0, $0x1, v42;
	vm0 =	vgt.s32 v11, v59  }
0x535: {  	v0 =	vadd.s32 v61, v0;
	v12 =	vsel vm0, $0x1, v42;
	vm0 =	vgt.s32 v10, v17  }
0x536: {  	v1 =	vadd.s32 v62, v1;
	v63 =	vsel vm0, $0x1, v42;
	vm0 =	vgt.s32 v11, v17  }
0x537: {  	v0 =	vadd.s32 v12, v0;
	v22 =	vsel vm0, $0x1, v42;
	vm0 =	vgt.s32 v10, v21  }
0x538: {  	v17 =	vbroadcast v10, $0x8;
	v24 =	vsel vm0, $0x1, v42;
	vm0 =	vgt.s32 v11, v21  }
0x539: {  	v1 =	vadd.s32 v63, v1;
	v14 =	vsel vm0, $0x1, v42;
	vm0 =	vgt.s32 v10, v23  }
0x53a: {  	v0 =	vadd.s32 v22, v0;
	v25 =	vsel vm0, $0x1, v42;
	vm0 =	vgt.s32 v11, v23  }
0x53b: {  	v1 =	vadd.s32 v24, v1;
	v13 =	vsel vm0, $0x1, v42;
	vm0 =	vgt.s32 v10, v17  }
0x53c: {  	v0 =	vadd.s32 v14, v0;
	v1 =	vadd.s32 v25, v1;
	v26 =	vsel vm0, $0x1, v42  }
0x53d: {  	v0 =	vadd.s32 v13, v0;
	vm0 =	vgt.s32 v11, v17;
	v17 =	vbroadcast v10, $0xB  }
0x53e: {  	v1 =	vadd.s32 v26, v1;
	v28 =	vsel vm0, $0x1, v42;
	vm0 =	vgt.s32 v10, v27  }
0x53f: {  	v0 =	vadd.s32 v28, v0;
	v30 =	vsel vm0, $0x1, v42;
	vm0 =	vgt.s32 v11, v27  }
0x540: {  	v14 =	vsel vm0, $0x1, v42;
	vm0 =	vgt.s32 v10, v29;
	v1 =	vadd.s32 v30, v1  }
0x541: {  	v45 =	vld [tilespmem:$0x5BB0];
	v31 =	vsel vm0, $0x1, v42;
	vm0 =	vgt.s32 v11, v29;
	v0 =	vadd.s32 v14, v0  }
0x542: {  	v50 =	vld [tilespmem:$0x5BF0];
	v13 =	vsel vm0, $0x1, v42;
	vm0 =	vgt.s32 v10, v17;
	v1 =	vadd.s32 v31, v1  }
0x543: {  	v14 =	vld [tilespmem:$0x5A30];
	v32 =	vsel vm0, $0x1, v42;
	v0 =	vadd.s32 v13, v0;
	vm0 =	vgt.s32 v11, v17  }
0x544: {  	v19 =	vld [tilespmem:$0x5D30];
	v17 =	vbroadcast v10, $0xD;
	v33 =	vsel vm0, $0x1, v42;
	vm0 =	vgt.s32 v10, v18  }
0x545: {  	v20 =	vld [tilespmem:$0x1FC70];
	v1 =	vadd.s32 v32, v1;
	v34 =	vsel vm0, $0x1, v42;
	vm0 =	vgt.s32 v11, v18  }
0x546: {  	v55 =	vld [tilespmem:$0x5C30];
	v0 =	vadd.s32 v33, v0;
	v35 =	vsel vm0, $0x1, v42;
	vm0 =	vgt.s32 v10, v17  }
0x547: {  	v53 =	vld [tilespmem:$0x5C10];
	v1 =	vadd.s32 v34, v1;
	v37 =	vsel vm0, $0x1, v42;
	vm0 =	vgt.s32 v11, v17  }
0x548: {  	v18 =	vld [tilespmem:$0x5AB0];
	v14 =	vsel vm10, v14, v16;
	v38 =	vsel vm0, $0x1, v42;
	vm0 =	vgt.s32 v10, v36  }
0x549: {  	v59 =	vld [tilespmem:$0x5D20];
	v0 =	vadd.s32 v35, v0;
	v40 =	vsel vm0, $0x1, v42;
	vm0 =	vgt.s32 v11, v36  }
0x54a: {  	v61 =	vld [tilespmem:$0x5D40];
	v1 =	vadd.s32 v37, v1;
	v41 =	vsel vm0, $0x1, v42;
	vm0 =	vgt.s32 v10, v39  }
0x54b: {  	v12 =	vld [tilespmem:$0x5A70];
	v0 =	vadd.s32 v38, v0;
	v44 =	vsel vm0, $0x1, v42;
	vm0 =	vgt.s32 v11, v39  }
0x54c: {  	v63 =	vld [tilespmem:$0x5D60];
	v1 =	vadd.s32 v40, v1;
	v46 =	vsel vm0, $0x1, v42;
	vm0 =	vgt.s32 v10, v43  }
0x54d: {  	v22 =	vld [tilespmem:$0x5C00];
	v8 =	vsel vm10, v18, v8;
	v49 =	vsel vm0, $0x1, v42;
	vm0 =	vgt.s32 v11, v43  }
0x54e: {  	v23 =	vld [tilespmem:$0x5BA0];
	v0 =	vadd.s32 v41, v0;
	v51 =	vsel vm0, $0x1, v42;
	vm0 =	vgt.s32 v10, v47  }
0x54f: {  	v26 =	vld [tilespmem:$0x5BE0];
	v1 =	vadd.s32 v44, v1;
	v54 =	vsel vm0, $0x1, v42;
	vm0 =	vgt.s32 v11, v47  }
0x550: {  	v29 =	vld [tilespmem:$0x5C20];
	v0 =	vadd.s32 v46, v0;
	v56 =	vsel vm0, $0x1, v42;
	vm0 =	vgt.s32 v10, v52  }
0x551: {  	v16 =	vld [tilespmem:$0x5DA0];
	v1 =	vadd.s32 v49, v1;
	v58 =	vsel vm0, $0x1, v42;
	vm0 =	vgt.s32 v11, v52  }
0x552: {  	v17 =	vld [tilespmem:$0x5BC0];
	v1 =	vadd.s32 v54, v1;
	v60 =	vsel vm0, $0x1, v42;
	vm0 =	vgt.s32 v10, v57  }
0x553: {  	v38 =	vld [tilespmem:$0x5D80];
	v0 =	vadd.s32 v51, v0;
	v1 =	vadd.s32 v58, v1;
	v62 =	vsel vm0, $0x1, v42  }
0x554: {  	v18 =	vld [tilespmem:$0x5D70];
	v0 =	vadd.s32 v56, v0;
	vm0 =	vgt.s32 v11, v57;
	v1 =	vadd.s32 v62, v1  }
0x555: {  	v39 =	vld [tilespmem:$0x5D50];
	v0 =	vadd.s32 v60, v0;
	v37 =	vsel vm0, $0x1, v42;
	v40 =	vadd.s32 $0x20, v1  }
0x556: {  	vm3 =	vnez.u8 v20;
	v48 =	vsel vm12, $0x1, v42;
	v41 =	vld [tilespmem:$0x5DB0];
	v0 =	vadd.s32 v37, v0  }
0x557: {  	v2 =	vsel vm9, v53, v2;
	v7 =	vsel vm10, v12, v7;
	v46 =	vld [tilespmem:$0x1FC80];
	v20 =	vadd.s32 $0x20, v0  }
0x558: {  	v7 =	vsel vm9, v50, v7;
	v5 =	vsel vm3, v17, v5;
	v17 =	vld [tilespmem:$0x5D90];
	v43 =	vadd.s32 $0x40, v1  }
0x559: {  	v6 =	vsel vm3, v22, v6;
	v9 =	vsel vm3, v23, v9;
	v44 =	vadd.s32 $0x40, v0;
	v24 =	vld.idx.msk [tilespmem:v1+s19+$0x0], $0xffff  }
0x55a: {  	v3 =	vsel vm3, v26, v3;
	v14 =	vsel vm9, v45, v14;
	v1 =	vadd.s32 $0x60, v1;
	v13 =	vld.idx.msk [tilespmem:v40+s19+$0x0], $0xffff  }
0x55b: {  	v4 =	vsel vm3, v29, v4;
	v14 =	vsel vm8, v19, v14;
	v45 =	vld.idx.msk [tilespmem:v0+s19+$0x0], $0xffff;
	v0 =	vadd.s32 $0x60, v0  }
0x55c: {  	v8 =	vsel vm9, v55, v8;
	v7 =	vsel vm8, v18, v7;
	vm3 =	vnez.u8 v46;
	v47 =	vld.idx.msk [tilespmem:v20+s19+$0x0], $0xffff  }
0x55d: {  	v8 =	vsel vm8, v41, v8;
	v12 =	vsel vm8, v39, v15;
	v4 =	vsel vm3, v16, v4;
	v16 =	vld.idx.msk [tilespmem:v43+s19+$0x0], $0xffff  }
0x55e: {  	(xrf0) =	vadd.scan.msk.s32 $0xffff, v48;
	v2 =	vsel vm8, v17, v2;
	v9 =	vsel vm3, v59, v9;
	v4 =	vnsel vm12, $0x0, v4;
	v49 =	vld.idx.msk [tilespmem:v44+s19+$0x0], $0xffff  }
0x55f: {  	v50 =	vnsel vm11, $0x0, v8;
	v5 =	vsel vm3, v61, v5;
	v3 =	vsel vm3, v63, v3;
	(xrf2) =	vadd.scan.msk.f32 $0xffff, v4;
	v1 =	vld.idx.msk [tilespmem:v1+s19+$0x0], $0xffff  }
0x560: {  	v52 =	vsel vm11, $0x1, v42;
	(xrf2) =	vadd.scan.msk.f32 $0xffff, v50;
	v51 =	vsub.f32 v9, v24;
	v5 =	vsub.f32 v5, v13;
	v0 =	vld.idx.msk [tilespmem:v0+s19+$0x0], $0xffff  }
0x561: {  	(xrf0) =	vadd.scan.msk.s32 $0xffff, v52;
	v6 =	vsel vm3, v38, v6;
	v53 =	vsub.f32 v14, v45;
	v54 =	vsub.f32 v12, v47  }
0x562: {  	v3 =	vsub.f32 v3, v16;
	v4 =	vmul.f32 v51, v51;
	v5 =	vmul.f32 v5, v5  }
0x563: {  	v7 =	vsub.f32 v7, v49;
	v8 =	vmul.f32 v53, v53;
	v9 =	vmul.f32 v54, v54  }
0x564: {  	v3 =	vmul.f32 v3, v3;
	v4 =	vadd.f32 v5, v4;
	v1 =	vsub.f32 v6, v1  }
0x565: {  	v55, _, _ =	vpop (xrf0);
	v7 =	vmul.f32 v7, v7;
	v56 =	vadd.f32 v9, v8;
	v0 =	vsub.f32 v2, v0  }
0x566: {  	(v2sf) =	vpush v55, $0xF;
	v57 =	vadd.f32 v3, v4  }
0x567: {  	v58, _, _ =	vpop (xrf0);
	v1 =	vmul.f32 v1, v1;
	v59 =	vadd.f32 v7, v56;
	v0 =	vmul.f32 v0, v0  }
0x568: {  	(v2sf) =	vpush v58, $0xF  }
0x569: {  	v60, _, _ =	vpop (xrf2);
	v1 =	vadd.f32 v1, v57;
	v0 =	vadd.f32 v0, v59  }
0x56a: {  	(v2sf) =	vpush v60, $0xF;
	v61, _, _ =	vpop (xrf2)  }
0x56b: {  	(v2sf) =	vpush v61, $0xF;
	v1 =	vnsel vm12, $0x0, v1;
	v0 =	vnsel vm11, $0x0, v0  }
0x56c: {  	v0 =	vadd.f32 v0, v1;
	_ =	sdelay $0x1  }
0x56d: {  	(xrf2) =	vadd.scan.msk.f32 $0xffff, v0;
	_ =	sdelay $0x7  }
0x56e: {  	v62 =	vld [tilespmem:$0x1FC90]  }
0x56f: {  	v63 =	vld [tilespmem:$0x1FCA0];
	s26 =	spop (v2sf)  }
0x570: {  	s28 =	spop (v2sf);
	v0, _, _ =	vpop (xrf2)  }
0x571: {  	s0 =	sadd.s32 s26, s28;
	s5 =	spop (v2sf);
	v0 =	vbroadcast v0, $0xF  }
0x572: {  	vm2 =	vcmask $0xB08;
	s0 =	scvt.s32.f32 s0;
	s29 =	spop (v2sf)  }
0x573: {  	vm3 =	vnez.u8 v62;
	s1 =	sadd.f32 s29, s5;
	v0 =	vnsel vm2, $0x0, v0  }
0x574: {  	v0 =	vsel vm3, s0, v0;
	vm3 =	vnez.u8 v63  }
0x575: {  	v0 =	vsel vm3, s1, v0  }
.Ltmp9:
0x576: {  	s30 =	rddreg [dreg:$0x8];
	s31 =	simm.s32 $0x5F80;
	[tilespmem:$0x5F80] =	vst v0;
	(pc) =	sbr.rel .LBB2_15-.Ltmp9, $4  }
0x577: {  	[hbm4b:s30+s3] =	stream.linear.scatter [tilespmem:s31], [sflag:$0x1], $0x10, $0x38;
	[tilespmem:$0x61A0] =	vst v63  }
0x578: {  	vm15 =	vcmask $0x1F1C;
	vm13 =	vcmask $0x1714;
	_ =	swait.ge [sflag:s14], $0x10  }
0x579: {  	vm14 =	vcmask $0x1B18;
	vm1 =	vcmask $0x704;
	v19 =	vlaneseq.u32;
	[sflag:s14] =	ssyncset.done $0x0  }
0x57a: {  	vm0 =	vcmask $0x300;
	vm12 =	vcmask $0x1310;
	vm11 =	vcmask $0xF0C;
	[sflag:s14] =	ssyncadd.s32 $0xFFFFFFF0  }
.LBB2_16:
0x57b: {  	_ =	sfence.sel $0x180000  }
0x57c: {  	[bflag:$0x0] =	sbarrier.arrive $0xFFFF  }
0x57d: {  	_ =	strace $0x90000047  }
0x57e: {  	s0 =	stileid.u32;
	[bflag:$0x2] =	sbarrier.arrive $0xFFFF  }
0x57f: {  	p0 =	sne.s32 s0, $0x0;
	s0 =	rddreg [dreg:$0x4]  }
0x580: {  	s0 =	sadd.s32 @!p0 $0x100000, s0  }
0x581: {  	[sflag:s0] =	ssyncadd.tile.s32 @!p0 $0x1;
	_ =	shalt  }
.Lfunc_end2:
_tile_overlayer_lowered:
.L_overlay_start_2:
0x582: {  	(tag) =	ssettag $0x2  }
0x583: {  	s0 =	rddreg [dreg:$0x0];
	s2 =	stileid.u32  }
0x584: {  	s1 =	rddreg [dreg:$0x1];
	p0 =	sne.s32 s2, $0x0  }
0x585: {  	s3 =	rddreg [dreg:$0x2];
	[bflag:$0x3] =	sbarrier.arrive $0xFFFF;
	s2 =	simm.s32 @!p0 $0x1C01  }
0x586: {  	[timem:s3], [sflag:s2] =	dma.local @!p0 [hbm:s0], s1  }
0x587: {  	s0 =	simm.s32 @!p0 $0x1  }
0x588: {  	_ =	swait.ge @!p0 [sflag:s0], s1  }
0x589: {  	s1 =	ssub.s32 @!p0 $0x0, s1;
	[sflag:s0] =	ssyncset.done @!p0 $0x0  }
0x58a: {  	[sflag:s0] =	ssyncadd.s32 @!p0 s1  }
0x58b: {  	[bflag:$0x3] =	sbarrier.arrive $0xFFFF  }
0x58c: {  	_ =	shalt  }

</sc_bundles>
